<compile_context>
chip_gen: v7x
topology: tpu7x:2x2x1
jax: 0.10.2.dev20260603
libtpu: 0.0.44.dev20260713+nightly
codegen_flags: <defaults>
</compile_context>

<pallas_src>
import functools

import jax
import jax.numpy as jnp
from jax import lax
from jax.experimental import pallas as pl
from jax.experimental.pallas import tpu as pltpu
from jax.experimental.pallas import tpu_sc as plsc

B = 10000
S = 10
D = 128
N_EMBED = 128

NC = 2
NS = 16
NW = NC * NS
CHUNK = 128

B_PAD = 10240
HALF = B_PAD // 2
SELF_PER_W = HALF // NW

SELF_CHUNKS = 3
SELF_SIZES = (16, 16, CHUNK)
SELF_OFFS = (0, 16, 32)

NEIGH_PER_W = SELF_PER_W * S
NEIGH_CHUNKS = 13
SMALL_NEIGH = 64

M_SELF = NW * SELF_PER_W
M_NEIGH = NW * NEIGH_PER_W

NBUF = 7
TOTAL_CHUNKS = SELF_CHUNKS + NEIGH_CHUNKS


def _neigh_off(k):
    return 0 if k == 0 else SMALL_NEIGH + (k - 1) * CHUNK


def _sc_gather_body(self_idx_hbm, neigh_idx_hbm, stab_hbm, ntab_hbm,
                    self_out_hbm, neigh_out_hbm,
                    idx_s_v, idx_n_v, rows_v, sem_g, sem_o):
    w = lax.axis_index("s") * NC + lax.axis_index("c")
    pltpu.sync_copy(self_idx_hbm.at[w], idx_s_v)
    pltpu.sync_copy(neigh_idx_hbm.at[w], idx_n_v)

    self_base = w * SELF_PER_W
    neigh_base = w * NEIGH_PER_W

    def size(c):
        if isinstance(c, int):
            if c < SELF_CHUNKS:
                return SELF_SIZES[c]
            if c == SELF_CHUNKS:
                return SMALL_NEIGH
        return CHUNK

    def buf(c):
        return rows_v.at[pl.ds(lax.rem(c, NBUF) * CHUNK, size(c))]

    def fire_gather(c):
        if isinstance(c, int) and c < SELF_CHUNKS:
            idx = idx_s_v.at[c, pl.ds(0, SELF_SIZES[c])]
            pltpu.async_copy(stab_hbm.at[idx], buf(c), sem_g.at[c % NBUF])
        elif isinstance(c, int) and c == SELF_CHUNKS:
            idx = idx_n_v.at[0, pl.ds(0, SMALL_NEIGH)]
            pltpu.async_copy(ntab_hbm.at[idx], buf(c), sem_g.at[c % NBUF])
        else:
            pltpu.async_copy(ntab_hbm.at[idx_n_v.at[c - SELF_CHUNKS]], buf(c),
                             sem_g.at[lax.rem(c, NBUF)])

    def wait_gather(c):
        pltpu.make_async_copy(neigh_out_hbm.at[pl.ds(neigh_base, size(c))],
                              buf(c), sem_g.at[lax.rem(c, NBUF)]).wait()

    def fire_out(c):
        if isinstance(c, int) and c < SELF_CHUNKS:
            dst = self_out_hbm.at[
                pl.ds(self_base + SELF_OFFS[c], SELF_SIZES[c])]
        elif isinstance(c, int) and c == SELF_CHUNKS:
            dst = neigh_out_hbm.at[pl.ds(neigh_base, SMALL_NEIGH)]
        else:
            dst = neigh_out_hbm.at[pl.ds(
                neigh_base + SMALL_NEIGH + (c - SELF_CHUNKS - 1) * CHUNK,
                CHUNK)]
        pltpu.async_copy(buf(c), dst, sem_o.at[lax.rem(c, NBUF)])

    def wait_out(c):
        dst = neigh_out_hbm.at[pl.ds(neigh_base, size(c))]
        pltpu.make_async_copy(buf(c), dst, sem_o.at[lax.rem(c, NBUF)]).wait()

    for c in range(NBUF):
        fire_gather(c)
    for c in range(SELF_CHUNKS):
        wait_gather(c)
        fire_out(c)
    for c in range(NBUF, SELF_CHUNKS + NBUF - 1):
        wait_out(c - NBUF)
        fire_gather(c)

    for c in range(SELF_CHUNKS, SELF_CHUNKS + 2):
        wait_out(c - 1)
        fire_gather(c + NBUF - 1)
        wait_gather(c)
        fire_out(c)

    @pl.loop(SELF_CHUNKS + 2, TOTAL_CHUNKS - NBUF + 1)
    def _steady(c):
        wait_out(c - 1)
        fire_gather(c + NBUF - 1)
        wait_gather(c)
        fire_out(c)

    for c in range(TOTAL_CHUNKS - NBUF + 1, TOTAL_CHUNKS):
        wait_out(c - 1)
        wait_gather(c)
        fire_out(c)
    wait_out(TOTAL_CHUNKS - 1)


@functools.cache
def _sc_gather():
    return pl.kernel(
        _sc_gather_body,
        out_type=(
            jax.ShapeDtypeStruct((M_SELF, D), jnp.float32),
            jax.ShapeDtypeStruct((M_NEIGH, D), jnp.float32),
        ),
        mesh=plsc.VectorSubcoreMesh(
            core_axis_name="c", subcore_axis_name="s",
            num_cores=NC, num_subcores=NS),
        scratch_types=[
            pltpu.VMEM((SELF_CHUNKS, CHUNK), jnp.int32),
            pltpu.VMEM((NEIGH_CHUNKS, CHUNK), jnp.int32),
            pltpu.VMEM((NBUF * CHUNK, D), jnp.float32),
            pltpu.SemaphoreType.DMA((NBUF,)),
            pltpu.SemaphoreType.DMA((NBUF,)),
        ],
    )


BLK = 1024
GRID = HALF // BLK


def _tc_dense_body(self_ref, neigh_ref, a1_ref, a2_ref, w1t_ref, w2t_ref,
                   out_ref):
    x = self_ref[...]
    a_self = jnp.dot(x, a1_ref[...], preferred_element_type=jnp.float32)

    logits = []
    for s in range(S):
        ns = neigh_ref[s]
        logits.append(
            jnp.dot(ns, a2_ref[...], preferred_element_type=jnp.float32)
            + a_self)
    lg = jnp.concatenate(logits, axis=1)
    wts = jnp.exp(jnp.maximum(lg, 0.0))
    wsum = jnp.sum(wts, axis=1, keepdims=True)

    agg = neigh_ref[0] * wts[:, 0:1]
    for s in range(1, S):
        agg = agg + neigh_ref[s] * wts[:, s:s + 1]
    agg = agg / wsum

    out = (jnp.dot(x, w1t_ref[...], preferred_element_type=jnp.float32)
           + jnp.dot(agg, w2t_ref[...], preferred_element_type=jnp.float32))
    out_ref[...] = jnp.maximum(out, 0.0)


def _stage_half(nodes_h, ni_h):
    nw_rows = nodes_h.reshape(NW, SELF_PER_W)
    self_idx = jnp.zeros((NW, SELF_CHUNKS, CHUNK), jnp.int32)
    for c in range(SELF_CHUNKS):
        self_idx = self_idx.at[:, c, :SELF_SIZES[c]].set(
            nw_rows[:, SELF_OFFS[c]:SELF_OFFS[c] + SELF_SIZES[c]])
    flat = ni_h.T.reshape(NW, NEIGH_PER_W)
    neigh_idx = jnp.zeros((NW, NEIGH_CHUNKS, CHUNK), jnp.int32)
    neigh_idx = neigh_idx.at[:, 0, :SMALL_NEIGH].set(flat[:, :SMALL_NEIGH])
    neigh_idx = neigh_idx.at[:, 1:, :].set(
        flat[:, SMALL_NEIGH:].reshape(NW, NEIGH_CHUNKS - 1, CHUNK))
    return self_idx, neigh_idx


@jax.jit
def kernel(nodes, neigh_index, self_feat_table, neigh_feat_table, weight,
           alpha):
    nodes_pad = jnp.zeros((B_PAD,), jnp.int32).at[:B].set(nodes)
    ni_pad = jnp.zeros((B_PAD, S), jnp.int32).at[:B].set(neigh_index)

    a1 = alpha[:D]
    a2 = alpha[D:]
    w1t = weight[:, :D].T
    w2t = weight[:, D:].T

    outs = []
    for h in range(2):
        nodes_h = nodes_pad[h * HALF:(h + 1) * HALF]
        ni_h = ni_pad[h * HALF:(h + 1) * HALF]
        self_idx, neigh_idx = _stage_half(nodes_h, ni_h)

        x, neigh_rows = _sc_gather()(
            self_idx, neigh_idx, self_feat_table, neigh_feat_table)
        y3 = neigh_rows.reshape(S, HALF, D)

        out_rows = HALF if h == 0 else B - HALF
        out = pl.pallas_call(
            _tc_dense_body,
            out_shape=jax.ShapeDtypeStruct((out_rows, N_EMBED), jnp.float32),
            grid=(GRID,),
            in_specs=[
                pl.BlockSpec((BLK, D), lambda i: (i, 0)),
                pl.BlockSpec((S, BLK, D), lambda i: (0, i, 0)),
                pl.BlockSpec((D, 1), lambda i: (0, 0)),
                pl.BlockSpec((D, 1), lambda i: (0, 0)),
                pl.BlockSpec((D, N_EMBED), lambda i: (0, 0)),
                pl.BlockSpec((D, N_EMBED), lambda i: (0, 0)),
            ],
            out_specs=pl.BlockSpec((BLK, N_EMBED), lambda i: (i, 0)),
        )(x, y3, a1, a2, w1t, w2t)
        outs.append(out)

    return jnp.concatenate(outs, axis=0)

# --- scband reference (transcript-rebuilt; emitter-appended) ---
"""Pipeline reference for scband-attention-aggregator-50852412785041 (READ-ONLY COPY).

The authoritative reference and input builder live on the scoring server;
editing this copy changes nothing except your own understanding.
"""

import jax, jax.numpy as jnp
import numpy as np

N_NODES = 100000
FEAT_DIM = 128
EMBED_DIM = 128
NUM_SAMPLE = 10
BATCH = 10000


def setup_inputs(seed: int = 0) -> dict:
    key = jax.random.key(seed)
    k1, k2, k3, k4, k5, k6 = jax.random.split(key, 6)
    nodes = jax.random.randint(k1, (BATCH,), 0, N_NODES, dtype=jnp.int32)
    neigh_index = jax.random.randint(k2, (BATCH, NUM_SAMPLE), 0, N_NODES, dtype=jnp.int32)
    self_feat_table = jax.random.normal(k3, (N_NODES, FEAT_DIM), dtype=jnp.float32) * 0.1
    neigh_feat_table = jax.random.normal(k4, (N_NODES, FEAT_DIM), dtype=jnp.float32) * 0.1
    # xavier_uniform for weight [EMBED_DIM, 2*FEAT_DIM]
    bound_w = float(np.sqrt(6.0 / (EMBED_DIM + 2 * FEAT_DIM)))
    weight = jax.random.uniform(k5, (EMBED_DIM, 2 * FEAT_DIM), dtype=jnp.float32, minval=-bound_w, maxval=bound_w)
    # xavier_uniform for alpha [2*FEAT_DIM, 1]
    bound_a = float(np.sqrt(6.0 / (2 * FEAT_DIM + 1)))
    alpha = jax.random.uniform(k6, (2 * FEAT_DIM, 1), dtype=jnp.float32, minval=-bound_a, maxval=bound_a)
    return {
        "nodes": nodes,
        "neigh_index": neigh_index,
        "self_feat_table": self_feat_table,
        "neigh_feat_table": neigh_feat_table,
        "weight": weight,
        "alpha": alpha,
    }


def reference(nodes, neigh_index, self_feat_table, neigh_feat_table, weight, alpha):
    B = nodes.shape[0]
    S = neigh_index.shape[1]
    D = self_feat_table.shape[1]
    # self features: gather [B, D]
    self_feat = jnp.take(self_feat_table, nodes, axis=0)
    # neighbor features: gather of unique nodes + mask-matmul in torch == direct gather [B, S, D]
    neigh_feat_all = jnp.take(neigh_feat_table, neigh_index.reshape(-1), axis=0).reshape(B, S, D)
    # expand self features to [B, S, D]
    self_feat_all = jnp.broadcast_to(self_feat[:, None, :], (B, S, D))
    # attention weights: exp(relu(cat([self, neigh], -1) @ alpha))
    cat = jnp.concatenate([self_feat_all, neigh_feat_all], axis=2)  # [B, S, 2D]
    att_logits = jnp.squeeze(jnp.matmul(cat, alpha), axis=-1)       # [B, S]
    att_weight = jnp.exp(jax.nn.relu(att_logits))
    att_weight_sum = jnp.sum(att_weight, axis=1, keepdims=True)
    att_weight_norm = att_weight / att_weight_sum
    # weighted neighbor aggregation [B, D]
    neigh_feat = jnp.sum(neigh_feat_all * att_weight_norm[:, :, None], axis=1)
    # combine + linear + relu
    combined_feat = jnp.concatenate([self_feat, neigh_feat], axis=1)  # [B, 2D]
    embed = jax.nn.relu(jnp.matmul(weight, combined_feat.T))          # [EMBED, B]
    return embed.T

if __name__ == "__main__":
    import jax
    _d = setup_inputs()
    print(jax.jit(kernel)(*tuple(_d.values())))

</pallas_src>

<mosaic_0001>
#map = affine_map<(d0, d1) -> (0, 0, 0)>
#map1 = affine_map<(d0, d1) -> (0, 0)>
module attributes {stable_mosaic.version = 14 : i64} {
  func.func @_sc_gather_body(%arg0: i32, %arg1: i32, %arg2: memref<32x3x128xi32, #tpu.memory_space<hbm>>, %arg3: memref<32x13x128xi32, #tpu.memory_space<hbm>>, %arg4: memref<100000x128xf32, #tpu.memory_space<hbm>>, %arg5: memref<100000x128xf32, #tpu.memory_space<hbm>>, %arg6: memref<5120x128xf32, #tpu.memory_space<hbm>>, %arg7: memref<51200x128xf32, #tpu.memory_space<hbm>>, %arg8: memref<3x128xi32, #tpu.memory_space<vmem>>, %arg9: memref<13x128xi32, #tpu.memory_space<vmem>>, %arg10: memref<896x128xf32, #tpu.memory_space<vmem>>, %arg11: memref<7x!tpu.dma_semaphore, #tpu.memory_space<semaphore_mem>>, %arg12: memref<7x!tpu.dma_semaphore, #tpu.memory_space<semaphore_mem>>) attributes {dimension_semantics = [#tpu.dimension_semantics<core_parallel>, #tpu.dimension_semantics<subcore_parallel>], iteration_bounds = array<i64: 2, 16>, scalar_prefetch = 0 : i64, scratch_operands = 5 : i64, tpu.core_type = #tpu.core_type<sc_vector_subcore>, window_params = [{transform_indices = #map}, {transform_indices = #map}, {transform_indices = #map1}, {transform_indices = #map1}, {transform_indices = #map1}, {transform_indices = #map1}]} {
    %mul3A = arith.constant 2 : i32
    %mul3A_0 = arith.muli %arg1, %mul3A : i32
    %add3A = arith.addi %mul3A_0, %arg0 : i32
    "tpu.region"() ({
      %run_scoped3A = tpu.sem_alloc : memref<!tpu.dma_semaphore, #tpu.memory_space<semaphore_mem>>
      %dma_start3A_835 = arith.constant 0 : i32
      %dma_start3A_836 = arith.constant 0 : i32
      %dma_start3A_837 = tpu.memref_slice %arg2[%add3A, %dma_start3A_835, %dma_start3A_836] : memref<32x3x128xi32, #tpu.memory_space<hbm>> -> memref<1x3x128xi32, #tpu.memory_space<hbm>>
      %dma_start3A_838 = tpu.memref_squeeze %dma_start3A_837 : memref<1x3x128xi32, #tpu.memory_space<hbm>> -> memref<3x128xi32, #tpu.memory_space<hbm>>
      %dma_start3A_839 = arith.constant 0 : i32
      %dma_start3A_840 = arith.constant 0 : i32
      %dma_start3A_841 = tpu.memref_slice %arg2[%add3A, %dma_start3A_839, %dma_start3A_840] : memref<32x3x128xi32, #tpu.memory_space<hbm>> -> memref<1x3x128xi32, #tpu.memory_space<hbm>>
      %dma_start3A_842 = tpu.memref_squeeze %dma_start3A_841 : memref<1x3x128xi32, #tpu.memory_space<hbm>> -> memref<3x128xi32, #tpu.memory_space<hbm>>
      tpu.enqueue_dma source(%dma_start3A_842 : memref<3x128xi32, #tpu.memory_space<hbm>>) target(%arg8 : memref<3x128xi32, #tpu.memory_space<vmem>>) target_semaphore(%run_scoped3A : memref<!tpu.dma_semaphore, #tpu.memory_space<semaphore_mem>>)
      %dma_wait3A_843 = arith.constant 0 : i32
      %dma_wait3A_844 = arith.constant 0 : i32
      %dma_wait3A_845 = tpu.memref_slice %arg2[%add3A, %dma_wait3A_843, %dma_wait3A_844] : memref<32x3x128xi32, #tpu.memory_space<hbm>> -> memref<1x3x128xi32, #tpu.memory_space<hbm>>
      %dma_wait3A_846 = tpu.memref_squeeze %dma_wait3A_845 : memref<1x3x128xi32, #tpu.memory_space<hbm>> -> memref<3x128xi32, #tpu.memory_space<hbm>>
      %dma_wait3A_847 = arith.constant 0 : i32
      %dma_wait3A_848 = arith.constant 0 : i32
      %dma_wait3A_849 = tpu.memref_slice %arg2[%add3A, %dma_wait3A_847, %dma_wait3A_848] : memref<32x3x128xi32, #tpu.memory_space<hbm>> -> memref<1x3x128xi32, #tpu.memory_space<hbm>>
      %dma_wait3A_850 = tpu.memref_squeeze %dma_wait3A_849 : memref<1x3x128xi32, #tpu.memory_space<hbm>> -> memref<3x128xi32, #tpu.memory_space<hbm>>
      tpu.wait_dma2 semaphore(%run_scoped3A : memref<!tpu.dma_semaphore, #tpu.memory_space<semaphore_mem>>) src(%dma_wait3A_850 : memref<3x128xi32, #tpu.memory_space<hbm>>) dst(%arg8 : memref<3x128xi32, #tpu.memory_space<vmem>>)
      tpu.yield
    }) : () -> ()
    "tpu.region"() ({
      %run_scoped3A = tpu.sem_alloc : memref<!tpu.dma_semaphore, #tpu.memory_space<semaphore_mem>>
      %dma_start3A_835 = arith.constant 0 : i32
      %dma_start3A_836 = arith.constant 0 : i32
      %dma_start3A_837 = tpu.memref_slice %arg3[%add3A, %dma_start3A_835, %dma_start3A_836] : memref<32x13x128xi32, #tpu.memory_space<hbm>> -> memref<1x13x128xi32, #tpu.memory_space<hbm>>
      %dma_start3A_838 = tpu.memref_squeeze %dma_start3A_837 : memref<1x13x128xi32, #tpu.memory_space<hbm>> -> memref<13x128xi32, #tpu.memory_space<hbm>>
      %dma_start3A_839 = arith.constant 0 : i32
      %dma_start3A_840 = arith.constant 0 : i32
      %dma_start3A_841 = tpu.memref_slice %arg3[%add3A, %dma_start3A_839, %dma_start3A_840] : memref<32x13x128xi32, #tpu.memory_space<hbm>> -> memref<1x13x128xi32, #tpu.memory_space<hbm>>
      %dma_start3A_842 = tpu.memref_squeeze %dma_start3A_841 : memref<1x13x128xi32, #tpu.memory_space<hbm>> -> memref<13x128xi32, #tpu.memory_space<hbm>>
      tpu.enqueue_dma source(%dma_start3A_842 : memref<13x128xi32, #tpu.memory_space<hbm>>) target(%arg9 : memref<13x128xi32, #tpu.memory_space<vmem>>) target_semaphore(%run_scoped3A : memref<!tpu.dma_semaphore, #tpu.memory_space<semaphore_mem>>)
      %dma_wait3A_843 = arith.constant 0 : i32
      %dma_wait3A_844 = arith.constant 0 : i32
      %dma_wait3A_845 = tpu.memref_slice %arg3[%add3A, %dma_wait3A_843, %dma_wait3A_844] : memref<32x13x128xi32, #tpu.memory_space<hbm>> -> memref<1x13x128xi32, #tpu.memory_space<hbm>>
      %dma_wait3A_846 = tpu.memref_squeeze %dma_wait3A_845 : memref<1x13x128xi32, #tpu.memory_space<hbm>> -> memref<13x128xi32, #tpu.memory_space<hbm>>
      %dma_wait3A_847 = arith.constant 0 : i32
      %dma_wait3A_848 = arith.constant 0 : i32
      %dma_wait3A_849 = tpu.memref_slice %arg3[%add3A, %dma_wait3A_847, %dma_wait3A_848] : memref<32x13x128xi32, #tpu.memory_space<hbm>> -> memref<1x13x128xi32, #tpu.memory_space<hbm>>
      %dma_wait3A_850 = tpu.memref_squeeze %dma_wait3A_849 : memref<1x13x128xi32, #tpu.memory_space<hbm>> -> memref<13x128xi32, #tpu.memory_space<hbm>>
      tpu.wait_dma2 semaphore(%run_scoped3A : memref<!tpu.dma_semaphore, #tpu.memory_space<semaphore_mem>>) src(%dma_wait3A_850 : memref<13x128xi32, #tpu.memory_space<hbm>>) dst(%arg9 : memref<13x128xi32, #tpu.memory_space<vmem>>)
      tpu.yield
    }) : () -> ()
    %mul3A_1 = arith.constant 160 : i32
    %mul3A_2 = arith.muli %add3A, %mul3A_1 : i32
    %mul3A_3 = arith.constant 1600 : i32
    %mul3A_4 = arith.muli %add3A, %mul3A_3 : i32
    %rem3A = arith.constant 0 : i32
    %rem3A_5 = arith.constant 7 : i32
    %rem3A_6 = arith.remsi %rem3A, %rem3A_5 : i32
    %mul3A_7 = arith.constant 128 : i32
    %mul3A_8 = arith.muli %rem3A_6, %mul3A_7 : i32
    %dma_start3A = arith.constant 0 : i32
    %dma_start3A_9 = arith.constant 0 : i32
    %dma_start3A_10 = arith.constant 0 : i32
    %dma_start3A_11 = tpu.memref_slice %arg10[%mul3A_8, %dma_start3A_10] : memref<896x128xf32, #tpu.memory_space<vmem>> -> memref<16x128xf32, #tpu.memory_space<vmem>>
    %dma_start3A_12 = arith.constant 0 : i32
    %dma_start3A_13 = tpu.memref_slice %arg8[%dma_start3A, %dma_start3A_12] : memref<3x128xi32, #tpu.memory_space<vmem>> -> memref<1x16xi32, #tpu.memory_space<vmem>>
    %dma_start3A_14 = tpu.memref_squeeze %dma_start3A_13 : memref<1x16xi32, #tpu.memory_space<vmem>> -> memref<16xi32, #tpu.memory_space<vmem>>
    %dma_start3A_15 = arith.constant 0 : i32
    %dma_start3A_16 = arith.constant 0 : i32
    %dma_start3A_17 = tpu.memref_slice %arg4[%dma_start3A_15, %dma_start3A_16] : memref<100000x128xf32, #tpu.memory_space<hbm>> -> memref<100000x128xf32, #tpu.memory_space<hbm>>
    %dma_start3A_18 = tpu.memref_slice %arg11[%dma_start3A_9] : memref<7x!tpu.dma_semaphore, #tpu.memory_space<semaphore_mem>> -> memref<1x!tpu.dma_semaphore, #tpu.memory_space<semaphore_mem>>
    %dma_start3A_19 = tpu.memref_squeeze %dma_start3A_18 : memref<1x!tpu.dma_semaphore, #tpu.memory_space<semaphore_mem>> -> memref<!tpu.dma_semaphore, #tpu.memory_space<semaphore_mem>>
    tpu.enqueue_indirect_dma source(%dma_start3A_17 : memref<100000x128xf32, #tpu.memory_space<hbm>>) target(%dma_start3A_11 : memref<16x128xf32, #tpu.memory_space<vmem>>) offsets(%dma_start3A_14 : memref<16xi32, #tpu.memory_space<vmem>>) semaphore(%dma_start3A_19 : memref<!tpu.dma_semaphore, #tpu.memory_space<semaphore_mem>>)
    %rem3A_20 = arith.constant 1 : i32
    %rem3A_21 = arith.constant 7 : i32
    %rem3A_22 = arith.remsi %rem3A_20, %rem3A_21 : i32
    %mul3A_23 = arith.constant 128 : i32
    %mul3A_24 = arith.muli %rem3A_22, %mul3A_23 : i32
    %dma_start3A_25 = arith.constant 1 : i32
    %dma_start3A_26 = arith.constant 1 : i32
    %dma_start3A_27 = arith.constant 0 : i32
    %dma_start3A_28 = tpu.memref_slice %arg10[%mul3A_24, %dma_start3A_27] : memref<896x128xf32, #tpu.memory_space<vmem>> -> memref<16x128xf32, #tpu.memory_space<vmem>>
    %dma_start3A_29 = arith.constant 0 : i32
    %dma_start3A_30 = tpu.memref_slice %arg8[%dma_start3A_25, %dma_start3A_29] : memref<3x128xi32, #tpu.memory_space<vmem>> -> memref<1x16xi32, #tpu.memory_space<vmem>>
    %dma_start3A_31 = tpu.memref_squeeze %dma_start3A_30 : memref<1x16xi32, #tpu.memory_space<vmem>> -> memref<16xi32, #tpu.memory_space<vmem>>
    %dma_start3A_32 = arith.constant 0 : i32
    %dma_start3A_33 = arith.constant 0 : i32
    %dma_start3A_34 = tpu.memref_slice %arg4[%dma_start3A_32, %dma_start3A_33] : memref<100000x128xf32, #tpu.memory_space<hbm>> -> memref<100000x128xf32, #tpu.memory_space<hbm>>
    %dma_start3A_35 = tpu.memref_slice %arg11[%dma_start3A_26] : memref<7x!tpu.dma_semaphore, #tpu.memory_space<semaphore_mem>> -> memref<1x!tpu.dma_semaphore, #tpu.memory_space<semaphore_mem>>
    %dma_start3A_36 = tpu.memref_squeeze %dma_start3A_35 : memref<1x!tpu.dma_semaphore, #tpu.memory_space<semaphore_mem>> -> memref<!tpu.dma_semaphore, #tpu.memory_space<semaphore_mem>>
    tpu.enqueue_indirect_dma source(%dma_start3A_34 : memref<100000x128xf32, #tpu.memory_space<hbm>>) target(%dma_start3A_28 : memref<16x128xf32, #tpu.memory_space<vmem>>) offsets(%dma_start3A_31 : memref<16xi32, #tpu.memory_space<vmem>>) semaphore(%dma_start3A_36 : memref<!tpu.dma_semaphore, #tpu.memory_space<semaphore_mem>>)
    %rem3A_37 = arith.constant 2 : i32
    %rem3A_38 = arith.constant 7 : i32
    %rem3A_39 = arith.remsi %rem3A_37, %rem3A_38 : i32
    %mul3A_40 = arith.constant 128 : i32
    %mul3A_41 = arith.muli %rem3A_39, %mul3A_40 : i32
    %dma_start3A_42 = arith.constant 2 : i32
    %dma_start3A_43 = arith.constant 2 : i32
    %dma_start3A_44 = arith.constant 0 : i32
    %dma_start3A_45 = tpu.memref_slice %arg10[%mul3A_41, %dma_start3A_44] : memref<896x128xf32, #tpu.memory_space<vmem>> -> memref<128x128xf32, #tpu.memory_space<vmem>>
    %dma_start3A_46 = arith.constant 0 : i32
    %dma_start3A_47 = tpu.memref_slice %arg8[%dma_start3A_42, %dma_start3A_46] : memref<3x128xi32, #tpu.memory_space<vmem>> -> memref<1x128xi32, #tpu.memory_space<vmem>>
    %dma_start3A_48 = tpu.memref_squeeze %dma_start3A_47 : memref<1x128xi32, #tpu.memory_space<vmem>> -> memref<128xi32, #tpu.memory_space<vmem>>
    %dma_start3A_49 = arith.constant 0 : i32
    %dma_start3A_50 = arith.constant 0 : i32
    %dma_start3A_51 = tpu.memref_slice %arg4[%dma_start3A_49, %dma_start3A_50] : memref<100000x128xf32, #tpu.memory_space<hbm>> -> memref<100000x128xf32, #tpu.memory_space<hbm>>
    %dma_start3A_52 = tpu.memref_slice %arg11[%dma_start3A_43] : memref<7x!tpu.dma_semaphore, #tpu.memory_space<semaphore_mem>> -> memref<1x!tpu.dma_semaphore, #tpu.memory_space<semaphore_mem>>
    %dma_start3A_53 = tpu.memref_squeeze %dma_start3A_52 : memref<1x!tpu.dma_semaphore, #tpu.memory_space<semaphore_mem>> -> memref<!tpu.dma_semaphore, #tpu.memory_space<semaphore_mem>>
    tpu.enqueue_indirect_dma source(%dma_start3A_51 : memref<100000x128xf32, #tpu.memory_space<hbm>>) target(%dma_start3A_45 : memref<128x128xf32, #tpu.memory_space<vmem>>) offsets(%dma_start3A_48 : memref<128xi32, #tpu.memory_space<vmem>>) semaphore(%dma_start3A_53 : memref<!tpu.dma_semaphore, #tpu.memory_space<semaphore_mem>>)
    %rem3A_54 = arith.constant 3 : i32
    %rem3A_55 = arith.constant 7 : i32
    %rem3A_56 = arith.remsi %rem3A_54, %rem3A_55 : i32
    %mul3A_57 = arith.constant 128 : i32
    %mul3A_58 = arith.muli %rem3A_56, %mul3A_57 : i32
    %dma_start3A_59 = arith.constant 0 : i32
    %dma_start3A_60 = arith.constant 3 : i32
    %dma_start3A_61 = arith.constant 0 : i32
    %dma_start3A_62 = tpu.memref_slice %arg10[%mul3A_58, %dma_start3A_61] : memref<896x128xf32, #tpu.memory_space<vmem>> -> memref<64x128xf32, #tpu.memory_space<vmem>>
    %dma_start3A_63 = arith.constant 0 : i32
    %dma_start3A_64 = tpu.memref_slice %arg9[%dma_start3A_59, %dma_start3A_63] : memref<13x128xi32, #tpu.memory_space<vmem>> -> memref<1x64xi32, #tpu.memory_space<vmem>>
    %dma_start3A_65 = tpu.memref_squeeze %dma_start3A_64 : memref<1x64xi32, #tpu.memory_space<vmem>> -> memref<64xi32, #tpu.memory_space<vmem>>
    %dma_start3A_66 = arith.constant 0 : i32
    %dma_start3A_67 = arith.constant 0 : i32
    %dma_start3A_68 = tpu.memref_slice %arg5[%dma_start3A_66, %dma_start3A_67] : memref<100000x128xf32, #tpu.memory_space<hbm>> -> memref<100000x128xf32, #tpu.memory_space<hbm>>
    %dma_start3A_69 = tpu.memref_slice %arg11[%dma_start3A_60] : memref<7x!tpu.dma_semaphore, #tpu.memory_space<semaphore_mem>> -> memref<1x!tpu.dma_semaphore, #tpu.memory_space<semaphore_mem>>
    %dma_start3A_70 = tpu.memref_squeeze %dma_start3A_69 : memref<1x!tpu.dma_semaphore, #tpu.memory_space<semaphore_mem>> -> memref<!tpu.dma_semaphore, #tpu.memory_space<semaphore_mem>>
    tpu.enqueue_indirect_dma source(%dma_start3A_68 : memref<100000x128xf32, #tpu.memory_space<hbm>>) target(%dma_start3A_62 : memref<64x128xf32, #tpu.memory_space<vmem>>) offsets(%dma_start3A_65 : memref<64xi32, #tpu.memory_space<vmem>>) semaphore(%dma_start3A_70 : memref<!tpu.dma_semaphore, #tpu.memory_space<semaphore_mem>>)
    %rem3A_71 = arith.constant 4 : i32
    %rem3A_72 = arith.constant 7 : i32
    %rem3A_73 = arith.remsi %rem3A_71, %rem3A_72 : i32
    %mul3A_74 = arith.constant 128 : i32
    %mul3A_75 = arith.muli %rem3A_73, %mul3A_74 : i32
    %rem3A_76 = arith.constant 4 : i32
    %rem3A_77 = arith.constant 7 : i32
    %rem3A_78 = arith.remsi %rem3A_76, %rem3A_77 : i32
    %dma_start3A_79 = arith.constant 1 : i32
    %dma_start3A_80 = arith.constant 0 : i32
    %dma_start3A_81 = tpu.memref_slice %arg10[%mul3A_75, %dma_start3A_80] : memref<896x128xf32, #tpu.memory_space<vmem>> -> memref<128x128xf32, #tpu.memory_space<vmem>>
    %dma_start3A_82 = arith.constant 0 : i32
    %dma_start3A_83 = tpu.memref_slice %arg9[%dma_start3A_79, %dma_start3A_82] : memref<13x128xi32, #tpu.memory_space<vmem>> -> memref<1x128xi32, #tpu.memory_space<vmem>>
    %dma_start3A_84 = tpu.memref_squeeze %dma_start3A_83 : memref<1x128xi32, #tpu.memory_space<vmem>> -> memref<128xi32, #tpu.memory_space<vmem>>
    %dma_start3A_85 = arith.constant 0 : i32
    %dma_start3A_86 = arith.constant 0 : i32
    %dma_start3A_87 = tpu.memref_slice %arg5[%dma_start3A_85, %dma_start3A_86] : memref<100000x128xf32, #tpu.memory_space<hbm>> -> memref<100000x128xf32, #tpu.memory_space<hbm>>
    %dma_start3A_88 = tpu.memref_slice %arg11[%rem3A_78] : memref<7x!tpu.dma_semaphore, #tpu.memory_space<semaphore_mem>> -> memref<1x!tpu.dma_semaphore, #tpu.memory_space<semaphore_mem>>
    %dma_start3A_89 = tpu.memref_squeeze %dma_start3A_88 : memref<1x!tpu.dma_semaphore, #tpu.memory_space<semaphore_mem>> -> memref<!tpu.dma_semaphore, #tpu.memory_space<semaphore_mem>>
    tpu.enqueue_indirect_dma source(%dma_start3A_87 : memref<100000x128xf32, #tpu.memory_space<hbm>>) target(%dma_start3A_81 : memref<128x128xf32, #tpu.memory_space<vmem>>) offsets(%dma_start3A_84 : memref<128xi32, #tpu.memory_space<vmem>>) semaphore(%dma_start3A_89 : memref<!tpu.dma_semaphore, #tpu.memory_space<semaphore_mem>>)
    %rem3A_90 = arith.constant 5 : i32
    %rem3A_91 = arith.constant 7 : i32
    %rem3A_92 = arith.remsi %rem3A_90, %rem3A_91 : i32
    %mul3A_93 = arith.constant 128 : i32
    %mul3A_94 = arith.muli %rem3A_92, %mul3A_93 : i32
    %rem3A_95 = arith.constant 5 : i32
    %rem3A_96 = arith.constant 7 : i32
    %rem3A_97 = arith.remsi %rem3A_95, %rem3A_96 : i32
    %dma_start3A_98 = arith.constant 2 : i32
    %dma_start3A_99 = arith.constant 0 : i32
    %dma_start3A_100 = tpu.memref_slice %arg10[%mul3A_94, %dma_start3A_99] : memref<896x128xf32, #tpu.memory_space<vmem>> -> memref<128x128xf32, #tpu.memory_space<vmem>>
    %dma_start3A_101 = arith.constant 0 : i32
    %dma_start3A_102 = tpu.memref_slice %arg9[%dma_start3A_98, %dma_start3A_101] : memref<13x128xi32, #tpu.memory_space<vmem>> -> memref<1x128xi32, #tpu.memory_space<vmem>>
    %dma_start3A_103 = tpu.memref_squeeze %dma_start3A_102 : memref<1x128xi32, #tpu.memory_space<vmem>> -> memref<128xi32, #tpu.memory_space<vmem>>
    %dma_start3A_104 = arith.constant 0 : i32
    %dma_start3A_105 = arith.constant 0 : i32
    %dma_start3A_106 = tpu.memref_slice %arg5[%dma_start3A_104, %dma_start3A_105] : memref<100000x128xf32, #tpu.memory_space<hbm>> -> memref<100000x128xf32, #tpu.memory_space<hbm>>
    %dma_start3A_107 = tpu.memref_slice %arg11[%rem3A_97] : memref<7x!tpu.dma_semaphore, #tpu.memory_space<semaphore_mem>> -> memref<1x!tpu.dma_semaphore, #tpu.memory_space<semaphore_mem>>
    %dma_start3A_108 = tpu.memref_squeeze %dma_start3A_107 : memref<1x!tpu.dma_semaphore, #tpu.memory_space<semaphore_mem>> -> memref<!tpu.dma_semaphore, #tpu.memory_space<semaphore_mem>>
    tpu.enqueue_indirect_dma source(%dma_start3A_106 : memref<100000x128xf32, #tpu.memory_space<hbm>>) target(%dma_start3A_100 : memref<128x128xf32, #tpu.memory_space<vmem>>) offsets(%dma_start3A_103 : memref<128xi32, #tpu.memory_space<vmem>>) semaphore(%dma_start3A_108 : memref<!tpu.dma_semaphore, #tpu.memory_space<semaphore_mem>>)
    %rem3A_109 = arith.constant 6 : i32
    %rem3A_110 = arith.constant 7 : i32
    %rem3A_111 = arith.remsi %rem3A_109, %rem3A_110 : i32
    %mul3A_112 = arith.constant 128 : i32
    %mul3A_113 = arith.muli %rem3A_111, %mul3A_112 : i32
    %rem3A_114 = arith.constant 6 : i32
    %rem3A_115 = arith.constant 7 : i32
    %rem3A_116 = arith.remsi %rem3A_114, %rem3A_115 : i32
    %dma_start3A_117 = arith.constant 3 : i32
    %dma_start3A_118 = arith.constant 0 : i32
    %dma_start3A_119 = tpu.memref_slice %arg10[%mul3A_113, %dma_start3A_118] : memref<896x128xf32, #tpu.memory_space<vmem>> -> memref<128x128xf32, #tpu.memory_space<vmem>>
    %dma_start3A_120 = arith.constant 0 : i32
    %dma_start3A_121 = tpu.memref_slice %arg9[%dma_start3A_117, %dma_start3A_120] : memref<13x128xi32, #tpu.memory_space<vmem>> -> memref<1x128xi32, #tpu.memory_space<vmem>>
    %dma_start3A_122 = tpu.memref_squeeze %dma_start3A_121 : memref<1x128xi32, #tpu.memory_space<vmem>> -> memref<128xi32, #tpu.memory_space<vmem>>
    %dma_start3A_123 = arith.constant 0 : i32
    %dma_start3A_124 = arith.constant 0 : i32
    %dma_start3A_125 = tpu.memref_slice %arg5[%dma_start3A_123, %dma_start3A_124] : memref<100000x128xf32, #tpu.memory_space<hbm>> -> memref<100000x128xf32, #tpu.memory_space<hbm>>
    %dma_start3A_126 = tpu.memref_slice %arg11[%rem3A_116] : memref<7x!tpu.dma_semaphore, #tpu.memory_space<semaphore_mem>> -> memref<1x!tpu.dma_semaphore, #tpu.memory_space<semaphore_mem>>
    %dma_start3A_127 = tpu.memref_squeeze %dma_start3A_126 : memref<1x!tpu.dma_semaphore, #tpu.memory_space<semaphore_mem>> -> memref<!tpu.dma_semaphore, #tpu.memory_space<semaphore_mem>>
    tpu.enqueue_indirect_dma source(%dma_start3A_125 : memref<100000x128xf32, #tpu.memory_space<hbm>>) target(%dma_start3A_119 : memref<128x128xf32, #tpu.memory_space<vmem>>) offsets(%dma_start3A_122 : memref<128xi32, #tpu.memory_space<vmem>>) semaphore(%dma_start3A_127 : memref<!tpu.dma_semaphore, #tpu.memory_space<semaphore_mem>>)
    %rem3A_128 = arith.constant 0 : i32
    %rem3A_129 = arith.constant 7 : i32
    %rem3A_130 = arith.remsi %rem3A_128, %rem3A_129 : i32
    %mul3A_131 = arith.constant 128 : i32
    %mul3A_132 = arith.muli %rem3A_130, %mul3A_131 : i32
    %rem3A_133 = arith.constant 0 : i32
    %rem3A_134 = arith.constant 7 : i32
    %rem3A_135 = arith.remsi %rem3A_133, %rem3A_134 : i32
    %dma_wait3A = arith.constant 0 : i32
    %dma_wait3A_136 = tpu.memref_slice %arg10[%mul3A_132, %dma_wait3A] : memref<896x128xf32, #tpu.memory_space<vmem>> -> memref<16x128xf32, #tpu.memory_space<vmem>>
    %dma_wait3A_137 = arith.constant 0 : i32
    %dma_wait3A_138 = tpu.memref_slice %arg7[%mul3A_4, %dma_wait3A_137] : memref<51200x128xf32, #tpu.memory_space<hbm>> -> memref<16x128xf32, #tpu.memory_space<hbm>>
    %dma_wait3A_139 = tpu.memref_slice %arg11[%rem3A_135] : memref<7x!tpu.dma_semaphore, #tpu.memory_space<semaphore_mem>> -> memref<1x!tpu.dma_semaphore, #tpu.memory_space<semaphore_mem>>
    %dma_wait3A_140 = tpu.memref_squeeze %dma_wait3A_139 : memref<1x!tpu.dma_semaphore, #tpu.memory_space<semaphore_mem>> -> memref<!tpu.dma_semaphore, #tpu.memory_space<semaphore_mem>>
    %dma_wait3A_141 = arith.constant 0 : i32
    %dma_wait3A_142 = tpu.memref_slice %arg10[%mul3A_132, %dma_wait3A_141] : memref<896x128xf32, #tpu.memory_space<vmem>> -> memref<16x128xf32, #tpu.memory_space<vmem>>
    %dma_wait3A_143 = arith.constant 0 : i32
    %dma_wait3A_144 = tpu.memref_slice %arg7[%mul3A_4, %dma_wait3A_143] : memref<51200x128xf32, #tpu.memory_space<hbm>> -> memref<16x128xf32, #tpu.memory_space<hbm>>
    tpu.wait_dma2 semaphore(%dma_wait3A_140 : memref<!tpu.dma_semaphore, #tpu.memory_space<semaphore_mem>>) src(%dma_wait3A_144 : memref<16x128xf32, #tpu.memory_space<hbm>>) dst(%dma_wait3A_142 : memref<16x128xf32, #tpu.memory_space<vmem>>)
    %add3A_145 = arith.constant 0 : i32
    %add3A_146 = arith.addi %mul3A_2, %add3A_145 : i32
    %rem3A_147 = arith.constant 0 : i32
    %rem3A_148 = arith.constant 7 : i32
    %rem3A_149 = arith.remsi %rem3A_147, %rem3A_148 : i32
    %mul3A_150 = arith.constant 128 : i32
    %mul3A_151 = arith.muli %rem3A_149, %mul3A_150 : i32
    %rem3A_152 = arith.constant 0 : i32
    %rem3A_153 = arith.constant 7 : i32
    %rem3A_154 = arith.remsi %rem3A_152, %rem3A_153 : i32
    %dma_start3A_155 = arith.constant 0 : i32
    %dma_start3A_156 = tpu.memref_slice %arg10[%mul3A_151, %dma_start3A_155] : memref<896x128xf32, #tpu.memory_space<vmem>> -> memref<16x128xf32, #tpu.memory_space<vmem>>
    %dma_start3A_157 = arith.constant 0 : i32
    %dma_start3A_158 = tpu.memref_slice %arg6[%add3A_146, %dma_start3A_157] : memref<5120x128xf32, #tpu.memory_space<hbm>> -> memref<16x128xf32, #tpu.memory_space<hbm>>
    %dma_start3A_159 = tpu.memref_slice %arg12[%rem3A_154] : memref<7x!tpu.dma_semaphore, #tpu.memory_space<semaphore_mem>> -> memref<1x!tpu.dma_semaphore, #tpu.memory_space<semaphore_mem>>
    %dma_start3A_160 = tpu.memref_squeeze %dma_start3A_159 : memref<1x!tpu.dma_semaphore, #tpu.memory_space<semaphore_mem>> -> memref<!tpu.dma_semaphore, #tpu.memory_space<semaphore_mem>>
    %dma_start3A_161 = arith.constant 0 : i32
    %dma_start3A_162 = tpu.memref_slice %arg6[%add3A_146, %dma_start3A_161] : memref<5120x128xf32, #tpu.memory_space<hbm>> -> memref<16x128xf32, #tpu.memory_space<hbm>>
    %dma_start3A_163 = arith.constant 0 : i32
    %dma_start3A_164 = tpu.memref_slice %arg10[%mul3A_151, %dma_start3A_163] : memref<896x128xf32, #tpu.memory_space<vmem>> -> memref<16x128xf32, #tpu.memory_space<vmem>>
    tpu.enqueue_dma source(%dma_start3A_164 : memref<16x128xf32, #tpu.memory_space<vmem>>) target(%dma_start3A_162 : memref<16x128xf32, #tpu.memory_space<hbm>>) target_semaphore(%dma_start3A_160 : memref<!tpu.dma_semaphore, #tpu.memory_space<semaphore_mem>>)
    %rem3A_165 = arith.constant 1 : i32
    %rem3A_166 = arith.constant 7 : i32
    %rem3A_167 = arith.remsi %rem3A_165, %rem3A_166 : i32
    %mul3A_168 = arith.constant 128 : i32
    %mul3A_169 = arith.muli %rem3A_167, %mul3A_168 : i32
    %rem3A_170 = arith.constant 1 : i32
    %rem3A_171 = arith.constant 7 : i32
    %rem3A_172 = arith.remsi %rem3A_170, %rem3A_171 : i32
    %dma_wait3A_173 = arith.constant 0 : i32
    %dma_wait3A_174 = tpu.memref_slice %arg10[%mul3A_169, %dma_wait3A_173] : memref<896x128xf32, #tpu.memory_space<vmem>> -> memref<16x128xf32, #tpu.memory_space<vmem>>
    %dma_wait3A_175 = arith.constant 0 : i32
    %dma_wait3A_176 = tpu.memref_slice %arg7[%mul3A_4, %dma_wait3A_175] : memref<51200x128xf32, #tpu.memory_space<hbm>> -> memref<16x128xf32, #tpu.memory_space<hbm>>
    %dma_wait3A_177 = tpu.memref_slice %arg11[%rem3A_172] : memref<7x!tpu.dma_semaphore, #tpu.memory_space<semaphore_mem>> -> memref<1x!tpu.dma_semaphore, #tpu.memory_space<semaphore_mem>>
    %dma_wait3A_178 = tpu.memref_squeeze %dma_wait3A_177 : memref<1x!tpu.dma_semaphore, #tpu.memory_space<semaphore_mem>> -> memref<!tpu.dma_semaphore, #tpu.memory_space<semaphore_mem>>
    %dma_wait3A_179 = arith.constant 0 : i32
    %dma_wait3A_180 = tpu.memref_slice %arg10[%mul3A_169, %dma_wait3A_179] : memref<896x128xf32, #tpu.memory_space<vmem>> -> memref<16x128xf32, #tpu.memory_space<vmem>>
    %dma_wait3A_181 = arith.constant 0 : i32
    %dma_wait3A_182 = tpu.memref_slice %arg7[%mul3A_4, %dma_wait3A_181] : memref<51200x128xf32, #tpu.memory_space<hbm>> -> memref<16x128xf32, #tpu.memory_space<hbm>>
    tpu.wait_dma2 semaphore(%dma_wait3A_178 : memref<!tpu.dma_semaphore, #tpu.memory_space<semaphore_mem>>) src(%dma_wait3A_182 : memref<16x128xf32, #tpu.memory_space<hbm>>) dst(%dma_wait3A_180 : memref<16x128xf32, #tpu.memory_space<vmem>>)
    %add3A_183 = arith.constant 16 : i32
    %add3A_184 = arith.addi %mul3A_2, %add3A_183 : i32
    %rem3A_185 = arith.constant 1 : i32
    %rem3A_186 = arith.constant 7 : i32
    %rem3A_187 = arith.remsi %rem3A_185, %rem3A_186 : i32
    %mul3A_188 = arith.constant 128 : i32
    %mul3A_189 = arith.muli %rem3A_187, %mul3A_188 : i32
    %rem3A_190 = arith.constant 1 : i32
    %rem3A_191 = arith.constant 7 : i32
    %rem3A_192 = arith.remsi %rem3A_190, %rem3A_191 : i32
    %dma_start3A_193 = arith.constant 0 : i32
    %dma_start3A_194 = tpu.memref_slice %arg10[%mul3A_189, %dma_start3A_193] : memref<896x128xf32, #tpu.memory_space<vmem>> -> memref<16x128xf32, #tpu.memory_space<vmem>>
    %dma_start3A_195 = arith.constant 0 : i32
    %dma_start3A_196 = tpu.memref_slice %arg6[%add3A_184, %dma_start3A_195] : memref<5120x128xf32, #tpu.memory_space<hbm>> -> memref<16x128xf32, #tpu.memory_space<hbm>>
    %dma_start3A_197 = tpu.memref_slice %arg12[%rem3A_192] : memref<7x!tpu.dma_semaphore, #tpu.memory_space<semaphore_mem>> -> memref<1x!tpu.dma_semaphore, #tpu.memory_space<semaphore_mem>>
    %dma_start3A_198 = tpu.memref_squeeze %dma_start3A_197 : memref<1x!tpu.dma_semaphore, #tpu.memory_space<semaphore_mem>> -> memref<!tpu.dma_semaphore, #tpu.memory_space<semaphore_mem>>
    %dma_start3A_199 = arith.constant 0 : i32
    %dma_start3A_200 = tpu.memref_slice %arg6[%add3A_184, %dma_start3A_199] : memref<5120x128xf32, #tpu.memory_space<hbm>> -> memref<16x128xf32, #tpu.memory_space<hbm>>
    %dma_start3A_201 = arith.constant 0 : i32
    %dma_start3A_202 = tpu.memref_slice %arg10[%mul3A_189, %dma_start3A_201] : memref<896x128xf32, #tpu.memory_space<vmem>> -> memref<16x128xf32, #tpu.memory_space<vmem>>
    tpu.enqueue_dma source(%dma_start3A_202 : memref<16x128xf32, #tpu.memory_space<vmem>>) target(%dma_start3A_200 : memref<16x128xf32, #tpu.memory_space<hbm>>) target_semaphore(%dma_start3A_198 : memref<!tpu.dma_semaphore, #tpu.memory_space<semaphore_mem>>)
    %rem3A_203 = arith.constant 2 : i32
    %rem3A_204 = arith.constant 7 : i32
    %rem3A_205 = arith.remsi %rem3A_203, %rem3A_204 : i32
    %mul3A_206 = arith.constant 128 : i32
    %mul3A_207 = arith.muli %rem3A_205, %mul3A_206 : i32
    %rem3A_208 = arith.constant 2 : i32
    %rem3A_209 = arith.constant 7 : i32
    %rem3A_210 = arith.remsi %rem3A_208, %rem3A_209 : i32
    %dma_wait3A_211 = arith.constant 0 : i32
    %dma_wait3A_212 = tpu.memref_slice %arg10[%mul3A_207, %dma_wait3A_211] : memref<896x128xf32, #tpu.memory_space<vmem>> -> memref<128x128xf32, #tpu.memory_space<vmem>>
    %dma_wait3A_213 = arith.constant 0 : i32
    %dma_wait3A_214 = tpu.memref_slice %arg7[%mul3A_4, %dma_wait3A_213] : memref<51200x128xf32, #tpu.memory_space<hbm>> -> memref<128x128xf32, #tpu.memory_space<hbm>>
    %dma_wait3A_215 = tpu.memref_slice %arg11[%rem3A_210] : memref<7x!tpu.dma_semaphore, #tpu.memory_space<semaphore_mem>> -> memref<1x!tpu.dma_semaphore, #tpu.memory_space<semaphore_mem>>
    %dma_wait3A_216 = tpu.memref_squeeze %dma_wait3A_215 : memref<1x!tpu.dma_semaphore, #tpu.memory_space<semaphore_mem>> -> memref<!tpu.dma_semaphore, #tpu.memory_space<semaphore_mem>>
    %dma_wait3A_217 = arith.constant 0 : i32
    %dma_wait3A_218 = tpu.memref_slice %arg10[%mul3A_207, %dma_wait3A_217] : memref<896x128xf32, #tpu.memory_space<vmem>> -> memref<128x128xf32, #tpu.memory_space<vmem>>
    %dma_wait3A_219 = arith.constant 0 : i32
    %dma_wait3A_220 = tpu.memref_slice %arg7[%mul3A_4, %dma_wait3A_219] : memref<51200x128xf32, #tpu.memory_space<hbm>> -> memref<128x128xf32, #tpu.memory_space<hbm>>
    tpu.wait_dma2 semaphore(%dma_wait3A_216 : memref<!tpu.dma_semaphore, #tpu.memory_space<semaphore_mem>>) src(%dma_wait3A_220 : memref<128x128xf32, #tpu.memory_space<hbm>>) dst(%dma_wait3A_218 : memref<128x128xf32, #tpu.memory_space<vmem>>)
    %add3A_221 = arith.constant 32 : i32
    %add3A_222 = arith.addi %mul3A_2, %add3A_221 : i32
    %rem3A_223 = arith.constant 2 : i32
    %rem3A_224 = arith.constant 7 : i32
    %rem3A_225 = arith.remsi %rem3A_223, %rem3A_224 : i32
    %mul3A_226 = arith.constant 128 : i32
    %mul3A_227 = arith.muli %rem3A_225, %mul3A_226 : i32
    %rem3A_228 = arith.constant 2 : i32
    %rem3A_229 = arith.constant 7 : i32
    %rem3A_230 = arith.remsi %rem3A_228, %rem3A_229 : i32
    %dma_start3A_231 = arith.constant 0 : i32
    %dma_start3A_232 = tpu.memref_slice %arg10[%mul3A_227, %dma_start3A_231] : memref<896x128xf32, #tpu.memory_space<vmem>> -> memref<128x128xf32, #tpu.memory_space<vmem>>
    %dma_start3A_233 = arith.constant 0 : i32
    %dma_start3A_234 = tpu.memref_slice %arg6[%add3A_222, %dma_start3A_233] : memref<5120x128xf32, #tpu.memory_space<hbm>> -> memref<128x128xf32, #tpu.memory_space<hbm>>
    %dma_start3A_235 = tpu.memref_slice %arg12[%rem3A_230] : memref<7x!tpu.dma_semaphore, #tpu.memory_space<semaphore_mem>> -> memref<1x!tpu.dma_semaphore, #tpu.memory_space<semaphore_mem>>
    %dma_start3A_236 = tpu.memref_squeeze %dma_start3A_235 : memref<1x!tpu.dma_semaphore, #tpu.memory_space<semaphore_mem>> -> memref<!tpu.dma_semaphore, #tpu.memory_space<semaphore_mem>>
    %dma_start3A_237 = arith.constant 0 : i32
    %dma_start3A_238 = tpu.memref_slice %arg6[%add3A_222, %dma_start3A_237] : memref<5120x128xf32, #tpu.memory_space<hbm>> -> memref<128x128xf32, #tpu.memory_space<hbm>>
    %dma_start3A_239 = arith.constant 0 : i32
    %dma_start3A_240 = tpu.memref_slice %arg10[%mul3A_227, %dma_start3A_239] : memref<896x128xf32, #tpu.memory_space<vmem>> -> memref<128x128xf32, #tpu.memory_space<vmem>>
    tpu.enqueue_dma source(%dma_start3A_240 : memref<128x128xf32, #tpu.memory_space<vmem>>) target(%dma_start3A_238 : memref<128x128xf32, #tpu.memory_space<hbm>>) target_semaphore(%dma_start3A_236 : memref<!tpu.dma_semaphore, #tpu.memory_space<semaphore_mem>>)
    %rem3A_241 = arith.constant 0 : i32
    %rem3A_242 = arith.constant 7 : i32
    %rem3A_243 = arith.remsi %rem3A_241, %rem3A_242 : i32
    %mul3A_244 = arith.constant 128 : i32
    %mul3A_245 = arith.muli %rem3A_243, %mul3A_244 : i32
    %rem3A_246 = arith.constant 0 : i32
    %rem3A_247 = arith.constant 7 : i32
    %rem3A_248 = arith.remsi %rem3A_246, %rem3A_247 : i32
    %dma_wait3A_249 = arith.constant 0 : i32
    %dma_wait3A_250 = tpu.memref_slice %arg10[%mul3A_245, %dma_wait3A_249] : memref<896x128xf32, #tpu.memory_space<vmem>> -> memref<16x128xf32, #tpu.memory_space<vmem>>
    %dma_wait3A_251 = arith.constant 0 : i32
    %dma_wait3A_252 = tpu.memref_slice %arg7[%mul3A_4, %dma_wait3A_251] : memref<51200x128xf32, #tpu.memory_space<hbm>> -> memref<16x128xf32, #tpu.memory_space<hbm>>
    %dma_wait3A_253 = tpu.memref_slice %arg12[%rem3A_248] : memref<7x!tpu.dma_semaphore, #tpu.memory_space<semaphore_mem>> -> memref<1x!tpu.dma_semaphore, #tpu.memory_space<semaphore_mem>>
    %dma_wait3A_254 = tpu.memref_squeeze %dma_wait3A_253 : memref<1x!tpu.dma_semaphore, #tpu.memory_space<semaphore_mem>> -> memref<!tpu.dma_semaphore, #tpu.memory_space<semaphore_mem>>
    %dma_wait3A_255 = arith.constant 0 : i32
    %dma_wait3A_256 = tpu.memref_slice %arg7[%mul3A_4, %dma_wait3A_255] : memref<51200x128xf32, #tpu.memory_space<hbm>> -> memref<16x128xf32, #tpu.memory_space<hbm>>
    %dma_wait3A_257 = arith.constant 0 : i32
    %dma_wait3A_258 = tpu.memref_slice %arg10[%mul3A_245, %dma_wait3A_257] : memref<896x128xf32, #tpu.memory_space<vmem>> -> memref<16x128xf32, #tpu.memory_space<vmem>>
    tpu.wait_dma2 semaphore(%dma_wait3A_254 : memref<!tpu.dma_semaphore, #tpu.memory_space<semaphore_mem>>) src(%dma_wait3A_258 : memref<16x128xf32, #tpu.memory_space<vmem>>) dst(%dma_wait3A_256 : memref<16x128xf32, #tpu.memory_space<hbm>>)
    %rem3A_259 = arith.constant 7 : i32
    %rem3A_260 = arith.constant 7 : i32
    %rem3A_261 = arith.remsi %rem3A_259, %rem3A_260 : i32
    %mul3A_262 = arith.constant 128 : i32
    %mul3A_263 = arith.muli %rem3A_261, %mul3A_262 : i32
    %rem3A_264 = arith.constant 7 : i32
    %rem3A_265 = arith.constant 7 : i32
    %rem3A_266 = arith.remsi %rem3A_264, %rem3A_265 : i32
    %dma_start3A_267 = arith.constant 4 : i32
    %dma_start3A_268 = arith.constant 0 : i32
    %dma_start3A_269 = tpu.memref_slice %arg10[%mul3A_263, %dma_start3A_268] : memref<896x128xf32, #tpu.memory_space<vmem>> -> memref<128x128xf32, #tpu.memory_space<vmem>>
    %dma_start3A_270 = arith.constant 0 : i32
    %dma_start3A_271 = tpu.memref_slice %arg9[%dma_start3A_267, %dma_start3A_270] : memref<13x128xi32, #tpu.memory_space<vmem>> -> memref<1x128xi32, #tpu.memory_space<vmem>>
    %dma_start3A_272 = tpu.memref_squeeze %dma_start3A_271 : memref<1x128xi32, #tpu.memory_space<vmem>> -> memref<128xi32, #tpu.memory_space<vmem>>
    %dma_start3A_273 = arith.constant 0 : i32
    %dma_start3A_274 = arith.constant 0 : i32
    %dma_start3A_275 = tpu.memref_slice %arg5[%dma_start3A_273, %dma_start3A_274] : memref<100000x128xf32, #tpu.memory_space<hbm>> -> memref<100000x128xf32, #tpu.memory_space<hbm>>
    %dma_start3A_276 = tpu.memref_slice %arg11[%rem3A_266] : memref<7x!tpu.dma_semaphore, #tpu.memory_space<semaphore_mem>> -> memref<1x!tpu.dma_semaphore, #tpu.memory_space<semaphore_mem>>
    %dma_start3A_277 = tpu.memref_squeeze %dma_start3A_276 : memref<1x!tpu.dma_semaphore, #tpu.memory_space<semaphore_mem>> -> memref<!tpu.dma_semaphore, #tpu.memory_space<semaphore_mem>>
    tpu.enqueue_indirect_dma source(%dma_start3A_275 : memref<100000x128xf32, #tpu.memory_space<hbm>>) target(%dma_start3A_269 : memref<128x128xf32, #tpu.memory_space<vmem>>) offsets(%dma_start3A_272 : memref<128xi32, #tpu.memory_space<vmem>>) semaphore(%dma_start3A_277 : memref<!tpu.dma_semaphore, #tpu.memory_space<semaphore_mem>>)
    %rem3A_278 = arith.constant 1 : i32
    %rem3A_279 = arith.constant 7 : i32
    %rem3A_280 = arith.remsi %rem3A_278, %rem3A_279 : i32
    %mul3A_281 = arith.constant 128 : i32
    %mul3A_282 = arith.muli %rem3A_280, %mul3A_281 : i32
    %rem3A_283 = arith.constant 1 : i32
    %rem3A_284 = arith.constant 7 : i32
    %rem3A_285 = arith.remsi %rem3A_283, %rem3A_284 : i32
    %dma_wait3A_286 = arith.constant 0 : i32
    %dma_wait3A_287 = tpu.memref_slice %arg10[%mul3A_282, %dma_wait3A_286] : memref<896x128xf32, #tpu.memory_space<vmem>> -> memref<16x128xf32, #tpu.memory_space<vmem>>
    %dma_wait3A_288 = arith.constant 0 : i32
    %dma_wait3A_289 = tpu.memref_slice %arg7[%mul3A_4, %dma_wait3A_288] : memref<51200x128xf32, #tpu.memory_space<hbm>> -> memref<16x128xf32, #tpu.memory_space<hbm>>
    %dma_wait3A_290 = tpu.memref_slice %arg12[%rem3A_285] : memref<7x!tpu.dma_semaphore, #tpu.memory_space<semaphore_mem>> -> memref<1x!tpu.dma_semaphore, #tpu.memory_space<semaphore_mem>>
    %dma_wait3A_291 = tpu.memref_squeeze %dma_wait3A_290 : memref<1x!tpu.dma_semaphore, #tpu.memory_space<semaphore_mem>> -> memref<!tpu.dma_semaphore, #tpu.memory_space<semaphore_mem>>
    %dma_wait3A_292 = arith.constant 0 : i32
    %dma_wait3A_293 = tpu.memref_slice %arg7[%mul3A_4, %dma_wait3A_292] : memref<51200x128xf32, #tpu.memory_space<hbm>> -> memref<16x128xf32, #tpu.memory_space<hbm>>
    %dma_wait3A_294 = arith.constant 0 : i32
    %dma_wait3A_295 = tpu.memref_slice %arg10[%mul3A_282, %dma_wait3A_294] : memref<896x128xf32, #tpu.memory_space<vmem>> -> memref<16x128xf32, #tpu.memory_space<vmem>>
    tpu.wait_dma2 semaphore(%dma_wait3A_291 : memref<!tpu.dma_semaphore, #tpu.memory_space<semaphore_mem>>) src(%dma_wait3A_295 : memref<16x128xf32, #tpu.memory_space<vmem>>) dst(%dma_wait3A_293 : memref<16x128xf32, #tpu.memory_space<hbm>>)
    %rem3A_296 = arith.constant 8 : i32
    %rem3A_297 = arith.constant 7 : i32
    %rem3A_298 = arith.remsi %rem3A_296, %rem3A_297 : i32
    %mul3A_299 = arith.constant 128 : i32
    %mul3A_300 = arith.muli %rem3A_298, %mul3A_299 : i32
    %rem3A_301 = arith.constant 8 : i32
    %rem3A_302 = arith.constant 7 : i32
    %rem3A_303 = arith.remsi %rem3A_301, %rem3A_302 : i32
    %dma_start3A_304 = arith.constant 5 : i32
    %dma_start3A_305 = arith.constant 0 : i32
    %dma_start3A_306 = tpu.memref_slice %arg10[%mul3A_300, %dma_start3A_305] : memref<896x128xf32, #tpu.memory_space<vmem>> -> memref<128x128xf32, #tpu.memory_space<vmem>>
    %dma_start3A_307 = arith.constant 0 : i32
    %dma_start3A_308 = tpu.memref_slice %arg9[%dma_start3A_304, %dma_start3A_307] : memref<13x128xi32, #tpu.memory_space<vmem>> -> memref<1x128xi32, #tpu.memory_space<vmem>>
    %dma_start3A_309 = tpu.memref_squeeze %dma_start3A_308 : memref<1x128xi32, #tpu.memory_space<vmem>> -> memref<128xi32, #tpu.memory_space<vmem>>
    %dma_start3A_310 = arith.constant 0 : i32
    %dma_start3A_311 = arith.constant 0 : i32
    %dma_start3A_312 = tpu.memref_slice %arg5[%dma_start3A_310, %dma_start3A_311] : memref<100000x128xf32, #tpu.memory_space<hbm>> -> memref<100000x128xf32, #tpu.memory_space<hbm>>
    %dma_start3A_313 = tpu.memref_slice %arg11[%rem3A_303] : memref<7x!tpu.dma_semaphore, #tpu.memory_space<semaphore_mem>> -> memref<1x!tpu.dma_semaphore, #tpu.memory_space<semaphore_mem>>
    %dma_start3A_314 = tpu.memref_squeeze %dma_start3A_313 : memref<1x!tpu.dma_semaphore, #tpu.memory_space<semaphore_mem>> -> memref<!tpu.dma_semaphore, #tpu.memory_space<semaphore_mem>>
    tpu.enqueue_indirect_dma source(%dma_start3A_312 : memref<100000x128xf32, #tpu.memory_space<hbm>>) target(%dma_start3A_306 : memref<128x128xf32, #tpu.memory_space<vmem>>) offsets(%dma_start3A_309 : memref<128xi32, #tpu.memory_space<vmem>>) semaphore(%dma_start3A_314 : memref<!tpu.dma_semaphore, #tpu.memory_space<semaphore_mem>>)
    %rem3A_315 = arith.constant 2 : i32
    %rem3A_316 = arith.constant 7 : i32
    %rem3A_317 = arith.remsi %rem3A_315, %rem3A_316 : i32
    %mul3A_318 = arith.constant 128 : i32
    %mul3A_319 = arith.muli %rem3A_317, %mul3A_318 : i32
    %rem3A_320 = arith.constant 2 : i32
    %rem3A_321 = arith.constant 7 : i32
    %rem3A_322 = arith.remsi %rem3A_320, %rem3A_321 : i32
    %dma_wait3A_323 = arith.constant 0 : i32
    %dma_wait3A_324 = tpu.memref_slice %arg10[%mul3A_319, %dma_wait3A_323] : memref<896x128xf32, #tpu.memory_space<vmem>> -> memref<128x128xf32, #tpu.memory_space<vmem>>
    %dma_wait3A_325 = arith.constant 0 : i32
    %dma_wait3A_326 = tpu.memref_slice %arg7[%mul3A_4, %dma_wait3A_325] : memref<51200x128xf32, #tpu.memory_space<hbm>> -> memref<128x128xf32, #tpu.memory_space<hbm>>
    %dma_wait3A_327 = tpu.memref_slice %arg12[%rem3A_322] : memref<7x!tpu.dma_semaphore, #tpu.memory_space<semaphore_mem>> -> memref<1x!tpu.dma_semaphore, #tpu.memory_space<semaphore_mem>>
    %dma_wait3A_328 = tpu.memref_squeeze %dma_wait3A_327 : memref<1x!tpu.dma_semaphore, #tpu.memory_space<semaphore_mem>> -> memref<!tpu.dma_semaphore, #tpu.memory_space<semaphore_mem>>
    %dma_wait3A_329 = arith.constant 0 : i32
    %dma_wait3A_330 = tpu.memref_slice %arg7[%mul3A_4, %dma_wait3A_329] : memref<51200x128xf32, #tpu.memory_space<hbm>> -> memref<128x128xf32, #tpu.memory_space<hbm>>
    %dma_wait3A_331 = arith.constant 0 : i32
    %dma_wait3A_332 = tpu.memref_slice %arg10[%mul3A_319, %dma_wait3A_331] : memref<896x128xf32, #tpu.memory_space<vmem>> -> memref<128x128xf32, #tpu.memory_space<vmem>>
    tpu.wait_dma2 semaphore(%dma_wait3A_328 : memref<!tpu.dma_semaphore, #tpu.memory_space<semaphore_mem>>) src(%dma_wait3A_332 : memref<128x128xf32, #tpu.memory_space<vmem>>) dst(%dma_wait3A_330 : memref<128x128xf32, #tpu.memory_space<hbm>>)
    %rem3A_333 = arith.constant 9 : i32
    %rem3A_334 = arith.constant 7 : i32
    %rem3A_335 = arith.remsi %rem3A_333, %rem3A_334 : i32
    %mul3A_336 = arith.constant 128 : i32
    %mul3A_337 = arith.muli %rem3A_335, %mul3A_336 : i32
    %rem3A_338 = arith.constant 9 : i32
    %rem3A_339 = arith.constant 7 : i32
    %rem3A_340 = arith.remsi %rem3A_338, %rem3A_339 : i32
    %dma_start3A_341 = arith.constant 6 : i32
    %dma_start3A_342 = arith.constant 0 : i32
    %dma_start3A_343 = tpu.memref_slice %arg10[%mul3A_337, %dma_start3A_342] : memref<896x128xf32, #tpu.memory_space<vmem>> -> memref<128x128xf32, #tpu.memory_space<vmem>>
    %dma_start3A_344 = arith.constant 0 : i32
    %dma_start3A_345 = tpu.memref_slice %arg9[%dma_start3A_341, %dma_start3A_344] : memref<13x128xi32, #tpu.memory_space<vmem>> -> memref<1x128xi32, #tpu.memory_space<vmem>>
    %dma_start3A_346 = tpu.memref_squeeze %dma_start3A_345 : memref<1x128xi32, #tpu.memory_space<vmem>> -> memref<128xi32, #tpu.memory_space<vmem>>
    %dma_start3A_347 = arith.constant 0 : i32
    %dma_start3A_348 = arith.constant 0 : i32
    %dma_start3A_349 = tpu.memref_slice %arg5[%dma_start3A_347, %dma_start3A_348] : memref<100000x128xf32, #tpu.memory_space<hbm>> -> memref<100000x128xf32, #tpu.memory_space<hbm>>
    %dma_start3A_350 = tpu.memref_slice %arg11[%rem3A_340] : memref<7x!tpu.dma_semaphore, #tpu.memory_space<semaphore_mem>> -> memref<1x!tpu.dma_semaphore, #tpu.memory_space<semaphore_mem>>
    %dma_start3A_351 = tpu.memref_squeeze %dma_start3A_350 : memref<1x!tpu.dma_semaphore, #tpu.memory_space<semaphore_mem>> -> memref<!tpu.dma_semaphore, #tpu.memory_space<semaphore_mem>>
    tpu.enqueue_indirect_dma source(%dma_start3A_349 : memref<100000x128xf32, #tpu.memory_space<hbm>>) target(%dma_start3A_343 : memref<128x128xf32, #tpu.memory_space<vmem>>) offsets(%dma_start3A_346 : memref<128xi32, #tpu.memory_space<vmem>>) semaphore(%dma_start3A_351 : memref<!tpu.dma_semaphore, #tpu.memory_space<semaphore_mem>>)
    %rem3A_352 = arith.constant 3 : i32
    %rem3A_353 = arith.constant 7 : i32
    %rem3A_354 = arith.remsi %rem3A_352, %rem3A_353 : i32
    %mul3A_355 = arith.constant 128 : i32
    %mul3A_356 = arith.muli %rem3A_354, %mul3A_355 : i32
    %rem3A_357 = arith.constant 3 : i32
    %rem3A_358 = arith.constant 7 : i32
    %rem3A_359 = arith.remsi %rem3A_357, %rem3A_358 : i32
    %dma_wait3A_360 = arith.constant 0 : i32
    %dma_wait3A_361 = tpu.memref_slice %arg10[%mul3A_356, %dma_wait3A_360] : memref<896x128xf32, #tpu.memory_space<vmem>> -> memref<64x128xf32, #tpu.memory_space<vmem>>
    %dma_wait3A_362 = arith.constant 0 : i32
    %dma_wait3A_363 = tpu.memref_slice %arg7[%mul3A_4, %dma_wait3A_362] : memref<51200x128xf32, #tpu.memory_space<hbm>> -> memref<64x128xf32, #tpu.memory_space<hbm>>
    %dma_wait3A_364 = tpu.memref_slice %arg11[%rem3A_359] : memref<7x!tpu.dma_semaphore, #tpu.memory_space<semaphore_mem>> -> memref<1x!tpu.dma_semaphore, #tpu.memory_space<semaphore_mem>>
    %dma_wait3A_365 = tpu.memref_squeeze %dma_wait3A_364 : memref<1x!tpu.dma_semaphore, #tpu.memory_space<semaphore_mem>> -> memref<!tpu.dma_semaphore, #tpu.memory_space<semaphore_mem>>
    %dma_wait3A_366 = arith.constant 0 : i32
    %dma_wait3A_367 = tpu.memref_slice %arg10[%mul3A_356, %dma_wait3A_366] : memref<896x128xf32, #tpu.memory_space<vmem>> -> memref<64x128xf32, #tpu.memory_space<vmem>>
    %dma_wait3A_368 = arith.constant 0 : i32
    %dma_wait3A_369 = tpu.memref_slice %arg7[%mul3A_4, %dma_wait3A_368] : memref<51200x128xf32, #tpu.memory_space<hbm>> -> memref<64x128xf32, #tpu.memory_space<hbm>>
    tpu.wait_dma2 semaphore(%dma_wait3A_365 : memref<!tpu.dma_semaphore, #tpu.memory_space<semaphore_mem>>) src(%dma_wait3A_369 : memref<64x128xf32, #tpu.memory_space<hbm>>) dst(%dma_wait3A_367 : memref<64x128xf32, #tpu.memory_space<vmem>>)
    %rem3A_370 = arith.constant 3 : i32
    %rem3A_371 = arith.constant 7 : i32
    %rem3A_372 = arith.remsi %rem3A_370, %rem3A_371 : i32
    %mul3A_373 = arith.constant 128 : i32
    %mul3A_374 = arith.muli %rem3A_372, %mul3A_373 : i32
    %rem3A_375 = arith.constant 3 : i32
    %rem3A_376 = arith.constant 7 : i32
    %rem3A_377 = arith.remsi %rem3A_375, %rem3A_376 : i32
    %dma_start3A_378 = arith.constant 0 : i32
    %dma_start3A_379 = tpu.memref_slice %arg10[%mul3A_374, %dma_start3A_378] : memref<896x128xf32, #tpu.memory_space<vmem>> -> memref<64x128xf32, #tpu.memory_space<vmem>>
    %dma_start3A_380 = arith.constant 0 : i32
    %dma_start3A_381 = tpu.memref_slice %arg7[%mul3A_4, %dma_start3A_380] : memref<51200x128xf32, #tpu.memory_space<hbm>> -> memref<64x128xf32, #tpu.memory_space<hbm>>
    %dma_start3A_382 = tpu.memref_slice %arg12[%rem3A_377] : memref<7x!tpu.dma_semaphore, #tpu.memory_space<semaphore_mem>> -> memref<1x!tpu.dma_semaphore, #tpu.memory_space<semaphore_mem>>
    %dma_start3A_383 = tpu.memref_squeeze %dma_start3A_382 : memref<1x!tpu.dma_semaphore, #tpu.memory_space<semaphore_mem>> -> memref<!tpu.dma_semaphore, #tpu.memory_space<semaphore_mem>>
    %dma_start3A_384 = arith.constant 0 : i32
    %dma_start3A_385 = tpu.memref_slice %arg7[%mul3A_4, %dma_start3A_384] : memref<51200x128xf32, #tpu.memory_space<hbm>> -> memref<64x128xf32, #tpu.memory_space<hbm>>
    %dma_start3A_386 = arith.constant 0 : i32
    %dma_start3A_387 = tpu.memref_slice %arg10[%mul3A_374, %dma_start3A_386] : memref<896x128xf32, #tpu.memory_space<vmem>> -> memref<64x128xf32, #tpu.memory_space<vmem>>
    tpu.enqueue_dma source(%dma_start3A_387 : memref<64x128xf32, #tpu.memory_space<vmem>>) target(%dma_start3A_385 : memref<64x128xf32, #tpu.memory_space<hbm>>) target_semaphore(%dma_start3A_383 : memref<!tpu.dma_semaphore, #tpu.memory_space<semaphore_mem>>)
    %rem3A_388 = arith.constant 3 : i32
    %rem3A_389 = arith.constant 7 : i32
    %rem3A_390 = arith.remsi %rem3A_388, %rem3A_389 : i32
    %mul3A_391 = arith.constant 128 : i32
    %mul3A_392 = arith.muli %rem3A_390, %mul3A_391 : i32
    %rem3A_393 = arith.constant 3 : i32
    %rem3A_394 = arith.constant 7 : i32
    %rem3A_395 = arith.remsi %rem3A_393, %rem3A_394 : i32
    %dma_wait3A_396 = arith.constant 0 : i32
    %dma_wait3A_397 = tpu.memref_slice %arg10[%mul3A_392, %dma_wait3A_396] : memref<896x128xf32, #tpu.memory_space<vmem>> -> memref<64x128xf32, #tpu.memory_space<vmem>>
    %dma_wait3A_398 = arith.constant 0 : i32
    %dma_wait3A_399 = tpu.memref_slice %arg7[%mul3A_4, %dma_wait3A_398] : memref<51200x128xf32, #tpu.memory_space<hbm>> -> memref<64x128xf32, #tpu.memory_space<hbm>>
    %dma_wait3A_400 = tpu.memref_slice %arg12[%rem3A_395] : memref<7x!tpu.dma_semaphore, #tpu.memory_space<semaphore_mem>> -> memref<1x!tpu.dma_semaphore, #tpu.memory_space<semaphore_mem>>
    %dma_wait3A_401 = tpu.memref_squeeze %dma_wait3A_400 : memref<1x!tpu.dma_semaphore, #tpu.memory_space<semaphore_mem>> -> memref<!tpu.dma_semaphore, #tpu.memory_space<semaphore_mem>>
    %dma_wait3A_402 = arith.constant 0 : i32
    %dma_wait3A_403 = tpu.memref_slice %arg7[%mul3A_4, %dma_wait3A_402] : memref<51200x128xf32, #tpu.memory_space<hbm>> -> memref<64x128xf32, #tpu.memory_space<hbm>>
    %dma_wait3A_404 = arith.constant 0 : i32
    %dma_wait3A_405 = tpu.memref_slice %arg10[%mul3A_392, %dma_wait3A_404] : memref<896x128xf32, #tpu.memory_space<vmem>> -> memref<64x128xf32, #tpu.memory_space<vmem>>
    tpu.wait_dma2 semaphore(%dma_wait3A_401 : memref<!tpu.dma_semaphore, #tpu.memory_space<semaphore_mem>>) src(%dma_wait3A_405 : memref<64x128xf32, #tpu.memory_space<vmem>>) dst(%dma_wait3A_403 : memref<64x128xf32, #tpu.memory_space<hbm>>)
    %rem3A_406 = arith.constant 10 : i32
    %rem3A_407 = arith.constant 7 : i32
    %rem3A_408 = arith.remsi %rem3A_406, %rem3A_407 : i32
    %mul3A_409 = arith.constant 128 : i32
    %mul3A_410 = arith.muli %rem3A_408, %mul3A_409 : i32
    %rem3A_411 = arith.constant 10 : i32
    %rem3A_412 = arith.constant 7 : i32
    %rem3A_413 = arith.remsi %rem3A_411, %rem3A_412 : i32
    %dma_start3A_414 = arith.constant 7 : i32
    %dma_start3A_415 = arith.constant 0 : i32
    %dma_start3A_416 = tpu.memref_slice %arg10[%mul3A_410, %dma_start3A_415] : memref<896x128xf32, #tpu.memory_space<vmem>> -> memref<128x128xf32, #tpu.memory_space<vmem>>
    %dma_start3A_417 = arith.constant 0 : i32
    %dma_start3A_418 = tpu.memref_slice %arg9[%dma_start3A_414, %dma_start3A_417] : memref<13x128xi32, #tpu.memory_space<vmem>> -> memref<1x128xi32, #tpu.memory_space<vmem>>
    %dma_start3A_419 = tpu.memref_squeeze %dma_start3A_418 : memref<1x128xi32, #tpu.memory_space<vmem>> -> memref<128xi32, #tpu.memory_space<vmem>>
    %dma_start3A_420 = arith.constant 0 : i32
    %dma_start3A_421 = arith.constant 0 : i32
    %dma_start3A_422 = tpu.memref_slice %arg5[%dma_start3A_420, %dma_start3A_421] : memref<100000x128xf32, #tpu.memory_space<hbm>> -> memref<100000x128xf32, #tpu.memory_space<hbm>>
    %dma_start3A_423 = tpu.memref_slice %arg11[%rem3A_413] : memref<7x!tpu.dma_semaphore, #tpu.memory_space<semaphore_mem>> -> memref<1x!tpu.dma_semaphore, #tpu.memory_space<semaphore_mem>>
    %dma_start3A_424 = tpu.memref_squeeze %dma_start3A_423 : memref<1x!tpu.dma_semaphore, #tpu.memory_space<semaphore_mem>> -> memref<!tpu.dma_semaphore, #tpu.memory_space<semaphore_mem>>
    tpu.enqueue_indirect_dma source(%dma_start3A_422 : memref<100000x128xf32, #tpu.memory_space<hbm>>) target(%dma_start3A_416 : memref<128x128xf32, #tpu.memory_space<vmem>>) offsets(%dma_start3A_419 : memref<128xi32, #tpu.memory_space<vmem>>) semaphore(%dma_start3A_424 : memref<!tpu.dma_semaphore, #tpu.memory_space<semaphore_mem>>)
    %rem3A_425 = arith.constant 4 : i32
    %rem3A_426 = arith.constant 7 : i32
    %rem3A_427 = arith.remsi %rem3A_425, %rem3A_426 : i32
    %mul3A_428 = arith.constant 128 : i32
    %mul3A_429 = arith.muli %rem3A_427, %mul3A_428 : i32
    %rem3A_430 = arith.constant 4 : i32
    %rem3A_431 = arith.constant 7 : i32
    %rem3A_432 = arith.remsi %rem3A_430, %rem3A_431 : i32
    %dma_wait3A_433 = arith.constant 0 : i32
    %dma_wait3A_434 = tpu.memref_slice %arg10[%mul3A_429, %dma_wait3A_433] : memref<896x128xf32, #tpu.memory_space<vmem>> -> memref<128x128xf32, #tpu.memory_space<vmem>>
    %dma_wait3A_435 = arith.constant 0 : i32
    %dma_wait3A_436 = tpu.memref_slice %arg7[%mul3A_4, %dma_wait3A_435] : memref<51200x128xf32, #tpu.memory_space<hbm>> -> memref<128x128xf32, #tpu.memory_space<hbm>>
    %dma_wait3A_437 = tpu.memref_slice %arg11[%rem3A_432] : memref<7x!tpu.dma_semaphore, #tpu.memory_space<semaphore_mem>> -> memref<1x!tpu.dma_semaphore, #tpu.memory_space<semaphore_mem>>
    %dma_wait3A_438 = tpu.memref_squeeze %dma_wait3A_437 : memref<1x!tpu.dma_semaphore, #tpu.memory_space<semaphore_mem>> -> memref<!tpu.dma_semaphore, #tpu.memory_space<semaphore_mem>>
    %dma_wait3A_439 = arith.constant 0 : i32
    %dma_wait3A_440 = tpu.memref_slice %arg10[%mul3A_429, %dma_wait3A_439] : memref<896x128xf32, #tpu.memory_space<vmem>> -> memref<128x128xf32, #tpu.memory_space<vmem>>
    %dma_wait3A_441 = arith.constant 0 : i32
    %dma_wait3A_442 = tpu.memref_slice %arg7[%mul3A_4, %dma_wait3A_441] : memref<51200x128xf32, #tpu.memory_space<hbm>> -> memref<128x128xf32, #tpu.memory_space<hbm>>
    tpu.wait_dma2 semaphore(%dma_wait3A_438 : memref<!tpu.dma_semaphore, #tpu.memory_space<semaphore_mem>>) src(%dma_wait3A_442 : memref<128x128xf32, #tpu.memory_space<hbm>>) dst(%dma_wait3A_440 : memref<128x128xf32, #tpu.memory_space<vmem>>)
    %add3A_443 = arith.constant 64 : i32
    %add3A_444 = arith.addi %mul3A_4, %add3A_443 : i32
    %add3A_445 = arith.constant 0 : i32
    %add3A_446 = arith.addi %add3A_444, %add3A_445 : i32
    %rem3A_447 = arith.constant 4 : i32
    %rem3A_448 = arith.constant 7 : i32
    %rem3A_449 = arith.remsi %rem3A_447, %rem3A_448 : i32
    %mul3A_450 = arith.constant 128 : i32
    %mul3A_451 = arith.muli %rem3A_449, %mul3A_450 : i32
    %rem3A_452 = arith.constant 4 : i32
    %rem3A_453 = arith.constant 7 : i32
    %rem3A_454 = arith.remsi %rem3A_452, %rem3A_453 : i32
    %dma_start3A_455 = arith.constant 0 : i32
    %dma_start3A_456 = tpu.memref_slice %arg10[%mul3A_451, %dma_start3A_455] : memref<896x128xf32, #tpu.memory_space<vmem>> -> memref<128x128xf32, #tpu.memory_space<vmem>>
    %dma_start3A_457 = arith.constant 0 : i32
    %dma_start3A_458 = tpu.memref_slice %arg7[%add3A_446, %dma_start3A_457] : memref<51200x128xf32, #tpu.memory_space<hbm>> -> memref<128x128xf32, #tpu.memory_space<hbm>>
    %dma_start3A_459 = tpu.memref_slice %arg12[%rem3A_454] : memref<7x!tpu.dma_semaphore, #tpu.memory_space<semaphore_mem>> -> memref<1x!tpu.dma_semaphore, #tpu.memory_space<semaphore_mem>>
    %dma_start3A_460 = tpu.memref_squeeze %dma_start3A_459 : memref<1x!tpu.dma_semaphore, #tpu.memory_space<semaphore_mem>> -> memref<!tpu.dma_semaphore, #tpu.memory_space<semaphore_mem>>
    %dma_start3A_461 = arith.constant 0 : i32
    %dma_start3A_462 = tpu.memref_slice %arg7[%add3A_446, %dma_start3A_461] : memref<51200x128xf32, #tpu.memory_space<hbm>> -> memref<128x128xf32, #tpu.memory_space<hbm>>
    %dma_start3A_463 = arith.constant 0 : i32
    %dma_start3A_464 = tpu.memref_slice %arg10[%mul3A_451, %dma_start3A_463] : memref<896x128xf32, #tpu.memory_space<vmem>> -> memref<128x128xf32, #tpu.memory_space<vmem>>
    tpu.enqueue_dma source(%dma_start3A_464 : memref<128x128xf32, #tpu.memory_space<vmem>>) target(%dma_start3A_462 : memref<128x128xf32, #tpu.memory_space<hbm>>) target_semaphore(%dma_start3A_460 : memref<!tpu.dma_semaphore, #tpu.memory_space<semaphore_mem>>)
    %scan3A = arith.constant 0 : i32
    %scan3A_465 = arith.constant 5 : i32
    %scan3A_466 = arith.addi %scan3A, %scan3A_465 : i32
    %scan3A_467 = arith.constant 1 : i32
    scf.for %scan3A_835 = %scan3A to %scan3A_466 step %scan3A_467  : i32 {
      %mul3A_836 = arith.constant 1 : i32
      %mul3A_837 = arith.muli %scan3A_835, %mul3A_836 : i32
      %add3A_838 = arith.constant 5 : i32
      %add3A_839 = arith.addi %add3A_838, %mul3A_837 : i32
      %sub3A = arith.constant 1 : i32
      %sub3A_840 = arith.subi %add3A_839, %sub3A : i32
      %rem3A_841 = arith.constant 7 : i32
      %rem3A_842 = arith.remsi %sub3A_840, %rem3A_841 : i32
      %mul3A_843 = arith.constant 128 : i32
      %mul3A_844 = arith.muli %rem3A_842, %mul3A_843 : i32
      %rem3A_845 = arith.constant 7 : i32
      %rem3A_846 = arith.remsi %sub3A_840, %rem3A_845 : i32
      %dma_wait3A_847 = arith.constant 0 : i32
      %dma_wait3A_848 = tpu.memref_slice %arg10[%mul3A_844, %dma_wait3A_847] : memref<896x128xf32, #tpu.memory_space<vmem>> -> memref<128x128xf32, #tpu.memory_space<vmem>>
      %dma_wait3A_849 = arith.constant 0 : i32
      %dma_wait3A_850 = tpu.memref_slice %arg7[%mul3A_4, %dma_wait3A_849] : memref<51200x128xf32, #tpu.memory_space<hbm>> -> memref<128x128xf32, #tpu.memory_space<hbm>>
      %dma_wait3A_851 = tpu.memref_slice %arg12[%rem3A_846] : memref<7x!tpu.dma_semaphore, #tpu.memory_space<semaphore_mem>> -> memref<1x!tpu.dma_semaphore, #tpu.memory_space<semaphore_mem>>
      %dma_wait3A_852 = tpu.memref_squeeze %dma_wait3A_851 : memref<1x!tpu.dma_semaphore, #tpu.memory_space<semaphore_mem>> -> memref<!tpu.dma_semaphore, #tpu.memory_space<semaphore_mem>>
      %dma_wait3A_853 = arith.constant 0 : i32
      %dma_wait3A_854 = tpu.memref_slice %arg7[%mul3A_4, %dma_wait3A_853] : memref<51200x128xf32, #tpu.memory_space<hbm>> -> memref<128x128xf32, #tpu.memory_space<hbm>>
      %dma_wait3A_855 = arith.constant 0 : i32
      %dma_wait3A_856 = tpu.memref_slice %arg10[%mul3A_844, %dma_wait3A_855] : memref<896x128xf32, #tpu.memory_space<vmem>> -> memref<128x128xf32, #tpu.memory_space<vmem>>
      tpu.wait_dma2 semaphore(%dma_wait3A_852 : memref<!tpu.dma_semaphore, #tpu.memory_space<semaphore_mem>>) src(%dma_wait3A_856 : memref<128x128xf32, #tpu.memory_space<vmem>>) dst(%dma_wait3A_854 : memref<128x128xf32, #tpu.memory_space<hbm>>)
      %add3A_857 = arith.constant 7 : i32
      %add3A_858 = arith.addi %add3A_839, %add3A_857 : i32
      %sub3A_859 = arith.constant 1 : i32
      %sub3A_860 = arith.subi %add3A_858, %sub3A_859 : i32
      %sub3A_861 = arith.constant 3 : i32
      %sub3A_862 = arith.subi %sub3A_860, %sub3A_861 : i32
      %rem3A_863 = arith.constant 7 : i32
      %rem3A_864 = arith.remsi %sub3A_860, %rem3A_863 : i32
      %mul3A_865 = arith.constant 128 : i32
      %mul3A_866 = arith.muli %rem3A_864, %mul3A_865 : i32
      %rem3A_867 = arith.constant 7 : i32
      %rem3A_868 = arith.remsi %sub3A_860, %rem3A_867 : i32
      %dma_start3A_869 = arith.constant 0 : i32
      %dma_start3A_870 = tpu.memref_slice %arg10[%mul3A_866, %dma_start3A_869] : memref<896x128xf32, #tpu.memory_space<vmem>> -> memref<128x128xf32, #tpu.memory_space<vmem>>
      %dma_start3A_871 = arith.constant 0 : i32
      %dma_start3A_872 = tpu.memref_slice %arg9[%sub3A_862, %dma_start3A_871] : memref<13x128xi32, #tpu.memory_space<vmem>> -> memref<1x128xi32, #tpu.memory_space<vmem>>
      %dma_start3A_873 = tpu.memref_squeeze %dma_start3A_872 : memref<1x128xi32, #tpu.memory_space<vmem>> -> memref<128xi32, #tpu.memory_space<vmem>>
      %dma_start3A_874 = arith.constant 0 : i32
      %dma_start3A_875 = arith.constant 0 : i32
      %dma_start3A_876 = tpu.memref_slice %arg5[%dma_start3A_874, %dma_start3A_875] : memref<100000x128xf32, #tpu.memory_space<hbm>> -> memref<100000x128xf32, #tpu.memory_space<hbm>>
      %dma_start3A_877 = tpu.memref_slice %arg11[%rem3A_868] : memref<7x!tpu.dma_semaphore, #tpu.memory_space<semaphore_mem>> -> memref<1x!tpu.dma_semaphore, #tpu.memory_space<semaphore_mem>>
      %dma_start3A_878 = tpu.memref_squeeze %dma_start3A_877 : memref<1x!tpu.dma_semaphore, #tpu.memory_space<semaphore_mem>> -> memref<!tpu.dma_semaphore, #tpu.memory_space<semaphore_mem>>
      tpu.enqueue_indirect_dma source(%dma_start3A_876 : memref<100000x128xf32, #tpu.memory_space<hbm>>) target(%dma_start3A_870 : memref<128x128xf32, #tpu.memory_space<vmem>>) offsets(%dma_start3A_873 : memref<128xi32, #tpu.memory_space<vmem>>) semaphore(%dma_start3A_878 : memref<!tpu.dma_semaphore, #tpu.memory_space<semaphore_mem>>)
      %rem3A_879 = arith.constant 7 : i32
      %rem3A_880 = arith.remsi %add3A_839, %rem3A_879 : i32
      %mul3A_881 = arith.constant 128 : i32
      %mul3A_882 = arith.muli %rem3A_880, %mul3A_881 : i32
      %rem3A_883 = arith.constant 7 : i32
      %rem3A_884 = arith.remsi %add3A_839, %rem3A_883 : i32
      %dma_wait3A_885 = arith.constant 0 : i32
      %dma_wait3A_886 = tpu.memref_slice %arg10[%mul3A_882, %dma_wait3A_885] : memref<896x128xf32, #tpu.memory_space<vmem>> -> memref<128x128xf32, #tpu.memory_space<vmem>>
      %dma_wait3A_887 = arith.constant 0 : i32
      %dma_wait3A_888 = tpu.memref_slice %arg7[%mul3A_4, %dma_wait3A_887] : memref<51200x128xf32, #tpu.memory_space<hbm>> -> memref<128x128xf32, #tpu.memory_space<hbm>>
      %dma_wait3A_889 = tpu.memref_slice %arg11[%rem3A_884] : memref<7x!tpu.dma_semaphore, #tpu.memory_space<semaphore_mem>> -> memref<1x!tpu.dma_semaphore, #tpu.memory_space<semaphore_mem>>
      %dma_wait3A_890 = tpu.memref_squeeze %dma_wait3A_889 : memref<1x!tpu.dma_semaphore, #tpu.memory_space<semaphore_mem>> -> memref<!tpu.dma_semaphore, #tpu.memory_space<semaphore_mem>>
      %dma_wait3A_891 = arith.constant 0 : i32
      %dma_wait3A_892 = tpu.memref_slice %arg10[%mul3A_882, %dma_wait3A_891] : memref<896x128xf32, #tpu.memory_space<vmem>> -> memref<128x128xf32, #tpu.memory_space<vmem>>
      %dma_wait3A_893 = arith.constant 0 : i32
      %dma_wait3A_894 = tpu.memref_slice %arg7[%mul3A_4, %dma_wait3A_893] : memref<51200x128xf32, #tpu.memory_space<hbm>> -> memref<128x128xf32, #tpu.memory_space<hbm>>
      tpu.wait_dma2 semaphore(%dma_wait3A_890 : memref<!tpu.dma_semaphore, #tpu.memory_space<semaphore_mem>>) src(%dma_wait3A_894 : memref<128x128xf32, #tpu.memory_space<hbm>>) dst(%dma_wait3A_892 : memref<128x128xf32, #tpu.memory_space<vmem>>)
      %add3A_895 = arith.constant 64 : i32
      %add3A_896 = arith.addi %mul3A_4, %add3A_895 : i32
      %sub3A_897 = arith.constant 3 : i32
      %sub3A_898 = arith.subi %add3A_839, %sub3A_897 : i32
      %sub3A_899 = arith.constant 1 : i32
      %sub3A_900 = arith.subi %sub3A_898, %sub3A_899 : i32
      %mul3A_901 = arith.constant 128 : i32
      %mul3A_902 = arith.muli %sub3A_900, %mul3A_901 : i32
      %add3A_903 = arith.addi %add3A_896, %mul3A_902 : i32
      %rem3A_904 = arith.constant 7 : i32
      %rem3A_905 = arith.remsi %add3A_839, %rem3A_904 : i32
      %mul3A_906 = arith.constant 128 : i32
      %mul3A_907 = arith.muli %rem3A_905, %mul3A_906 : i32
      %rem3A_908 = arith.constant 7 : i32
      %rem3A_909 = arith.remsi %add3A_839, %rem3A_908 : i32
      %dma_start3A_910 = arith.constant 0 : i32
      %dma_start3A_911 = tpu.memref_slice %arg10[%mul3A_907, %dma_start3A_910] : memref<896x128xf32, #tpu.memory_space<vmem>> -> memref<128x128xf32, #tpu.memory_space<vmem>>
      %dma_start3A_912 = arith.constant 0 : i32
      %dma_start3A_913 = tpu.memref_slice %arg7[%add3A_903, %dma_start3A_912] : memref<51200x128xf32, #tpu.memory_space<hbm>> -> memref<128x128xf32, #tpu.memory_space<hbm>>
      %dma_start3A_914 = tpu.memref_slice %arg12[%rem3A_909] : memref<7x!tpu.dma_semaphore, #tpu.memory_space<semaphore_mem>> -> memref<1x!tpu.dma_semaphore, #tpu.memory_space<semaphore_mem>>
      %dma_start3A_915 = tpu.memref_squeeze %dma_start3A_914 : memref<1x!tpu.dma_semaphore, #tpu.memory_space<semaphore_mem>> -> memref<!tpu.dma_semaphore, #tpu.memory_space<semaphore_mem>>
      %dma_start3A_916 = arith.constant 0 : i32
      %dma_start3A_917 = tpu.memref_slice %arg7[%add3A_903, %dma_start3A_916] : memref<51200x128xf32, #tpu.memory_space<hbm>> -> memref<128x128xf32, #tpu.memory_space<hbm>>
      %dma_start3A_918 = arith.constant 0 : i32
      %dma_start3A_919 = tpu.memref_slice %arg10[%mul3A_907, %dma_start3A_918] : memref<896x128xf32, #tpu.memory_space<vmem>> -> memref<128x128xf32, #tpu.memory_space<vmem>>
      tpu.enqueue_dma source(%dma_start3A_919 : memref<128x128xf32, #tpu.memory_space<vmem>>) target(%dma_start3A_917 : memref<128x128xf32, #tpu.memory_space<hbm>>) target_semaphore(%dma_start3A_915 : memref<!tpu.dma_semaphore, #tpu.memory_space<semaphore_mem>>)
    }
    %scan3A_468 = arith.constant 5 : i32
    %rem3A_469 = arith.constant 9 : i32
    %rem3A_470 = arith.constant 7 : i32
    %rem3A_471 = arith.remsi %rem3A_469, %rem3A_470 : i32
    %mul3A_472 = arith.constant 128 : i32
    %mul3A_473 = arith.muli %rem3A_471, %mul3A_472 : i32
    %rem3A_474 = arith.constant 9 : i32
    %rem3A_475 = arith.constant 7 : i32
    %rem3A_476 = arith.remsi %rem3A_474, %rem3A_475 : i32
    %dma_wait3A_477 = arith.constant 0 : i32
    %dma_wait3A_478 = tpu.memref_slice %arg10[%mul3A_473, %dma_wait3A_477] : memref<896x128xf32, #tpu.memory_space<vmem>> -> memref<128x128xf32, #tpu.memory_space<vmem>>
    %dma_wait3A_479 = arith.constant 0 : i32
    %dma_wait3A_480 = tpu.memref_slice %arg7[%mul3A_4, %dma_wait3A_479] : memref<51200x128xf32, #tpu.memory_space<hbm>> -> memref<128x128xf32, #tpu.memory_space<hbm>>
    %dma_wait3A_481 = tpu.memref_slice %arg12[%rem3A_476] : memref<7x!tpu.dma_semaphore, #tpu.memory_space<semaphore_mem>> -> memref<1x!tpu.dma_semaphore, #tpu.memory_space<semaphore_mem>>
    %dma_wait3A_482 = tpu.memref_squeeze %dma_wait3A_481 : memref<1x!tpu.dma_semaphore, #tpu.memory_space<semaphore_mem>> -> memref<!tpu.dma_semaphore, #tpu.memory_space<semaphore_mem>>
    %dma_wait3A_483 = arith.constant 0 : i32
    %dma_wait3A_484 = tpu.memref_slice %arg7[%mul3A_4, %dma_wait3A_483] : memref<51200x128xf32, #tpu.memory_space<hbm>> -> memref<128x128xf32, #tpu.memory_space<hbm>>
    %dma_wait3A_485 = arith.constant 0 : i32
    %dma_wait3A_486 = tpu.memref_slice %arg10[%mul3A_473, %dma_wait3A_485] : memref<896x128xf32, #tpu.memory_space<vmem>> -> memref<128x128xf32, #tpu.memory_space<vmem>>
    tpu.wait_dma2 semaphore(%dma_wait3A_482 : memref<!tpu.dma_semaphore, #tpu.memory_space<semaphore_mem>>) src(%dma_wait3A_486 : memref<128x128xf32, #tpu.memory_space<vmem>>) dst(%dma_wait3A_484 : memref<128x128xf32, #tpu.memory_space<hbm>>)
    %rem3A_487 = arith.constant 10 : i32
    %rem3A_488 = arith.constant 7 : i32
    %rem3A_489 = arith.remsi %rem3A_487, %rem3A_488 : i32
    %mul3A_490 = arith.constant 128 : i32
    %mul3A_491 = arith.muli %rem3A_489, %mul3A_490 : i32
    %rem3A_492 = arith.constant 10 : i32
    %rem3A_493 = arith.constant 7 : i32
    %rem3A_494 = arith.remsi %rem3A_492, %rem3A_493 : i32
    %dma_wait3A_495 = arith.constant 0 : i32
    %dma_wait3A_496 = tpu.memref_slice %arg10[%mul3A_491, %dma_wait3A_495] : memref<896x128xf32, #tpu.memory_space<vmem>> -> memref<128x128xf32, #tpu.memory_space<vmem>>
    %dma_wait3A_497 = arith.constant 0 : i32
    %dma_wait3A_498 = tpu.memref_slice %arg7[%mul3A_4, %dma_wait3A_497] : memref<51200x128xf32, #tpu.memory_space<hbm>> -> memref<128x128xf32, #tpu.memory_space<hbm>>
    %dma_wait3A_499 = tpu.memref_slice %arg11[%rem3A_494] : memref<7x!tpu.dma_semaphore, #tpu.memory_space<semaphore_mem>> -> memref<1x!tpu.dma_semaphore, #tpu.memory_space<semaphore_mem>>
    %dma_wait3A_500 = tpu.memref_squeeze %dma_wait3A_499 : memref<1x!tpu.dma_semaphore, #tpu.memory_space<semaphore_mem>> -> memref<!tpu.dma_semaphore, #tpu.memory_space<semaphore_mem>>
    %dma_wait3A_501 = arith.constant 0 : i32
    %dma_wait3A_502 = tpu.memref_slice %arg10[%mul3A_491, %dma_wait3A_501] : memref<896x128xf32, #tpu.memory_space<vmem>> -> memref<128x128xf32, #tpu.memory_space<vmem>>
    %dma_wait3A_503 = arith.constant 0 : i32
    %dma_wait3A_504 = tpu.memref_slice %arg7[%mul3A_4, %dma_wait3A_503] : memref<51200x128xf32, #tpu.memory_space<hbm>> -> memref<128x128xf32, #tpu.memory_space<hbm>>
    tpu.wait_dma2 semaphore(%dma_wait3A_500 : memref<!tpu.dma_semaphore, #tpu.memory_space<semaphore_mem>>) src(%dma_wait3A_504 : memref<128x128xf32, #tpu.memory_space<hbm>>) dst(%dma_wait3A_502 : memref<128x128xf32, #tpu.memory_space<vmem>>)
    %add3A_505 = arith.constant 64 : i32
    %add3A_506 = arith.addi %mul3A_4, %add3A_505 : i32
    %add3A_507 = arith.constant 768 : i32
    %add3A_508 = arith.addi %add3A_506, %add3A_507 : i32
    %rem3A_509 = arith.constant 10 : i32
    %rem3A_510 = arith.constant 7 : i32
    %rem3A_511 = arith.remsi %rem3A_509, %rem3A_510 : i32
    %mul3A_512 = arith.constant 128 : i32
    %mul3A_513 = arith.muli %rem3A_511, %mul3A_512 : i32
    %rem3A_514 = arith.constant 10 : i32
    %rem3A_515 = arith.constant 7 : i32
    %rem3A_516 = arith.remsi %rem3A_514, %rem3A_515 : i32
    %dma_start3A_517 = arith.constant 0 : i32
    %dma_start3A_518 = tpu.memref_slice %arg10[%mul3A_513, %dma_start3A_517] : memref<896x128xf32, #tpu.memory_space<vmem>> -> memref<128x128xf32, #tpu.memory_space<vmem>>
    %dma_start3A_519 = arith.constant 0 : i32
    %dma_start3A_520 = tpu.memref_slice %arg7[%add3A_508, %dma_start3A_519] : memref<51200x128xf32, #tpu.memory_space<hbm>> -> memref<128x128xf32, #tpu.memory_space<hbm>>
    %dma_start3A_521 = tpu.memref_slice %arg12[%rem3A_516] : memref<7x!tpu.dma_semaphore, #tpu.memory_space<semaphore_mem>> -> memref<1x!tpu.dma_semaphore, #tpu.memory_space<semaphore_mem>>
    %dma_start3A_522 = tpu.memref_squeeze %dma_start3A_521 : memref<1x!tpu.dma_semaphore, #tpu.memory_space<semaphore_mem>> -> memref<!tpu.dma_semaphore, #tpu.memory_space<semaphore_mem>>
    %dma_start3A_523 = arith.constant 0 : i32
    %dma_start3A_524 = tpu.memref_slice %arg7[%add3A_508, %dma_start3A_523] : memref<51200x128xf32, #tpu.memory_space<hbm>> -> memref<128x128xf32, #tpu.memory_space<hbm>>
    %dma_start3A_525 = arith.constant 0 : i32
    %dma_start3A_526 = tpu.memref_slice %arg10[%mul3A_513, %dma_start3A_525] : memref<896x128xf32, #tpu.memory_space<vmem>> -> memref<128x128xf32, #tpu.memory_space<vmem>>
    tpu.enqueue_dma source(%dma_start3A_526 : memref<128x128xf32, #tpu.memory_space<vmem>>) target(%dma_start3A_524 : memref<128x128xf32, #tpu.memory_space<hbm>>) target_semaphore(%dma_start3A_522 : memref<!tpu.dma_semaphore, #tpu.memory_space<semaphore_mem>>)
    %rem3A_527 = arith.constant 10 : i32
    %rem3A_528 = arith.constant 7 : i32
    %rem3A_529 = arith.remsi %rem3A_527, %rem3A_528 : i32
    %mul3A_530 = arith.constant 128 : i32
    %mul3A_531 = arith.muli %rem3A_529, %mul3A_530 : i32
    %rem3A_532 = arith.constant 10 : i32
    %rem3A_533 = arith.constant 7 : i32
    %rem3A_534 = arith.remsi %rem3A_532, %rem3A_533 : i32
    %dma_wait3A_535 = arith.constant 0 : i32
    %dma_wait3A_536 = tpu.memref_slice %arg10[%mul3A_531, %dma_wait3A_535] : memref<896x128xf32, #tpu.memory_space<vmem>> -> memref<128x128xf32, #tpu.memory_space<vmem>>
    %dma_wait3A_537 = arith.constant 0 : i32
    %dma_wait3A_538 = tpu.memref_slice %arg7[%mul3A_4, %dma_wait3A_537] : memref<51200x128xf32, #tpu.memory_space<hbm>> -> memref<128x128xf32, #tpu.memory_space<hbm>>
    %dma_wait3A_539 = tpu.memref_slice %arg12[%rem3A_534] : memref<7x!tpu.dma_semaphore, #tpu.memory_space<semaphore_mem>> -> memref<1x!tpu.dma_semaphore, #tpu.memory_space<semaphore_mem>>
    %dma_wait3A_540 = tpu.memref_squeeze %dma_wait3A_539 : memref<1x!tpu.dma_semaphore, #tpu.memory_space<semaphore_mem>> -> memref<!tpu.dma_semaphore, #tpu.memory_space<semaphore_mem>>
    %dma_wait3A_541 = arith.constant 0 : i32
    %dma_wait3A_542 = tpu.memref_slice %arg7[%mul3A_4, %dma_wait3A_541] : memref<51200x128xf32, #tpu.memory_space<hbm>> -> memref<128x128xf32, #tpu.memory_space<hbm>>
    %dma_wait3A_543 = arith.constant 0 : i32
    %dma_wait3A_544 = tpu.memref_slice %arg10[%mul3A_531, %dma_wait3A_543] : memref<896x128xf32, #tpu.memory_space<vmem>> -> memref<128x128xf32, #tpu.memory_space<vmem>>
    tpu.wait_dma2 semaphore(%dma_wait3A_540 : memref<!tpu.dma_semaphore, #tpu.memory_space<semaphore_mem>>) src(%dma_wait3A_544 : memref<128x128xf32, #tpu.memory_space<vmem>>) dst(%dma_wait3A_542 : memref<128x128xf32, #tpu.memory_space<hbm>>)
    %rem3A_545 = arith.constant 11 : i32
    %rem3A_546 = arith.constant 7 : i32
    %rem3A_547 = arith.remsi %rem3A_545, %rem3A_546 : i32
    %mul3A_548 = arith.constant 128 : i32
    %mul3A_549 = arith.muli %rem3A_547, %mul3A_548 : i32
    %rem3A_550 = arith.constant 11 : i32
    %rem3A_551 = arith.constant 7 : i32
    %rem3A_552 = arith.remsi %rem3A_550, %rem3A_551 : i32
    %dma_wait3A_553 = arith.constant 0 : i32
    %dma_wait3A_554 = tpu.memref_slice %arg10[%mul3A_549, %dma_wait3A_553] : memref<896x128xf32, #tpu.memory_space<vmem>> -> memref<128x128xf32, #tpu.memory_space<vmem>>
    %dma_wait3A_555 = arith.constant 0 : i32
    %dma_wait3A_556 = tpu.memref_slice %arg7[%mul3A_4, %dma_wait3A_555] : memref<51200x128xf32, #tpu.memory_space<hbm>> -> memref<128x128xf32, #tpu.memory_space<hbm>>
    %dma_wait3A_557 = tpu.memref_slice %arg11[%rem3A_552] : memref<7x!tpu.dma_semaphore, #tpu.memory_space<semaphore_mem>> -> memref<1x!tpu.dma_semaphore, #tpu.memory_space<semaphore_mem>>
    %dma_wait3A_558 = tpu.memref_squeeze %dma_wait3A_557 : memref<1x!tpu.dma_semaphore, #tpu.memory_space<semaphore_mem>> -> memref<!tpu.dma_semaphore, #tpu.memory_space<semaphore_mem>>
    %dma_wait3A_559 = arith.constant 0 : i32
    %dma_wait3A_560 = tpu.memref_slice %arg10[%mul3A_549, %dma_wait3A_559] : memref<896x128xf32, #tpu.memory_space<vmem>> -> memref<128x128xf32, #tpu.memory_space<vmem>>
    %dma_wait3A_561 = arith.constant 0 : i32
    %dma_wait3A_562 = tpu.memref_slice %arg7[%mul3A_4, %dma_wait3A_561] : memref<51200x128xf32, #tpu.memory_space<hbm>> -> memref<128x128xf32, #tpu.memory_space<hbm>>
    tpu.wait_dma2 semaphore(%dma_wait3A_558 : memref<!tpu.dma_semaphore, #tpu.memory_space<semaphore_mem>>) src(%dma_wait3A_562 : memref<128x128xf32, #tpu.memory_space<hbm>>) dst(%dma_wait3A_560 : memref<128x128xf32, #tpu.memory_space<vmem>>)
    %add3A_563 = arith.constant 64 : i32
    %add3A_564 = arith.addi %mul3A_4, %add3A_563 : i32
    %add3A_565 = arith.constant 896 : i32
    %add3A_566 = arith.addi %add3A_564, %add3A_565 : i32
    %rem3A_567 = arith.constant 11 : i32
    %rem3A_568 = arith.constant 7 : i32
    %rem3A_569 = arith.remsi %rem3A_567, %rem3A_568 : i32
    %mul3A_570 = arith.constant 128 : i32
    %mul3A_571 = arith.muli %rem3A_569, %mul3A_570 : i32
    %rem3A_572 = arith.constant 11 : i32
    %rem3A_573 = arith.constant 7 : i32
    %rem3A_574 = arith.remsi %rem3A_572, %rem3A_573 : i32
    %dma_start3A_575 = arith.constant 0 : i32
    %dma_start3A_576 = tpu.memref_slice %arg10[%mul3A_571, %dma_start3A_575] : memref<896x128xf32, #tpu.memory_space<vmem>> -> memref<128x128xf32, #tpu.memory_space<vmem>>
    %dma_start3A_577 = arith.constant 0 : i32
    %dma_start3A_578 = tpu.memref_slice %arg7[%add3A_566, %dma_start3A_577] : memref<51200x128xf32, #tpu.memory_space<hbm>> -> memref<128x128xf32, #tpu.memory_space<hbm>>
    %dma_start3A_579 = tpu.memref_slice %arg12[%rem3A_574] : memref<7x!tpu.dma_semaphore, #tpu.memory_space<semaphore_mem>> -> memref<1x!tpu.dma_semaphore, #tpu.memory_space<semaphore_mem>>
    %dma_start3A_580 = tpu.memref_squeeze %dma_start3A_579 : memref<1x!tpu.dma_semaphore, #tpu.memory_space<semaphore_mem>> -> memref<!tpu.dma_semaphore, #tpu.memory_space<semaphore_mem>>
    %dma_start3A_581 = arith.constant 0 : i32
    %dma_start3A_582 = tpu.memref_slice %arg7[%add3A_566, %dma_start3A_581] : memref<51200x128xf32, #tpu.memory_space<hbm>> -> memref<128x128xf32, #tpu.memory_space<hbm>>
    %dma_start3A_583 = arith.constant 0 : i32
    %dma_start3A_584 = tpu.memref_slice %arg10[%mul3A_571, %dma_start3A_583] : memref<896x128xf32, #tpu.memory_space<vmem>> -> memref<128x128xf32, #tpu.memory_space<vmem>>
    tpu.enqueue_dma source(%dma_start3A_584 : memref<128x128xf32, #tpu.memory_space<vmem>>) target(%dma_start3A_582 : memref<128x128xf32, #tpu.memory_space<hbm>>) target_semaphore(%dma_start3A_580 : memref<!tpu.dma_semaphore, #tpu.memory_space<semaphore_mem>>)
    %rem3A_585 = arith.constant 11 : i32
    %rem3A_586 = arith.constant 7 : i32
    %rem3A_587 = arith.remsi %rem3A_585, %rem3A_586 : i32
    %mul3A_588 = arith.constant 128 : i32
    %mul3A_589 = arith.muli %rem3A_587, %mul3A_588 : i32
    %rem3A_590 = arith.constant 11 : i32
    %rem3A_591 = arith.constant 7 : i32
    %rem3A_592 = arith.remsi %rem3A_590, %rem3A_591 : i32
    %dma_wait3A_593 = arith.constant 0 : i32
    %dma_wait3A_594 = tpu.memref_slice %arg10[%mul3A_589, %dma_wait3A_593] : memref<896x128xf32, #tpu.memory_space<vmem>> -> memref<128x128xf32, #tpu.memory_space<vmem>>
    %dma_wait3A_595 = arith.constant 0 : i32
    %dma_wait3A_596 = tpu.memref_slice %arg7[%mul3A_4, %dma_wait3A_595] : memref<51200x128xf32, #tpu.memory_space<hbm>> -> memref<128x128xf32, #tpu.memory_space<hbm>>
    %dma_wait3A_597 = tpu.memref_slice %arg12[%rem3A_592] : memref<7x!tpu.dma_semaphore, #tpu.memory_space<semaphore_mem>> -> memref<1x!tpu.dma_semaphore, #tpu.memory_space<semaphore_mem>>
    %dma_wait3A_598 = tpu.memref_squeeze %dma_wait3A_597 : memref<1x!tpu.dma_semaphore, #tpu.memory_space<semaphore_mem>> -> memref<!tpu.dma_semaphore, #tpu.memory_space<semaphore_mem>>
    %dma_wait3A_599 = arith.constant 0 : i32
    %dma_wait3A_600 = tpu.memref_slice %arg7[%mul3A_4, %dma_wait3A_599] : memref<51200x128xf32, #tpu.memory_space<hbm>> -> memref<128x128xf32, #tpu.memory_space<hbm>>
    %dma_wait3A_601 = arith.constant 0 : i32
    %dma_wait3A_602 = tpu.memref_slice %arg10[%mul3A_589, %dma_wait3A_601] : memref<896x128xf32, #tpu.memory_space<vmem>> -> memref<128x128xf32, #tpu.memory_space<vmem>>
    tpu.wait_dma2 semaphore(%dma_wait3A_598 : memref<!tpu.dma_semaphore, #tpu.memory_space<semaphore_mem>>) src(%dma_wait3A_602 : memref<128x128xf32, #tpu.memory_space<vmem>>) dst(%dma_wait3A_600 : memref<128x128xf32, #tpu.memory_space<hbm>>)
    %rem3A_603 = arith.constant 12 : i32
    %rem3A_604 = arith.constant 7 : i32
    %rem3A_605 = arith.remsi %rem3A_603, %rem3A_604 : i32
    %mul3A_606 = arith.constant 128 : i32
    %mul3A_607 = arith.muli %rem3A_605, %mul3A_606 : i32
    %rem3A_608 = arith.constant 12 : i32
    %rem3A_609 = arith.constant 7 : i32
    %rem3A_610 = arith.remsi %rem3A_608, %rem3A_609 : i32
    %dma_wait3A_611 = arith.constant 0 : i32
    %dma_wait3A_612 = tpu.memref_slice %arg10[%mul3A_607, %dma_wait3A_611] : memref<896x128xf32, #tpu.memory_space<vmem>> -> memref<128x128xf32, #tpu.memory_space<vmem>>
    %dma_wait3A_613 = arith.constant 0 : i32
    %dma_wait3A_614 = tpu.memref_slice %arg7[%mul3A_4, %dma_wait3A_613] : memref<51200x128xf32, #tpu.memory_space<hbm>> -> memref<128x128xf32, #tpu.memory_space<hbm>>
    %dma_wait3A_615 = tpu.memref_slice %arg11[%rem3A_610] : memref<7x!tpu.dma_semaphore, #tpu.memory_space<semaphore_mem>> -> memref<1x!tpu.dma_semaphore, #tpu.memory_space<semaphore_mem>>
    %dma_wait3A_616 = tpu.memref_squeeze %dma_wait3A_615 : memref<1x!tpu.dma_semaphore, #tpu.memory_space<semaphore_mem>> -> memref<!tpu.dma_semaphore, #tpu.memory_space<semaphore_mem>>
    %dma_wait3A_617 = arith.constant 0 : i32
    %dma_wait3A_618 = tpu.memref_slice %arg10[%mul3A_607, %dma_wait3A_617] : memref<896x128xf32, #tpu.memory_space<vmem>> -> memref<128x128xf32, #tpu.memory_space<vmem>>
    %dma_wait3A_619 = arith.constant 0 : i32
    %dma_wait3A_620 = tpu.memref_slice %arg7[%mul3A_4, %dma_wait3A_619] : memref<51200x128xf32, #tpu.memory_space<hbm>> -> memref<128x128xf32, #tpu.memory_space<hbm>>
    tpu.wait_dma2 semaphore(%dma_wait3A_616 : memref<!tpu.dma_semaphore, #tpu.memory_space<semaphore_mem>>) src(%dma_wait3A_620 : memref<128x128xf32, #tpu.memory_space<hbm>>) dst(%dma_wait3A_618 : memref<128x128xf32, #tpu.memory_space<vmem>>)
    %add3A_621 = arith.constant 64 : i32
    %add3A_622 = arith.addi %mul3A_4, %add3A_621 : i32
    %add3A_623 = arith.constant 1024 : i32
    %add3A_624 = arith.addi %add3A_622, %add3A_623 : i32
    %rem3A_625 = arith.constant 12 : i32
    %rem3A_626 = arith.constant 7 : i32
    %rem3A_627 = arith.remsi %rem3A_625, %rem3A_626 : i32
    %mul3A_628 = arith.constant 128 : i32
    %mul3A_629 = arith.muli %rem3A_627, %mul3A_628 : i32
    %rem3A_630 = arith.constant 12 : i32
    %rem3A_631 = arith.constant 7 : i32
    %rem3A_632 = arith.remsi %rem3A_630, %rem3A_631 : i32
    %dma_start3A_633 = arith.constant 0 : i32
    %dma_start3A_634 = tpu.memref_slice %arg10[%mul3A_629, %dma_start3A_633] : memref<896x128xf32, #tpu.memory_space<vmem>> -> memref<128x128xf32, #tpu.memory_space<vmem>>
    %dma_start3A_635 = arith.constant 0 : i32
    %dma_start3A_636 = tpu.memref_slice %arg7[%add3A_624, %dma_start3A_635] : memref<51200x128xf32, #tpu.memory_space<hbm>> -> memref<128x128xf32, #tpu.memory_space<hbm>>
    %dma_start3A_637 = tpu.memref_slice %arg12[%rem3A_632] : memref<7x!tpu.dma_semaphore, #tpu.memory_space<semaphore_mem>> -> memref<1x!tpu.dma_semaphore, #tpu.memory_space<semaphore_mem>>
    %dma_start3A_638 = tpu.memref_squeeze %dma_start3A_637 : memref<1x!tpu.dma_semaphore, #tpu.memory_space<semaphore_mem>> -> memref<!tpu.dma_semaphore, #tpu.memory_space<semaphore_mem>>
    %dma_start3A_639 = arith.constant 0 : i32
    %dma_start3A_640 = tpu.memref_slice %arg7[%add3A_624, %dma_start3A_639] : memref<51200x128xf32, #tpu.memory_space<hbm>> -> memref<128x128xf32, #tpu.memory_space<hbm>>
    %dma_start3A_641 = arith.constant 0 : i32
    %dma_start3A_642 = tpu.memref_slice %arg10[%mul3A_629, %dma_start3A_641] : memref<896x128xf32, #tpu.memory_space<vmem>> -> memref<128x128xf32, #tpu.memory_space<vmem>>
    tpu.enqueue_dma source(%dma_start3A_642 : memref<128x128xf32, #tpu.memory_space<vmem>>) target(%dma_start3A_640 : memref<128x128xf32, #tpu.memory_space<hbm>>) target_semaphore(%dma_start3A_638 : memref<!tpu.dma_semaphore, #tpu.memory_space<semaphore_mem>>)
    %rem3A_643 = arith.constant 12 : i32
    %rem3A_644 = arith.constant 7 : i32
    %rem3A_645 = arith.remsi %rem3A_643, %rem3A_644 : i32
    %mul3A_646 = arith.constant 128 : i32
    %mul3A_647 = arith.muli %rem3A_645, %mul3A_646 : i32
    %rem3A_648 = arith.constant 12 : i32
    %rem3A_649 = arith.constant 7 : i32
    %rem3A_650 = arith.remsi %rem3A_648, %rem3A_649 : i32
    %dma_wait3A_651 = arith.constant 0 : i32
    %dma_wait3A_652 = tpu.memref_slice %arg10[%mul3A_647, %dma_wait3A_651] : memref<896x128xf32, #tpu.memory_space<vmem>> -> memref<128x128xf32, #tpu.memory_space<vmem>>
    %dma_wait3A_653 = arith.constant 0 : i32
    %dma_wait3A_654 = tpu.memref_slice %arg7[%mul3A_4, %dma_wait3A_653] : memref<51200x128xf32, #tpu.memory_space<hbm>> -> memref<128x128xf32, #tpu.memory_space<hbm>>
    %dma_wait3A_655 = tpu.memref_slice %arg12[%rem3A_650] : memref<7x!tpu.dma_semaphore, #tpu.memory_space<semaphore_mem>> -> memref<1x!tpu.dma_semaphore, #tpu.memory_space<semaphore_mem>>
    %dma_wait3A_656 = tpu.memref_squeeze %dma_wait3A_655 : memref<1x!tpu.dma_semaphore, #tpu.memory_space<semaphore_mem>> -> memref<!tpu.dma_semaphore, #tpu.memory_space<semaphore_mem>>
    %dma_wait3A_657 = arith.constant 0 : i32
    %dma_wait3A_658 = tpu.memref_slice %arg7[%mul3A_4, %dma_wait3A_657] : memref<51200x128xf32, #tpu.memory_space<hbm>> -> memref<128x128xf32, #tpu.memory_space<hbm>>
    %dma_wait3A_659 = arith.constant 0 : i32
    %dma_wait3A_660 = tpu.memref_slice %arg10[%mul3A_647, %dma_wait3A_659] : memref<896x128xf32, #tpu.memory_space<vmem>> -> memref<128x128xf32, #tpu.memory_space<vmem>>
    tpu.wait_dma2 semaphore(%dma_wait3A_656 : memref<!tpu.dma_semaphore, #tpu.memory_space<semaphore_mem>>) src(%dma_wait3A_660 : memref<128x128xf32, #tpu.memory_space<vmem>>) dst(%dma_wait3A_658 : memref<128x128xf32, #tpu.memory_space<hbm>>)
    %rem3A_661 = arith.constant 13 : i32
    %rem3A_662 = arith.constant 7 : i32
    %rem3A_663 = arith.remsi %rem3A_661, %rem3A_662 : i32
    %mul3A_664 = arith.constant 128 : i32
    %mul3A_665 = arith.muli %rem3A_663, %mul3A_664 : i32
    %rem3A_666 = arith.constant 13 : i32
    %rem3A_667 = arith.constant 7 : i32
    %rem3A_668 = arith.remsi %rem3A_666, %rem3A_667 : i32
    %dma_wait3A_669 = arith.constant 0 : i32
    %dma_wait3A_670 = tpu.memref_slice %arg10[%mul3A_665, %dma_wait3A_669] : memref<896x128xf32, #tpu.memory_space<vmem>> -> memref<128x128xf32, #tpu.memory_space<vmem>>
    %dma_wait3A_671 = arith.constant 0 : i32
    %dma_wait3A_672 = tpu.memref_slice %arg7[%mul3A_4, %dma_wait3A_671] : memref<51200x128xf32, #tpu.memory_space<hbm>> -> memref<128x128xf32, #tpu.memory_space<hbm>>
    %dma_wait3A_673 = tpu.memref_slice %arg11[%rem3A_668] : memref<7x!tpu.dma_semaphore, #tpu.memory_space<semaphore_mem>> -> memref<1x!tpu.dma_semaphore, #tpu.memory_space<semaphore_mem>>
    %dma_wait3A_674 = tpu.memref_squeeze %dma_wait3A_673 : memref<1x!tpu.dma_semaphore, #tpu.memory_space<semaphore_mem>> -> memref<!tpu.dma_semaphore, #tpu.memory_space<semaphore_mem>>
    %dma_wait3A_675 = arith.constant 0 : i32
    %dma_wait3A_676 = tpu.memref_slice %arg10[%mul3A_665, %dma_wait3A_675] : memref<896x128xf32, #tpu.memory_space<vmem>> -> memref<128x128xf32, #tpu.memory_space<vmem>>
    %dma_wait3A_677 = arith.constant 0 : i32
    %dma_wait3A_678 = tpu.memref_slice %arg7[%mul3A_4, %dma_wait3A_677] : memref<51200x128xf32, #tpu.memory_space<hbm>> -> memref<128x128xf32, #tpu.memory_space<hbm>>
    tpu.wait_dma2 semaphore(%dma_wait3A_674 : memref<!tpu.dma_semaphore, #tpu.memory_space<semaphore_mem>>) src(%dma_wait3A_678 : memref<128x128xf32, #tpu.memory_space<hbm>>) dst(%dma_wait3A_676 : memref<128x128xf32, #tpu.memory_space<vmem>>)
    %add3A_679 = arith.constant 64 : i32
    %add3A_680 = arith.addi %mul3A_4, %add3A_679 : i32
    %add3A_681 = arith.constant 1152 : i32
    %add3A_682 = arith.addi %add3A_680, %add3A_681 : i32
    %rem3A_683 = arith.constant 13 : i32
    %rem3A_684 = arith.constant 7 : i32
    %rem3A_685 = arith.remsi %rem3A_683, %rem3A_684 : i32
    %mul3A_686 = arith.constant 128 : i32
    %mul3A_687 = arith.muli %rem3A_685, %mul3A_686 : i32
    %rem3A_688 = arith.constant 13 : i32
    %rem3A_689 = arith.constant 7 : i32
    %rem3A_690 = arith.remsi %rem3A_688, %rem3A_689 : i32
    %dma_start3A_691 = arith.constant 0 : i32
    %dma_start3A_692 = tpu.memref_slice %arg10[%mul3A_687, %dma_start3A_691] : memref<896x128xf32, #tpu.memory_space<vmem>> -> memref<128x128xf32, #tpu.memory_space<vmem>>
    %dma_start3A_693 = arith.constant 0 : i32
    %dma_start3A_694 = tpu.memref_slice %arg7[%add3A_682, %dma_start3A_693] : memref<51200x128xf32, #tpu.memory_space<hbm>> -> memref<128x128xf32, #tpu.memory_space<hbm>>
    %dma_start3A_695 = tpu.memref_slice %arg12[%rem3A_690] : memref<7x!tpu.dma_semaphore, #tpu.memory_space<semaphore_mem>> -> memref<1x!tpu.dma_semaphore, #tpu.memory_space<semaphore_mem>>
    %dma_start3A_696 = tpu.memref_squeeze %dma_start3A_695 : memref<1x!tpu.dma_semaphore, #tpu.memory_space<semaphore_mem>> -> memref<!tpu.dma_semaphore, #tpu.memory_space<semaphore_mem>>
    %dma_start3A_697 = arith.constant 0 : i32
    %dma_start3A_698 = tpu.memref_slice %arg7[%add3A_682, %dma_start3A_697] : memref<51200x128xf32, #tpu.memory_space<hbm>> -> memref<128x128xf32, #tpu.memory_space<hbm>>
    %dma_start3A_699 = arith.constant 0 : i32
    %dma_start3A_700 = tpu.memref_slice %arg10[%mul3A_687, %dma_start3A_699] : memref<896x128xf32, #tpu.memory_space<vmem>> -> memref<128x128xf32, #tpu.memory_space<vmem>>
    tpu.enqueue_dma source(%dma_start3A_700 : memref<128x128xf32, #tpu.memory_space<vmem>>) target(%dma_start3A_698 : memref<128x128xf32, #tpu.memory_space<hbm>>) target_semaphore(%dma_start3A_696 : memref<!tpu.dma_semaphore, #tpu.memory_space<semaphore_mem>>)
    %rem3A_701 = arith.constant 13 : i32
    %rem3A_702 = arith.constant 7 : i32
    %rem3A_703 = arith.remsi %rem3A_701, %rem3A_702 : i32
    %mul3A_704 = arith.constant 128 : i32
    %mul3A_705 = arith.muli %rem3A_703, %mul3A_704 : i32
    %rem3A_706 = arith.constant 13 : i32
    %rem3A_707 = arith.constant 7 : i32
    %rem3A_708 = arith.remsi %rem3A_706, %rem3A_707 : i32
    %dma_wait3A_709 = arith.constant 0 : i32
    %dma_wait3A_710 = tpu.memref_slice %arg10[%mul3A_705, %dma_wait3A_709] : memref<896x128xf32, #tpu.memory_space<vmem>> -> memref<128x128xf32, #tpu.memory_space<vmem>>
    %dma_wait3A_711 = arith.constant 0 : i32
    %dma_wait3A_712 = tpu.memref_slice %arg7[%mul3A_4, %dma_wait3A_711] : memref<51200x128xf32, #tpu.memory_space<hbm>> -> memref<128x128xf32, #tpu.memory_space<hbm>>
    %dma_wait3A_713 = tpu.memref_slice %arg12[%rem3A_708] : memref<7x!tpu.dma_semaphore, #tpu.memory_space<semaphore_mem>> -> memref<1x!tpu.dma_semaphore, #tpu.memory_space<semaphore_mem>>
    %dma_wait3A_714 = tpu.memref_squeeze %dma_wait3A_713 : memref<1x!tpu.dma_semaphore, #tpu.memory_space<semaphore_mem>> -> memref<!tpu.dma_semaphore, #tpu.memory_space<semaphore_mem>>
    %dma_wait3A_715 = arith.constant 0 : i32
    %dma_wait3A_716 = tpu.memref_slice %arg7[%mul3A_4, %dma_wait3A_715] : memref<51200x128xf32, #tpu.memory_space<hbm>> -> memref<128x128xf32, #tpu.memory_space<hbm>>
    %dma_wait3A_717 = arith.constant 0 : i32
    %dma_wait3A_718 = tpu.memref_slice %arg10[%mul3A_705, %dma_wait3A_717] : memref<896x128xf32, #tpu.memory_space<vmem>> -> memref<128x128xf32, #tpu.memory_space<vmem>>
    tpu.wait_dma2 semaphore(%dma_wait3A_714 : memref<!tpu.dma_semaphore, #tpu.memory_space<semaphore_mem>>) src(%dma_wait3A_718 : memref<128x128xf32, #tpu.memory_space<vmem>>) dst(%dma_wait3A_716 : memref<128x128xf32, #tpu.memory_space<hbm>>)
    %rem3A_719 = arith.constant 14 : i32
    %rem3A_720 = arith.constant 7 : i32
    %rem3A_721 = arith.remsi %rem3A_719, %rem3A_720 : i32
    %mul3A_722 = arith.constant 128 : i32
    %mul3A_723 = arith.muli %rem3A_721, %mul3A_722 : i32
    %rem3A_724 = arith.constant 14 : i32
    %rem3A_725 = arith.constant 7 : i32
    %rem3A_726 = arith.remsi %rem3A_724, %rem3A_725 : i32
    %dma_wait3A_727 = arith.constant 0 : i32
    %dma_wait3A_728 = tpu.memref_slice %arg10[%mul3A_723, %dma_wait3A_727] : memref<896x128xf32, #tpu.memory_space<vmem>> -> memref<128x128xf32, #tpu.memory_space<vmem>>
    %dma_wait3A_729 = arith.constant 0 : i32
    %dma_wait3A_730 = tpu.memref_slice %arg7[%mul3A_4, %dma_wait3A_729] : memref<51200x128xf32, #tpu.memory_space<hbm>> -> memref<128x128xf32, #tpu.memory_space<hbm>>
    %dma_wait3A_731 = tpu.memref_slice %arg11[%rem3A_726] : memref<7x!tpu.dma_semaphore, #tpu.memory_space<semaphore_mem>> -> memref<1x!tpu.dma_semaphore, #tpu.memory_space<semaphore_mem>>
    %dma_wait3A_732 = tpu.memref_squeeze %dma_wait3A_731 : memref<1x!tpu.dma_semaphore, #tpu.memory_space<semaphore_mem>> -> memref<!tpu.dma_semaphore, #tpu.memory_space<semaphore_mem>>
    %dma_wait3A_733 = arith.constant 0 : i32
    %dma_wait3A_734 = tpu.memref_slice %arg10[%mul3A_723, %dma_wait3A_733] : memref<896x128xf32, #tpu.memory_space<vmem>> -> memref<128x128xf32, #tpu.memory_space<vmem>>
    %dma_wait3A_735 = arith.constant 0 : i32
    %dma_wait3A_736 = tpu.memref_slice %arg7[%mul3A_4, %dma_wait3A_735] : memref<51200x128xf32, #tpu.memory_space<hbm>> -> memref<128x128xf32, #tpu.memory_space<hbm>>
    tpu.wait_dma2 semaphore(%dma_wait3A_732 : memref<!tpu.dma_semaphore, #tpu.memory_space<semaphore_mem>>) src(%dma_wait3A_736 : memref<128x128xf32, #tpu.memory_space<hbm>>) dst(%dma_wait3A_734 : memref<128x128xf32, #tpu.memory_space<vmem>>)
    %add3A_737 = arith.constant 64 : i32
    %add3A_738 = arith.addi %mul3A_4, %add3A_737 : i32
    %add3A_739 = arith.constant 1280 : i32
    %add3A_740 = arith.addi %add3A_738, %add3A_739 : i32
    %rem3A_741 = arith.constant 14 : i32
    %rem3A_742 = arith.constant 7 : i32
    %rem3A_743 = arith.remsi %rem3A_741, %rem3A_742 : i32
    %mul3A_744 = arith.constant 128 : i32
    %mul3A_745 = arith.muli %rem3A_743, %mul3A_744 : i32
    %rem3A_746 = arith.constant 14 : i32
    %rem3A_747 = arith.constant 7 : i32
    %rem3A_748 = arith.remsi %rem3A_746, %rem3A_747 : i32
    %dma_start3A_749 = arith.constant 0 : i32
    %dma_start3A_750 = tpu.memref_slice %arg10[%mul3A_745, %dma_start3A_749] : memref<896x128xf32, #tpu.memory_space<vmem>> -> memref<128x128xf32, #tpu.memory_space<vmem>>
    %dma_start3A_751 = arith.constant 0 : i32
    %dma_start3A_752 = tpu.memref_slice %arg7[%add3A_740, %dma_start3A_751] : memref<51200x128xf32, #tpu.memory_space<hbm>> -> memref<128x128xf32, #tpu.memory_space<hbm>>
    %dma_start3A_753 = tpu.memref_slice %arg12[%rem3A_748] : memref<7x!tpu.dma_semaphore, #tpu.memory_space<semaphore_mem>> -> memref<1x!tpu.dma_semaphore, #tpu.memory_space<semaphore_mem>>
    %dma_start3A_754 = tpu.memref_squeeze %dma_start3A_753 : memref<1x!tpu.dma_semaphore, #tpu.memory_space<semaphore_mem>> -> memref<!tpu.dma_semaphore, #tpu.memory_space<semaphore_mem>>
    %dma_start3A_755 = arith.constant 0 : i32
    %dma_start3A_756 = tpu.memref_slice %arg7[%add3A_740, %dma_start3A_755] : memref<51200x128xf32, #tpu.memory_space<hbm>> -> memref<128x128xf32, #tpu.memory_space<hbm>>
    %dma_start3A_757 = arith.constant 0 : i32
    %dma_start3A_758 = tpu.memref_slice %arg10[%mul3A_745, %dma_start3A_757] : memref<896x128xf32, #tpu.memory_space<vmem>> -> memref<128x128xf32, #tpu.memory_space<vmem>>
    tpu.enqueue_dma source(%dma_start3A_758 : memref<128x128xf32, #tpu.memory_space<vmem>>) target(%dma_start3A_756 : memref<128x128xf32, #tpu.memory_space<hbm>>) target_semaphore(%dma_start3A_754 : memref<!tpu.dma_semaphore, #tpu.memory_space<semaphore_mem>>)
    %rem3A_759 = arith.constant 14 : i32
    %rem3A_760 = arith.constant 7 : i32
    %rem3A_761 = arith.remsi %rem3A_759, %rem3A_760 : i32
    %mul3A_762 = arith.constant 128 : i32
    %mul3A_763 = arith.muli %rem3A_761, %mul3A_762 : i32
    %rem3A_764 = arith.constant 14 : i32
    %rem3A_765 = arith.constant 7 : i32
    %rem3A_766 = arith.remsi %rem3A_764, %rem3A_765 : i32
    %dma_wait3A_767 = arith.constant 0 : i32
    %dma_wait3A_768 = tpu.memref_slice %arg10[%mul3A_763, %dma_wait3A_767] : memref<896x128xf32, #tpu.memory_space<vmem>> -> memref<128x128xf32, #tpu.memory_space<vmem>>
    %dma_wait3A_769 = arith.constant 0 : i32
    %dma_wait3A_770 = tpu.memref_slice %arg7[%mul3A_4, %dma_wait3A_769] : memref<51200x128xf32, #tpu.memory_space<hbm>> -> memref<128x128xf32, #tpu.memory_space<hbm>>
    %dma_wait3A_771 = tpu.memref_slice %arg12[%rem3A_766] : memref<7x!tpu.dma_semaphore, #tpu.memory_space<semaphore_mem>> -> memref<1x!tpu.dma_semaphore, #tpu.memory_space<semaphore_mem>>
    %dma_wait3A_772 = tpu.memref_squeeze %dma_wait3A_771 : memref<1x!tpu.dma_semaphore, #tpu.memory_space<semaphore_mem>> -> memref<!tpu.dma_semaphore, #tpu.memory_space<semaphore_mem>>
    %dma_wait3A_773 = arith.constant 0 : i32
    %dma_wait3A_774 = tpu.memref_slice %arg7[%mul3A_4, %dma_wait3A_773] : memref<51200x128xf32, #tpu.memory_space<hbm>> -> memref<128x128xf32, #tpu.memory_space<hbm>>
    %dma_wait3A_775 = arith.constant 0 : i32
    %dma_wait3A_776 = tpu.memref_slice %arg10[%mul3A_763, %dma_wait3A_775] : memref<896x128xf32, #tpu.memory_space<vmem>> -> memref<128x128xf32, #tpu.memory_space<vmem>>
    tpu.wait_dma2 semaphore(%dma_wait3A_772 : memref<!tpu.dma_semaphore, #tpu.memory_space<semaphore_mem>>) src(%dma_wait3A_776 : memref<128x128xf32, #tpu.memory_space<vmem>>) dst(%dma_wait3A_774 : memref<128x128xf32, #tpu.memory_space<hbm>>)
    %rem3A_777 = arith.constant 15 : i32
    %rem3A_778 = arith.constant 7 : i32
    %rem3A_779 = arith.remsi %rem3A_777, %rem3A_778 : i32
    %mul3A_780 = arith.constant 128 : i32
    %mul3A_781 = arith.muli %rem3A_779, %mul3A_780 : i32
    %rem3A_782 = arith.constant 15 : i32
    %rem3A_783 = arith.constant 7 : i32
    %rem3A_784 = arith.remsi %rem3A_782, %rem3A_783 : i32
    %dma_wait3A_785 = arith.constant 0 : i32
    %dma_wait3A_786 = tpu.memref_slice %arg10[%mul3A_781, %dma_wait3A_785] : memref<896x128xf32, #tpu.memory_space<vmem>> -> memref<128x128xf32, #tpu.memory_space<vmem>>
    %dma_wait3A_787 = arith.constant 0 : i32
    %dma_wait3A_788 = tpu.memref_slice %arg7[%mul3A_4, %dma_wait3A_787] : memref<51200x128xf32, #tpu.memory_space<hbm>> -> memref<128x128xf32, #tpu.memory_space<hbm>>
    %dma_wait3A_789 = tpu.memref_slice %arg11[%rem3A_784] : memref<7x!tpu.dma_semaphore, #tpu.memory_space<semaphore_mem>> -> memref<1x!tpu.dma_semaphore, #tpu.memory_space<semaphore_mem>>
    %dma_wait3A_790 = tpu.memref_squeeze %dma_wait3A_789 : memref<1x!tpu.dma_semaphore, #tpu.memory_space<semaphore_mem>> -> memref<!tpu.dma_semaphore, #tpu.memory_space<semaphore_mem>>
    %dma_wait3A_791 = arith.constant 0 : i32
    %dma_wait3A_792 = tpu.memref_slice %arg10[%mul3A_781, %dma_wait3A_791] : memref<896x128xf32, #tpu.memory_space<vmem>> -> memref<128x128xf32, #tpu.memory_space<vmem>>
    %dma_wait3A_793 = arith.constant 0 : i32
    %dma_wait3A_794 = tpu.memref_slice %arg7[%mul3A_4, %dma_wait3A_793] : memref<51200x128xf32, #tpu.memory_space<hbm>> -> memref<128x128xf32, #tpu.memory_space<hbm>>
    tpu.wait_dma2 semaphore(%dma_wait3A_790 : memref<!tpu.dma_semaphore, #tpu.memory_space<semaphore_mem>>) src(%dma_wait3A_794 : memref<128x128xf32, #tpu.memory_space<hbm>>) dst(%dma_wait3A_792 : memref<128x128xf32, #tpu.memory_space<vmem>>)
    %add3A_795 = arith.constant 64 : i32
    %add3A_796 = arith.addi %mul3A_4, %add3A_795 : i32
    %add3A_797 = arith.constant 1408 : i32
    %add3A_798 = arith.addi %add3A_796, %add3A_797 : i32
    %rem3A_799 = arith.constant 15 : i32
    %rem3A_800 = arith.constant 7 : i32
    %rem3A_801 = arith.remsi %rem3A_799, %rem3A_800 : i32
    %mul3A_802 = arith.constant 128 : i32
    %mul3A_803 = arith.muli %rem3A_801, %mul3A_802 : i32
    %rem3A_804 = arith.constant 15 : i32
    %rem3A_805 = arith.constant 7 : i32
    %rem3A_806 = arith.remsi %rem3A_804, %rem3A_805 : i32
    %dma_start3A_807 = arith.constant 0 : i32
    %dma_start3A_808 = tpu.memref_slice %arg10[%mul3A_803, %dma_start3A_807] : memref<896x128xf32, #tpu.memory_space<vmem>> -> memref<128x128xf32, #tpu.memory_space<vmem>>
    %dma_start3A_809 = arith.constant 0 : i32
    %dma_start3A_810 = tpu.memref_slice %arg7[%add3A_798, %dma_start3A_809] : memref<51200x128xf32, #tpu.memory_space<hbm>> -> memref<128x128xf32, #tpu.memory_space<hbm>>
    %dma_start3A_811 = tpu.memref_slice %arg12[%rem3A_806] : memref<7x!tpu.dma_semaphore, #tpu.memory_space<semaphore_mem>> -> memref<1x!tpu.dma_semaphore, #tpu.memory_space<semaphore_mem>>
    %dma_start3A_812 = tpu.memref_squeeze %dma_start3A_811 : memref<1x!tpu.dma_semaphore, #tpu.memory_space<semaphore_mem>> -> memref<!tpu.dma_semaphore, #tpu.memory_space<semaphore_mem>>
    %dma_start3A_813 = arith.constant 0 : i32
    %dma_start3A_814 = tpu.memref_slice %arg7[%add3A_798, %dma_start3A_813] : memref<51200x128xf32, #tpu.memory_space<hbm>> -> memref<128x128xf32, #tpu.memory_space<hbm>>
    %dma_start3A_815 = arith.constant 0 : i32
    %dma_start3A_816 = tpu.memref_slice %arg10[%mul3A_803, %dma_start3A_815] : memref<896x128xf32, #tpu.memory_space<vmem>> -> memref<128x128xf32, #tpu.memory_space<vmem>>
    tpu.enqueue_dma source(%dma_start3A_816 : memref<128x128xf32, #tpu.memory_space<vmem>>) target(%dma_start3A_814 : memref<128x128xf32, #tpu.memory_space<hbm>>) target_semaphore(%dma_start3A_812 : memref<!tpu.dma_semaphore, #tpu.memory_space<semaphore_mem>>)
    %rem3A_817 = arith.constant 15 : i32
    %rem3A_818 = arith.constant 7 : i32
    %rem3A_819 = arith.remsi %rem3A_817, %rem3A_818 : i32
    %mul3A_820 = arith.constant 128 : i32
    %mul3A_821 = arith.muli %rem3A_819, %mul3A_820 : i32
    %rem3A_822 = arith.constant 15 : i32
    %rem3A_823 = arith.constant 7 : i32
    %rem3A_824 = arith.remsi %rem3A_822, %rem3A_823 : i32
    %dma_wait3A_825 = arith.constant 0 : i32
    %dma_wait3A_826 = tpu.memref_slice %arg10[%mul3A_821, %dma_wait3A_825] : memref<896x128xf32, #tpu.memory_space<vmem>> -> memref<128x128xf32, #tpu.memory_space<vmem>>
    %dma_wait3A_827 = arith.constant 0 : i32
    %dma_wait3A_828 = tpu.memref_slice %arg7[%mul3A_4, %dma_wait3A_827] : memref<51200x128xf32, #tpu.memory_space<hbm>> -> memref<128x128xf32, #tpu.memory_space<hbm>>
    %dma_wait3A_829 = tpu.memref_slice %arg12[%rem3A_824] : memref<7x!tpu.dma_semaphore, #tpu.memory_space<semaphore_mem>> -> memref<1x!tpu.dma_semaphore, #tpu.memory_space<semaphore_mem>>
    %dma_wait3A_830 = tpu.memref_squeeze %dma_wait3A_829 : memref<1x!tpu.dma_semaphore, #tpu.memory_space<semaphore_mem>> -> memref<!tpu.dma_semaphore, #tpu.memory_space<semaphore_mem>>
    %dma_wait3A_831 = arith.constant 0 : i32
    %dma_wait3A_832 = tpu.memref_slice %arg7[%mul3A_4, %dma_wait3A_831] : memref<51200x128xf32, #tpu.memory_space<hbm>> -> memref<128x128xf32, #tpu.memory_space<hbm>>
    %dma_wait3A_833 = arith.constant 0 : i32
    %dma_wait3A_834 = tpu.memref_slice %arg10[%mul3A_821, %dma_wait3A_833] : memref<896x128xf32, #tpu.memory_space<vmem>> -> memref<128x128xf32, #tpu.memory_space<vmem>>
    tpu.wait_dma2 semaphore(%dma_wait3A_830 : memref<!tpu.dma_semaphore, #tpu.memory_space<semaphore_mem>>) src(%dma_wait3A_834 : memref<128x128xf32, #tpu.memory_space<vmem>>) dst(%dma_wait3A_832 : memref<128x128xf32, #tpu.memory_space<hbm>>)
    return
  }
}

#map = affine_map<(d0, d1) -> (0, 0, 0)>
#map1 = affine_map<(d0, d1) -> (0, 0)>
module attributes {stable_mosaic.version = 14 : i64} {
  func.func @_sc_gather_body(%arg0: i32, %arg1: i32, %arg2: memref<32x3x128xi32, #tpu.memory_space<hbm>>, %arg3: memref<32x13x128xi32, #tpu.memory_space<hbm>>, %arg4: memref<100000x128xf32, #tpu.memory_space<hbm>>, %arg5: memref<100000x128xf32, #tpu.memory_space<hbm>>, %arg6: memref<5120x128xf32, #tpu.memory_space<hbm>>, %arg7: memref<51200x128xf32, #tpu.memory_space<hbm>>, %arg8: memref<3x128xi32, #tpu.memory_space<vmem>>, %arg9: memref<13x128xi32, #tpu.memory_space<vmem>>, %arg10: memref<896x128xf32, #tpu.memory_space<vmem>>, %arg11: memref<7x!tpu.dma_semaphore, #tpu.memory_space<semaphore_mem>>, %arg12: memref<7x!tpu.dma_semaphore, #tpu.memory_space<semaphore_mem>>) attributes {dimension_semantics = [#tpu.dimension_semantics<core_parallel>, #tpu.dimension_semantics<subcore_parallel>], iteration_bounds = array<i64: 2, 16>, scalar_prefetch = 0 : i64, scratch_operands = 5 : i64, tpu.core_type = #tpu.core_type<sc_vector_subcore>, window_params = [{transform_indices = #map}, {transform_indices = #map}, {transform_indices = #map1}, {transform_indices = #map1}, {transform_indices = #map1}, {transform_indices = #map1}]} {
    %mul3A = arith.constant 2 : i32
    %mul3A_0 = arith.muli %arg1, %mul3A : i32
    %add3A = arith.addi %mul3A_0, %arg0 : i32
    "tpu.region"() ({
      %run_scoped3A = tpu.sem_alloc : memref<!tpu.dma_semaphore, #tpu.memory_space<semaphore_mem>>
      %dma_start3A_835 = arith.constant 0 : i32
      %dma_start3A_836 = arith.constant 0 : i32
      %dma_start3A_837 = tpu.memref_slice %arg2[%add3A, %dma_start3A_835, %dma_start3A_836] : memref<32x3x128xi32, #tpu.memory_space<hbm>> -> memref<1x3x128xi32, #tpu.memory_space<hbm>>
      %dma_start3A_838 = tpu.memref_squeeze %dma_start3A_837 : memref<1x3x128xi32, #tpu.memory_space<hbm>> -> memref<3x128xi32, #tpu.memory_space<hbm>>
      %dma_start3A_839 = arith.constant 0 : i32
      %dma_start3A_840 = arith.constant 0 : i32
      %dma_start3A_841 = tpu.memref_slice %arg2[%add3A, %dma_start3A_839, %dma_start3A_840] : memref<32x3x128xi32, #tpu.memory_space<hbm>> -> memref<1x3x128xi32, #tpu.memory_space<hbm>>
      %dma_start3A_842 = tpu.memref_squeeze %dma_start3A_841 : memref<1x3x128xi32, #tpu.memory_space<hbm>> -> memref<3x128xi32, #tpu.memory_space<hbm>>
      tpu.enqueue_dma source(%dma_start3A_842 : memref<3x128xi32, #tpu.memory_space<hbm>>) target(%arg8 : memref<3x128xi32, #tpu.memory_space<vmem>>) target_semaphore(%run_scoped3A : memref<!tpu.dma_semaphore, #tpu.memory_space<semaphore_mem>>)
      %dma_wait3A_843 = arith.constant 0 : i32
      %dma_wait3A_844 = arith.constant 0 : i32
      %dma_wait3A_845 = tpu.memref_slice %arg2[%add3A, %dma_wait3A_843, %dma_wait3A_844] : memref<32x3x128xi32, #tpu.memory_space<hbm>> -> memref<1x3x128xi32, #tpu.memory_space<hbm>>
      %dma_wait3A_846 = tpu.memref_squeeze %dma_wait3A_845 : memref<1x3x128xi32, #tpu.memory_space<hbm>> -> memref<3x128xi32, #tpu.memory_space<hbm>>
      %dma_wait3A_847 = arith.constant 0 : i32
      %dma_wait3A_848 = arith.constant 0 : i32
      %dma_wait3A_849 = tpu.memref_slice %arg2[%add3A, %dma_wait3A_847, %dma_wait3A_848] : memref<32x3x128xi32, #tpu.memory_space<hbm>> -> memref<1x3x128xi32, #tpu.memory_space<hbm>>
      %dma_wait3A_850 = tpu.memref_squeeze %dma_wait3A_849 : memref<1x3x128xi32, #tpu.memory_space<hbm>> -> memref<3x128xi32, #tpu.memory_space<hbm>>
      tpu.wait_dma2 semaphore(%run_scoped3A : memref<!tpu.dma_semaphore, #tpu.memory_space<semaphore_mem>>) src(%dma_wait3A_850 : memref<3x128xi32, #tpu.memory_space<hbm>>) dst(%arg8 : memref<3x128xi32, #tpu.memory_space<vmem>>)
      tpu.yield
    }) : () -> ()
    "tpu.region"() ({
      %run_scoped3A = tpu.sem_alloc : memref<!tpu.dma_semaphore, #tpu.memory_space<semaphore_mem>>
      %dma_start3A_835 = arith.constant 0 : i32
      %dma_start3A_836 = arith.constant 0 : i32
      %dma_start3A_837 = tpu.memref_slice %arg3[%add3A, %dma_start3A_835, %dma_start3A_836] : memref<32x13x128xi32, #tpu.memory_space<hbm>> -> memref<1x13x128xi32, #tpu.memory_space<hbm>>
      %dma_start3A_838 = tpu.memref_squeeze %dma_start3A_837 : memref<1x13x128xi32, #tpu.memory_space<hbm>> -> memref<13x128xi32, #tpu.memory_space<hbm>>
      %dma_start3A_839 = arith.constant 0 : i32
      %dma_start3A_840 = arith.constant 0 : i32
      %dma_start3A_841 = tpu.memref_slice %arg3[%add3A, %dma_start3A_839, %dma_start3A_840] : memref<32x13x128xi32, #tpu.memory_space<hbm>> -> memref<1x13x128xi32, #tpu.memory_space<hbm>>
      %dma_start3A_842 = tpu.memref_squeeze %dma_start3A_841 : memref<1x13x128xi32, #tpu.memory_space<hbm>> -> memref<13x128xi32, #tpu.memory_space<hbm>>
      tpu.enqueue_dma source(%dma_start3A_842 : memref<13x128xi32, #tpu.memory_space<hbm>>) target(%arg9 : memref<13x128xi32, #tpu.memory_space<vmem>>) target_semaphore(%run_scoped3A : memref<!tpu.dma_semaphore, #tpu.memory_space<semaphore_mem>>)
      %dma_wait3A_843 = arith.constant 0 : i32
      %dma_wait3A_844 = arith.constant 0 : i32
      %dma_wait3A_845 = tpu.memref_slice %arg3[%add3A, %dma_wait3A_843, %dma_wait3A_844] : memref<32x13x128xi32, #tpu.memory_space<hbm>> -> memref<1x13x128xi32, #tpu.memory_space<hbm>>
      %dma_wait3A_846 = tpu.memref_squeeze %dma_wait3A_845 : memref<1x13x128xi32, #tpu.memory_space<hbm>> -> memref<13x128xi32, #tpu.memory_space<hbm>>
      %dma_wait3A_847 = arith.constant 0 : i32
      %dma_wait3A_848 = arith.constant 0 : i32
      %dma_wait3A_849 = tpu.memref_slice %arg3[%add3A, %dma_wait3A_847, %dma_wait3A_848] : memref<32x13x128xi32, #tpu.memory_space<hbm>> -> memref<1x13x128xi32, #tpu.memory_space<hbm>>
      %dma_wait3A_850 = tpu.memref_squeeze %dma_wait3A_849 : memref<1x13x128xi32, #tpu.memory_space<hbm>> -> memref<13x128xi32, #tpu.memory_space<hbm>>
      tpu.wait_dma2 semaphore(%run_scoped3A : memref<!tpu.dma_semaphore, #tpu.memory_space<semaphore_mem>>) src(%dma_wait3A_850 : memref<13x128xi32, #tpu.memory_space<hbm>>) dst(%arg9 : memref<13x128xi32, #tpu.memory_space<vmem>>)
      tpu.yield
    }) : () -> ()
    %mul3A_1 = arith.constant 160 : i32
    %mul3A_2 = arith.muli %add3A, %mul3A_1 : i32
    %mul3A_3 = arith.constant 1600 : i32
    %mul3A_4 = arith.muli %add3A, %mul3A_3 : i32
    %rem3A = arith.constant 0 : i32
    %rem3A_5 = arith.constant 7 : i32
    %rem3A_6 = arith.remsi %rem3A, %rem3A_5 : i32
    %mul3A_7 = arith.constant 128 : i32
    %mul3A_8 = arith.muli %rem3A_6, %mul3A_7 : i32
    %dma_start3A = arith.constant 0 : i32
    %dma_start3A_9 = arith.constant 0 : i32
    %dma_start3A_10 = arith.constant 0 : i32
    %dma_start3A_11 = tpu.memref_slice %arg10[%mul3A_8, %dma_start3A_10] : memref<896x128xf32, #tpu.memory_space<vmem>> -> memref<16x128xf32, #tpu.memory_space<vmem>>
    %dma_start3A_12 = arith.constant 0 : i32
    %dma_start3A_13 = tpu.memref_slice %arg8[%dma_start3A, %dma_start3A_12] : memref<3x128xi32, #tpu.memory_space<vmem>> -> memref<1x16xi32, #tpu.memory_space<vmem>>
    %dma_start3A_14 = tpu.memref_squeeze %dma_start3A_13 : memref<1x16xi32, #tpu.memory_space<vmem>> -> memref<16xi32, #tpu.memory_space<vmem>>
    %dma_start3A_15 = arith.constant 0 : i32
    %dma_start3A_16 = arith.constant 0 : i32
    %dma_start3A_17 = tpu.memref_slice %arg4[%dma_start3A_15, %dma_start3A_16] : memref<100000x128xf32, #tpu.memory_space<hbm>> -> memref<100000x128xf32, #tpu.memory_space<hbm>>
    %dma_start3A_18 = tpu.memref_slice %arg11[%dma_start3A_9] : memref<7x!tpu.dma_semaphore, #tpu.memory_space<semaphore_mem>> -> memref<1x!tpu.dma_semaphore, #tpu.memory_space<semaphore_mem>>
    %dma_start3A_19 = tpu.memref_squeeze %dma_start3A_18 : memref<1x!tpu.dma_semaphore, #tpu.memory_space<semaphore_mem>> -> memref<!tpu.dma_semaphore, #tpu.memory_space<semaphore_mem>>
    tpu.enqueue_indirect_dma source(%dma_start3A_17 : memref<100000x128xf32, #tpu.memory_space<hbm>>) target(%dma_start3A_11 : memref<16x128xf32, #tpu.memory_space<vmem>>) offsets(%dma_start3A_14 : memref<16xi32, #tpu.memory_space<vmem>>) semaphore(%dma_start3A_19 : memref<!tpu.dma_semaphore, #tpu.memory_space<semaphore_mem>>)
    %rem3A_20 = arith.constant 1 : i32
    %rem3A_21 = arith.constant 7 : i32
    %rem3A_22 = arith.remsi %rem3A_20, %rem3A_21 : i32
    %mul3A_23 = arith.constant 128 : i32
    %mul3A_24 = arith.muli %rem3A_22, %mul3A_23 : i32
    %dma_start3A_25 = arith.constant 1 : i32
    %dma_start3A_26 = arith.constant 1 : i32
    %dma_start3A_27 = arith.constant 0 : i32
    %dma_start3A_28 = tpu.memref_slice %arg10[%mul3A_24, %dma_start3A_27] : memref<896x128xf32, #tpu.memory_space<vmem>> -> memref<16x128xf32, #tpu.memory_space<vmem>>
    %dma_start3A_29 = arith.constant 0 : i32
    %dma_start3A_30 = tpu.memref_slice %arg8[%dma_start3A_25, %dma_start3A_29] : memref<3x128xi32, #tpu.memory_space<vmem>> -> memref<1x16xi32, #tpu.memory_space<vmem>>
    %dma_start3A_31 = tpu.memref_squeeze %dma_start3A_30 : memref<1x16xi32, #tpu.memory_space<vmem>> -> memref<16xi32, #tpu.memory_space<vmem>>
    %dma_start3A_32 = arith.constant 0 : i32
    %dma_start3A_33 = arith.constant 0 : i32
    %dma_start3A_34 = tpu.memref_slice %arg4[%dma_start3A_32, %dma_start3A_33] : memref<100000x128xf32, #tpu.memory_space<hbm>> -> memref<100000x128xf32, #tpu.memory_space<hbm>>
    %dma_start3A_35 = tpu.memref_slice %arg11[%dma_start3A_26] : memref<7x!tpu.dma_semaphore, #tpu.memory_space<semaphore_mem>> -> memref<1x!tpu.dma_semaphore, #tpu.memory_space<semaphore_mem>>
    %dma_start3A_36 = tpu.memref_squeeze %dma_start3A_35 : memref<1x!tpu.dma_semaphore, #tpu.memory_space<semaphore_mem>> -> memref<!tpu.dma_semaphore, #tpu.memory_space<semaphore_mem>>
    tpu.enqueue_indirect_dma source(%dma_start3A_34 : memref<100000x128xf32, #tpu.memory_space<hbm>>) target(%dma_start3A_28 : memref<16x128xf32, #tpu.memory_space<vmem>>) offsets(%dma_start3A_31 : memref<16xi32, #tpu.memory_space<vmem>>) semaphore(%dma_start3A_36 : memref<!tpu.dma_semaphore, #tpu.memory_space<semaphore_mem>>)
    %rem3A_37 = arith.constant 2 : i32
    %rem3A_38 = arith.constant 7 : i32
    %rem3A_39 = arith.remsi %rem3A_37, %rem3A_38 : i32
    %mul3A_40 = arith.constant 128 : i32
    %mul3A_41 = arith.muli %rem3A_39, %mul3A_40 : i32
    %dma_start3A_42 = arith.constant 2 : i32
    %dma_start3A_43 = arith.constant 2 : i32
    %dma_start3A_44 = arith.constant 0 : i32
    %dma_start3A_45 = tpu.memref_slice %arg10[%mul3A_41, %dma_start3A_44] : memref<896x128xf32, #tpu.memory_space<vmem>> -> memref<128x128xf32, #tpu.memory_space<vmem>>
    %dma_start3A_46 = arith.constant 0 : i32
    %dma_start3A_47 = tpu.memref_slice %arg8[%dma_start3A_42, %dma_start3A_46] : memref<3x128xi32, #tpu.memory_space<vmem>> -> memref<1x128xi32, #tpu.memory_space<vmem>>
    %dma_start3A_48 = tpu.memref_squeeze %dma_start3A_47 : memref<1x128xi32, #tpu.memory_space<vmem>> -> memref<128xi32, #tpu.memory_space<vmem>>
    %dma_start3A_49 = arith.constant 0 : i32
    %dma_start3A_50 = arith.constant 0 : i32
    %dma_start3A_51 = tpu.memref_slice %arg4[%dma_start3A_49, %dma_start3A_50] : memref<100000x128xf32, #tpu.memory_space<hbm>> -> memref<100000x128xf32, #tpu.memory_space<hbm>>
    %dma_start3A_52 = tpu.memref_slice %arg11[%dma_start3A_43] : memref<7x!tpu.dma_semaphore, #tpu.memory_space<semaphore_mem>> -> memref<1x!tpu.dma_semaphore, #tpu.memory_space<semaphore_mem>>
    %dma_start3A_53 = tpu.memref_squeeze %dma_start3A_52 : memref<1x!tpu.dma_semaphore, #tpu.memory_space<semaphore_mem>> -> memref<!tpu.dma_semaphore, #tpu.memory_space<semaphore_mem>>
    tpu.enqueue_indirect_dma source(%dma_start3A_51 : memref<100000x128xf32, #tpu.memory_space<hbm>>) target(%dma_start3A_45 : memref<128x128xf32, #tpu.memory_space<vmem>>) offsets(%dma_start3A_48 : memref<128xi32, #tpu.memory_space<vmem>>) semaphore(%dma_start3A_53 : memref<!tpu.dma_semaphore, #tpu.memory_space<semaphore_mem>>)
    %rem3A_54 = arith.constant 3 : i32
    %rem3A_55 = arith.constant 7 : i32
    %rem3A_56 = arith.remsi %rem3A_54, %rem3A_55 : i32
    %mul3A_57 = arith.constant 128 : i32
    %mul3A_58 = arith.muli %rem3A_56, %mul3A_57 : i32
    %dma_start3A_59 = arith.constant 0 : i32
    %dma_start3A_60 = arith.constant 3 : i32
    %dma_start3A_61 = arith.constant 0 : i32
    %dma_start3A_62 = tpu.memref_slice %arg10[%mul3A_58, %dma_start3A_61] : memref<896x128xf32, #tpu.memory_space<vmem>> -> memref<64x128xf32, #tpu.memory_space<vmem>>
    %dma_start3A_63 = arith.constant 0 : i32
    %dma_start3A_64 = tpu.memref_slice %arg9[%dma_start3A_59, %dma_start3A_63] : memref<13x128xi32, #tpu.memory_space<vmem>> -> memref<1x64xi32, #tpu.memory_space<vmem>>
    %dma_start3A_65 = tpu.memref_squeeze %dma_start3A_64 : memref<1x64xi32, #tpu.memory_space<vmem>> -> memref<64xi32, #tpu.memory_space<vmem>>
    %dma_start3A_66 = arith.constant 0 : i32
    %dma_start3A_67 = arith.constant 0 : i32
    %dma_start3A_68 = tpu.memref_slice %arg5[%dma_start3A_66, %dma_start3A_67] : memref<100000x128xf32, #tpu.memory_space<hbm>> -> memref<100000x128xf32, #tpu.memory_space<hbm>>
    %dma_start3A_69 = tpu.memref_slice %arg11[%dma_start3A_60] : memref<7x!tpu.dma_semaphore, #tpu.memory_space<semaphore_mem>> -> memref<1x!tpu.dma_semaphore, #tpu.memory_space<semaphore_mem>>
    %dma_start3A_70 = tpu.memref_squeeze %dma_start3A_69 : memref<1x!tpu.dma_semaphore, #tpu.memory_space<semaphore_mem>> -> memref<!tpu.dma_semaphore, #tpu.memory_space<semaphore_mem>>
    tpu.enqueue_indirect_dma source(%dma_start3A_68 : memref<100000x128xf32, #tpu.memory_space<hbm>>) target(%dma_start3A_62 : memref<64x128xf32, #tpu.memory_space<vmem>>) offsets(%dma_start3A_65 : memref<64xi32, #tpu.memory_space<vmem>>) semaphore(%dma_start3A_70 : memref<!tpu.dma_semaphore, #tpu.memory_space<semaphore_mem>>)
    %rem3A_71 = arith.constant 4 : i32
    %rem3A_72 = arith.constant 7 : i32
    %rem3A_73 = arith.remsi %rem3A_71, %rem3A_72 : i32
    %mul3A_74 = arith.constant 128 : i32
    %mul3A_75 = arith.muli %rem3A_73, %mul3A_74 : i32
    %rem3A_76 = arith.constant 4 : i32
    %rem3A_77 = arith.constant 7 : i32
    %rem3A_78 = arith.remsi %rem3A_76, %rem3A_77 : i32
    %dma_start3A_79 = arith.constant 1 : i32
    %dma_start3A_80 = arith.constant 0 : i32
    %dma_start3A_81 = tpu.memref_slice %arg10[%mul3A_75, %dma_start3A_80] : memref<896x128xf32, #tpu.memory_space<vmem>> -> memref<128x128xf32, #tpu.memory_space<vmem>>
    %dma_start3A_82 = arith.constant 0 : i32
    %dma_start3A_83 = tpu.memref_slice %arg9[%dma_start3A_79, %dma_start3A_82] : memref<13x128xi32, #tpu.memory_space<vmem>> -> memref<1x128xi32, #tpu.memory_space<vmem>>
    %dma_start3A_84 = tpu.memref_squeeze %dma_start3A_83 : memref<1x128xi32, #tpu.memory_space<vmem>> -> memref<128xi32, #tpu.memory_space<vmem>>
    %dma_start3A_85 = arith.constant 0 : i32
    %dma_start3A_86 = arith.constant 0 : i32
    %dma_start3A_87 = tpu.memref_slice %arg5[%dma_start3A_85, %dma_start3A_86] : memref<100000x128xf32, #tpu.memory_space<hbm>> -> memref<100000x128xf32, #tpu.memory_space<hbm>>
    %dma_start3A_88 = tpu.memref_slice %arg11[%rem3A_78] : memref<7x!tpu.dma_semaphore, #tpu.memory_space<semaphore_mem>> -> memref<1x!tpu.dma_semaphore, #tpu.memory_space<semaphore_mem>>
    %dma_start3A_89 = tpu.memref_squeeze %dma_start3A_88 : memref<1x!tpu.dma_semaphore, #tpu.memory_space<semaphore_mem>> -> memref<!tpu.dma_semaphore, #tpu.memory_space<semaphore_mem>>
    tpu.enqueue_indirect_dma source(%dma_start3A_87 : memref<100000x128xf32, #tpu.memory_space<hbm>>) target(%dma_start3A_81 : memref<128x128xf32, #tpu.memory_space<vmem>>) offsets(%dma_start3A_84 : memref<128xi32, #tpu.memory_space<vmem>>) semaphore(%dma_start3A_89 : memref<!tpu.dma_semaphore, #tpu.memory_space<semaphore_mem>>)
    %rem3A_90 = arith.constant 5 : i32
    %rem3A_91 = arith.constant 7 : i32
    %rem3A_92 = arith.remsi %rem3A_90, %rem3A_91 : i32
    %mul3A_93 = arith.constant 128 : i32
    %mul3A_94 = arith.muli %rem3A_92, %mul3A_93 : i32
    %rem3A_95 = arith.constant 5 : i32
    %rem3A_96 = arith.constant 7 : i32
    %rem3A_97 = arith.remsi %rem3A_95, %rem3A_96 : i32
    %dma_start3A_98 = arith.constant 2 : i32
    %dma_start3A_99 = arith.constant 0 : i32
    %dma_start3A_100 = tpu.memref_slice %arg10[%mul3A_94, %dma_start3A_99] : memref<896x128xf32, #tpu.memory_space<vmem>> -> memref<128x128xf32, #tpu.memory_space<vmem>>
    %dma_start3A_101 = arith.constant 0 : i32
    %dma_start3A_102 = tpu.memref_slice %arg9[%dma_start3A_98, %dma_start3A_101] : memref<13x128xi32, #tpu.memory_space<vmem>> -> memref<1x128xi32, #tpu.memory_space<vmem>>
    %dma_start3A_103 = tpu.memref_squeeze %dma_start3A_102 : memref<1x128xi32, #tpu.memory_space<vmem>> -> memref<128xi32, #tpu.memory_space<vmem>>
    %dma_start3A_104 = arith.constant 0 : i32
    %dma_start3A_105 = arith.constant 0 : i32
    %dma_start3A_106 = tpu.memref_slice %arg5[%dma_start3A_104, %dma_start3A_105] : memref<100000x128xf32, #tpu.memory_space<hbm>> -> memref<100000x128xf32, #tpu.memory_space<hbm>>
    %dma_start3A_107 = tpu.memref_slice %arg11[%rem3A_97] : memref<7x!tpu.dma_semaphore, #tpu.memory_space<semaphore_mem>> -> memref<1x!tpu.dma_semaphore, #tpu.memory_space<semaphore_mem>>
    %dma_start3A_108 = tpu.memref_squeeze %dma_start3A_107 : memref<1x!tpu.dma_semaphore, #tpu.memory_space<semaphore_mem>> -> memref<!tpu.dma_semaphore, #tpu.memory_space<semaphore_mem>>
    tpu.enqueue_indirect_dma source(%dma_start3A_106 : memref<100000x128xf32, #tpu.memory_space<hbm>>) target(%dma_start3A_100 : memref<128x128xf32, #tpu.memory_space<vmem>>) offsets(%dma_start3A_103 : memref<128xi32, #tpu.memory_space<vmem>>) semaphore(%dma_start3A_108 : memref<!tpu.dma_semaphore, #tpu.memory_space<semaphore_mem>>)
    %rem3A_109 = arith.constant 6 : i32
    %rem3A_110 = arith.constant 7 : i32
    %rem3A_111 = arith.remsi %rem3A_109, %rem3A_110 : i32
    %mul3A_112 = arith.constant 128 : i32
    %mul3A_113 = arith.muli %rem3A_111, %mul3A_112 : i32
    %rem3A_114 = arith.constant 6 : i32
    %rem3A_115 = arith.constant 7 : i32
    %rem3A_116 = arith.remsi %rem3A_114, %rem3A_115 : i32
    %dma_start3A_117 = arith.constant 3 : i32
    %dma_start3A_118 = arith.constant 0 : i32
    %dma_start3A_119 = tpu.memref_slice %arg10[%mul3A_113, %dma_start3A_118] : memref<896x128xf32, #tpu.memory_space<vmem>> -> memref<128x128xf32, #tpu.memory_space<vmem>>
    %dma_start3A_120 = arith.constant 0 : i32
    %dma_start3A_121 = tpu.memref_slice %arg9[%dma_start3A_117, %dma_start3A_120] : memref<13x128xi32, #tpu.memory_space<vmem>> -> memref<1x128xi32, #tpu.memory_space<vmem>>
    %dma_start3A_122 = tpu.memref_squeeze %dma_start3A_121 : memref<1x128xi32, #tpu.memory_space<vmem>> -> memref<128xi32, #tpu.memory_space<vmem>>
    %dma_start3A_123 = arith.constant 0 : i32
    %dma_start3A_124 = arith.constant 0 : i32
    %dma_start3A_125 = tpu.memref_slice %arg5[%dma_start3A_123, %dma_start3A_124] : memref<100000x128xf32, #tpu.memory_space<hbm>> -> memref<100000x128xf32, #tpu.memory_space<hbm>>
    %dma_start3A_126 = tpu.memref_slice %arg11[%rem3A_116] : memref<7x!tpu.dma_semaphore, #tpu.memory_space<semaphore_mem>> -> memref<1x!tpu.dma_semaphore, #tpu.memory_space<semaphore_mem>>
    %dma_start3A_127 = tpu.memref_squeeze %dma_start3A_126 : memref<1x!tpu.dma_semaphore, #tpu.memory_space<semaphore_mem>> -> memref<!tpu.dma_semaphore, #tpu.memory_space<semaphore_mem>>
    tpu.enqueue_indirect_dma source(%dma_start3A_125 : memref<100000x128xf32, #tpu.memory_space<hbm>>) target(%dma_start3A_119 : memref<128x128xf32, #tpu.memory_space<vmem>>) offsets(%dma_start3A_122 : memref<128xi32, #tpu.memory_space<vmem>>) semaphore(%dma_start3A_127 : memref<!tpu.dma_semaphore, #tpu.memory_space<semaphore_mem>>)
    %rem3A_128 = arith.constant 0 : i32
    %rem3A_129 = arith.constant 7 : i32
    %rem3A_130 = arith.remsi %rem3A_128, %rem3A_129 : i32
    %mul3A_131 = arith.constant 128 : i32
    %mul3A_132 = arith.muli %rem3A_130, %mul3A_131 : i32
    %rem3A_133 = arith.constant 0 : i32
    %rem3A_134 = arith.constant 7 : i32
    %rem3A_135 = arith.remsi %rem3A_133, %rem3A_134 : i32
    %dma_wait3A = arith.constant 0 : i32
    %dma_wait3A_136 = tpu.memref_slice %arg10[%mul3A_132, %dma_wait3A] : memref<896x128xf32, #tpu.memory_space<vmem>> -> memref<16x128xf32, #tpu.memory_space<vmem>>
    %dma_wait3A_137 = arith.constant 0 : i32
    %dma_wait3A_138 = tpu.memref_slice %arg7[%mul3A_4, %dma_wait3A_137] : memref<51200x128xf32, #tpu.memory_space<hbm>> -> memref<16x128xf32, #tpu.memory_space<hbm>>
    %dma_wait3A_139 = tpu.memref_slice %arg11[%rem3A_135] : memref<7x!tpu.dma_semaphore, #tpu.memory_space<semaphore_mem>> -> memref<1x!tpu.dma_semaphore, #tpu.memory_space<semaphore_mem>>
    %dma_wait3A_140 = tpu.memref_squeeze %dma_wait3A_139 : memref<1x!tpu.dma_semaphore, #tpu.memory_space<semaphore_mem>> -> memref<!tpu.dma_semaphore, #tpu.memory_space<semaphore_mem>>
    %dma_wait3A_141 = arith.constant 0 : i32
    %dma_wait3A_142 = tpu.memref_slice %arg10[%mul3A_132, %dma_wait3A_141] : memref<896x128xf32, #tpu.memory_space<vmem>> -> memref<16x128xf32, #tpu.memory_space<vmem>>
    %dma_wait3A_143 = arith.constant 0 : i32
    %dma_wait3A_144 = tpu.memref_slice %arg7[%mul3A_4, %dma_wait3A_143] : memref<51200x128xf32, #tpu.memory_space<hbm>> -> memref<16x128xf32, #tpu.memory_space<hbm>>
    tpu.wait_dma2 semaphore(%dma_wait3A_140 : memref<!tpu.dma_semaphore, #tpu.memory_space<semaphore_mem>>) src(%dma_wait3A_144 : memref<16x128xf32, #tpu.memory_space<hbm>>) dst(%dma_wait3A_142 : memref<16x128xf32, #tpu.memory_space<vmem>>)
    %add3A_145 = arith.constant 0 : i32
    %add3A_146 = arith.addi %mul3A_2, %add3A_145 : i32
    %rem3A_147 = arith.constant 0 : i32
    %rem3A_148 = arith.constant 7 : i32
    %rem3A_149 = arith.remsi %rem3A_147, %rem3A_148 : i32
    %mul3A_150 = arith.constant 128 : i32
    %mul3A_151 = arith.muli %rem3A_149, %mul3A_150 : i32
    %rem3A_152 = arith.constant 0 : i32
    %rem3A_153 = arith.constant 7 : i32
    %rem3A_154 = arith.remsi %rem3A_152, %rem3A_153 : i32
    %dma_start3A_155 = arith.constant 0 : i32
    %dma_start3A_156 = tpu.memref_slice %arg10[%mul3A_151, %dma_start3A_155] : memref<896x128xf32, #tpu.memory_space<vmem>> -> memref<16x128xf32, #tpu.memory_space<vmem>>
    %dma_start3A_157 = arith.constant 0 : i32
    %dma_start3A_158 = tpu.memref_slice %arg6[%add3A_146, %dma_start3A_157] : memref<5120x128xf32, #tpu.memory_space<hbm>> -> memref<16x128xf32, #tpu.memory_space<hbm>>
    %dma_start3A_159 = tpu.memref_slice %arg12[%rem3A_154] : memref<7x!tpu.dma_semaphore, #tpu.memory_space<semaphore_mem>> -> memref<1x!tpu.dma_semaphore, #tpu.memory_space<semaphore_mem>>
    %dma_start3A_160 = tpu.memref_squeeze %dma_start3A_159 : memref<1x!tpu.dma_semaphore, #tpu.memory_space<semaphore_mem>> -> memref<!tpu.dma_semaphore, #tpu.memory_space<semaphore_mem>>
    %dma_start3A_161 = arith.constant 0 : i32
    %dma_start3A_162 = tpu.memref_slice %arg6[%add3A_146, %dma_start3A_161] : memref<5120x128xf32, #tpu.memory_space<hbm>> -> memref<16x128xf32, #tpu.memory_space<hbm>>
    %dma_start3A_163 = arith.constant 0 : i32
    %dma_start3A_164 = tpu.memref_slice %arg10[%mul3A_151, %dma_start3A_163] : memref<896x128xf32, #tpu.memory_space<vmem>> -> memref<16x128xf32, #tpu.memory_space<vmem>>
    tpu.enqueue_dma source(%dma_start3A_164 : memref<16x128xf32, #tpu.memory_space<vmem>>) target(%dma_start3A_162 : memref<16x128xf32, #tpu.memory_space<hbm>>) target_semaphore(%dma_start3A_160 : memref<!tpu.dma_semaphore, #tpu.memory_space<semaphore_mem>>)
    %rem3A_165 = arith.constant 1 : i32
    %rem3A_166 = arith.constant 7 : i32
    %rem3A_167 = arith.remsi %rem3A_165, %rem3A_166 : i32
    %mul3A_168 = arith.constant 128 : i32
    %mul3A_169 = arith.muli %rem3A_167, %mul3A_168 : i32
    %rem3A_170 = arith.constant 1 : i32
    %rem3A_171 = arith.constant 7 : i32
    %rem3A_172 = arith.remsi %rem3A_170, %rem3A_171 : i32
    %dma_wait3A_173 = arith.constant 0 : i32
    %dma_wait3A_174 = tpu.memref_slice %arg10[%mul3A_169, %dma_wait3A_173] : memref<896x128xf32, #tpu.memory_space<vmem>> -> memref<16x128xf32, #tpu.memory_space<vmem>>
    %dma_wait3A_175 = arith.constant 0 : i32
    %dma_wait3A_176 = tpu.memref_slice %arg7[%mul3A_4, %dma_wait3A_175] : memref<51200x128xf32, #tpu.memory_space<hbm>> -> memref<16x128xf32, #tpu.memory_space<hbm>>
    %dma_wait3A_177 = tpu.memref_slice %arg11[%rem3A_172] : memref<7x!tpu.dma_semaphore, #tpu.memory_space<semaphore_mem>> -> memref<1x!tpu.dma_semaphore, #tpu.memory_space<semaphore_mem>>
    %dma_wait3A_178 = tpu.memref_squeeze %dma_wait3A_177 : memref<1x!tpu.dma_semaphore, #tpu.memory_space<semaphore_mem>> -> memref<!tpu.dma_semaphore, #tpu.memory_space<semaphore_mem>>
    %dma_wait3A_179 = arith.constant 0 : i32
    %dma_wait3A_180 = tpu.memref_slice %arg10[%mul3A_169, %dma_wait3A_179] : memref<896x128xf32, #tpu.memory_space<vmem>> -> memref<16x128xf32, #tpu.memory_space<vmem>>
    %dma_wait3A_181 = arith.constant 0 : i32
    %dma_wait3A_182 = tpu.memref_slice %arg7[%mul3A_4, %dma_wait3A_181] : memref<51200x128xf32, #tpu.memory_space<hbm>> -> memref<16x128xf32, #tpu.memory_space<hbm>>
    tpu.wait_dma2 semaphore(%dma_wait3A_178 : memref<!tpu.dma_semaphore, #tpu.memory_space<semaphore_mem>>) src(%dma_wait3A_182 : memref<16x128xf32, #tpu.memory_space<hbm>>) dst(%dma_wait3A_180 : memref<16x128xf32, #tpu.memory_space<vmem>>)
    %add3A_183 = arith.constant 16 : i32
    %add3A_184 = arith.addi %mul3A_2, %add3A_183 : i32
    %rem3A_185 = arith.constant 1 : i32
    %rem3A_186 = arith.constant 7 : i32
    %rem3A_187 = arith.remsi %rem3A_185, %rem3A_186 : i32
    %mul3A_188 = arith.constant 128 : i32
    %mul3A_189 = arith.muli %rem3A_187, %mul3A_188 : i32
    %rem3A_190 = arith.constant 1 : i32
    %rem3A_191 = arith.constant 7 : i32
    %rem3A_192 = arith.remsi %rem3A_190, %rem3A_191 : i32
    %dma_start3A_193 = arith.constant 0 : i32
    %dma_start3A_194 = tpu.memref_slice %arg10[%mul3A_189, %dma_start3A_193] : memref<896x128xf32, #tpu.memory_space<vmem>> -> memref<16x128xf32, #tpu.memory_space<vmem>>
    %dma_start3A_195 = arith.constant 0 : i32
    %dma_start3A_196 = tpu.memref_slice %arg6[%add3A_184, %dma_start3A_195] : memref<5120x128xf32, #tpu.memory_space<hbm>> -> memref<16x128xf32, #tpu.memory_space<hbm>>
    %dma_start3A_197 = tpu.memref_slice %arg12[%rem3A_192] : memref<7x!tpu.dma_semaphore, #tpu.memory_space<semaphore_mem>> -> memref<1x!tpu.dma_semaphore, #tpu.memory_space<semaphore_mem>>
    %dma_start3A_198 = tpu.memref_squeeze %dma_start3A_197 : memref<1x!tpu.dma_semaphore, #tpu.memory_space<semaphore_mem>> -> memref<!tpu.dma_semaphore, #tpu.memory_space<semaphore_mem>>
    %dma_start3A_199 = arith.constant 0 : i32
    %dma_start3A_200 = tpu.memref_slice %arg6[%add3A_184, %dma_start3A_199] : memref<5120x128xf32, #tpu.memory_space<hbm>> -> memref<16x128xf32, #tpu.memory_space<hbm>>
    %dma_start3A_201 = arith.constant 0 : i32
    %dma_start3A_202 = tpu.memref_slice %arg10[%mul3A_189, %dma_start3A_201] : memref<896x128xf32, #tpu.memory_space<vmem>> -> memref<16x128xf32, #tpu.memory_space<vmem>>
    tpu.enqueue_dma source(%dma_start3A_202 : memref<16x128xf32, #tpu.memory_space<vmem>>) target(%dma_start3A_200 : memref<16x128xf32, #tpu.memory_space<hbm>>) target_semaphore(%dma_start3A_198 : memref<!tpu.dma_semaphore, #tpu.memory_space<semaphore_mem>>)
    %rem3A_203 = arith.constant 2 : i32
    %rem3A_204 = arith.constant 7 : i32
    %rem3A_205 = arith.remsi %rem3A_203, %rem3A_204 : i32
    %mul3A_206 = arith.constant 128 : i32
    %mul3A_207 = arith.muli %rem3A_205, %mul3A_206 : i32
    %rem3A_208 = arith.constant 2 : i32
    %rem3A_209 = arith.constant 7 : i32
    %rem3A_210 = arith.remsi %rem3A_208, %rem3A_209 : i32
    %dma_wait3A_211 = arith.constant 0 : i32
    %dma_wait3A_212 = tpu.memref_slice %arg10[%mul3A_207, %dma_wait3A_211] : memref<896x128xf32, #tpu.memory_space<vmem>> -> memref<128x128xf32, #tpu.memory_space<vmem>>
    %dma_wait3A_213 = arith.constant 0 : i32
    %dma_wait3A_214 = tpu.memref_slice %arg7[%mul3A_4, %dma_wait3A_213] : memref<51200x128xf32, #tpu.memory_space<hbm>> -> memref<128x128xf32, #tpu.memory_space<hbm>>
    %dma_wait3A_215 = tpu.memref_slice %arg11[%rem3A_210] : memref<7x!tpu.dma_semaphore, #tpu.memory_space<semaphore_mem>> -> memref<1x!tpu.dma_semaphore, #tpu.memory_space<semaphore_mem>>
    %dma_wait3A_216 = tpu.memref_squeeze %dma_wait3A_215 : memref<1x!tpu.dma_semaphore, #tpu.memory_space<semaphore_mem>> -> memref<!tpu.dma_semaphore, #tpu.memory_space<semaphore_mem>>
    %dma_wait3A_217 = arith.constant 0 : i32
    %dma_wait3A_218 = tpu.memref_slice %arg10[%mul3A_207, %dma_wait3A_217] : memref<896x128xf32, #tpu.memory_space<vmem>> -> memref<128x128xf32, #tpu.memory_space<vmem>>
    %dma_wait3A_219 = arith.constant 0 : i32
    %dma_wait3A_220 = tpu.memref_slice %arg7[%mul3A_4, %dma_wait3A_219] : memref<51200x128xf32, #tpu.memory_space<hbm>> -> memref<128x128xf32, #tpu.memory_space<hbm>>
    tpu.wait_dma2 semaphore(%dma_wait3A_216 : memref<!tpu.dma_semaphore, #tpu.memory_space<semaphore_mem>>) src(%dma_wait3A_220 : memref<128x128xf32, #tpu.memory_space<hbm>>) dst(%dma_wait3A_218 : memref<128x128xf32, #tpu.memory_space<vmem>>)
    %add3A_221 = arith.constant 32 : i32
    %add3A_222 = arith.addi %mul3A_2, %add3A_221 : i32
    %rem3A_223 = arith.constant 2 : i32
    %rem3A_224 = arith.constant 7 : i32
    %rem3A_225 = arith.remsi %rem3A_223, %rem3A_224 : i32
    %mul3A_226 = arith.constant 128 : i32
    %mul3A_227 = arith.muli %rem3A_225, %mul3A_226 : i32
    %rem3A_228 = arith.constant 2 : i32
    %rem3A_229 = arith.constant 7 : i32
    %rem3A_230 = arith.remsi %rem3A_228, %rem3A_229 : i32
    %dma_start3A_231 = arith.constant 0 : i32
    %dma_start3A_232 = tpu.memref_slice %arg10[%mul3A_227, %dma_start3A_231] : memref<896x128xf32, #tpu.memory_space<vmem>> -> memref<128x128xf32, #tpu.memory_space<vmem>>
    %dma_start3A_233 = arith.constant 0 : i32
    %dma_start3A_234 = tpu.memref_slice %arg6[%add3A_222, %dma_start3A_233] : memref<5120x128xf32, #tpu.memory_space<hbm>> -> memref<128x128xf32, #tpu.memory_space<hbm>>
    %dma_start3A_235 = tpu.memref_slice %arg12[%rem3A_230] : memref<7x!tpu.dma_semaphore, #tpu.memory_space<semaphore_mem>> -> memref<1x!tpu.dma_semaphore, #tpu.memory_space<semaphore_mem>>
    %dma_start3A_236 = tpu.memref_squeeze %dma_start3A_235 : memref<1x!tpu.dma_semaphore, #tpu.memory_space<semaphore_mem>> -> memref<!tpu.dma_semaphore, #tpu.memory_space<semaphore_mem>>
    %dma_start3A_237 = arith.constant 0 : i32
    %dma_start3A_238 = tpu.memref_slice %arg6[%add3A_222, %dma_start3A_237] : memref<5120x128xf32, #tpu.memory_space<hbm>> -> memref<128x128xf32, #tpu.memory_space<hbm>>
    %dma_start3A_239 = arith.constant 0 : i32
    %dma_start3A_240 = tpu.memref_slice %arg10[%mul3A_227, %dma_start3A_239] : memref<896x128xf32, #tpu.memory_space<vmem>> -> memref<128x128xf32, #tpu.memory_space<vmem>>
    tpu.enqueue_dma source(%dma_start3A_240 : memref<128x128xf32, #tpu.memory_space<vmem>>) target(%dma_start3A_238 : memref<128x128xf32, #tpu.memory_space<hbm>>) target_semaphore(%dma_start3A_236 : memref<!tpu.dma_semaphore, #tpu.memory_space<semaphore_mem>>)
    %rem3A_241 = arith.constant 0 : i32
    %rem3A_242 = arith.constant 7 : i32
    %rem3A_243 = arith.remsi %rem3A_241, %rem3A_242 : i32
    %mul3A_244 = arith.constant 128 : i32
    %mul3A_245 = arith.muli %rem3A_243, %mul3A_244 : i32
    %rem3A_246 = arith.constant 0 : i32
    %rem3A_247 = arith.constant 7 : i32
    %rem3A_248 = arith.remsi %rem3A_246, %rem3A_247 : i32
    %dma_wait3A_249 = arith.constant 0 : i32
    %dma_wait3A_250 = tpu.memref_slice %arg10[%mul3A_245, %dma_wait3A_249] : memref<896x128xf32, #tpu.memory_space<vmem>> -> memref<16x128xf32, #tpu.memory_space<vmem>>
    %dma_wait3A_251 = arith.constant 0 : i32
    %dma_wait3A_252 = tpu.memref_slice %arg7[%mul3A_4, %dma_wait3A_251] : memref<51200x128xf32, #tpu.memory_space<hbm>> -> memref<16x128xf32, #tpu.memory_space<hbm>>
    %dma_wait3A_253 = tpu.memref_slice %arg12[%rem3A_248] : memref<7x!tpu.dma_semaphore, #tpu.memory_space<semaphore_mem>> -> memref<1x!tpu.dma_semaphore, #tpu.memory_space<semaphore_mem>>
    %dma_wait3A_254 = tpu.memref_squeeze %dma_wait3A_253 : memref<1x!tpu.dma_semaphore, #tpu.memory_space<semaphore_mem>> -> memref<!tpu.dma_semaphore, #tpu.memory_space<semaphore_mem>>
    %dma_wait3A_255 = arith.constant 0 : i32
    %dma_wait3A_256 = tpu.memref_slice %arg7[%mul3A_4, %dma_wait3A_255] : memref<51200x128xf32, #tpu.memory_space<hbm>> -> memref<16x128xf32, #tpu.memory_space<hbm>>
    %dma_wait3A_257 = arith.constant 0 : i32
    %dma_wait3A_258 = tpu.memref_slice %arg10[%mul3A_245, %dma_wait3A_257] : memref<896x128xf32, #tpu.memory_space<vmem>> -> memref<16x128xf32, #tpu.memory_space<vmem>>
    tpu.wait_dma2 semaphore(%dma_wait3A_254 : memref<!tpu.dma_semaphore, #tpu.memory_space<semaphore_mem>>) src(%dma_wait3A_258 : memref<16x128xf32, #tpu.memory_space<vmem>>) dst(%dma_wait3A_256 : memref<16x128xf32, #tpu.memory_space<hbm>>)
    %rem3A_259 = arith.constant 7 : i32
    %rem3A_260 = arith.constant 7 : i32
    %rem3A_261 = arith.remsi %rem3A_259, %rem3A_260 : i32
    %mul3A_262 = arith.constant 128 : i32
    %mul3A_263 = arith.muli %rem3A_261, %mul3A_262 : i32
    %rem3A_264 = arith.constant 7 : i32
    %rem3A_265 = arith.constant 7 : i32
    %rem3A_266 = arith.remsi %rem3A_264, %rem3A_265 : i32
    %dma_start3A_267 = arith.constant 4 : i32
    %dma_start3A_268 = arith.constant 0 : i32
    %dma_start3A_269 = tpu.memref_slice %arg10[%mul3A_263, %dma_start3A_268] : memref<896x128xf32, #tpu.memory_space<vmem>> -> memref<128x128xf32, #tpu.memory_space<vmem>>
    %dma_start3A_270 = arith.constant 0 : i32
    %dma_start3A_271 = tpu.memref_slice %arg9[%dma_start3A_267, %dma_start3A_270] : memref<13x128xi32, #tpu.memory_space<vmem>> -> memref<1x128xi32, #tpu.memory_space<vmem>>
    %dma_start3A_272 = tpu.memref_squeeze %dma_start3A_271 : memref<1x128xi32, #tpu.memory_space<vmem>> -> memref<128xi32, #tpu.memory_space<vmem>>
    %dma_start3A_273 = arith.constant 0 : i32
    %dma_start3A_274 = arith.constant 0 : i32
    %dma_start3A_275 = tpu.memref_slice %arg5[%dma_start3A_273, %dma_start3A_274] : memref<100000x128xf32, #tpu.memory_space<hbm>> -> memref<100000x128xf32, #tpu.memory_space<hbm>>
    %dma_start3A_276 = tpu.memref_slice %arg11[%rem3A_266] : memref<7x!tpu.dma_semaphore, #tpu.memory_space<semaphore_mem>> -> memref<1x!tpu.dma_semaphore, #tpu.memory_space<semaphore_mem>>
    %dma_start3A_277 = tpu.memref_squeeze %dma_start3A_276 : memref<1x!tpu.dma_semaphore, #tpu.memory_space<semaphore_mem>> -> memref<!tpu.dma_semaphore, #tpu.memory_space<semaphore_mem>>
    tpu.enqueue_indirect_dma source(%dma_start3A_275 : memref<100000x128xf32, #tpu.memory_space<hbm>>) target(%dma_start3A_269 : memref<128x128xf32, #tpu.memory_space<vmem>>) offsets(%dma_start3A_272 : memref<128xi32, #tpu.memory_space<vmem>>) semaphore(%dma_start3A_277 : memref<!tpu.dma_semaphore, #tpu.memory_space<semaphore_mem>>)
    %rem3A_278 = arith.constant 1 : i32
    %rem3A_279 = arith.constant 7 : i32
    %rem3A_280 = arith.remsi %rem3A_278, %rem3A_279 : i32
    %mul3A_281 = arith.constant 128 : i32
    %mul3A_282 = arith.muli %rem3A_280, %mul3A_281 : i32
    %rem3A_283 = arith.constant 1 : i32
    %rem3A_284 = arith.constant 7 : i32
    %rem3A_285 = arith.remsi %rem3A_283, %rem3A_284 : i32
    %dma_wait3A_286 = arith.constant 0 : i32
    %dma_wait3A_287 = tpu.memref_slice %arg10[%mul3A_282, %dma_wait3A_286] : memref<896x128xf32, #tpu.memory_space<vmem>> -> memref<16x128xf32, #tpu.memory_space<vmem>>
    %dma_wait3A_288 = arith.constant 0 : i32
    %dma_wait3A_289 = tpu.memref_slice %arg7[%mul3A_4, %dma_wait3A_288] : memref<51200x128xf32, #tpu.memory_space<hbm>> -> memref<16x128xf32, #tpu.memory_space<hbm>>
    %dma_wait3A_290 = tpu.memref_slice %arg12[%rem3A_285] : memref<7x!tpu.dma_semaphore, #tpu.memory_space<semaphore_mem>> -> memref<1x!tpu.dma_semaphore, #tpu.memory_space<semaphore_mem>>
    %dma_wait3A_291 = tpu.memref_squeeze %dma_wait3A_290 : memref<1x!tpu.dma_semaphore, #tpu.memory_space<semaphore_mem>> -> memref<!tpu.dma_semaphore, #tpu.memory_space<semaphore_mem>>
    %dma_wait3A_292 = arith.constant 0 : i32
    %dma_wait3A_293 = tpu.memref_slice %arg7[%mul3A_4, %dma_wait3A_292] : memref<51200x128xf32, #tpu.memory_space<hbm>> -> memref<16x128xf32, #tpu.memory_space<hbm>>
    %dma_wait3A_294 = arith.constant 0 : i32
    %dma_wait3A_295 = tpu.memref_slice %arg10[%mul3A_282, %dma_wait3A_294] : memref<896x128xf32, #tpu.memory_space<vmem>> -> memref<16x128xf32, #tpu.memory_space<vmem>>
    tpu.wait_dma2 semaphore(%dma_wait3A_291 : memref<!tpu.dma_semaphore, #tpu.memory_space<semaphore_mem>>) src(%dma_wait3A_295 : memref<16x128xf32, #tpu.memory_space<vmem>>) dst(%dma_wait3A_293 : memref<16x128xf32, #tpu.memory_space<hbm>>)
    %rem3A_296 = arith.constant 8 : i32
    %rem3A_297 = arith.constant 7 : i32
    %rem3A_298 = arith.remsi %rem3A_296, %rem3A_297 : i32
    %mul3A_299 = arith.constant 128 : i32
    %mul3A_300 = arith.muli %rem3A_298, %mul3A_299 : i32
    %rem3A_301 = arith.constant 8 : i32
    %rem3A_302 = arith.constant 7 : i32
    %rem3A_303 = arith.remsi %rem3A_301, %rem3A_302 : i32
    %dma_start3A_304 = arith.constant 5 : i32
    %dma_start3A_305 = arith.constant 0 : i32
    %dma_start3A_306 = tpu.memref_slice %arg10[%mul3A_300, %dma_start3A_305] : memref<896x128xf32, #tpu.memory_space<vmem>> -> memref<128x128xf32, #tpu.memory_space<vmem>>
    %dma_start3A_307 = arith.constant 0 : i32
    %dma_start3A_308 = tpu.memref_slice %arg9[%dma_start3A_304, %dma_start3A_307] : memref<13x128xi32, #tpu.memory_space<vmem>> -> memref<1x128xi32, #tpu.memory_space<vmem>>
    %dma_start3A_309 = tpu.memref_squeeze %dma_start3A_308 : memref<1x128xi32, #tpu.memory_space<vmem>> -> memref<128xi32, #tpu.memory_space<vmem>>
    %dma_start3A_310 = arith.constant 0 : i32
    %dma_start3A_311 = arith.constant 0 : i32
    %dma_start3A_312 = tpu.memref_slice %arg5[%dma_start3A_310, %dma_start3A_311] : memref<100000x128xf32, #tpu.memory_space<hbm>> -> memref<100000x128xf32, #tpu.memory_space<hbm>>
    %dma_start3A_313 = tpu.memref_slice %arg11[%rem3A_303] : memref<7x!tpu.dma_semaphore, #tpu.memory_space<semaphore_mem>> -> memref<1x!tpu.dma_semaphore, #tpu.memory_space<semaphore_mem>>
    %dma_start3A_314 = tpu.memref_squeeze %dma_start3A_313 : memref<1x!tpu.dma_semaphore, #tpu.memory_space<semaphore_mem>> -> memref<!tpu.dma_semaphore, #tpu.memory_space<semaphore_mem>>
    tpu.enqueue_indirect_dma source(%dma_start3A_312 : memref<100000x128xf32, #tpu.memory_space<hbm>>) target(%dma_start3A_306 : memref<128x128xf32, #tpu.memory_space<vmem>>) offsets(%dma_start3A_309 : memref<128xi32, #tpu.memory_space<vmem>>) semaphore(%dma_start3A_314 : memref<!tpu.dma_semaphore, #tpu.memory_space<semaphore_mem>>)
    %rem3A_315 = arith.constant 2 : i32
    %rem3A_316 = arith.constant 7 : i32
    %rem3A_317 = arith.remsi %rem3A_315, %rem3A_316 : i32
    %mul3A_318 = arith.constant 128 : i32
    %mul3A_319 = arith.muli %rem3A_317, %mul3A_318 : i32
    %rem3A_320 = arith.constant 2 : i32
    %rem3A_321 = arith.constant 7 : i32
    %rem3A_322 = arith.remsi %rem3A_320, %rem3A_321 : i32
    %dma_wait3A_323 = arith.constant 0 : i32
    %dma_wait3A_324 = tpu.memref_slice %arg10[%mul3A_319, %dma_wait3A_323] : memref<896x128xf32, #tpu.memory_space<vmem>> -> memref<128x128xf32, #tpu.memory_space<vmem>>
    %dma_wait3A_325 = arith.constant 0 : i32
    %dma_wait3A_326 = tpu.memref_slice %arg7[%mul3A_4, %dma_wait3A_325] : memref<51200x128xf32, #tpu.memory_space<hbm>> -> memref<128x128xf32, #tpu.memory_space<hbm>>
    %dma_wait3A_327 = tpu.memref_slice %arg12[%rem3A_322] : memref<7x!tpu.dma_semaphore, #tpu.memory_space<semaphore_mem>> -> memref<1x!tpu.dma_semaphore, #tpu.memory_space<semaphore_mem>>
    %dma_wait3A_328 = tpu.memref_squeeze %dma_wait3A_327 : memref<1x!tpu.dma_semaphore, #tpu.memory_space<semaphore_mem>> -> memref<!tpu.dma_semaphore, #tpu.memory_space<semaphore_mem>>
    %dma_wait3A_329 = arith.constant 0 : i32
    %dma_wait3A_330 = tpu.memref_slice %arg7[%mul3A_4, %dma_wait3A_329] : memref<51200x128xf32, #tpu.memory_space<hbm>> -> memref<128x128xf32, #tpu.memory_space<hbm>>
    %dma_wait3A_331 = arith.constant 0 : i32
    %dma_wait3A_332 = tpu.memref_slice %arg10[%mul3A_319, %dma_wait3A_331] : memref<896x128xf32, #tpu.memory_space<vmem>> -> memref<128x128xf32, #tpu.memory_space<vmem>>
    tpu.wait_dma2 semaphore(%dma_wait3A_328 : memref<!tpu.dma_semaphore, #tpu.memory_space<semaphore_mem>>) src(%dma_wait3A_332 : memref<128x128xf32, #tpu.memory_space<vmem>>) dst(%dma_wait3A_330 : memref<128x128xf32, #tpu.memory_space<hbm>>)
    %rem3A_333 = arith.constant 9 : i32
    %rem3A_334 = arith.constant 7 : i32
    %rem3A_335 = arith.remsi %rem3A_333, %rem3A_334 : i32
    %mul3A_336 = arith.constant 128 : i32
    %mul3A_337 = arith.muli %rem3A_335, %mul3A_336 : i32
    %rem3A_338 = arith.constant 9 : i32
    %rem3A_339 = arith.constant 7 : i32
    %rem3A_340 = arith.remsi %rem3A_338, %rem3A_339 : i32
    %dma_start3A_341 = arith.constant 6 : i32
    %dma_start3A_342 = arith.constant 0 : i32
    %dma_start3A_343 = tpu.memref_slice %arg10[%mul3A_337, %dma_start3A_342] : memref<896x128xf32, #tpu.memory_space<vmem>> -> memref<128x128xf32, #tpu.memory_space<vmem>>
    %dma_start3A_344 = arith.constant 0 : i32
    %dma_start3A_345 = tpu.memref_slice %arg9[%dma_start3A_341, %dma_start3A_344] : memref<13x128xi32, #tpu.memory_space<vmem>> -> memref<1x128xi32, #tpu.memory_space<vmem>>
    %dma_start3A_346 = tpu.memref_squeeze %dma_start3A_345 : memref<1x128xi32, #tpu.memory_space<vmem>> -> memref<128xi32, #tpu.memory_space<vmem>>
    %dma_start3A_347 = arith.constant 0 : i32
    %dma_start3A_348 = arith.constant 0 : i32
    %dma_start3A_349 = tpu.memref_slice %arg5[%dma_start3A_347, %dma_start3A_348] : memref<100000x128xf32, #tpu.memory_space<hbm>> -> memref<100000x128xf32, #tpu.memory_space<hbm>>
    %dma_start3A_350 = tpu.memref_slice %arg11[%rem3A_340] : memref<7x!tpu.dma_semaphore, #tpu.memory_space<semaphore_mem>> -> memref<1x!tpu.dma_semaphore, #tpu.memory_space<semaphore_mem>>
    %dma_start3A_351 = tpu.memref_squeeze %dma_start3A_350 : memref<1x!tpu.dma_semaphore, #tpu.memory_space<semaphore_mem>> -> memref<!tpu.dma_semaphore, #tpu.memory_space<semaphore_mem>>
    tpu.enqueue_indirect_dma source(%dma_start3A_349 : memref<100000x128xf32, #tpu.memory_space<hbm>>) target(%dma_start3A_343 : memref<128x128xf32, #tpu.memory_space<vmem>>) offsets(%dma_start3A_346 : memref<128xi32, #tpu.memory_space<vmem>>) semaphore(%dma_start3A_351 : memref<!tpu.dma_semaphore, #tpu.memory_space<semaphore_mem>>)
    %rem3A_352 = arith.constant 3 : i32
    %rem3A_353 = arith.constant 7 : i32
    %rem3A_354 = arith.remsi %rem3A_352, %rem3A_353 : i32
    %mul3A_355 = arith.constant 128 : i32
    %mul3A_356 = arith.muli %rem3A_354, %mul3A_355 : i32
    %rem3A_357 = arith.constant 3 : i32
    %rem3A_358 = arith.constant 7 : i32
    %rem3A_359 = arith.remsi %rem3A_357, %rem3A_358 : i32
    %dma_wait3A_360 = arith.constant 0 : i32
    %dma_wait3A_361 = tpu.memref_slice %arg10[%mul3A_356, %dma_wait3A_360] : memref<896x128xf32, #tpu.memory_space<vmem>> -> memref<64x128xf32, #tpu.memory_space<vmem>>
    %dma_wait3A_362 = arith.constant 0 : i32
    %dma_wait3A_363 = tpu.memref_slice %arg7[%mul3A_4, %dma_wait3A_362] : memref<51200x128xf32, #tpu.memory_space<hbm>> -> memref<64x128xf32, #tpu.memory_space<hbm>>
    %dma_wait3A_364 = tpu.memref_slice %arg11[%rem3A_359] : memref<7x!tpu.dma_semaphore, #tpu.memory_space<semaphore_mem>> -> memref<1x!tpu.dma_semaphore, #tpu.memory_space<semaphore_mem>>
    %dma_wait3A_365 = tpu.memref_squeeze %dma_wait3A_364 : memref<1x!tpu.dma_semaphore, #tpu.memory_space<semaphore_mem>> -> memref<!tpu.dma_semaphore, #tpu.memory_space<semaphore_mem>>
    %dma_wait3A_366 = arith.constant 0 : i32
    %dma_wait3A_367 = tpu.memref_slice %arg10[%mul3A_356, %dma_wait3A_366] : memref<896x128xf32, #tpu.memory_space<vmem>> -> memref<64x128xf32, #tpu.memory_space<vmem>>
    %dma_wait3A_368 = arith.constant 0 : i32
    %dma_wait3A_369 = tpu.memref_slice %arg7[%mul3A_4, %dma_wait3A_368] : memref<51200x128xf32, #tpu.memory_space<hbm>> -> memref<64x128xf32, #tpu.memory_space<hbm>>
    tpu.wait_dma2 semaphore(%dma_wait3A_365 : memref<!tpu.dma_semaphore, #tpu.memory_space<semaphore_mem>>) src(%dma_wait3A_369 : memref<64x128xf32, #tpu.memory_space<hbm>>) dst(%dma_wait3A_367 : memref<64x128xf32, #tpu.memory_space<vmem>>)
    %rem3A_370 = arith.constant 3 : i32
    %rem3A_371 = arith.constant 7 : i32
    %rem3A_372 = arith.remsi %rem3A_370, %rem3A_371 : i32
    %mul3A_373 = arith.constant 128 : i32
    %mul3A_374 = arith.muli %rem3A_372, %mul3A_373 : i32
    %rem3A_375 = arith.constant 3 : i32
    %rem3A_376 = arith.constant 7 : i32
    %rem3A_377 = arith.remsi %rem3A_375, %rem3A_376 : i32
    %dma_start3A_378 = arith.constant 0 : i32
    %dma_start3A_379 = tpu.memref_slice %arg10[%mul3A_374, %dma_start3A_378] : memref<896x128xf32, #tpu.memory_space<vmem>> -> memref<64x128xf32, #tpu.memory_space<vmem>>
    %dma_start3A_380 = arith.constant 0 : i32
    %dma_start3A_381 = tpu.memref_slice %arg7[%mul3A_4, %dma_start3A_380] : memref<51200x128xf32, #tpu.memory_space<hbm>> -> memref<64x128xf32, #tpu.memory_space<hbm>>
    %dma_start3A_382 = tpu.memref_slice %arg12[%rem3A_377] : memref<7x!tpu.dma_semaphore, #tpu.memory_space<semaphore_mem>> -> memref<1x!tpu.dma_semaphore, #tpu.memory_space<semaphore_mem>>
    %dma_start3A_383 = tpu.memref_squeeze %dma_start3A_382 : memref<1x!tpu.dma_semaphore, #tpu.memory_space<semaphore_mem>> -> memref<!tpu.dma_semaphore, #tpu.memory_space<semaphore_mem>>
    %dma_start3A_384 = arith.constant 0 : i32
    %dma_start3A_385 = tpu.memref_slice %arg7[%mul3A_4, %dma_start3A_384] : memref<51200x128xf32, #tpu.memory_space<hbm>> -> memref<64x128xf32, #tpu.memory_space<hbm>>
    %dma_start3A_386 = arith.constant 0 : i32
    %dma_start3A_387 = tpu.memref_slice %arg10[%mul3A_374, %dma_start3A_386] : memref<896x128xf32, #tpu.memory_space<vmem>> -> memref<64x128xf32, #tpu.memory_space<vmem>>
    tpu.enqueue_dma source(%dma_start3A_387 : memref<64x128xf32, #tpu.memory_space<vmem>>) target(%dma_start3A_385 : memref<64x128xf32, #tpu.memory_space<hbm>>) target_semaphore(%dma_start3A_383 : memref<!tpu.dma_semaphore, #tpu.memory_space<semaphore_mem>>)
    %rem3A_388 = arith.constant 3 : i32
    %rem3A_389 = arith.constant 7 : i32
    %rem3A_390 = arith.remsi %rem3A_388, %rem3A_389 : i32
    %mul3A_391 = arith.constant 128 : i32
    %mul3A_392 = arith.muli %rem3A_390, %mul3A_391 : i32
    %rem3A_393 = arith.constant 3 : i32
    %rem3A_394 = arith.constant 7 : i32
    %rem3A_395 = arith.remsi %rem3A_393, %rem3A_394 : i32
    %dma_wait3A_396 = arith.constant 0 : i32
    %dma_wait3A_397 = tpu.memref_slice %arg10[%mul3A_392, %dma_wait3A_396] : memref<896x128xf32, #tpu.memory_space<vmem>> -> memref<64x128xf32, #tpu.memory_space<vmem>>
    %dma_wait3A_398 = arith.constant 0 : i32
    %dma_wait3A_399 = tpu.memref_slice %arg7[%mul3A_4, %dma_wait3A_398] : memref<51200x128xf32, #tpu.memory_space<hbm>> -> memref<64x128xf32, #tpu.memory_space<hbm>>
    %dma_wait3A_400 = tpu.memref_slice %arg12[%rem3A_395] : memref<7x!tpu.dma_semaphore, #tpu.memory_space<semaphore_mem>> -> memref<1x!tpu.dma_semaphore, #tpu.memory_space<semaphore_mem>>
    %dma_wait3A_401 = tpu.memref_squeeze %dma_wait3A_400 : memref<1x!tpu.dma_semaphore, #tpu.memory_space<semaphore_mem>> -> memref<!tpu.dma_semaphore, #tpu.memory_space<semaphore_mem>>
    %dma_wait3A_402 = arith.constant 0 : i32
    %dma_wait3A_403 = tpu.memref_slice %arg7[%mul3A_4, %dma_wait3A_402] : memref<51200x128xf32, #tpu.memory_space<hbm>> -> memref<64x128xf32, #tpu.memory_space<hbm>>
    %dma_wait3A_404 = arith.constant 0 : i32
    %dma_wait3A_405 = tpu.memref_slice %arg10[%mul3A_392, %dma_wait3A_404] : memref<896x128xf32, #tpu.memory_space<vmem>> -> memref<64x128xf32, #tpu.memory_space<vmem>>
    tpu.wait_dma2 semaphore(%dma_wait3A_401 : memref<!tpu.dma_semaphore, #tpu.memory_space<semaphore_mem>>) src(%dma_wait3A_405 : memref<64x128xf32, #tpu.memory_space<vmem>>) dst(%dma_wait3A_403 : memref<64x128xf32, #tpu.memory_space<hbm>>)
    %rem3A_406 = arith.constant 10 : i32
    %rem3A_407 = arith.constant 7 : i32
    %rem3A_408 = arith.remsi %rem3A_406, %rem3A_407 : i32
    %mul3A_409 = arith.constant 128 : i32
    %mul3A_410 = arith.muli %rem3A_408, %mul3A_409 : i32
    %rem3A_411 = arith.constant 10 : i32
    %rem3A_412 = arith.constant 7 : i32
    %rem3A_413 = arith.remsi %rem3A_411, %rem3A_412 : i32
    %dma_start3A_414 = arith.constant 7 : i32
    %dma_start3A_415 = arith.constant 0 : i32
    %dma_start3A_416 = tpu.memref_slice %arg10[%mul3A_410, %dma_start3A_415] : memref<896x128xf32, #tpu.memory_space<vmem>> -> memref<128x128xf32, #tpu.memory_space<vmem>>
    %dma_start3A_417 = arith.constant 0 : i32
    %dma_start3A_418 = tpu.memref_slice %arg9[%dma_start3A_414, %dma_start3A_417] : memref<13x128xi32, #tpu.memory_space<vmem>> -> memref<1x128xi32, #tpu.memory_space<vmem>>
    %dma_start3A_419 = tpu.memref_squeeze %dma_start3A_418 : memref<1x128xi32, #tpu.memory_space<vmem>> -> memref<128xi32, #tpu.memory_space<vmem>>
    %dma_start3A_420 = arith.constant 0 : i32
    %dma_start3A_421 = arith.constant 0 : i32
    %dma_start3A_422 = tpu.memref_slice %arg5[%dma_start3A_420, %dma_start3A_421] : memref<100000x128xf32, #tpu.memory_space<hbm>> -> memref<100000x128xf32, #tpu.memory_space<hbm>>
    %dma_start3A_423 = tpu.memref_slice %arg11[%rem3A_413] : memref<7x!tpu.dma_semaphore, #tpu.memory_space<semaphore_mem>> -> memref<1x!tpu.dma_semaphore, #tpu.memory_space<semaphore_mem>>
    %dma_start3A_424 = tpu.memref_squeeze %dma_start3A_423 : memref<1x!tpu.dma_semaphore, #tpu.memory_space<semaphore_mem>> -> memref<!tpu.dma_semaphore, #tpu.memory_space<semaphore_mem>>
    tpu.enqueue_indirect_dma source(%dma_start3A_422 : memref<100000x128xf32, #tpu.memory_space<hbm>>) target(%dma_start3A_416 : memref<128x128xf32, #tpu.memory_space<vmem>>) offsets(%dma_start3A_419 : memref<128xi32, #tpu.memory_space<vmem>>) semaphore(%dma_start3A_424 : memref<!tpu.dma_semaphore, #tpu.memory_space<semaphore_mem>>)
    %rem3A_425 = arith.constant 4 : i32
    %rem3A_426 = arith.constant 7 : i32
    %rem3A_427 = arith.remsi %rem3A_425, %rem3A_426 : i32
    %mul3A_428 = arith.constant 128 : i32
    %mul3A_429 = arith.muli %rem3A_427, %mul3A_428 : i32
    %rem3A_430 = arith.constant 4 : i32
    %rem3A_431 = arith.constant 7 : i32
    %rem3A_432 = arith.remsi %rem3A_430, %rem3A_431 : i32
    %dma_wait3A_433 = arith.constant 0 : i32
    %dma_wait3A_434 = tpu.memref_slice %arg10[%mul3A_429, %dma_wait3A_433] : memref<896x128xf32, #tpu.memory_space<vmem>> -> memref<128x128xf32, #tpu.memory_space<vmem>>
    %dma_wait3A_435 = arith.constant 0 : i32
    %dma_wait3A_436 = tpu.memref_slice %arg7[%mul3A_4, %dma_wait3A_435] : memref<51200x128xf32, #tpu.memory_space<hbm>> -> memref<128x128xf32, #tpu.memory_space<hbm>>
    %dma_wait3A_437 = tpu.memref_slice %arg11[%rem3A_432] : memref<7x!tpu.dma_semaphore, #tpu.memory_space<semaphore_mem>> -> memref<1x!tpu.dma_semaphore, #tpu.memory_space<semaphore_mem>>
    %dma_wait3A_438 = tpu.memref_squeeze %dma_wait3A_437 : memref<1x!tpu.dma_semaphore, #tpu.memory_space<semaphore_mem>> -> memref<!tpu.dma_semaphore, #tpu.memory_space<semaphore_mem>>
    %dma_wait3A_439 = arith.constant 0 : i32
    %dma_wait3A_440 = tpu.memref_slice %arg10[%mul3A_429, %dma_wait3A_439] : memref<896x128xf32, #tpu.memory_space<vmem>> -> memref<128x128xf32, #tpu.memory_space<vmem>>
    %dma_wait3A_441 = arith.constant 0 : i32
    %dma_wait3A_442 = tpu.memref_slice %arg7[%mul3A_4, %dma_wait3A_441] : memref<51200x128xf32, #tpu.memory_space<hbm>> -> memref<128x128xf32, #tpu.memory_space<hbm>>
    tpu.wait_dma2 semaphore(%dma_wait3A_438 : memref<!tpu.dma_semaphore, #tpu.memory_space<semaphore_mem>>) src(%dma_wait3A_442 : memref<128x128xf32, #tpu.memory_space<hbm>>) dst(%dma_wait3A_440 : memref<128x128xf32, #tpu.memory_space<vmem>>)
    %add3A_443 = arith.constant 64 : i32
    %add3A_444 = arith.addi %mul3A_4, %add3A_443 : i32
    %add3A_445 = arith.constant 0 : i32
    %add3A_446 = arith.addi %add3A_444, %add3A_445 : i32
    %rem3A_447 = arith.constant 4 : i32
    %rem3A_448 = arith.constant 7 : i32
    %rem3A_449 = arith.remsi %rem3A_447, %rem3A_448 : i32
    %mul3A_450 = arith.constant 128 : i32
    %mul3A_451 = arith.muli %rem3A_449, %mul3A_450 : i32
    %rem3A_452 = arith.constant 4 : i32
    %rem3A_453 = arith.constant 7 : i32
    %rem3A_454 = arith.remsi %rem3A_452, %rem3A_453 : i32
    %dma_start3A_455 = arith.constant 0 : i32
    %dma_start3A_456 = tpu.memref_slice %arg10[%mul3A_451, %dma_start3A_455] : memref<896x128xf32, #tpu.memory_space<vmem>> -> memref<128x128xf32, #tpu.memory_space<vmem>>
    %dma_start3A_457 = arith.constant 0 : i32
    %dma_start3A_458 = tpu.memref_slice %arg7[%add3A_446, %dma_start3A_457] : memref<51200x128xf32, #tpu.memory_space<hbm>> -> memref<128x128xf32, #tpu.memory_space<hbm>>
    %dma_start3A_459 = tpu.memref_slice %arg12[%rem3A_454] : memref<7x!tpu.dma_semaphore, #tpu.memory_space<semaphore_mem>> -> memref<1x!tpu.dma_semaphore, #tpu.memory_space<semaphore_mem>>
    %dma_start3A_460 = tpu.memref_squeeze %dma_start3A_459 : memref<1x!tpu.dma_semaphore, #tpu.memory_space<semaphore_mem>> -> memref<!tpu.dma_semaphore, #tpu.memory_space<semaphore_mem>>
    %dma_start3A_461 = arith.constant 0 : i32
    %dma_start3A_462 = tpu.memref_slice %arg7[%add3A_446, %dma_start3A_461] : memref<51200x128xf32, #tpu.memory_space<hbm>> -> memref<128x128xf32, #tpu.memory_space<hbm>>
    %dma_start3A_463 = arith.constant 0 : i32
    %dma_start3A_464 = tpu.memref_slice %arg10[%mul3A_451, %dma_start3A_463] : memref<896x128xf32, #tpu.memory_space<vmem>> -> memref<128x128xf32, #tpu.memory_space<vmem>>
    tpu.enqueue_dma source(%dma_start3A_464 : memref<128x128xf32, #tpu.memory_space<vmem>>) target(%dma_start3A_462 : memref<128x128xf32, #tpu.memory_space<hbm>>) target_semaphore(%dma_start3A_460 : memref<!tpu.dma_semaphore, #tpu.memory_space<semaphore_mem>>)
    %scan3A = arith.constant 0 : i32
    %scan3A_465 = arith.constant 5 : i32
    %scan3A_466 = arith.addi %scan3A, %scan3A_465 : i32
    %scan3A_467 = arith.constant 1 : i32
    scf.for %scan3A_835 = %scan3A to %scan3A_466 step %scan3A_467  : i32 {
      %mul3A_836 = arith.constant 1 : i32
      %mul3A_837 = arith.muli %scan3A_835, %mul3A_836 : i32
      %add3A_838 = arith.constant 5 : i32
      %add3A_839 = arith.addi %add3A_838, %mul3A_837 : i32
      %sub3A = arith.constant 1 : i32
      %sub3A_840 = arith.subi %add3A_839, %sub3A : i32
      %rem3A_841 = arith.constant 7 : i32
      %rem3A_842 = arith.remsi %sub3A_840, %rem3A_841 : i32
      %mul3A_843 = arith.constant 128 : i32
      %mul3A_844 = arith.muli %rem3A_842, %mul3A_843 : i32
      %rem3A_845 = arith.constant 7 : i32
      %rem3A_846 = arith.remsi %sub3A_840, %rem3A_845 : i32
      %dma_wait3A_847 = arith.constant 0 : i32
      %dma_wait3A_848 = tpu.memref_slice %arg10[%mul3A_844, %dma_wait3A_847] : memref<896x128xf32, #tpu.memory_space<vmem>> -> memref<128x128xf32, #tpu.memory_space<vmem>>
      %dma_wait3A_849 = arith.constant 0 : i32
      %dma_wait3A_850 = tpu.memref_slice %arg7[%mul3A_4, %dma_wait3A_849] : memref<51200x128xf32, #tpu.memory_space<hbm>> -> memref<128x128xf32, #tpu.memory_space<hbm>>
      %dma_wait3A_851 = tpu.memref_slice %arg12[%rem3A_846] : memref<7x!tpu.dma_semaphore, #tpu.memory_space<semaphore_mem>> -> memref<1x!tpu.dma_semaphore, #tpu.memory_space<semaphore_mem>>
      %dma_wait3A_852 = tpu.memref_squeeze %dma_wait3A_851 : memref<1x!tpu.dma_semaphore, #tpu.memory_space<semaphore_mem>> -> memref<!tpu.dma_semaphore, #tpu.memory_space<semaphore_mem>>
      %dma_wait3A_853 = arith.constant 0 : i32
      %dma_wait3A_854 = tpu.memref_slice %arg7[%mul3A_4, %dma_wait3A_853] : memref<51200x128xf32, #tpu.memory_space<hbm>> -> memref<128x128xf32, #tpu.memory_space<hbm>>
      %dma_wait3A_855 = arith.constant 0 : i32
      %dma_wait3A_856 = tpu.memref_slice %arg10[%mul3A_844, %dma_wait3A_855] : memref<896x128xf32, #tpu.memory_space<vmem>> -> memref<128x128xf32, #tpu.memory_space<vmem>>
      tpu.wait_dma2 semaphore(%dma_wait3A_852 : memref<!tpu.dma_semaphore, #tpu.memory_space<semaphore_mem>>) src(%dma_wait3A_856 : memref<128x128xf32, #tpu.memory_space<vmem>>) dst(%dma_wait3A_854 : memref<128x128xf32, #tpu.memory_space<hbm>>)
      %add3A_857 = arith.constant 7 : i32
      %add3A_858 = arith.addi %add3A_839, %add3A_857 : i32
      %sub3A_859 = arith.constant 1 : i32
      %sub3A_860 = arith.subi %add3A_858, %sub3A_859 : i32
      %sub3A_861 = arith.constant 3 : i32
      %sub3A_862 = arith.subi %sub3A_860, %sub3A_861 : i32
      %rem3A_863 = arith.constant 7 : i32
      %rem3A_864 = arith.remsi %sub3A_860, %rem3A_863 : i32
      %mul3A_865 = arith.constant 128 : i32
      %mul3A_866 = arith.muli %rem3A_864, %mul3A_865 : i32
      %rem3A_867 = arith.constant 7 : i32
      %rem3A_868 = arith.remsi %sub3A_860, %rem3A_867 : i32
      %dma_start3A_869 = arith.constant 0 : i32
      %dma_start3A_870 = tpu.memref_slice %arg10[%mul3A_866, %dma_start3A_869] : memref<896x128xf32, #tpu.memory_space<vmem>> -> memref<128x128xf32, #tpu.memory_space<vmem>>
      %dma_start3A_871 = arith.constant 0 : i32
      %dma_start3A_872 = tpu.memref_slice %arg9[%sub3A_862, %dma_start3A_871] : memref<13x128xi32, #tpu.memory_space<vmem>> -> memref<1x128xi32, #tpu.memory_space<vmem>>
      %dma_start3A_873 = tpu.memref_squeeze %dma_start3A_872 : memref<1x128xi32, #tpu.memory_space<vmem>> -> memref<128xi32, #tpu.memory_space<vmem>>
      %dma_start3A_874 = arith.constant 0 : i32
      %dma_start3A_875 = arith.constant 0 : i32
      %dma_start3A_876 = tpu.memref_slice %arg5[%dma_start3A_874, %dma_start3A_875] : memref<100000x128xf32, #tpu.memory_space<hbm>> -> memref<100000x128xf32, #tpu.memory_space<hbm>>
      %dma_start3A_877 = tpu.memref_slice %arg11[%rem3A_868] : memref<7x!tpu.dma_semaphore, #tpu.memory_space<semaphore_mem>> -> memref<1x!tpu.dma_semaphore, #tpu.memory_space<semaphore_mem>>
      %dma_start3A_878 = tpu.memref_squeeze %dma_start3A_877 : memref<1x!tpu.dma_semaphore, #tpu.memory_space<semaphore_mem>> -> memref<!tpu.dma_semaphore, #tpu.memory_space<semaphore_mem>>
      tpu.enqueue_indirect_dma source(%dma_start3A_876 : memref<100000x128xf32, #tpu.memory_space<hbm>>) target(%dma_start3A_870 : memref<128x128xf32, #tpu.memory_space<vmem>>) offsets(%dma_start3A_873 : memref<128xi32, #tpu.memory_space<vmem>>) semaphore(%dma_start3A_878 : memref<!tpu.dma_semaphore, #tpu.memory_space<semaphore_mem>>)
      %rem3A_879 = arith.constant 7 : i32
      %rem3A_880 = arith.remsi %add3A_839, %rem3A_879 : i32
      %mul3A_881 = arith.constant 128 : i32
      %mul3A_882 = arith.muli %rem3A_880, %mul3A_881 : i32
      %rem3A_883 = arith.constant 7 : i32
      %rem3A_884 = arith.remsi %add3A_839, %rem3A_883 : i32
      %dma_wait3A_885 = arith.constant 0 : i32
      %dma_wait3A_886 = tpu.memref_slice %arg10[%mul3A_882, %dma_wait3A_885] : memref<896x128xf32, #tpu.memory_space<vmem>> -> memref<128x128xf32, #tpu.memory_space<vmem>>
      %dma_wait3A_887 = arith.constant 0 : i32
      %dma_wait3A_888 = tpu.memref_slice %arg7[%mul3A_4, %dma_wait3A_887] : memref<51200x128xf32, #tpu.memory_space<hbm>> -> memref<128x128xf32, #tpu.memory_space<hbm>>
      %dma_wait3A_889 = tpu.memref_slice %arg11[%rem3A_884] : memref<7x!tpu.dma_semaphore, #tpu.memory_space<semaphore_mem>> -> memref<1x!tpu.dma_semaphore, #tpu.memory_space<semaphore_mem>>
      %dma_wait3A_890 = tpu.memref_squeeze %dma_wait3A_889 : memref<1x!tpu.dma_semaphore, #tpu.memory_space<semaphore_mem>> -> memref<!tpu.dma_semaphore, #tpu.memory_space<semaphore_mem>>
      %dma_wait3A_891 = arith.constant 0 : i32
      %dma_wait3A_892 = tpu.memref_slice %arg10[%mul3A_882, %dma_wait3A_891] : memref<896x128xf32, #tpu.memory_space<vmem>> -> memref<128x128xf32, #tpu.memory_space<vmem>>
      %dma_wait3A_893 = arith.constant 0 : i32
      %dma_wait3A_894 = tpu.memref_slice %arg7[%mul3A_4, %dma_wait3A_893] : memref<51200x128xf32, #tpu.memory_space<hbm>> -> memref<128x128xf32, #tpu.memory_space<hbm>>
      tpu.wait_dma2 semaphore(%dma_wait3A_890 : memref<!tpu.dma_semaphore, #tpu.memory_space<semaphore_mem>>) src(%dma_wait3A_894 : memref<128x128xf32, #tpu.memory_space<hbm>>) dst(%dma_wait3A_892 : memref<128x128xf32, #tpu.memory_space<vmem>>)
      %add3A_895 = arith.constant 64 : i32
      %add3A_896 = arith.addi %mul3A_4, %add3A_895 : i32
      %sub3A_897 = arith.constant 3 : i32
      %sub3A_898 = arith.subi %add3A_839, %sub3A_897 : i32
      %sub3A_899 = arith.constant 1 : i32
      %sub3A_900 = arith.subi %sub3A_898, %sub3A_899 : i32
      %mul3A_901 = arith.constant 128 : i32
      %mul3A_902 = arith.muli %sub3A_900, %mul3A_901 : i32
      %add3A_903 = arith.addi %add3A_896, %mul3A_902 : i32
      %rem3A_904 = arith.constant 7 : i32
      %rem3A_905 = arith.remsi %add3A_839, %rem3A_904 : i32
      %mul3A_906 = arith.constant 128 : i32
      %mul3A_907 = arith.muli %rem3A_905, %mul3A_906 : i32
      %rem3A_908 = arith.constant 7 : i32
      %rem3A_909 = arith.remsi %add3A_839, %rem3A_908 : i32
      %dma_start3A_910 = arith.constant 0 : i32
      %dma_start3A_911 = tpu.memref_slice %arg10[%mul3A_907, %dma_start3A_910] : memref<896x128xf32, #tpu.memory_space<vmem>> -> memref<128x128xf32, #tpu.memory_space<vmem>>
      %dma_start3A_912 = arith.constant 0 : i32
      %dma_start3A_913 = tpu.memref_slice %arg7[%add3A_903, %dma_start3A_912] : memref<51200x128xf32, #tpu.memory_space<hbm>> -> memref<128x128xf32, #tpu.memory_space<hbm>>
      %dma_start3A_914 = tpu.memref_slice %arg12[%rem3A_909] : memref<7x!tpu.dma_semaphore, #tpu.memory_space<semaphore_mem>> -> memref<1x!tpu.dma_semaphore, #tpu.memory_space<semaphore_mem>>
      %dma_start3A_915 = tpu.memref_squeeze %dma_start3A_914 : memref<1x!tpu.dma_semaphore, #tpu.memory_space<semaphore_mem>> -> memref<!tpu.dma_semaphore, #tpu.memory_space<semaphore_mem>>
      %dma_start3A_916 = arith.constant 0 : i32
      %dma_start3A_917 = tpu.memref_slice %arg7[%add3A_903, %dma_start3A_916] : memref<51200x128xf32, #tpu.memory_space<hbm>> -> memref<128x128xf32, #tpu.memory_space<hbm>>
      %dma_start3A_918 = arith.constant 0 : i32
      %dma_start3A_919 = tpu.memref_slice %arg10[%mul3A_907, %dma_start3A_918] : memref<896x128xf32, #tpu.memory_space<vmem>> -> memref<128x128xf32, #tpu.memory_space<vmem>>
      tpu.enqueue_dma source(%dma_start3A_919 : memref<128x128xf32, #tpu.memory_space<vmem>>) target(%dma_start3A_917 : memref<128x128xf32, #tpu.memory_space<hbm>>) target_semaphore(%dma_start3A_915 : memref<!tpu.dma_semaphore, #tpu.memory_space<semaphore_mem>>)
    }
    %scan3A_468 = arith.constant 5 : i32
    %rem3A_469 = arith.constant 9 : i32
    %rem3A_470 = arith.constant 7 : i32
    %rem3A_471 = arith.remsi %rem3A_469, %rem3A_470 : i32
    %mul3A_472 = arith.constant 128 : i32
    %mul3A_473 = arith.muli %rem3A_471, %mul3A_472 : i32
    %rem3A_474 = arith.constant 9 : i32
    %rem3A_475 = arith.constant 7 : i32
    %rem3A_476 = arith.remsi %rem3A_474, %rem3A_475 : i32
    %dma_wait3A_477 = arith.constant 0 : i32
    %dma_wait3A_478 = tpu.memref_slice %arg10[%mul3A_473, %dma_wait3A_477] : memref<896x128xf32, #tpu.memory_space<vmem>> -> memref<128x128xf32, #tpu.memory_space<vmem>>
    %dma_wait3A_479 = arith.constant 0 : i32
    %dma_wait3A_480 = tpu.memref_slice %arg7[%mul3A_4, %dma_wait3A_479] : memref<51200x128xf32, #tpu.memory_space<hbm>> -> memref<128x128xf32, #tpu.memory_space<hbm>>
    %dma_wait3A_481 = tpu.memref_slice %arg12[%rem3A_476] : memref<7x!tpu.dma_semaphore, #tpu.memory_space<semaphore_mem>> -> memref<1x!tpu.dma_semaphore, #tpu.memory_space<semaphore_mem>>
    %dma_wait3A_482 = tpu.memref_squeeze %dma_wait3A_481 : memref<1x!tpu.dma_semaphore, #tpu.memory_space<semaphore_mem>> -> memref<!tpu.dma_semaphore, #tpu.memory_space<semaphore_mem>>
    %dma_wait3A_483 = arith.constant 0 : i32
    %dma_wait3A_484 = tpu.memref_slice %arg7[%mul3A_4, %dma_wait3A_483] : memref<51200x128xf32, #tpu.memory_space<hbm>> -> memref<128x128xf32, #tpu.memory_space<hbm>>
    %dma_wait3A_485 = arith.constant 0 : i32
    %dma_wait3A_486 = tpu.memref_slice %arg10[%mul3A_473, %dma_wait3A_485] : memref<896x128xf32, #tpu.memory_space<vmem>> -> memref<128x128xf32, #tpu.memory_space<vmem>>
    tpu.wait_dma2 semaphore(%dma_wait3A_482 : memref<!tpu.dma_semaphore, #tpu.memory_space<semaphore_mem>>) src(%dma_wait3A_486 : memref<128x128xf32, #tpu.memory_space<vmem>>) dst(%dma_wait3A_484 : memref<128x128xf32, #tpu.memory_space<hbm>>)
    %rem3A_487 = arith.constant 10 : i32
    %rem3A_488 = arith.constant 7 : i32
    %rem3A_489 = arith.remsi %rem3A_487, %rem3A_488 : i32
    %mul3A_490 = arith.constant 128 : i32
    %mul3A_491 = arith.muli %rem3A_489, %mul3A_490 : i32
    %rem3A_492 = arith.constant 10 : i32
    %rem3A_493 = arith.constant 7 : i32
    %rem3A_494 = arith.remsi %rem3A_492, %rem3A_493 : i32
    %dma_wait3A_495 = arith.constant 0 : i32
    %dma_wait3A_496 = tpu.memref_slice %arg10[%mul3A_491, %dma_wait3A_495] : memref<896x128xf32, #tpu.memory_space<vmem>> -> memref<128x128xf32, #tpu.memory_space<vmem>>
    %dma_wait3A_497 = arith.constant 0 : i32
    %dma_wait3A_498 = tpu.memref_slice %arg7[%mul3A_4, %dma_wait3A_497] : memref<51200x128xf32, #tpu.memory_space<hbm>> -> memref<128x128xf32, #tpu.memory_space<hbm>>
    %dma_wait3A_499 = tpu.memref_slice %arg11[%rem3A_494] : memref<7x!tpu.dma_semaphore, #tpu.memory_space<semaphore_mem>> -> memref<1x!tpu.dma_semaphore, #tpu.memory_space<semaphore_mem>>
    %dma_wait3A_500 = tpu.memref_squeeze %dma_wait3A_499 : memref<1x!tpu.dma_semaphore, #tpu.memory_space<semaphore_mem>> -> memref<!tpu.dma_semaphore, #tpu.memory_space<semaphore_mem>>
    %dma_wait3A_501 = arith.constant 0 : i32
    %dma_wait3A_502 = tpu.memref_slice %arg10[%mul3A_491, %dma_wait3A_501] : memref<896x128xf32, #tpu.memory_space<vmem>> -> memref<128x128xf32, #tpu.memory_space<vmem>>
    %dma_wait3A_503 = arith.constant 0 : i32
    %dma_wait3A_504 = tpu.memref_slice %arg7[%mul3A_4, %dma_wait3A_503] : memref<51200x128xf32, #tpu.memory_space<hbm>> -> memref<128x128xf32, #tpu.memory_space<hbm>>
    tpu.wait_dma2 semaphore(%dma_wait3A_500 : memref<!tpu.dma_semaphore, #tpu.memory_space<semaphore_mem>>) src(%dma_wait3A_504 : memref<128x128xf32, #tpu.memory_space<hbm>>) dst(%dma_wait3A_502 : memref<128x128xf32, #tpu.memory_space<vmem>>)
    %add3A_505 = arith.constant 64 : i32
    %add3A_506 = arith.addi %mul3A_4, %add3A_505 : i32
    %add3A_507 = arith.constant 768 : i32
    %add3A_508 = arith.addi %add3A_506, %add3A_507 : i32
    %rem3A_509 = arith.constant 10 : i32
    %rem3A_510 = arith.constant 7 : i32
    %rem3A_511 = arith.remsi %rem3A_509, %rem3A_510 : i32
    %mul3A_512 = arith.constant 128 : i32
    %mul3A_513 = arith.muli %rem3A_511, %mul3A_512 : i32
    %rem3A_514 = arith.constant 10 : i32
    %rem3A_515 = arith.constant 7 : i32
    %rem3A_516 = arith.remsi %rem3A_514, %rem3A_515 : i32
    %dma_start3A_517 = arith.constant 0 : i32
    %dma_start3A_518 = tpu.memref_slice %arg10[%mul3A_513, %dma_start3A_517] : memref<896x128xf32, #tpu.memory_space<vmem>> -> memref<128x128xf32, #tpu.memory_space<vmem>>
    %dma_start3A_519 = arith.constant 0 : i32
    %dma_start3A_520 = tpu.memref_slice %arg7[%add3A_508, %dma_start3A_519] : memref<51200x128xf32, #tpu.memory_space<hbm>> -> memref<128x128xf32, #tpu.memory_space<hbm>>
    %dma_start3A_521 = tpu.memref_slice %arg12[%rem3A_516] : memref<7x!tpu.dma_semaphore, #tpu.memory_space<semaphore_mem>> -> memref<1x!tpu.dma_semaphore, #tpu.memory_space<semaphore_mem>>
    %dma_start3A_522 = tpu.memref_squeeze %dma_start3A_521 : memref<1x!tpu.dma_semaphore, #tpu.memory_space<semaphore_mem>> -> memref<!tpu.dma_semaphore, #tpu.memory_space<semaphore_mem>>
    %dma_start3A_523 = arith.constant 0 : i32
    %dma_start3A_524 = tpu.memref_slice %arg7[%add3A_508, %dma_start3A_523] : memref<51200x128xf32, #tpu.memory_space<hbm>> -> memref<128x128xf32, #tpu.memory_space<hbm>>
    %dma_start3A_525 = arith.constant 0 : i32
    %dma_start3A_526 = tpu.memref_slice %arg10[%mul3A_513, %dma_start3A_525] : memref<896x128xf32, #tpu.memory_space<vmem>> -> memref<128x128xf32, #tpu.memory_space<vmem>>
    tpu.enqueue_dma source(%dma_start3A_526 : memref<128x128xf32, #tpu.memory_space<vmem>>) target(%dma_start3A_524 : memref<128x128xf32, #tpu.memory_space<hbm>>) target_semaphore(%dma_start3A_522 : memref<!tpu.dma_semaphore, #tpu.memory_space<semaphore_mem>>)
    %rem3A_527 = arith.constant 10 : i32
    %rem3A_528 = arith.constant 7 : i32
    %rem3A_529 = arith.remsi %rem3A_527, %rem3A_528 : i32
    %mul3A_530 = arith.constant 128 : i32
    %mul3A_531 = arith.muli %rem3A_529, %mul3A_530 : i32
    %rem3A_532 = arith.constant 10 : i32
    %rem3A_533 = arith.constant 7 : i32
    %rem3A_534 = arith.remsi %rem3A_532, %rem3A_533 : i32
    %dma_wait3A_535 = arith.constant 0 : i32
    %dma_wait3A_536 = tpu.memref_slice %arg10[%mul3A_531, %dma_wait3A_535] : memref<896x128xf32, #tpu.memory_space<vmem>> -> memref<128x128xf32, #tpu.memory_space<vmem>>
    %dma_wait3A_537 = arith.constant 0 : i32
    %dma_wait3A_538 = tpu.memref_slice %arg7[%mul3A_4, %dma_wait3A_537] : memref<51200x128xf32, #tpu.memory_space<hbm>> -> memref<128x128xf32, #tpu.memory_space<hbm>>
    %dma_wait3A_539 = tpu.memref_slice %arg12[%rem3A_534] : memref<7x!tpu.dma_semaphore, #tpu.memory_space<semaphore_mem>> -> memref<1x!tpu.dma_semaphore, #tpu.memory_space<semaphore_mem>>
    %dma_wait3A_540 = tpu.memref_squeeze %dma_wait3A_539 : memref<1x!tpu.dma_semaphore, #tpu.memory_space<semaphore_mem>> -> memref<!tpu.dma_semaphore, #tpu.memory_space<semaphore_mem>>
    %dma_wait3A_541 = arith.constant 0 : i32
    %dma_wait3A_542 = tpu.memref_slice %arg7[%mul3A_4, %dma_wait3A_541] : memref<51200x128xf32, #tpu.memory_space<hbm>> -> memref<128x128xf32, #tpu.memory_space<hbm>>
    %dma_wait3A_543 = arith.constant 0 : i32
    %dma_wait3A_544 = tpu.memref_slice %arg10[%mul3A_531, %dma_wait3A_543] : memref<896x128xf32, #tpu.memory_space<vmem>> -> memref<128x128xf32, #tpu.memory_space<vmem>>
    tpu.wait_dma2 semaphore(%dma_wait3A_540 : memref<!tpu.dma_semaphore, #tpu.memory_space<semaphore_mem>>) src(%dma_wait3A_544 : memref<128x128xf32, #tpu.memory_space<vmem>>) dst(%dma_wait3A_542 : memref<128x128xf32, #tpu.memory_space<hbm>>)
    %rem3A_545 = arith.constant 11 : i32
    %rem3A_546 = arith.constant 7 : i32
    %rem3A_547 = arith.remsi %rem3A_545, %rem3A_546 : i32
    %mul3A_548 = arith.constant 128 : i32
    %mul3A_549 = arith.muli %rem3A_547, %mul3A_548 : i32
    %rem3A_550 = arith.constant 11 : i32
    %rem3A_551 = arith.constant 7 : i32
    %rem3A_552 = arith.remsi %rem3A_550, %rem3A_551 : i32
    %dma_wait3A_553 = arith.constant 0 : i32
    %dma_wait3A_554 = tpu.memref_slice %arg10[%mul3A_549, %dma_wait3A_553] : memref<896x128xf32, #tpu.memory_space<vmem>> -> memref<128x128xf32, #tpu.memory_space<vmem>>
    %dma_wait3A_555 = arith.constant 0 : i32
    %dma_wait3A_556 = tpu.memref_slice %arg7[%mul3A_4, %dma_wait3A_555] : memref<51200x128xf32, #tpu.memory_space<hbm>> -> memref<128x128xf32, #tpu.memory_space<hbm>>
    %dma_wait3A_557 = tpu.memref_slice %arg11[%rem3A_552] : memref<7x!tpu.dma_semaphore, #tpu.memory_space<semaphore_mem>> -> memref<1x!tpu.dma_semaphore, #tpu.memory_space<semaphore_mem>>
    %dma_wait3A_558 = tpu.memref_squeeze %dma_wait3A_557 : memref<1x!tpu.dma_semaphore, #tpu.memory_space<semaphore_mem>> -> memref<!tpu.dma_semaphore, #tpu.memory_space<semaphore_mem>>
    %dma_wait3A_559 = arith.constant 0 : i32
    %dma_wait3A_560 = tpu.memref_slice %arg10[%mul3A_549, %dma_wait3A_559] : memref<896x128xf32, #tpu.memory_space<vmem>> -> memref<128x128xf32, #tpu.memory_space<vmem>>
    %dma_wait3A_561 = arith.constant 0 : i32
    %dma_wait3A_562 = tpu.memref_slice %arg7[%mul3A_4, %dma_wait3A_561] : memref<51200x128xf32, #tpu.memory_space<hbm>> -> memref<128x128xf32, #tpu.memory_space<hbm>>
    tpu.wait_dma2 semaphore(%dma_wait3A_558 : memref<!tpu.dma_semaphore, #tpu.memory_space<semaphore_mem>>) src(%dma_wait3A_562 : memref<128x128xf32, #tpu.memory_space<hbm>>) dst(%dma_wait3A_560 : memref<128x128xf32, #tpu.memory_space<vmem>>)
    %add3A_563 = arith.constant 64 : i32
    %add3A_564 = arith.addi %mul3A_4, %add3A_563 : i32
    %add3A_565 = arith.constant 896 : i32
    %add3A_566 = arith.addi %add3A_564, %add3A_565 : i32
    %rem3A_567 = arith.constant 11 : i32
    %rem3A_568 = arith.constant 7 : i32
    %rem3A_569 = arith.remsi %rem3A_567, %rem3A_568 : i32
    %mul3A_570 = arith.constant 128 : i32
    %mul3A_571 = arith.muli %rem3A_569, %mul3A_570 : i32
    %rem3A_572 = arith.constant 11 : i32
    %rem3A_573 = arith.constant 7 : i32
    %rem3A_574 = arith.remsi %rem3A_572, %rem3A_573 : i32
    %dma_start3A_575 = arith.constant 0 : i32
    %dma_start3A_576 = tpu.memref_slice %arg10[%mul3A_571, %dma_start3A_575] : memref<896x128xf32, #tpu.memory_space<vmem>> -> memref<128x128xf32, #tpu.memory_space<vmem>>
    %dma_start3A_577 = arith.constant 0 : i32
    %dma_start3A_578 = tpu.memref_slice %arg7[%add3A_566, %dma_start3A_577] : memref<51200x128xf32, #tpu.memory_space<hbm>> -> memref<128x128xf32, #tpu.memory_space<hbm>>
    %dma_start3A_579 = tpu.memref_slice %arg12[%rem3A_574] : memref<7x!tpu.dma_semaphore, #tpu.memory_space<semaphore_mem>> -> memref<1x!tpu.dma_semaphore, #tpu.memory_space<semaphore_mem>>
    %dma_start3A_580 = tpu.memref_squeeze %dma_start3A_579 : memref<1x!tpu.dma_semaphore, #tpu.memory_space<semaphore_mem>> -> memref<!tpu.dma_semaphore, #tpu.memory_space<semaphore_mem>>
    %dma_start3A_581 = arith.constant 0 : i32
    %dma_start3A_582 = tpu.memref_slice %arg7[%add3A_566, %dma_start3A_581] : memref<51200x128xf32, #tpu.memory_space<hbm>> -> memref<128x128xf32, #tpu.memory_space<hbm>>
    %dma_start3A_583 = arith.constant 0 : i32
    %dma_start3A_584 = tpu.memref_slice %arg10[%mul3A_571, %dma_start3A_583] : memref<896x128xf32, #tpu.memory_space<vmem>> -> memref<128x128xf32, #tpu.memory_space<vmem>>
    tpu.enqueue_dma source(%dma_start3A_584 : memref<128x128xf32, #tpu.memory_space<vmem>>) target(%dma_start3A_582 : memref<128x128xf32, #tpu.memory_space<hbm>>) target_semaphore(%dma_start3A_580 : memref<!tpu.dma_semaphore, #tpu.memory_space<semaphore_mem>>)
    %rem3A_585 = arith.constant 11 : i32
    %rem3A_586 = arith.constant 7 : i32
    %rem3A_587 = arith.remsi %rem3A_585, %rem3A_586 : i32
    %mul3A_588 = arith.constant 128 : i32
    %mul3A_589 = arith.muli %rem3A_587, %mul3A_588 : i32
    %rem3A_590 = arith.constant 11 : i32
    %rem3A_591 = arith.constant 7 : i32
    %rem3A_592 = arith.remsi %rem3A_590, %rem3A_591 : i32
    %dma_wait3A_593 = arith.constant 0 : i32
    %dma_wait3A_594 = tpu.memref_slice %arg10[%mul3A_589, %dma_wait3A_593] : memref<896x128xf32, #tpu.memory_space<vmem>> -> memref<128x128xf32, #tpu.memory_space<vmem>>
    %dma_wait3A_595 = arith.constant 0 : i32
    %dma_wait3A_596 = tpu.memref_slice %arg7[%mul3A_4, %dma_wait3A_595] : memref<51200x128xf32, #tpu.memory_space<hbm>> -> memref<128x128xf32, #tpu.memory_space<hbm>>
    %dma_wait3A_597 = tpu.memref_slice %arg12[%rem3A_592] : memref<7x!tpu.dma_semaphore, #tpu.memory_space<semaphore_mem>> -> memref<1x!tpu.dma_semaphore, #tpu.memory_space<semaphore_mem>>
    %dma_wait3A_598 = tpu.memref_squeeze %dma_wait3A_597 : memref<1x!tpu.dma_semaphore, #tpu.memory_space<semaphore_mem>> -> memref<!tpu.dma_semaphore, #tpu.memory_space<semaphore_mem>>
    %dma_wait3A_599 = arith.constant 0 : i32
    %dma_wait3A_600 = tpu.memref_slice %arg7[%mul3A_4, %dma_wait3A_599] : memref<51200x128xf32, #tpu.memory_space<hbm>> -> memref<128x128xf32, #tpu.memory_space<hbm>>
    %dma_wait3A_601 = arith.constant 0 : i32
    %dma_wait3A_602 = tpu.memref_slice %arg10[%mul3A_589, %dma_wait3A_601] : memref<896x128xf32, #tpu.memory_space<vmem>> -> memref<128x128xf32, #tpu.memory_space<vmem>>
    tpu.wait_dma2 semaphore(%dma_wait3A_598 : memref<!tpu.dma_semaphore, #tpu.memory_space<semaphore_mem>>) src(%dma_wait3A_602 : memref<128x128xf32, #tpu.memory_space<vmem>>) dst(%dma_wait3A_600 : memref<128x128xf32, #tpu.memory_space<hbm>>)
    %rem3A_603 = arith.constant 12 : i32
    %rem3A_604 = arith.constant 7 : i32
    %rem3A_605 = arith.remsi %rem3A_603, %rem3A_604 : i32
    %mul3A_606 = arith.constant 128 : i32
    %mul3A_607 = arith.muli %rem3A_605, %mul3A_606 : i32
    %rem3A_608 = arith.constant 12 : i32
    %rem3A_609 = arith.constant 7 : i32
    %rem3A_610 = arith.remsi %rem3A_608, %rem3A_609 : i32
    %dma_wait3A_611 = arith.constant 0 : i32
    %dma_wait3A_612 = tpu.memref_slice %arg10[%mul3A_607, %dma_wait3A_611] : memref<896x128xf32, #tpu.memory_space<vmem>> -> memref<128x128xf32, #tpu.memory_space<vmem>>
    %dma_wait3A_613 = arith.constant 0 : i32
    %dma_wait3A_614 = tpu.memref_slice %arg7[%mul3A_4, %dma_wait3A_613] : memref<51200x128xf32, #tpu.memory_space<hbm>> -> memref<128x128xf32, #tpu.memory_space<hbm>>
    %dma_wait3A_615 = tpu.memref_slice %arg11[%rem3A_610] : memref<7x!tpu.dma_semaphore, #tpu.memory_space<semaphore_mem>> -> memref<1x!tpu.dma_semaphore, #tpu.memory_space<semaphore_mem>>
    %dma_wait3A_616 = tpu.memref_squeeze %dma_wait3A_615 : memref<1x!tpu.dma_semaphore, #tpu.memory_space<semaphore_mem>> -> memref<!tpu.dma_semaphore, #tpu.memory_space<semaphore_mem>>
    %dma_wait3A_617 = arith.constant 0 : i32
    %dma_wait3A_618 = tpu.memref_slice %arg10[%mul3A_607, %dma_wait3A_617] : memref<896x128xf32, #tpu.memory_space<vmem>> -> memref<128x128xf32, #tpu.memory_space<vmem>>
    %dma_wait3A_619 = arith.constant 0 : i32
    %dma_wait3A_620 = tpu.memref_slice %arg7[%mul3A_4, %dma_wait3A_619] : memref<51200x128xf32, #tpu.memory_space<hbm>> -> memref<128x128xf32, #tpu.memory_space<hbm>>
    tpu.wait_dma2 semaphore(%dma_wait3A_616 : memref<!tpu.dma_semaphore, #tpu.memory_space<semaphore_mem>>) src(%dma_wait3A_620 : memref<128x128xf32, #tpu.memory_space<hbm>>) dst(%dma_wait3A_618 : memref<128x128xf32, #tpu.memory_space<vmem>>)
    %add3A_621 = arith.constant 64 : i32
    %add3A_622 = arith.addi %mul3A_4, %add3A_621 : i32
    %add3A_623 = arith.constant 1024 : i32
    %add3A_624 = arith.addi %add3A_622, %add3A_623 : i32
    %rem3A_625 = arith.constant 12 : i32
    %rem3A_626 = arith.constant 7 : i32
    %rem3A_627 = arith.remsi %rem3A_625, %rem3A_626 : i32
    %mul3A_628 = arith.constant 128 : i32
    %mul3A_629 = arith.muli %rem3A_627, %mul3A_628 : i32
    %rem3A_630 = arith.constant 12 : i32
    %rem3A_631 = arith.constant 7 : i32
    %rem3A_632 = arith.remsi %rem3A_630, %rem3A_631 : i32
    %dma_start3A_633 = arith.constant 0 : i32
    %dma_start3A_634 = tpu.memref_slice %arg10[%mul3A_629, %dma_start3A_633] : memref<896x128xf32, #tpu.memory_space<vmem>> -> memref<128x128xf32, #tpu.memory_space<vmem>>
    %dma_start3A_635 = arith.constant 0 : i32
    %dma_start3A_636 = tpu.memref_slice %arg7[%add3A_624, %dma_start3A_635] : memref<51200x128xf32, #tpu.memory_space<hbm>> -> memref<128x128xf32, #tpu.memory_space<hbm>>
    %dma_start3A_637 = tpu.memref_slice %arg12[%rem3A_632] : memref<7x!tpu.dma_semaphore, #tpu.memory_space<semaphore_mem>> -> memref<1x!tpu.dma_semaphore, #tpu.memory_space<semaphore_mem>>
    %dma_start3A_638 = tpu.memref_squeeze %dma_start3A_637 : memref<1x!tpu.dma_semaphore, #tpu.memory_space<semaphore_mem>> -> memref<!tpu.dma_semaphore, #tpu.memory_space<semaphore_mem>>
    %dma_start3A_639 = arith.constant 0 : i32
    %dma_start3A_640 = tpu.memref_slice %arg7[%add3A_624, %dma_start3A_639] : memref<51200x128xf32, #tpu.memory_space<hbm>> -> memref<128x128xf32, #tpu.memory_space<hbm>>
    %dma_start3A_641 = arith.constant 0 : i32
    %dma_start3A_642 = tpu.memref_slice %arg10[%mul3A_629, %dma_start3A_641] : memref<896x128xf32, #tpu.memory_space<vmem>> -> memref<128x128xf32, #tpu.memory_space<vmem>>
    tpu.enqueue_dma source(%dma_start3A_642 : memref<128x128xf32, #tpu.memory_space<vmem>>) target(%dma_start3A_640 : memref<128x128xf32, #tpu.memory_space<hbm>>) target_semaphore(%dma_start3A_638 : memref<!tpu.dma_semaphore, #tpu.memory_space<semaphore_mem>>)
    %rem3A_643 = arith.constant 12 : i32
    %rem3A_644 = arith.constant 7 : i32
    %rem3A_645 = arith.remsi %rem3A_643, %rem3A_644 : i32
    %mul3A_646 = arith.constant 128 : i32
    %mul3A_647 = arith.muli %rem3A_645, %mul3A_646 : i32
    %rem3A_648 = arith.constant 12 : i32
    %rem3A_649 = arith.constant 7 : i32
    %rem3A_650 = arith.remsi %rem3A_648, %rem3A_649 : i32
    %dma_wait3A_651 = arith.constant 0 : i32
    %dma_wait3A_652 = tpu.memref_slice %arg10[%mul3A_647, %dma_wait3A_651] : memref<896x128xf32, #tpu.memory_space<vmem>> -> memref<128x128xf32, #tpu.memory_space<vmem>>
    %dma_wait3A_653 = arith.constant 0 : i32
    %dma_wait3A_654 = tpu.memref_slice %arg7[%mul3A_4, %dma_wait3A_653] : memref<51200x128xf32, #tpu.memory_space<hbm>> -> memref<128x128xf32, #tpu.memory_space<hbm>>
    %dma_wait3A_655 = tpu.memref_slice %arg12[%rem3A_650] : memref<7x!tpu.dma_semaphore, #tpu.memory_space<semaphore_mem>> -> memref<1x!tpu.dma_semaphore, #tpu.memory_space<semaphore_mem>>
    %dma_wait3A_656 = tpu.memref_squeeze %dma_wait3A_655 : memref<1x!tpu.dma_semaphore, #tpu.memory_space<semaphore_mem>> -> memref<!tpu.dma_semaphore, #tpu.memory_space<semaphore_mem>>
    %dma_wait3A_657 = arith.constant 0 : i32
    %dma_wait3A_658 = tpu.memref_slice %arg7[%mul3A_4, %dma_wait3A_657] : memref<51200x128xf32, #tpu.memory_space<hbm>> -> memref<128x128xf32, #tpu.memory_space<hbm>>
    %dma_wait3A_659 = arith.constant 0 : i32
    %dma_wait3A_660 = tpu.memref_slice %arg10[%mul3A_647, %dma_wait3A_659] : memref<896x128xf32, #tpu.memory_space<vmem>> -> memref<128x128xf32, #tpu.memory_space<vmem>>
    tpu.wait_dma2 semaphore(%dma_wait3A_656 : memref<!tpu.dma_semaphore, #tpu.memory_space<semaphore_mem>>) src(%dma_wait3A_660 : memref<128x128xf32, #tpu.memory_space<vmem>>) dst(%dma_wait3A_658 : memref<128x128xf32, #tpu.memory_space<hbm>>)
    %rem3A_661 = arith.constant 13 : i32
    %rem3A_662 = arith.constant 7 : i32
    %rem3A_663 = arith.remsi %rem3A_661, %rem3A_662 : i32
    %mul3A_664 = arith.constant 128 : i32
    %mul3A_665 = arith.muli %rem3A_663, %mul3A_664 : i32
    %rem3A_666 = arith.constant 13 : i32
    %rem3A_667 = arith.constant 7 : i32
    %rem3A_668 = arith.remsi %rem3A_666, %rem3A_667 : i32
    %dma_wait3A_669 = arith.constant 0 : i32
    %dma_wait3A_670 = tpu.memref_slice %arg10[%mul3A_665, %dma_wait3A_669] : memref<896x128xf32, #tpu.memory_space<vmem>> -> memref<128x128xf32, #tpu.memory_space<vmem>>
    %dma_wait3A_671 = arith.constant 0 : i32
    %dma_wait3A_672 = tpu.memref_slice %arg7[%mul3A_4, %dma_wait3A_671] : memref<51200x128xf32, #tpu.memory_space<hbm>> -> memref<128x128xf32, #tpu.memory_space<hbm>>
    %dma_wait3A_673 = tpu.memref_slice %arg11[%rem3A_668] : memref<7x!tpu.dma_semaphore, #tpu.memory_space<semaphore_mem>> -> memref<1x!tpu.dma_semaphore, #tpu.memory_space<semaphore_mem>>
    %dma_wait3A_674 = tpu.memref_squeeze %dma_wait3A_673 : memref<1x!tpu.dma_semaphore, #tpu.memory_space<semaphore_mem>> -> memref<!tpu.dma_semaphore, #tpu.memory_space<semaphore_mem>>
    %dma_wait3A_675 = arith.constant 0 : i32
    %dma_wait3A_676 = tpu.memref_slice %arg10[%mul3A_665, %dma_wait3A_675] : memref<896x128xf32, #tpu.memory_space<vmem>> -> memref<128x128xf32, #tpu.memory_space<vmem>>
    %dma_wait3A_677 = arith.constant 0 : i32
    %dma_wait3A_678 = tpu.memref_slice %arg7[%mul3A_4, %dma_wait3A_677] : memref<51200x128xf32, #tpu.memory_space<hbm>> -> memref<128x128xf32, #tpu.memory_space<hbm>>
    tpu.wait_dma2 semaphore(%dma_wait3A_674 : memref<!tpu.dma_semaphore, #tpu.memory_space<semaphore_mem>>) src(%dma_wait3A_678 : memref<128x128xf32, #tpu.memory_space<hbm>>) dst(%dma_wait3A_676 : memref<128x128xf32, #tpu.memory_space<vmem>>)
    %add3A_679 = arith.constant 64 : i32
    %add3A_680 = arith.addi %mul3A_4, %add3A_679 : i32
    %add3A_681 = arith.constant 1152 : i32
    %add3A_682 = arith.addi %add3A_680, %add3A_681 : i32
    %rem3A_683 = arith.constant 13 : i32
    %rem3A_684 = arith.constant 7 : i32
    %rem3A_685 = arith.remsi %rem3A_683, %rem3A_684 : i32
    %mul3A_686 = arith.constant 128 : i32
    %mul3A_687 = arith.muli %rem3A_685, %mul3A_686 : i32
    %rem3A_688 = arith.constant 13 : i32
    %rem3A_689 = arith.constant 7 : i32
    %rem3A_690 = arith.remsi %rem3A_688, %rem3A_689 : i32
    %dma_start3A_691 = arith.constant 0 : i32
    %dma_start3A_692 = tpu.memref_slice %arg10[%mul3A_687, %dma_start3A_691] : memref<896x128xf32, #tpu.memory_space<vmem>> -> memref<128x128xf32, #tpu.memory_space<vmem>>
    %dma_start3A_693 = arith.constant 0 : i32
    %dma_start3A_694 = tpu.memref_slice %arg7[%add3A_682, %dma_start3A_693] : memref<51200x128xf32, #tpu.memory_space<hbm>> -> memref<128x128xf32, #tpu.memory_space<hbm>>
    %dma_start3A_695 = tpu.memref_slice %arg12[%rem3A_690] : memref<7x!tpu.dma_semaphore, #tpu.memory_space<semaphore_mem>> -> memref<1x!tpu.dma_semaphore, #tpu.memory_space<semaphore_mem>>
    %dma_start3A_696 = tpu.memref_squeeze %dma_start3A_695 : memref<1x!tpu.dma_semaphore, #tpu.memory_space<semaphore_mem>> -> memref<!tpu.dma_semaphore, #tpu.memory_space<semaphore_mem>>
    %dma_start3A_697 = arith.constant 0 : i32
    %dma_start3A_698 = tpu.memref_slice %arg7[%add3A_682, %dma_start3A_697] : memref<51200x128xf32, #tpu.memory_space<hbm>> -> memref<128x128xf32, #tpu.memory_space<hbm>>
    %dma_start3A_699 = arith.constant 0 : i32
    %dma_start3A_700 = tpu.memref_slice %arg10[%mul3A_687, %dma_start3A_699] : memref<896x128xf32, #tpu.memory_space<vmem>> -> memref<128x128xf32, #tpu.memory_space<vmem>>
    tpu.enqueue_dma source(%dma_start3A_700 : memref<128x128xf32, #tpu.memory_space<vmem>>) target(%dma_start3A_698 : memref<128x128xf32, #tpu.memory_space<hbm>>) target_semaphore(%dma_start3A_696 : memref<!tpu.dma_semaphore, #tpu.memory_space<semaphore_mem>>)
    %rem3A_701 = arith.constant 13 : i32
    %rem3A_702 = arith.constant 7 : i32
    %rem3A_703 = arith.remsi %rem3A_701, %rem3A_702 : i32
    %mul3A_704 = arith.constant 128 : i32
    %mul3A_705 = arith.muli %rem3A_703, %mul3A_704 : i32
    %rem3A_706 = arith.constant 13 : i32
    %rem3A_707 = arith.constant 7 : i32
    %rem3A_708 = arith.remsi %rem3A_706, %rem3A_707 : i32
    %dma_wait3A_709 = arith.constant 0 : i32
    %dma_wait3A_710 = tpu.memref_slice %arg10[%mul3A_705, %dma_wait3A_709] : memref<896x128xf32, #tpu.memory_space<vmem>> -> memref<128x128xf32, #tpu.memory_space<vmem>>
    %dma_wait3A_711 = arith.constant 0 : i32
    %dma_wait3A_712 = tpu.memref_slice %arg7[%mul3A_4, %dma_wait3A_711] : memref<51200x128xf32, #tpu.memory_space<hbm>> -> memref<128x128xf32, #tpu.memory_space<hbm>>
    %dma_wait3A_713 = tpu.memref_slice %arg12[%rem3A_708] : memref<7x!tpu.dma_semaphore, #tpu.memory_space<semaphore_mem>> -> memref<1x!tpu.dma_semaphore, #tpu.memory_space<semaphore_mem>>
    %dma_wait3A_714 = tpu.memref_squeeze %dma_wait3A_713 : memref<1x!tpu.dma_semaphore, #tpu.memory_space<semaphore_mem>> -> memref<!tpu.dma_semaphore, #tpu.memory_space<semaphore_mem>>
    %dma_wait3A_715 = arith.constant 0 : i32
    %dma_wait3A_716 = tpu.memref_slice %arg7[%mul3A_4, %dma_wait3A_715] : memref<51200x128xf32, #tpu.memory_space<hbm>> -> memref<128x128xf32, #tpu.memory_space<hbm>>
    %dma_wait3A_717 = arith.constant 0 : i32
    %dma_wait3A_718 = tpu.memref_slice %arg10[%mul3A_705, %dma_wait3A_717] : memref<896x128xf32, #tpu.memory_space<vmem>> -> memref<128x128xf32, #tpu.memory_space<vmem>>
    tpu.wait_dma2 semaphore(%dma_wait3A_714 : memref<!tpu.dma_semaphore, #tpu.memory_space<semaphore_mem>>) src(%dma_wait3A_718 : memref<128x128xf32, #tpu.memory_space<vmem>>) dst(%dma_wait3A_716 : memref<128x128xf32, #tpu.memory_space<hbm>>)
    %rem3A_719 = arith.constant 14 : i32
    %rem3A_720 = arith.constant 7 : i32
    %rem3A_721 = arith.remsi %rem3A_719, %rem3A_720 : i32
    %mul3A_722 = arith.constant 128 : i32
    %mul3A_723 = arith.muli %rem3A_721, %mul3A_722 : i32
    %rem3A_724 = arith.constant 14 : i32
    %rem3A_725 = arith.constant 7 : i32
    %rem3A_726 = arith.remsi %rem3A_724, %rem3A_725 : i32
    %dma_wait3A_727 = arith.constant 0 : i32
    %dma_wait3A_728 = tpu.memref_slice %arg10[%mul3A_723, %dma_wait3A_727] : memref<896x128xf32, #tpu.memory_space<vmem>> -> memref<128x128xf32, #tpu.memory_space<vmem>>
    %dma_wait3A_729 = arith.constant 0 : i32
    %dma_wait3A_730 = tpu.memref_slice %arg7[%mul3A_4, %dma_wait3A_729] : memref<51200x128xf32, #tpu.memory_space<hbm>> -> memref<128x128xf32, #tpu.memory_space<hbm>>
    %dma_wait3A_731 = tpu.memref_slice %arg11[%rem3A_726] : memref<7x!tpu.dma_semaphore, #tpu.memory_space<semaphore_mem>> -> memref<1x!tpu.dma_semaphore, #tpu.memory_space<semaphore_mem>>
    %dma_wait3A_732 = tpu.memref_squeeze %dma_wait3A_731 : memref<1x!tpu.dma_semaphore, #tpu.memory_space<semaphore_mem>> -> memref<!tpu.dma_semaphore, #tpu.memory_space<semaphore_mem>>
    %dma_wait3A_733 = arith.constant 0 : i32
    %dma_wait3A_734 = tpu.memref_slice %arg10[%mul3A_723, %dma_wait3A_733] : memref<896x128xf32, #tpu.memory_space<vmem>> -> memref<128x128xf32, #tpu.memory_space<vmem>>
    %dma_wait3A_735 = arith.constant 0 : i32
    %dma_wait3A_736 = tpu.memref_slice %arg7[%mul3A_4, %dma_wait3A_735] : memref<51200x128xf32, #tpu.memory_space<hbm>> -> memref<128x128xf32, #tpu.memory_space<hbm>>
    tpu.wait_dma2 semaphore(%dma_wait3A_732 : memref<!tpu.dma_semaphore, #tpu.memory_space<semaphore_mem>>) src(%dma_wait3A_736 : memref<128x128xf32, #tpu.memory_space<hbm>>) dst(%dma_wait3A_734 : memref<128x128xf32, #tpu.memory_space<vmem>>)
    %add3A_737 = arith.constant 64 : i32
    %add3A_738 = arith.addi %mul3A_4, %add3A_737 : i32
    %add3A_739 = arith.constant 1280 : i32
    %add3A_740 = arith.addi %add3A_738, %add3A_739 : i32
    %rem3A_741 = arith.constant 14 : i32
    %rem3A_742 = arith.constant 7 : i32
    %rem3A_743 = arith.remsi %rem3A_741, %rem3A_742 : i32
    %mul3A_744 = arith.constant 128 : i32
    %mul3A_745 = arith.muli %rem3A_743, %mul3A_744 : i32
    %rem3A_746 = arith.constant 14 : i32
    %rem3A_747 = arith.constant 7 : i32
    %rem3A_748 = arith.remsi %rem3A_746, %rem3A_747 : i32
    %dma_start3A_749 = arith.constant 0 : i32
    %dma_start3A_750 = tpu.memref_slice %arg10[%mul3A_745, %dma_start3A_749] : memref<896x128xf32, #tpu.memory_space<vmem>> -> memref<128x128xf32, #tpu.memory_space<vmem>>
    %dma_start3A_751 = arith.constant 0 : i32
    %dma_start3A_752 = tpu.memref_slice %arg7[%add3A_740, %dma_start3A_751] : memref<51200x128xf32, #tpu.memory_space<hbm>> -> memref<128x128xf32, #tpu.memory_space<hbm>>
    %dma_start3A_753 = tpu.memref_slice %arg12[%rem3A_748] : memref<7x!tpu.dma_semaphore, #tpu.memory_space<semaphore_mem>> -> memref<1x!tpu.dma_semaphore, #tpu.memory_space<semaphore_mem>>
    %dma_start3A_754 = tpu.memref_squeeze %dma_start3A_753 : memref<1x!tpu.dma_semaphore, #tpu.memory_space<semaphore_mem>> -> memref<!tpu.dma_semaphore, #tpu.memory_space<semaphore_mem>>
    %dma_start3A_755 = arith.constant 0 : i32
    %dma_start3A_756 = tpu.memref_slice %arg7[%add3A_740, %dma_start3A_755] : memref<51200x128xf32, #tpu.memory_space<hbm>> -> memref<128x128xf32, #tpu.memory_space<hbm>>
    %dma_start3A_757 = arith.constant 0 : i32
    %dma_start3A_758 = tpu.memref_slice %arg10[%mul3A_745, %dma_start3A_757] : memref<896x128xf32, #tpu.memory_space<vmem>> -> memref<128x128xf32, #tpu.memory_space<vmem>>
    tpu.enqueue_dma source(%dma_start3A_758 : memref<128x128xf32, #tpu.memory_space<vmem>>) target(%dma_start3A_756 : memref<128x128xf32, #tpu.memory_space<hbm>>) target_semaphore(%dma_start3A_754 : memref<!tpu.dma_semaphore, #tpu.memory_space<semaphore_mem>>)
    %rem3A_759 = arith.constant 14 : i32
    %rem3A_760 = arith.constant 7 : i32
    %rem3A_761 = arith.remsi %rem3A_759, %rem3A_760 : i32
    %mul3A_762 = arith.constant 128 : i32
    %mul3A_763 = arith.muli %rem3A_761, %mul3A_762 : i32
    %rem3A_764 = arith.constant 14 : i32
    %rem3A_765 = arith.constant 7 : i32
    %rem3A_766 = arith.remsi %rem3A_764, %rem3A_765 : i32
    %dma_wait3A_767 = arith.constant 0 : i32
    %dma_wait3A_768 = tpu.memref_slice %arg10[%mul3A_763, %dma_wait3A_767] : memref<896x128xf32, #tpu.memory_space<vmem>> -> memref<128x128xf32, #tpu.memory_space<vmem>>
    %dma_wait3A_769 = arith.constant 0 : i32
    %dma_wait3A_770 = tpu.memref_slice %arg7[%mul3A_4, %dma_wait3A_769] : memref<51200x128xf32, #tpu.memory_space<hbm>> -> memref<128x128xf32, #tpu.memory_space<hbm>>
    %dma_wait3A_771 = tpu.memref_slice %arg12[%rem3A_766] : memref<7x!tpu.dma_semaphore, #tpu.memory_space<semaphore_mem>> -> memref<1x!tpu.dma_semaphore, #tpu.memory_space<semaphore_mem>>
    %dma_wait3A_772 = tpu.memref_squeeze %dma_wait3A_771 : memref<1x!tpu.dma_semaphore, #tpu.memory_space<semaphore_mem>> -> memref<!tpu.dma_semaphore, #tpu.memory_space<semaphore_mem>>
    %dma_wait3A_773 = arith.constant 0 : i32
    %dma_wait3A_774 = tpu.memref_slice %arg7[%mul3A_4, %dma_wait3A_773] : memref<51200x128xf32, #tpu.memory_space<hbm>> -> memref<128x128xf32, #tpu.memory_space<hbm>>
    %dma_wait3A_775 = arith.constant 0 : i32
    %dma_wait3A_776 = tpu.memref_slice %arg10[%mul3A_763, %dma_wait3A_775] : memref<896x128xf32, #tpu.memory_space<vmem>> -> memref<128x128xf32, #tpu.memory_space<vmem>>
    tpu.wait_dma2 semaphore(%dma_wait3A_772 : memref<!tpu.dma_semaphore, #tpu.memory_space<semaphore_mem>>) src(%dma_wait3A_776 : memref<128x128xf32, #tpu.memory_space<vmem>>) dst(%dma_wait3A_774 : memref<128x128xf32, #tpu.memory_space<hbm>>)
    %rem3A_777 = arith.constant 15 : i32
    %rem3A_778 = arith.constant 7 : i32
    %rem3A_779 = arith.remsi %rem3A_777, %rem3A_778 : i32
    %mul3A_780 = arith.constant 128 : i32
    %mul3A_781 = arith.muli %rem3A_779, %mul3A_780 : i32
    %rem3A_782 = arith.constant 15 : i32
    %rem3A_783 = arith.constant 7 : i32
    %rem3A_784 = arith.remsi %rem3A_782, %rem3A_783 : i32
    %dma_wait3A_785 = arith.constant 0 : i32
    %dma_wait3A_786 = tpu.memref_slice %arg10[%mul3A_781, %dma_wait3A_785] : memref<896x128xf32, #tpu.memory_space<vmem>> -> memref<128x128xf32, #tpu.memory_space<vmem>>
    %dma_wait3A_787 = arith.constant 0 : i32
    %dma_wait3A_788 = tpu.memref_slice %arg7[%mul3A_4, %dma_wait3A_787] : memref<51200x128xf32, #tpu.memory_space<hbm>> -> memref<128x128xf32, #tpu.memory_space<hbm>>
    %dma_wait3A_789 = tpu.memref_slice %arg11[%rem3A_784] : memref<7x!tpu.dma_semaphore, #tpu.memory_space<semaphore_mem>> -> memref<1x!tpu.dma_semaphore, #tpu.memory_space<semaphore_mem>>
    %dma_wait3A_790 = tpu.memref_squeeze %dma_wait3A_789 : memref<1x!tpu.dma_semaphore, #tpu.memory_space<semaphore_mem>> -> memref<!tpu.dma_semaphore, #tpu.memory_space<semaphore_mem>>
    %dma_wait3A_791 = arith.constant 0 : i32
    %dma_wait3A_792 = tpu.memref_slice %arg10[%mul3A_781, %dma_wait3A_791] : memref<896x128xf32, #tpu.memory_space<vmem>> -> memref<128x128xf32, #tpu.memory_space<vmem>>
    %dma_wait3A_793 = arith.constant 0 : i32
    %dma_wait3A_794 = tpu.memref_slice %arg7[%mul3A_4, %dma_wait3A_793] : memref<51200x128xf32, #tpu.memory_space<hbm>> -> memref<128x128xf32, #tpu.memory_space<hbm>>
    tpu.wait_dma2 semaphore(%dma_wait3A_790 : memref<!tpu.dma_semaphore, #tpu.memory_space<semaphore_mem>>) src(%dma_wait3A_794 : memref<128x128xf32, #tpu.memory_space<hbm>>) dst(%dma_wait3A_792 : memref<128x128xf32, #tpu.memory_space<vmem>>)
    %add3A_795 = arith.constant 64 : i32
    %add3A_796 = arith.addi %mul3A_4, %add3A_795 : i32
    %add3A_797 = arith.constant 1408 : i32
    %add3A_798 = arith.addi %add3A_796, %add3A_797 : i32
    %rem3A_799 = arith.constant 15 : i32
    %rem3A_800 = arith.constant 7 : i32
    %rem3A_801 = arith.remsi %rem3A_799, %rem3A_800 : i32
    %mul3A_802 = arith.constant 128 : i32
    %mul3A_803 = arith.muli %rem3A_801, %mul3A_802 : i32
    %rem3A_804 = arith.constant 15 : i32
    %rem3A_805 = arith.constant 7 : i32
    %rem3A_806 = arith.remsi %rem3A_804, %rem3A_805 : i32
    %dma_start3A_807 = arith.constant 0 : i32
    %dma_start3A_808 = tpu.memref_slice %arg10[%mul3A_803, %dma_start3A_807] : memref<896x128xf32, #tpu.memory_space<vmem>> -> memref<128x128xf32, #tpu.memory_space<vmem>>
    %dma_start3A_809 = arith.constant 0 : i32
    %dma_start3A_810 = tpu.memref_slice %arg7[%add3A_798, %dma_start3A_809] : memref<51200x128xf32, #tpu.memory_space<hbm>> -> memref<128x128xf32, #tpu.memory_space<hbm>>
    %dma_start3A_811 = tpu.memref_slice %arg12[%rem3A_806] : memref<7x!tpu.dma_semaphore, #tpu.memory_space<semaphore_mem>> -> memref<1x!tpu.dma_semaphore, #tpu.memory_space<semaphore_mem>>
    %dma_start3A_812 = tpu.memref_squeeze %dma_start3A_811 : memref<1x!tpu.dma_semaphore, #tpu.memory_space<semaphore_mem>> -> memref<!tpu.dma_semaphore, #tpu.memory_space<semaphore_mem>>
    %dma_start3A_813 = arith.constant 0 : i32
    %dma_start3A_814 = tpu.memref_slice %arg7[%add3A_798, %dma_start3A_813] : memref<51200x128xf32, #tpu.memory_space<hbm>> -> memref<128x128xf32, #tpu.memory_space<hbm>>
    %dma_start3A_815 = arith.constant 0 : i32
    %dma_start3A_816 = tpu.memref_slice %arg10[%mul3A_803, %dma_start3A_815] : memref<896x128xf32, #tpu.memory_space<vmem>> -> memref<128x128xf32, #tpu.memory_space<vmem>>
    tpu.enqueue_dma source(%dma_start3A_816 : memref<128x128xf32, #tpu.memory_space<vmem>>) target(%dma_start3A_814 : memref<128x128xf32, #tpu.memory_space<hbm>>) target_semaphore(%dma_start3A_812 : memref<!tpu.dma_semaphore, #tpu.memory_space<semaphore_mem>>)
    %rem3A_817 = arith.constant 15 : i32
    %rem3A_818 = arith.constant 7 : i32
    %rem3A_819 = arith.remsi %rem3A_817, %rem3A_818 : i32
    %mul3A_820 = arith.constant 128 : i32
    %mul3A_821 = arith.muli %rem3A_819, %mul3A_820 : i32
    %rem3A_822 = arith.constant 15 : i32
    %rem3A_823 = arith.constant 7 : i32
    %rem3A_824 = arith.remsi %rem3A_822, %rem3A_823 : i32
    %dma_wait3A_825 = arith.constant 0 : i32
    %dma_wait3A_826 = tpu.memref_slice %arg10[%mul3A_821, %dma_wait3A_825] : memref<896x128xf32, #tpu.memory_space<vmem>> -> memref<128x128xf32, #tpu.memory_space<vmem>>
    %dma_wait3A_827 = arith.constant 0 : i32
    %dma_wait3A_828 = tpu.memref_slice %arg7[%mul3A_4, %dma_wait3A_827] : memref<51200x128xf32, #tpu.memory_space<hbm>> -> memref<128x128xf32, #tpu.memory_space<hbm>>
    %dma_wait3A_829 = tpu.memref_slice %arg12[%rem3A_824] : memref<7x!tpu.dma_semaphore, #tpu.memory_space<semaphore_mem>> -> memref<1x!tpu.dma_semaphore, #tpu.memory_space<semaphore_mem>>
    %dma_wait3A_830 = tpu.memref_squeeze %dma_wait3A_829 : memref<1x!tpu.dma_semaphore, #tpu.memory_space<semaphore_mem>> -> memref<!tpu.dma_semaphore, #tpu.memory_space<semaphore_mem>>
    %dma_wait3A_831 = arith.constant 0 : i32
    %dma_wait3A_832 = tpu.memref_slice %arg7[%mul3A_4, %dma_wait3A_831] : memref<51200x128xf32, #tpu.memory_space<hbm>> -> memref<128x128xf32, #tpu.memory_space<hbm>>
    %dma_wait3A_833 = arith.constant 0 : i32
    %dma_wait3A_834 = tpu.memref_slice %arg10[%mul3A_821, %dma_wait3A_833] : memref<896x128xf32, #tpu.memory_space<vmem>> -> memref<128x128xf32, #tpu.memory_space<vmem>>
    tpu.wait_dma2 semaphore(%dma_wait3A_830 : memref<!tpu.dma_semaphore, #tpu.memory_space<semaphore_mem>>) src(%dma_wait3A_834 : memref<128x128xf32, #tpu.memory_space<vmem>>) dst(%dma_wait3A_832 : memref<128x128xf32, #tpu.memory_space<hbm>>)
    return
  }
}

module attributes {stable_mosaic.version = 14 : i64} {
  func.func @_tc_dense_body(%arg0: i32, %arg1: memref<1024x128xf32, #tpu.memory_space<vmem>>, %arg2: memref<10x1024x128xf32, #tpu.memory_space<vmem>>, %arg3: memref<128x1xf32, #tpu.memory_space<vmem>>, %arg4: memref<128x1xf32, #tpu.memory_space<vmem>>, %arg5: memref<128x128xf32, #tpu.memory_space<vmem>>, %arg6: memref<128x128xf32, #tpu.memory_space<vmem>>, %arg7: memref<1024x128xf32, #tpu.memory_space<vmem>>) attributes {dimension_semantics = [#tpu.dimension_semantics<arbitrary>], iteration_bounds = array<i64: 5>, scalar_prefetch = 0 : i64, scratch_operands = 0 : i64, tpu.core_type = #tpu.core_type<tc>, window_params = [{transform_indices = @transform_0, window_bounds = array<i64: 1024, 128>}, {transform_indices = @transform_1, window_bounds = array<i64: 10, 1024, 128>}, {pipeline_mode = #tpu.pipeline_mode<synchronous>, transform_indices = @transform_2, window_bounds = array<i64: 128, 1>}, {pipeline_mode = #tpu.pipeline_mode<synchronous>, transform_indices = @transform_3, window_bounds = array<i64: 128, 1>}, {pipeline_mode = #tpu.pipeline_mode<synchronous>, transform_indices = @transform_4, window_bounds = array<i64: 128, 128>}, {pipeline_mode = #tpu.pipeline_mode<synchronous>, transform_indices = @transform_5, window_bounds = array<i64: 128, 128>}, {transform_indices = @transform_6, window_bounds = array<i64: 1024, 128>}]} {
    %get3A = arith.constant 0 : index
    %get3A_0 = arith.constant 0 : index
    %get3A_1 = vector.load %arg1[%get3A, %get3A_0] : memref<1024x128xf32, #tpu.memory_space<vmem>>, vector<1024x128xf32>
    %get3A_2 = arith.constant 0 : index
    %get3A_3 = arith.constant 0 : index
    %get3A_4 = vector.load %arg3[%get3A_2, %get3A_3] : memref<128x1xf32, #tpu.memory_space<vmem>>, vector<128x1xf32>
    %dot_general3A = arith.constant dense<0.000000e+00> : vector<1024x1xf32>
    %dot_general3A_5 = tpu.matmul %get3A_1, %get3A_4, %dot_general3A {dimension_numbers = #tpu.dot_dimension_numbers<[1], [0], [0], [1], [0, 0, 1, 1], [], []>, transpose_lhs_hint = false} : vector<1024x128xf32>, vector<128x1xf32>, vector<1024x1xf32> -> vector<1024x1xf32>
    %get3A_6 = arith.constant 0 : index
    %get3A_7 = arith.constant 0 : index
    %get3A_8 = arith.constant 0 : index
    %get3A_9 = vector.load %arg2[%get3A_6, %get3A_7, %get3A_8] : memref<10x1024x128xf32, #tpu.memory_space<vmem>>, vector<1x1024x128xf32>
    %get3A_10 = vector.shape_cast %get3A_9 : vector<1x1024x128xf32> to vector<1024x128xf32>
    %get3A_11 = arith.constant 0 : index
    %get3A_12 = arith.constant 0 : index
    %get3A_13 = vector.load %arg4[%get3A_11, %get3A_12] : memref<128x1xf32, #tpu.memory_space<vmem>>, vector<128x1xf32>
    %dot_general3A_14 = arith.constant dense<0.000000e+00> : vector<1024x1xf32>
    %dot_general3A_15 = tpu.matmul %get3A_10, %get3A_13, %dot_general3A_14 {dimension_numbers = #tpu.dot_dimension_numbers<[1], [0], [0], [1], [0, 0, 1, 1], [], []>, transpose_lhs_hint = false} : vector<1024x128xf32>, vector<128x1xf32>, vector<1024x1xf32> -> vector<1024x1xf32>
    %add3A = arith.addf %dot_general3A_15, %dot_general3A_5 : vector<1024x1xf32>
    %get3A_16 = arith.constant 1 : index
    %get3A_17 = arith.constant 0 : index
    %get3A_18 = arith.constant 0 : index
    %get3A_19 = vector.load %arg2[%get3A_16, %get3A_17, %get3A_18] : memref<10x1024x128xf32, #tpu.memory_space<vmem>>, vector<1x1024x128xf32>
    %get3A_20 = vector.shape_cast %get3A_19 : vector<1x1024x128xf32> to vector<1024x128xf32>
    %get3A_21 = arith.constant 0 : index
    %get3A_22 = arith.constant 0 : index
    %get3A_23 = vector.load %arg4[%get3A_21, %get3A_22] : memref<128x1xf32, #tpu.memory_space<vmem>>, vector<128x1xf32>
    %dot_general3A_24 = arith.constant dense<0.000000e+00> : vector<1024x1xf32>
    %dot_general3A_25 = tpu.matmul %get3A_20, %get3A_23, %dot_general3A_24 {dimension_numbers = #tpu.dot_dimension_numbers<[1], [0], [0], [1], [0, 0, 1, 1], [], []>, transpose_lhs_hint = false} : vector<1024x128xf32>, vector<128x1xf32>, vector<1024x1xf32> -> vector<1024x1xf32>
    %add3A_26 = arith.addf %dot_general3A_25, %dot_general3A_5 : vector<1024x1xf32>
    %get3A_27 = arith.constant 2 : index
    %get3A_28 = arith.constant 0 : index
    %get3A_29 = arith.constant 0 : index
    %get3A_30 = vector.load %arg2[%get3A_27, %get3A_28, %get3A_29] : memref<10x1024x128xf32, #tpu.memory_space<vmem>>, vector<1x1024x128xf32>
    %get3A_31 = vector.shape_cast %get3A_30 : vector<1x1024x128xf32> to vector<1024x128xf32>
    %get3A_32 = arith.constant 0 : index
    %get3A_33 = arith.constant 0 : index
    %get3A_34 = vector.load %arg4[%get3A_32, %get3A_33] : memref<128x1xf32, #tpu.memory_space<vmem>>, vector<128x1xf32>
    %dot_general3A_35 = arith.constant dense<0.000000e+00> : vector<1024x1xf32>
    %dot_general3A_36 = tpu.matmul %get3A_31, %get3A_34, %dot_general3A_35 {dimension_numbers = #tpu.dot_dimension_numbers<[1], [0], [0], [1], [0, 0, 1, 1], [], []>, transpose_lhs_hint = false} : vector<1024x128xf32>, vector<128x1xf32>, vector<1024x1xf32> -> vector<1024x1xf32>
    %add3A_37 = arith.addf %dot_general3A_36, %dot_general3A_5 : vector<1024x1xf32>
    %get3A_38 = arith.constant 3 : index
    %get3A_39 = arith.constant 0 : index
    %get3A_40 = arith.constant 0 : index
    %get3A_41 = vector.load %arg2[%get3A_38, %get3A_39, %get3A_40] : memref<10x1024x128xf32, #tpu.memory_space<vmem>>, vector<1x1024x128xf32>
    %get3A_42 = vector.shape_cast %get3A_41 : vector<1x1024x128xf32> to vector<1024x128xf32>
    %get3A_43 = arith.constant 0 : index
    %get3A_44 = arith.constant 0 : index
    %get3A_45 = vector.load %arg4[%get3A_43, %get3A_44] : memref<128x1xf32, #tpu.memory_space<vmem>>, vector<128x1xf32>
    %dot_general3A_46 = arith.constant dense<0.000000e+00> : vector<1024x1xf32>
    %dot_general3A_47 = tpu.matmul %get3A_42, %get3A_45, %dot_general3A_46 {dimension_numbers = #tpu.dot_dimension_numbers<[1], [0], [0], [1], [0, 0, 1, 1], [], []>, transpose_lhs_hint = false} : vector<1024x128xf32>, vector<128x1xf32>, vector<1024x1xf32> -> vector<1024x1xf32>
    %add3A_48 = arith.addf %dot_general3A_47, %dot_general3A_5 : vector<1024x1xf32>
    %get3A_49 = arith.constant 4 : index
    %get3A_50 = arith.constant 0 : index
    %get3A_51 = arith.constant 0 : index
    %get3A_52 = vector.load %arg2[%get3A_49, %get3A_50, %get3A_51] : memref<10x1024x128xf32, #tpu.memory_space<vmem>>, vector<1x1024x128xf32>
    %get3A_53 = vector.shape_cast %get3A_52 : vector<1x1024x128xf32> to vector<1024x128xf32>
    %get3A_54 = arith.constant 0 : index
    %get3A_55 = arith.constant 0 : index
    %get3A_56 = vector.load %arg4[%get3A_54, %get3A_55] : memref<128x1xf32, #tpu.memory_space<vmem>>, vector<128x1xf32>
    %dot_general3A_57 = arith.constant dense<0.000000e+00> : vector<1024x1xf32>
    %dot_general3A_58 = tpu.matmul %get3A_53, %get3A_56, %dot_general3A_57 {dimension_numbers = #tpu.dot_dimension_numbers<[1], [0], [0], [1], [0, 0, 1, 1], [], []>, transpose_lhs_hint = false} : vector<1024x128xf32>, vector<128x1xf32>, vector<1024x1xf32> -> vector<1024x1xf32>
    %add3A_59 = arith.addf %dot_general3A_58, %dot_general3A_5 : vector<1024x1xf32>
    %get3A_60 = arith.constant 5 : index
    %get3A_61 = arith.constant 0 : index
    %get3A_62 = arith.constant 0 : index
    %get3A_63 = vector.load %arg2[%get3A_60, %get3A_61, %get3A_62] : memref<10x1024x128xf32, #tpu.memory_space<vmem>>, vector<1x1024x128xf32>
    %get3A_64 = vector.shape_cast %get3A_63 : vector<1x1024x128xf32> to vector<1024x128xf32>
    %get3A_65 = arith.constant 0 : index
    %get3A_66 = arith.constant 0 : index
    %get3A_67 = vector.load %arg4[%get3A_65, %get3A_66] : memref<128x1xf32, #tpu.memory_space<vmem>>, vector<128x1xf32>
    %dot_general3A_68 = arith.constant dense<0.000000e+00> : vector<1024x1xf32>
    %dot_general3A_69 = tpu.matmul %get3A_64, %get3A_67, %dot_general3A_68 {dimension_numbers = #tpu.dot_dimension_numbers<[1], [0], [0], [1], [0, 0, 1, 1], [], []>, transpose_lhs_hint = false} : vector<1024x128xf32>, vector<128x1xf32>, vector<1024x1xf32> -> vector<1024x1xf32>
    %add3A_70 = arith.addf %dot_general3A_69, %dot_general3A_5 : vector<1024x1xf32>
    %get3A_71 = arith.constant 6 : index
    %get3A_72 = arith.constant 0 : index
    %get3A_73 = arith.constant 0 : index
    %get3A_74 = vector.load %arg2[%get3A_71, %get3A_72, %get3A_73] : memref<10x1024x128xf32, #tpu.memory_space<vmem>>, vector<1x1024x128xf32>
    %get3A_75 = vector.shape_cast %get3A_74 : vector<1x1024x128xf32> to vector<1024x128xf32>
    %get3A_76 = arith.constant 0 : index
    %get3A_77 = arith.constant 0 : index
    %get3A_78 = vector.load %arg4[%get3A_76, %get3A_77] : memref<128x1xf32, #tpu.memory_space<vmem>>, vector<128x1xf32>
    %dot_general3A_79 = arith.constant dense<0.000000e+00> : vector<1024x1xf32>
    %dot_general3A_80 = tpu.matmul %get3A_75, %get3A_78, %dot_general3A_79 {dimension_numbers = #tpu.dot_dimension_numbers<[1], [0], [0], [1], [0, 0, 1, 1], [], []>, transpose_lhs_hint = false} : vector<1024x128xf32>, vector<128x1xf32>, vector<1024x1xf32> -> vector<1024x1xf32>
    %add3A_81 = arith.addf %dot_general3A_80, %dot_general3A_5 : vector<1024x1xf32>
    %get3A_82 = arith.constant 7 : index
    %get3A_83 = arith.constant 0 : index
    %get3A_84 = arith.constant 0 : index
    %get3A_85 = vector.load %arg2[%get3A_82, %get3A_83, %get3A_84] : memref<10x1024x128xf32, #tpu.memory_space<vmem>>, vector<1x1024x128xf32>
    %get3A_86 = vector.shape_cast %get3A_85 : vector<1x1024x128xf32> to vector<1024x128xf32>
    %get3A_87 = arith.constant 0 : index
    %get3A_88 = arith.constant 0 : index
    %get3A_89 = vector.load %arg4[%get3A_87, %get3A_88] : memref<128x1xf32, #tpu.memory_space<vmem>>, vector<128x1xf32>
    %dot_general3A_90 = arith.constant dense<0.000000e+00> : vector<1024x1xf32>
    %dot_general3A_91 = tpu.matmul %get3A_86, %get3A_89, %dot_general3A_90 {dimension_numbers = #tpu.dot_dimension_numbers<[1], [0], [0], [1], [0, 0, 1, 1], [], []>, transpose_lhs_hint = false} : vector<1024x128xf32>, vector<128x1xf32>, vector<1024x1xf32> -> vector<1024x1xf32>
    %add3A_92 = arith.addf %dot_general3A_91, %dot_general3A_5 : vector<1024x1xf32>
    %get3A_93 = arith.constant 8 : index
    %get3A_94 = arith.constant 0 : index
    %get3A_95 = arith.constant 0 : index
    %get3A_96 = vector.load %arg2[%get3A_93, %get3A_94, %get3A_95] : memref<10x1024x128xf32, #tpu.memory_space<vmem>>, vector<1x1024x128xf32>
    %get3A_97 = vector.shape_cast %get3A_96 : vector<1x1024x128xf32> to vector<1024x128xf32>
    %get3A_98 = arith.constant 0 : index
    %get3A_99 = arith.constant 0 : index
    %get3A_100 = vector.load %arg4[%get3A_98, %get3A_99] : memref<128x1xf32, #tpu.memory_space<vmem>>, vector<128x1xf32>
    %dot_general3A_101 = arith.constant dense<0.000000e+00> : vector<1024x1xf32>
    %dot_general3A_102 = tpu.matmul %get3A_97, %get3A_100, %dot_general3A_101 {dimension_numbers = #tpu.dot_dimension_numbers<[1], [0], [0], [1], [0, 0, 1, 1], [], []>, transpose_lhs_hint = false} : vector<1024x128xf32>, vector<128x1xf32>, vector<1024x1xf32> -> vector<1024x1xf32>
    %add3A_103 = arith.addf %dot_general3A_102, %dot_general3A_5 : vector<1024x1xf32>
    %get3A_104 = arith.constant 9 : index
    %get3A_105 = arith.constant 0 : index
    %get3A_106 = arith.constant 0 : index
    %get3A_107 = vector.load %arg2[%get3A_104, %get3A_105, %get3A_106] : memref<10x1024x128xf32, #tpu.memory_space<vmem>>, vector<1x1024x128xf32>
    %get3A_108 = vector.shape_cast %get3A_107 : vector<1x1024x128xf32> to vector<1024x128xf32>
    %get3A_109 = arith.constant 0 : index
    %get3A_110 = arith.constant 0 : index
    %get3A_111 = vector.load %arg4[%get3A_109, %get3A_110] : memref<128x1xf32, #tpu.memory_space<vmem>>, vector<128x1xf32>
    %dot_general3A_112 = arith.constant dense<0.000000e+00> : vector<1024x1xf32>
    %dot_general3A_113 = tpu.matmul %get3A_108, %get3A_111, %dot_general3A_112 {dimension_numbers = #tpu.dot_dimension_numbers<[1], [0], [0], [1], [0, 0, 1, 1], [], []>, transpose_lhs_hint = false} : vector<1024x128xf32>, vector<128x1xf32>, vector<1024x1xf32> -> vector<1024x1xf32>
    %add3A_114 = arith.addf %dot_general3A_113, %dot_general3A_5 : vector<1024x1xf32>
    %concatenate3A = tpu.concatenate %add3A, %add3A_26, %add3A_37, %add3A_48, %add3A_59, %add3A_70, %add3A_81, %add3A_92, %add3A_103, %add3A_114 in 1 : vector<1024x1xf32>, vector<1024x1xf32>, vector<1024x1xf32>, vector<1024x1xf32>, vector<1024x1xf32>, vector<1024x1xf32>, vector<1024x1xf32>, vector<1024x1xf32>, vector<1024x1xf32>, vector<1024x1xf32> -> vector<1024x10xf32>
    %max3A = arith.constant 0.000000e+00 : f32
    %max3A_115 = vector.broadcast %max3A : f32 to vector<1024x10xf32>
    %max3A_116 = arith.maximumf %concatenate3A, %max3A_115 : vector<1024x10xf32>
    %exp3A = math.exp %max3A_116 : vector<1024x10xf32>
    %reduce_sum3A = arith.constant dense<0.000000e+00> : vector<1024xf32>
    %reduce_sum3A_117 = vector.multi_reduction <add>, %exp3A, %reduce_sum3A [1] : vector<1024x10xf32> to vector<1024xf32>
    %broadcast_in_dim3A = vector.shape_cast %reduce_sum3A_117 : vector<1024xf32> to vector<1024x1xf32>
    %get3A_118 = arith.constant 0 : index
    %get3A_119 = arith.constant 0 : index
    %get3A_120 = arith.constant 0 : index
    %get3A_121 = vector.load %arg2[%get3A_118, %get3A_119, %get3A_120] : memref<10x1024x128xf32, #tpu.memory_space<vmem>>, vector<1x1024x128xf32>
    %get3A_122 = vector.shape_cast %get3A_121 : vector<1x1024x128xf32> to vector<1024x128xf32>
    %slice3A = vector.extract_strided_slice %exp3A {offsets = [0, 0], sizes = [1024, 1], strides = [1, 1]} : vector<1024x10xf32> to vector<1024x1xf32>
    %mul3A = vector.broadcast %slice3A : vector<1024x1xf32> to vector<1024x128xf32>
    %mul3A_123 = arith.mulf %get3A_122, %mul3A : vector<1024x128xf32>
    %get3A_124 = arith.constant 1 : index
    %get3A_125 = arith.constant 0 : index
    %get3A_126 = arith.constant 0 : index
    %get3A_127 = vector.load %arg2[%get3A_124, %get3A_125, %get3A_126] : memref<10x1024x128xf32, #tpu.memory_space<vmem>>, vector<1x1024x128xf32>
    %get3A_128 = vector.shape_cast %get3A_127 : vector<1x1024x128xf32> to vector<1024x128xf32>
    %slice3A_129 = vector.extract_strided_slice %exp3A {offsets = [0, 1], sizes = [1024, 1], strides = [1, 1]} : vector<1024x10xf32> to vector<1024x1xf32>
    %mul3A_130 = vector.broadcast %slice3A_129 : vector<1024x1xf32> to vector<1024x128xf32>
    %mul3A_131 = arith.mulf %get3A_128, %mul3A_130 : vector<1024x128xf32>
    %add3A_132 = arith.addf %mul3A_123, %mul3A_131 : vector<1024x128xf32>
    %get3A_133 = arith.constant 2 : index
    %get3A_134 = arith.constant 0 : index
    %get3A_135 = arith.constant 0 : index
    %get3A_136 = vector.load %arg2[%get3A_133, %get3A_134, %get3A_135] : memref<10x1024x128xf32, #tpu.memory_space<vmem>>, vector<1x1024x128xf32>
    %get3A_137 = vector.shape_cast %get3A_136 : vector<1x1024x128xf32> to vector<1024x128xf32>
    %slice3A_138 = vector.extract_strided_slice %exp3A {offsets = [0, 2], sizes = [1024, 1], strides = [1, 1]} : vector<1024x10xf32> to vector<1024x1xf32>
    %mul3A_139 = vector.broadcast %slice3A_138 : vector<1024x1xf32> to vector<1024x128xf32>
    %mul3A_140 = arith.mulf %get3A_137, %mul3A_139 : vector<1024x128xf32>
    %add3A_141 = arith.addf %add3A_132, %mul3A_140 : vector<1024x128xf32>
    %get3A_142 = arith.constant 3 : index
    %get3A_143 = arith.constant 0 : index
    %get3A_144 = arith.constant 0 : index
    %get3A_145 = vector.load %arg2[%get3A_142, %get3A_143, %get3A_144] : memref<10x1024x128xf32, #tpu.memory_space<vmem>>, vector<1x1024x128xf32>
    %get3A_146 = vector.shape_cast %get3A_145 : vector<1x1024x128xf32> to vector<1024x128xf32>
    %slice3A_147 = vector.extract_strided_slice %exp3A {offsets = [0, 3], sizes = [1024, 1], strides = [1, 1]} : vector<1024x10xf32> to vector<1024x1xf32>
    %mul3A_148 = vector.broadcast %slice3A_147 : vector<1024x1xf32> to vector<1024x128xf32>
    %mul3A_149 = arith.mulf %get3A_146, %mul3A_148 : vector<1024x128xf32>
    %add3A_150 = arith.addf %add3A_141, %mul3A_149 : vector<1024x128xf32>
    %get3A_151 = arith.constant 4 : index
    %get3A_152 = arith.constant 0 : index
    %get3A_153 = arith.constant 0 : index
    %get3A_154 = vector.load %arg2[%get3A_151, %get3A_152, %get3A_153] : memref<10x1024x128xf32, #tpu.memory_space<vmem>>, vector<1x1024x128xf32>
    %get3A_155 = vector.shape_cast %get3A_154 : vector<1x1024x128xf32> to vector<1024x128xf32>
    %slice3A_156 = vector.extract_strided_slice %exp3A {offsets = [0, 4], sizes = [1024, 1], strides = [1, 1]} : vector<1024x10xf32> to vector<1024x1xf32>
    %mul3A_157 = vector.broadcast %slice3A_156 : vector<1024x1xf32> to vector<1024x128xf32>
    %mul3A_158 = arith.mulf %get3A_155, %mul3A_157 : vector<1024x128xf32>
    %add3A_159 = arith.addf %add3A_150, %mul3A_158 : vector<1024x128xf32>
    %get3A_160 = arith.constant 5 : index
    %get3A_161 = arith.constant 0 : index
    %get3A_162 = arith.constant 0 : index
    %get3A_163 = vector.load %arg2[%get3A_160, %get3A_161, %get3A_162] : memref<10x1024x128xf32, #tpu.memory_space<vmem>>, vector<1x1024x128xf32>
    %get3A_164 = vector.shape_cast %get3A_163 : vector<1x1024x128xf32> to vector<1024x128xf32>
    %slice3A_165 = vector.extract_strided_slice %exp3A {offsets = [0, 5], sizes = [1024, 1], strides = [1, 1]} : vector<1024x10xf32> to vector<1024x1xf32>
    %mul3A_166 = vector.broadcast %slice3A_165 : vector<1024x1xf32> to vector<1024x128xf32>
    %mul3A_167 = arith.mulf %get3A_164, %mul3A_166 : vector<1024x128xf32>
    %add3A_168 = arith.addf %add3A_159, %mul3A_167 : vector<1024x128xf32>
    %get3A_169 = arith.constant 6 : index
    %get3A_170 = arith.constant 0 : index
    %get3A_171 = arith.constant 0 : index
    %get3A_172 = vector.load %arg2[%get3A_169, %get3A_170, %get3A_171] : memref<10x1024x128xf32, #tpu.memory_space<vmem>>, vector<1x1024x128xf32>
    %get3A_173 = vector.shape_cast %get3A_172 : vector<1x1024x128xf32> to vector<1024x128xf32>
    %slice3A_174 = vector.extract_strided_slice %exp3A {offsets = [0, 6], sizes = [1024, 1], strides = [1, 1]} : vector<1024x10xf32> to vector<1024x1xf32>
    %mul3A_175 = vector.broadcast %slice3A_174 : vector<1024x1xf32> to vector<1024x128xf32>
    %mul3A_176 = arith.mulf %get3A_173, %mul3A_175 : vector<1024x128xf32>
    %add3A_177 = arith.addf %add3A_168, %mul3A_176 : vector<1024x128xf32>
    %get3A_178 = arith.constant 7 : index
    %get3A_179 = arith.constant 0 : index
    %get3A_180 = arith.constant 0 : index
    %get3A_181 = vector.load %arg2[%get3A_178, %get3A_179, %get3A_180] : memref<10x1024x128xf32, #tpu.memory_space<vmem>>, vector<1x1024x128xf32>
    %get3A_182 = vector.shape_cast %get3A_181 : vector<1x1024x128xf32> to vector<1024x128xf32>
    %slice3A_183 = vector.extract_strided_slice %exp3A {offsets = [0, 7], sizes = [1024, 1], strides = [1, 1]} : vector<1024x10xf32> to vector<1024x1xf32>
    %mul3A_184 = vector.broadcast %slice3A_183 : vector<1024x1xf32> to vector<1024x128xf32>
    %mul3A_185 = arith.mulf %get3A_182, %mul3A_184 : vector<1024x128xf32>
    %add3A_186 = arith.addf %add3A_177, %mul3A_185 : vector<1024x128xf32>
    %get3A_187 = arith.constant 8 : index
    %get3A_188 = arith.constant 0 : index
    %get3A_189 = arith.constant 0 : index
    %get3A_190 = vector.load %arg2[%get3A_187, %get3A_188, %get3A_189] : memref<10x1024x128xf32, #tpu.memory_space<vmem>>, vector<1x1024x128xf32>
    %get3A_191 = vector.shape_cast %get3A_190 : vector<1x1024x128xf32> to vector<1024x128xf32>
    %slice3A_192 = vector.extract_strided_slice %exp3A {offsets = [0, 8], sizes = [1024, 1], strides = [1, 1]} : vector<1024x10xf32> to vector<1024x1xf32>
    %mul3A_193 = vector.broadcast %slice3A_192 : vector<1024x1xf32> to vector<1024x128xf32>
    %mul3A_194 = arith.mulf %get3A_191, %mul3A_193 : vector<1024x128xf32>
    %add3A_195 = arith.addf %add3A_186, %mul3A_194 : vector<1024x128xf32>
    %get3A_196 = arith.constant 9 : index
    %get3A_197 = arith.constant 0 : index
    %get3A_198 = arith.constant 0 : index
    %get3A_199 = vector.load %arg2[%get3A_196, %get3A_197, %get3A_198] : memref<10x1024x128xf32, #tpu.memory_space<vmem>>, vector<1x1024x128xf32>
    %get3A_200 = vector.shape_cast %get3A_199 : vector<1x1024x128xf32> to vector<1024x128xf32>
    %slice3A_201 = vector.extract_strided_slice %exp3A {offsets = [0, 9], sizes = [1024, 1], strides = [1, 1]} : vector<1024x10xf32> to vector<1024x1xf32>
    %mul3A_202 = vector.broadcast %slice3A_201 : vector<1024x1xf32> to vector<1024x128xf32>
    %mul3A_203 = arith.mulf %get3A_200, %mul3A_202 : vector<1024x128xf32>
    %add3A_204 = arith.addf %add3A_195, %mul3A_203 : vector<1024x128xf32>
    %div3A = vector.broadcast %broadcast_in_dim3A : vector<1024x1xf32> to vector<1024x128xf32>
    %div3A_205 = arith.divf %add3A_204, %div3A : vector<1024x128xf32>
    %get3A_206 = arith.constant 0 : index
    %get3A_207 = arith.constant 0 : index
    %get3A_208 = vector.load %arg5[%get3A_206, %get3A_207] : memref<128x128xf32, #tpu.memory_space<vmem>>, vector<128x128xf32>
    %dot_general3A_209 = arith.constant dense<0.000000e+00> : vector<1024x128xf32>
    %dot_general3A_210 = tpu.matmul %get3A_1, %get3A_208, %dot_general3A_209 {dimension_numbers = #tpu.dot_dimension_numbers<[1], [0], [0], [1], [0, 0, 1, 1], [], []>, transpose_lhs_hint = false} : vector<1024x128xf32>, vector<128x128xf32>, vector<1024x128xf32> -> vector<1024x128xf32>
    %get3A_211 = arith.constant 0 : index
    %get3A_212 = arith.constant 0 : index
    %get3A_213 = vector.load %arg6[%get3A_211, %get3A_212] : memref<128x128xf32, #tpu.memory_space<vmem>>, vector<128x128xf32>
    %dot_general3A_214 = arith.constant dense<0.000000e+00> : vector<1024x128xf32>
    %dot_general3A_215 = tpu.matmul %div3A_205, %get3A_213, %dot_general3A_214 {dimension_numbers = #tpu.dot_dimension_numbers<[1], [0], [0], [1], [0, 0, 1, 1], [], []>, transpose_lhs_hint = false} : vector<1024x128xf32>, vector<128x128xf32>, vector<1024x128xf32> -> vector<1024x128xf32>
    %add3A_216 = arith.addf %dot_general3A_210, %dot_general3A_215 : vector<1024x128xf32>
    %max3A_217 = arith.constant 0.000000e+00 : f32
    %max3A_218 = vector.broadcast %max3A_217 : f32 to vector<1024x128xf32>
    %max3A_219 = arith.maximumf %add3A_216, %max3A_218 : vector<1024x128xf32>
    %swap3A = arith.constant 0 : index
    %swap3A_220 = arith.constant 0 : index
    %swap3A_221 = vector.load %arg7[%swap3A, %swap3A_220] : memref<1024x128xf32, #tpu.memory_space<vmem>>, vector<1024x128xf32>
    tpu.vector_store %arg7[%swap3A, %swap3A_220], %max3A_219 {strides = array<i32>} : memref<1024x128xf32, #tpu.memory_space<vmem>>, vector<1024x128xf32>,
    return
  }
  func.func @transform_0(%arg0: i32) -> (i32, i32) {
    %c0_i32 = arith.constant 0 : i32
    %c0_i32_0 = arith.constant 0 : i32
    return %arg0, %c0_i32 : i32, i32
  }
  func.func @transform_1(%arg0: i32) -> (i32, i32, i32) {
    %c0_i32 = arith.constant 0 : i32
    %c0_i32_0 = arith.constant 0 : i32
    %c0_i32_1 = arith.constant 0 : i32
    return %c0_i32, %arg0, %c0_i32_0 : i32, i32, i32
  }
  func.func @transform_2(%arg0: i32) -> (i32, i32) {
    %c0_i32 = arith.constant 0 : i32
    %c0_i32_0 = arith.constant 0 : i32
    %c0_i32_1 = arith.constant 0 : i32
    return %c0_i32, %c0_i32_0 : i32, i32
  }
  func.func @transform_3(%arg0: i32) -> (i32, i32) {
    %c0_i32 = arith.constant 0 : i32
    %c0_i32_0 = arith.constant 0 : i32
    %c0_i32_1 = arith.constant 0 : i32
    return %c0_i32, %c0_i32_0 : i32, i32
  }
  func.func @transform_4(%arg0: i32) -> (i32, i32) {
    %c0_i32 = arith.constant 0 : i32
    %c0_i32_0 = arith.constant 0 : i32
    %c0_i32_1 = arith.constant 0 : i32
    return %c0_i32, %c0_i32_0 : i32, i32
  }
  func.func @transform_5(%arg0: i32) -> (i32, i32) {
    %c0_i32 = arith.constant 0 : i32
    %c0_i32_0 = arith.constant 0 : i32
    %c0_i32_1 = arith.constant 0 : i32
    return %c0_i32, %c0_i32_0 : i32, i32
  }
  func.func @transform_6(%arg0: i32) -> (i32, i32) {
    %c0_i32 = arith.constant 0 : i32
    %c0_i32_0 = arith.constant 0 : i32
    return %arg0, %c0_i32 : i32, i32
  }
}

module attributes {stable_mosaic.version = 14 : i64} {
  func.func @_tc_dense_body(%arg0: i32, %arg1: memref<1024x128xf32, #tpu.memory_space<vmem>>, %arg2: memref<10x1024x128xf32, #tpu.memory_space<vmem>>, %arg3: memref<128x1xf32, #tpu.memory_space<vmem>>, %arg4: memref<128x1xf32, #tpu.memory_space<vmem>>, %arg5: memref<128x128xf32, #tpu.memory_space<vmem>>, %arg6: memref<128x128xf32, #tpu.memory_space<vmem>>, %arg7: memref<1024x128xf32, #tpu.memory_space<vmem>>) attributes {dimension_semantics = [#tpu.dimension_semantics<arbitrary>], iteration_bounds = array<i64: 5>, scalar_prefetch = 0 : i64, scratch_operands = 0 : i64, tpu.core_type = #tpu.core_type<tc>, window_params = [{transform_indices = @transform_0, window_bounds = array<i64: 1024, 128>}, {transform_indices = @transform_1, window_bounds = array<i64: 10, 1024, 128>}, {pipeline_mode = #tpu.pipeline_mode<synchronous>, transform_indices = @transform_2, window_bounds = array<i64: 128, 1>}, {pipeline_mode = #tpu.pipeline_mode<synchronous>, transform_indices = @transform_3, window_bounds = array<i64: 128, 1>}, {pipeline_mode = #tpu.pipeline_mode<synchronous>, transform_indices = @transform_4, window_bounds = array<i64: 128, 128>}, {pipeline_mode = #tpu.pipeline_mode<synchronous>, transform_indices = @transform_5, window_bounds = array<i64: 128, 128>}, {transform_indices = @transform_6, window_bounds = array<i64: 1024, 128>}]} {
    %get3A = arith.constant 0 : index
    %get3A_0 = arith.constant 0 : index
    %get3A_1 = vector.load %arg1[%get3A, %get3A_0] : memref<1024x128xf32, #tpu.memory_space<vmem>>, vector<1024x128xf32>
    %get3A_2 = arith.constant 0 : index
    %get3A_3 = arith.constant 0 : index
    %get3A_4 = vector.load %arg3[%get3A_2, %get3A_3] : memref<128x1xf32, #tpu.memory_space<vmem>>, vector<128x1xf32>
    %dot_general3A = arith.constant dense<0.000000e+00> : vector<1024x1xf32>
    %dot_general3A_5 = tpu.matmul %get3A_1, %get3A_4, %dot_general3A {dimension_numbers = #tpu.dot_dimension_numbers<[1], [0], [0], [1], [0, 0, 1, 1], [], []>, transpose_lhs_hint = false} : vector<1024x128xf32>, vector<128x1xf32>, vector<1024x1xf32> -> vector<1024x1xf32>
    %get3A_6 = arith.constant 0 : index
    %get3A_7 = arith.constant 0 : index
    %get3A_8 = arith.constant 0 : index
    %get3A_9 = vector.load %arg2[%get3A_6, %get3A_7, %get3A_8] : memref<10x1024x128xf32, #tpu.memory_space<vmem>>, vector<1x1024x128xf32>
    %get3A_10 = vector.shape_cast %get3A_9 : vector<1x1024x128xf32> to vector<1024x128xf32>
    %get3A_11 = arith.constant 0 : index
    %get3A_12 = arith.constant 0 : index
    %get3A_13 = vector.load %arg4[%get3A_11, %get3A_12] : memref<128x1xf32, #tpu.memory_space<vmem>>, vector<128x1xf32>
    %dot_general3A_14 = arith.constant dense<0.000000e+00> : vector<1024x1xf32>
    %dot_general3A_15 = tpu.matmul %get3A_10, %get3A_13, %dot_general3A_14 {dimension_numbers = #tpu.dot_dimension_numbers<[1], [0], [0], [1], [0, 0, 1, 1], [], []>, transpose_lhs_hint = false} : vector<1024x128xf32>, vector<128x1xf32>, vector<1024x1xf32> -> vector<1024x1xf32>
    %add3A = arith.addf %dot_general3A_15, %dot_general3A_5 : vector<1024x1xf32>
    %get3A_16 = arith.constant 1 : index
    %get3A_17 = arith.constant 0 : index
    %get3A_18 = arith.constant 0 : index
    %get3A_19 = vector.load %arg2[%get3A_16, %get3A_17, %get3A_18] : memref<10x1024x128xf32, #tpu.memory_space<vmem>>, vector<1x1024x128xf32>
    %get3A_20 = vector.shape_cast %get3A_19 : vector<1x1024x128xf32> to vector<1024x128xf32>
    %get3A_21 = arith.constant 0 : index
    %get3A_22 = arith.constant 0 : index
    %get3A_23 = vector.load %arg4[%get3A_21, %get3A_22] : memref<128x1xf32, #tpu.memory_space<vmem>>, vector<128x1xf32>
    %dot_general3A_24 = arith.constant dense<0.000000e+00> : vector<1024x1xf32>
    %dot_general3A_25 = tpu.matmul %get3A_20, %get3A_23, %dot_general3A_24 {dimension_numbers = #tpu.dot_dimension_numbers<[1], [0], [0], [1], [0, 0, 1, 1], [], []>, transpose_lhs_hint = false} : vector<1024x128xf32>, vector<128x1xf32>, vector<1024x1xf32> -> vector<1024x1xf32>
    %add3A_26 = arith.addf %dot_general3A_25, %dot_general3A_5 : vector<1024x1xf32>
    %get3A_27 = arith.constant 2 : index
    %get3A_28 = arith.constant 0 : index
    %get3A_29 = arith.constant 0 : index
    %get3A_30 = vector.load %arg2[%get3A_27, %get3A_28, %get3A_29] : memref<10x1024x128xf32, #tpu.memory_space<vmem>>, vector<1x1024x128xf32>
    %get3A_31 = vector.shape_cast %get3A_30 : vector<1x1024x128xf32> to vector<1024x128xf32>
    %get3A_32 = arith.constant 0 : index
    %get3A_33 = arith.constant 0 : index
    %get3A_34 = vector.load %arg4[%get3A_32, %get3A_33] : memref<128x1xf32, #tpu.memory_space<vmem>>, vector<128x1xf32>
    %dot_general3A_35 = arith.constant dense<0.000000e+00> : vector<1024x1xf32>
    %dot_general3A_36 = tpu.matmul %get3A_31, %get3A_34, %dot_general3A_35 {dimension_numbers = #tpu.dot_dimension_numbers<[1], [0], [0], [1], [0, 0, 1, 1], [], []>, transpose_lhs_hint = false} : vector<1024x128xf32>, vector<128x1xf32>, vector<1024x1xf32> -> vector<1024x1xf32>
    %add3A_37 = arith.addf %dot_general3A_36, %dot_general3A_5 : vector<1024x1xf32>
    %get3A_38 = arith.constant 3 : index
    %get3A_39 = arith.constant 0 : index
    %get3A_40 = arith.constant 0 : index
    %get3A_41 = vector.load %arg2[%get3A_38, %get3A_39, %get3A_40] : memref<10x1024x128xf32, #tpu.memory_space<vmem>>, vector<1x1024x128xf32>
    %get3A_42 = vector.shape_cast %get3A_41 : vector<1x1024x128xf32> to vector<1024x128xf32>
    %get3A_43 = arith.constant 0 : index
    %get3A_44 = arith.constant 0 : index
    %get3A_45 = vector.load %arg4[%get3A_43, %get3A_44] : memref<128x1xf32, #tpu.memory_space<vmem>>, vector<128x1xf32>
    %dot_general3A_46 = arith.constant dense<0.000000e+00> : vector<1024x1xf32>
    %dot_general3A_47 = tpu.matmul %get3A_42, %get3A_45, %dot_general3A_46 {dimension_numbers = #tpu.dot_dimension_numbers<[1], [0], [0], [1], [0, 0, 1, 1], [], []>, transpose_lhs_hint = false} : vector<1024x128xf32>, vector<128x1xf32>, vector<1024x1xf32> -> vector<1024x1xf32>
    %add3A_48 = arith.addf %dot_general3A_47, %dot_general3A_5 : vector<1024x1xf32>
    %get3A_49 = arith.constant 4 : index
    %get3A_50 = arith.constant 0 : index
    %get3A_51 = arith.constant 0 : index
    %get3A_52 = vector.load %arg2[%get3A_49, %get3A_50, %get3A_51] : memref<10x1024x128xf32, #tpu.memory_space<vmem>>, vector<1x1024x128xf32>
    %get3A_53 = vector.shape_cast %get3A_52 : vector<1x1024x128xf32> to vector<1024x128xf32>
    %get3A_54 = arith.constant 0 : index
    %get3A_55 = arith.constant 0 : index
    %get3A_56 = vector.load %arg4[%get3A_54, %get3A_55] : memref<128x1xf32, #tpu.memory_space<vmem>>, vector<128x1xf32>
    %dot_general3A_57 = arith.constant dense<0.000000e+00> : vector<1024x1xf32>
    %dot_general3A_58 = tpu.matmul %get3A_53, %get3A_56, %dot_general3A_57 {dimension_numbers = #tpu.dot_dimension_numbers<[1], [0], [0], [1], [0, 0, 1, 1], [], []>, transpose_lhs_hint = false} : vector<1024x128xf32>, vector<128x1xf32>, vector<1024x1xf32> -> vector<1024x1xf32>
    %add3A_59 = arith.addf %dot_general3A_58, %dot_general3A_5 : vector<1024x1xf32>
    %get3A_60 = arith.constant 5 : index
    %get3A_61 = arith.constant 0 : index
    %get3A_62 = arith.constant 0 : index
    %get3A_63 = vector.load %arg2[%get3A_60, %get3A_61, %get3A_62] : memref<10x1024x128xf32, #tpu.memory_space<vmem>>, vector<1x1024x128xf32>
    %get3A_64 = vector.shape_cast %get3A_63 : vector<1x1024x128xf32> to vector<1024x128xf32>
    %get3A_65 = arith.constant 0 : index
    %get3A_66 = arith.constant 0 : index
    %get3A_67 = vector.load %arg4[%get3A_65, %get3A_66] : memref<128x1xf32, #tpu.memory_space<vmem>>, vector<128x1xf32>
    %dot_general3A_68 = arith.constant dense<0.000000e+00> : vector<1024x1xf32>
    %dot_general3A_69 = tpu.matmul %get3A_64, %get3A_67, %dot_general3A_68 {dimension_numbers = #tpu.dot_dimension_numbers<[1], [0], [0], [1], [0, 0, 1, 1], [], []>, transpose_lhs_hint = false} : vector<1024x128xf32>, vector<128x1xf32>, vector<1024x1xf32> -> vector<1024x1xf32>
    %add3A_70 = arith.addf %dot_general3A_69, %dot_general3A_5 : vector<1024x1xf32>
    %get3A_71 = arith.constant 6 : index
    %get3A_72 = arith.constant 0 : index
    %get3A_73 = arith.constant 0 : index
    %get3A_74 = vector.load %arg2[%get3A_71, %get3A_72, %get3A_73] : memref<10x1024x128xf32, #tpu.memory_space<vmem>>, vector<1x1024x128xf32>
    %get3A_75 = vector.shape_cast %get3A_74 : vector<1x1024x128xf32> to vector<1024x128xf32>
    %get3A_76 = arith.constant 0 : index
    %get3A_77 = arith.constant 0 : index
    %get3A_78 = vector.load %arg4[%get3A_76, %get3A_77] : memref<128x1xf32, #tpu.memory_space<vmem>>, vector<128x1xf32>
    %dot_general3A_79 = arith.constant dense<0.000000e+00> : vector<1024x1xf32>
    %dot_general3A_80 = tpu.matmul %get3A_75, %get3A_78, %dot_general3A_79 {dimension_numbers = #tpu.dot_dimension_numbers<[1], [0], [0], [1], [0, 0, 1, 1], [], []>, transpose_lhs_hint = false} : vector<1024x128xf32>, vector<128x1xf32>, vector<1024x1xf32> -> vector<1024x1xf32>
    %add3A_81 = arith.addf %dot_general3A_80, %dot_general3A_5 : vector<1024x1xf32>
    %get3A_82 = arith.constant 7 : index
    %get3A_83 = arith.constant 0 : index
    %get3A_84 = arith.constant 0 : index
    %get3A_85 = vector.load %arg2[%get3A_82, %get3A_83, %get3A_84] : memref<10x1024x128xf32, #tpu.memory_space<vmem>>, vector<1x1024x128xf32>
    %get3A_86 = vector.shape_cast %get3A_85 : vector<1x1024x128xf32> to vector<1024x128xf32>
    %get3A_87 = arith.constant 0 : index
    %get3A_88 = arith.constant 0 : index
    %get3A_89 = vector.load %arg4[%get3A_87, %get3A_88] : memref<128x1xf32, #tpu.memory_space<vmem>>, vector<128x1xf32>
    %dot_general3A_90 = arith.constant dense<0.000000e+00> : vector<1024x1xf32>
    %dot_general3A_91 = tpu.matmul %get3A_86, %get3A_89, %dot_general3A_90 {dimension_numbers = #tpu.dot_dimension_numbers<[1], [0], [0], [1], [0, 0, 1, 1], [], []>, transpose_lhs_hint = false} : vector<1024x128xf32>, vector<128x1xf32>, vector<1024x1xf32> -> vector<1024x1xf32>
    %add3A_92 = arith.addf %dot_general3A_91, %dot_general3A_5 : vector<1024x1xf32>
    %get3A_93 = arith.constant 8 : index
    %get3A_94 = arith.constant 0 : index
    %get3A_95 = arith.constant 0 : index
    %get3A_96 = vector.load %arg2[%get3A_93, %get3A_94, %get3A_95] : memref<10x1024x128xf32, #tpu.memory_space<vmem>>, vector<1x1024x128xf32>
    %get3A_97 = vector.shape_cast %get3A_96 : vector<1x1024x128xf32> to vector<1024x128xf32>
    %get3A_98 = arith.constant 0 : index
    %get3A_99 = arith.constant 0 : index
    %get3A_100 = vector.load %arg4[%get3A_98, %get3A_99] : memref<128x1xf32, #tpu.memory_space<vmem>>, vector<128x1xf32>
    %dot_general3A_101 = arith.constant dense<0.000000e+00> : vector<1024x1xf32>
    %dot_general3A_102 = tpu.matmul %get3A_97, %get3A_100, %dot_general3A_101 {dimension_numbers = #tpu.dot_dimension_numbers<[1], [0], [0], [1], [0, 0, 1, 1], [], []>, transpose_lhs_hint = false} : vector<1024x128xf32>, vector<128x1xf32>, vector<1024x1xf32> -> vector<1024x1xf32>
    %add3A_103 = arith.addf %dot_general3A_102, %dot_general3A_5 : vector<1024x1xf32>
    %get3A_104 = arith.constant 9 : index
    %get3A_105 = arith.constant 0 : index
    %get3A_106 = arith.constant 0 : index
    %get3A_107 = vector.load %arg2[%get3A_104, %get3A_105, %get3A_106] : memref<10x1024x128xf32, #tpu.memory_space<vmem>>, vector<1x1024x128xf32>
    %get3A_108 = vector.shape_cast %get3A_107 : vector<1x1024x128xf32> to vector<1024x128xf32>
    %get3A_109 = arith.constant 0 : index
    %get3A_110 = arith.constant 0 : index
    %get3A_111 = vector.load %arg4[%get3A_109, %get3A_110] : memref<128x1xf32, #tpu.memory_space<vmem>>, vector<128x1xf32>
    %dot_general3A_112 = arith.constant dense<0.000000e+00> : vector<1024x1xf32>
    %dot_general3A_113 = tpu.matmul %get3A_108, %get3A_111, %dot_general3A_112 {dimension_numbers = #tpu.dot_dimension_numbers<[1], [0], [0], [1], [0, 0, 1, 1], [], []>, transpose_lhs_hint = false} : vector<1024x128xf32>, vector<128x1xf32>, vector<1024x1xf32> -> vector<1024x1xf32>
    %add3A_114 = arith.addf %dot_general3A_113, %dot_general3A_5 : vector<1024x1xf32>
    %concatenate3A = tpu.concatenate %add3A, %add3A_26, %add3A_37, %add3A_48, %add3A_59, %add3A_70, %add3A_81, %add3A_92, %add3A_103, %add3A_114 in 1 : vector<1024x1xf32>, vector<1024x1xf32>, vector<1024x1xf32>, vector<1024x1xf32>, vector<1024x1xf32>, vector<1024x1xf32>, vector<1024x1xf32>, vector<1024x1xf32>, vector<1024x1xf32>, vector<1024x1xf32> -> vector<1024x10xf32>
    %max3A = arith.constant 0.000000e+00 : f32
    %max3A_115 = vector.broadcast %max3A : f32 to vector<1024x10xf32>
    %max3A_116 = arith.maximumf %concatenate3A, %max3A_115 : vector<1024x10xf32>
    %exp3A = math.exp %max3A_116 : vector<1024x10xf32>
    %reduce_sum3A = arith.constant dense<0.000000e+00> : vector<1024xf32>
    %reduce_sum3A_117 = vector.multi_reduction <add>, %exp3A, %reduce_sum3A [1] : vector<1024x10xf32> to vector<1024xf32>
    %broadcast_in_dim3A = vector.shape_cast %reduce_sum3A_117 : vector<1024xf32> to vector<1024x1xf32>
    %get3A_118 = arith.constant 0 : index
    %get3A_119 = arith.constant 0 : index
    %get3A_120 = arith.constant 0 : index
    %get3A_121 = vector.load %arg2[%get3A_118, %get3A_119, %get3A_120] : memref<10x1024x128xf32, #tpu.memory_space<vmem>>, vector<1x1024x128xf32>
    %get3A_122 = vector.shape_cast %get3A_121 : vector<1x1024x128xf32> to vector<1024x128xf32>
    %slice3A = vector.extract_strided_slice %exp3A {offsets = [0, 0], sizes = [1024, 1], strides = [1, 1]} : vector<1024x10xf32> to vector<1024x1xf32>
    %mul3A = vector.broadcast %slice3A : vector<1024x1xf32> to vector<1024x128xf32>
    %mul3A_123 = arith.mulf %get3A_122, %mul3A : vector<1024x128xf32>
    %get3A_124 = arith.constant 1 : index
    %get3A_125 = arith.constant 0 : index
    %get3A_126 = arith.constant 0 : index
    %get3A_127 = vector.load %arg2[%get3A_124, %get3A_125, %get3A_126] : memref<10x1024x128xf32, #tpu.memory_space<vmem>>, vector<1x1024x128xf32>
    %get3A_128 = vector.shape_cast %get3A_127 : vector<1x1024x128xf32> to vector<1024x128xf32>
    %slice3A_129 = vector.extract_strided_slice %exp3A {offsets = [0, 1], sizes = [1024, 1], strides = [1, 1]} : vector<1024x10xf32> to vector<1024x1xf32>
    %mul3A_130 = vector.broadcast %slice3A_129 : vector<1024x1xf32> to vector<1024x128xf32>
    %mul3A_131 = arith.mulf %get3A_128, %mul3A_130 : vector<1024x128xf32>
    %add3A_132 = arith.addf %mul3A_123, %mul3A_131 : vector<1024x128xf32>
    %get3A_133 = arith.constant 2 : index
    %get3A_134 = arith.constant 0 : index
    %get3A_135 = arith.constant 0 : index
    %get3A_136 = vector.load %arg2[%get3A_133, %get3A_134, %get3A_135] : memref<10x1024x128xf32, #tpu.memory_space<vmem>>, vector<1x1024x128xf32>
    %get3A_137 = vector.shape_cast %get3A_136 : vector<1x1024x128xf32> to vector<1024x128xf32>
    %slice3A_138 = vector.extract_strided_slice %exp3A {offsets = [0, 2], sizes = [1024, 1], strides = [1, 1]} : vector<1024x10xf32> to vector<1024x1xf32>
    %mul3A_139 = vector.broadcast %slice3A_138 : vector<1024x1xf32> to vector<1024x128xf32>
    %mul3A_140 = arith.mulf %get3A_137, %mul3A_139 : vector<1024x128xf32>
    %add3A_141 = arith.addf %add3A_132, %mul3A_140 : vector<1024x128xf32>
    %get3A_142 = arith.constant 3 : index
    %get3A_143 = arith.constant 0 : index
    %get3A_144 = arith.constant 0 : index
    %get3A_145 = vector.load %arg2[%get3A_142, %get3A_143, %get3A_144] : memref<10x1024x128xf32, #tpu.memory_space<vmem>>, vector<1x1024x128xf32>
    %get3A_146 = vector.shape_cast %get3A_145 : vector<1x1024x128xf32> to vector<1024x128xf32>
    %slice3A_147 = vector.extract_strided_slice %exp3A {offsets = [0, 3], sizes = [1024, 1], strides = [1, 1]} : vector<1024x10xf32> to vector<1024x1xf32>
    %mul3A_148 = vector.broadcast %slice3A_147 : vector<1024x1xf32> to vector<1024x128xf32>
    %mul3A_149 = arith.mulf %get3A_146, %mul3A_148 : vector<1024x128xf32>
    %add3A_150 = arith.addf %add3A_141, %mul3A_149 : vector<1024x128xf32>
    %get3A_151 = arith.constant 4 : index
    %get3A_152 = arith.constant 0 : index
    %get3A_153 = arith.constant 0 : index
    %get3A_154 = vector.load %arg2[%get3A_151, %get3A_152, %get3A_153] : memref<10x1024x128xf32, #tpu.memory_space<vmem>>, vector<1x1024x128xf32>
    %get3A_155 = vector.shape_cast %get3A_154 : vector<1x1024x128xf32> to vector<1024x128xf32>
    %slice3A_156 = vector.extract_strided_slice %exp3A {offsets = [0, 4], sizes = [1024, 1], strides = [1, 1]} : vector<1024x10xf32> to vector<1024x1xf32>
    %mul3A_157 = vector.broadcast %slice3A_156 : vector<1024x1xf32> to vector<1024x128xf32>
    %mul3A_158 = arith.mulf %get3A_155, %mul3A_157 : vector<1024x128xf32>
    %add3A_159 = arith.addf %add3A_150, %mul3A_158 : vector<1024x128xf32>
    %get3A_160 = arith.constant 5 : index
    %get3A_161 = arith.constant 0 : index
    %get3A_162 = arith.constant 0 : index
    %get3A_163 = vector.load %arg2[%get3A_160, %get3A_161, %get3A_162] : memref<10x1024x128xf32, #tpu.memory_space<vmem>>, vector<1x1024x128xf32>
    %get3A_164 = vector.shape_cast %get3A_163 : vector<1x1024x128xf32> to vector<1024x128xf32>
    %slice3A_165 = vector.extract_strided_slice %exp3A {offsets = [0, 5], sizes = [1024, 1], strides = [1, 1]} : vector<1024x10xf32> to vector<1024x1xf32>
    %mul3A_166 = vector.broadcast %slice3A_165 : vector<1024x1xf32> to vector<1024x128xf32>
    %mul3A_167 = arith.mulf %get3A_164, %mul3A_166 : vector<1024x128xf32>
    %add3A_168 = arith.addf %add3A_159, %mul3A_167 : vector<1024x128xf32>
    %get3A_169 = arith.constant 6 : index
    %get3A_170 = arith.constant 0 : index
    %get3A_171 = arith.constant 0 : index
    %get3A_172 = vector.load %arg2[%get3A_169, %get3A_170, %get3A_171] : memref<10x1024x128xf32, #tpu.memory_space<vmem>>, vector<1x1024x128xf32>
    %get3A_173 = vector.shape_cast %get3A_172 : vector<1x1024x128xf32> to vector<1024x128xf32>
    %slice3A_174 = vector.extract_strided_slice %exp3A {offsets = [0, 6], sizes = [1024, 1], strides = [1, 1]} : vector<1024x10xf32> to vector<1024x1xf32>
    %mul3A_175 = vector.broadcast %slice3A_174 : vector<1024x1xf32> to vector<1024x128xf32>
    %mul3A_176 = arith.mulf %get3A_173, %mul3A_175 : vector<1024x128xf32>
    %add3A_177 = arith.addf %add3A_168, %mul3A_176 : vector<1024x128xf32>
    %get3A_178 = arith.constant 7 : index
    %get3A_179 = arith.constant 0 : index
    %get3A_180 = arith.constant 0 : index
    %get3A_181 = vector.load %arg2[%get3A_178, %get3A_179, %get3A_180] : memref<10x1024x128xf32, #tpu.memory_space<vmem>>, vector<1x1024x128xf32>
    %get3A_182 = vector.shape_cast %get3A_181 : vector<1x1024x128xf32> to vector<1024x128xf32>
    %slice3A_183 = vector.extract_strided_slice %exp3A {offsets = [0, 7], sizes = [1024, 1], strides = [1, 1]} : vector<1024x10xf32> to vector<1024x1xf32>
    %mul3A_184 = vector.broadcast %slice3A_183 : vector<1024x1xf32> to vector<1024x128xf32>
    %mul3A_185 = arith.mulf %get3A_182, %mul3A_184 : vector<1024x128xf32>
    %add3A_186 = arith.addf %add3A_177, %mul3A_185 : vector<1024x128xf32>
    %get3A_187 = arith.constant 8 : index
    %get3A_188 = arith.constant 0 : index
    %get3A_189 = arith.constant 0 : index
    %get3A_190 = vector.load %arg2[%get3A_187, %get3A_188, %get3A_189] : memref<10x1024x128xf32, #tpu.memory_space<vmem>>, vector<1x1024x128xf32>
    %get3A_191 = vector.shape_cast %get3A_190 : vector<1x1024x128xf32> to vector<1024x128xf32>
    %slice3A_192 = vector.extract_strided_slice %exp3A {offsets = [0, 8], sizes = [1024, 1], strides = [1, 1]} : vector<1024x10xf32> to vector<1024x1xf32>
    %mul3A_193 = vector.broadcast %slice3A_192 : vector<1024x1xf32> to vector<1024x128xf32>
    %mul3A_194 = arith.mulf %get3A_191, %mul3A_193 : vector<1024x128xf32>
    %add3A_195 = arith.addf %add3A_186, %mul3A_194 : vector<1024x128xf32>
    %get3A_196 = arith.constant 9 : index
    %get3A_197 = arith.constant 0 : index
    %get3A_198 = arith.constant 0 : index
    %get3A_199 = vector.load %arg2[%get3A_196, %get3A_197, %get3A_198] : memref<10x1024x128xf32, #tpu.memory_space<vmem>>, vector<1x1024x128xf32>
    %get3A_200 = vector.shape_cast %get3A_199 : vector<1x1024x128xf32> to vector<1024x128xf32>
    %slice3A_201 = vector.extract_strided_slice %exp3A {offsets = [0, 9], sizes = [1024, 1], strides = [1, 1]} : vector<1024x10xf32> to vector<1024x1xf32>
    %mul3A_202 = vector.broadcast %slice3A_201 : vector<1024x1xf32> to vector<1024x128xf32>
    %mul3A_203 = arith.mulf %get3A_200, %mul3A_202 : vector<1024x128xf32>
    %add3A_204 = arith.addf %add3A_195, %mul3A_203 : vector<1024x128xf32>
    %div3A = vector.broadcast %broadcast_in_dim3A : vector<1024x1xf32> to vector<1024x128xf32>
    %div3A_205 = arith.divf %add3A_204, %div3A : vector<1024x128xf32>
    %get3A_206 = arith.constant 0 : index
    %get3A_207 = arith.constant 0 : index
    %get3A_208 = vector.load %arg5[%get3A_206, %get3A_207] : memref<128x128xf32, #tpu.memory_space<vmem>>, vector<128x128xf32>
    %dot_general3A_209 = arith.constant dense<0.000000e+00> : vector<1024x128xf32>
    %dot_general3A_210 = tpu.matmul %get3A_1, %get3A_208, %dot_general3A_209 {dimension_numbers = #tpu.dot_dimension_numbers<[1], [0], [0], [1], [0, 0, 1, 1], [], []>, transpose_lhs_hint = false} : vector<1024x128xf32>, vector<128x128xf32>, vector<1024x128xf32> -> vector<1024x128xf32>
    %get3A_211 = arith.constant 0 : index
    %get3A_212 = arith.constant 0 : index
    %get3A_213 = vector.load %arg6[%get3A_211, %get3A_212] : memref<128x128xf32, #tpu.memory_space<vmem>>, vector<128x128xf32>
    %dot_general3A_214 = arith.constant dense<0.000000e+00> : vector<1024x128xf32>
    %dot_general3A_215 = tpu.matmul %div3A_205, %get3A_213, %dot_general3A_214 {dimension_numbers = #tpu.dot_dimension_numbers<[1], [0], [0], [1], [0, 0, 1, 1], [], []>, transpose_lhs_hint = false} : vector<1024x128xf32>, vector<128x128xf32>, vector<1024x128xf32> -> vector<1024x128xf32>
    %add3A_216 = arith.addf %dot_general3A_210, %dot_general3A_215 : vector<1024x128xf32>
    %max3A_217 = arith.constant 0.000000e+00 : f32
    %max3A_218 = vector.broadcast %max3A_217 : f32 to vector<1024x128xf32>
    %max3A_219 = arith.maximumf %add3A_216, %max3A_218 : vector<1024x128xf32>
    %swap3A = arith.constant 0 : index
    %swap3A_220 = arith.constant 0 : index
    %swap3A_221 = vector.load %arg7[%swap3A, %swap3A_220] : memref<1024x128xf32, #tpu.memory_space<vmem>>, vector<1024x128xf32>
    tpu.vector_store %arg7[%swap3A, %swap3A_220], %max3A_219 {strides = array<i32>} : memref<1024x128xf32, #tpu.memory_space<vmem>>, vector<1024x128xf32>,
    return
  }
  func.func @transform_0(%arg0: i32) -> (i32, i32) {
    %c0_i32 = arith.constant 0 : i32
    %c0_i32_0 = arith.constant 0 : i32
    return %arg0, %c0_i32 : i32, i32
  }
  func.func @transform_1(%arg0: i32) -> (i32, i32, i32) {
    %c0_i32 = arith.constant 0 : i32
    %c0_i32_0 = arith.constant 0 : i32
    %c0_i32_1 = arith.constant 0 : i32
    return %c0_i32, %arg0, %c0_i32_0 : i32, i32, i32
  }
  func.func @transform_2(%arg0: i32) -> (i32, i32) {
    %c0_i32 = arith.constant 0 : i32
    %c0_i32_0 = arith.constant 0 : i32
    %c0_i32_1 = arith.constant 0 : i32
    return %c0_i32, %c0_i32_0 : i32, i32
  }
  func.func @transform_3(%arg0: i32) -> (i32, i32) {
    %c0_i32 = arith.constant 0 : i32
    %c0_i32_0 = arith.constant 0 : i32
    %c0_i32_1 = arith.constant 0 : i32
    return %c0_i32, %c0_i32_0 : i32, i32
  }
  func.func @transform_4(%arg0: i32) -> (i32, i32) {
    %c0_i32 = arith.constant 0 : i32
    %c0_i32_0 = arith.constant 0 : i32
    %c0_i32_1 = arith.constant 0 : i32
    return %c0_i32, %c0_i32_0 : i32, i32
  }
  func.func @transform_5(%arg0: i32) -> (i32, i32) {
    %c0_i32 = arith.constant 0 : i32
    %c0_i32_0 = arith.constant 0 : i32
    %c0_i32_1 = arith.constant 0 : i32
    return %c0_i32, %c0_i32_0 : i32, i32
  }
  func.func @transform_6(%arg0: i32) -> (i32, i32) {
    %c0_i32 = arith.constant 0 : i32
    %c0_i32_0 = arith.constant 0 : i32
    return %arg0, %c0_i32 : i32, i32
  }
}

</mosaic_0001>

<sc_bundles>
// kernel: kernel.6.cloned.1.call-start
scs
__scs_entry_jumppad:
0x0: {  	(pc) =	sbr.rel $0x88, $3  }
0x1: {  	(tag) =	ssettag $0x0;
	lr =	simm.s32 $0x1  }
0x2: {  	[smem:$0x3F9B] =	sst lr;
	_ =	strace $0xD0000000  }
0x3: {  	_ = 	snop  }
0x4: {  	_ = 	snop  }
0x5: {  	_ = 	snop  }
0x6: {  	_ = 	snop  }
0x7: {  	_ = 	snop  }
__scs_overlays_trampoline_lowered:
0x8: {  	[smem:$0x3FAA] =	sst s0  }
0x9: {  	[smem:$0x3FAB] =	sst s1  }
0xa: {  	[smem:$0x3FAC] =	sst s2  }
0xb: {  	[smem:$0x3FAD] =	sst s3  }
0xc: {  	[smem:$0x3FAE] =	sst s4  }
0xd: {  	[smem:$0x3FAF] =	sst s5  }
0xe: {  	[smem:$0x3FB0] =	sst s6  }
0xf: {  	[smem:$0x3FB1] =	sst s7  }
0x10: {  	[smem:$0x3FB2] =	sst s8  }
0x11: {  	[smem:$0x3FB3] =	sst s9;
	s0 =	simm.s32 @!p0 $0x0  }
0x12: {  	s1 =	sld [smem:$0x3F99];
	s0 =	simm.s32 @p0 $0x1  }
0x13: {  	[smem:$0x3FB4] =	sst s0;
	s0 =	simm.s32 @!p1 $0x0  }
0x14: {  	s2 =	sld [smem:$0x3F98];
	s0 =	simm.s32 @p1 $0x1  }
0x15: {  	[smem:$0x3FB5] =	sst s0;
	s0 =	simm.s32 @!p2 $0x0  }
0x16: {  	s3 =	sld [smem:$0x3FDB];
	s0 =	simm.s32 @p2 $0x1  }
0x17: {  	s4 =	simm.s32 $0x1BF5;
	[smem:$0x3FB7] =	sst s0  }
0x18: {  	s0 =	sld [smem:$0x3F9A];
	_ =	swait.ge [sflag:s4], $0x0  }
0x19: {  	s7 =	sld [smem:$0x3F9B]  }
0x1a: {  	s8 =	sadd.s32 $0xFFFFE003, lr  }
0x1b: {  	s9 =	sadd.s32 $0xFFFFFEF7, lr;
	s5 =	simm.s32 $0xFFFFFFFF;
	p2 =	slt.u32 s8, $0xFFFFF086  }
0x1c: {  	p1 =	slt.u32 s9, $0xF7A;
	s5 =	simm.s32 @!p2 $0x0  }
0x1d: {  	s5 =	simm.s32 @p1 $0x1;
	p0 =	seq.s32 s7, s2  }
0x1e: {  	s7 =	smul.u32 @!p0 $0xF7A, s2;
	p2 =	seq.s32 @!p0 s5, $0x0  }
0x1f: {  	s9 =	smul.u32 $0xF7A, s1;
	s8 =	simm.s32 @!p0 $0x1BF5;
	p2 =	por !p2, p0  }
0x20: {  	[sflag:s8] =	ssyncset.s32 @!p0 $0xFFFFF086;
	s6 =	sadd.s32 @!p0 s3, s7;
	s7 =	simm.s32 @!p0 $0x108  }
0x21: {  	s3 =	sadd.s32 s3, s9;
	s6 =	sadd.s32 @!p0 $0x88, s6;
	s7 =	simm.s32 @p2 $0x1082  }
0x22: {  	[simem:s7], [sflag:s8] =	dma.local @!p0 [hbm:s6], $0xF7A  }
0x23: {  	s9 =	sor.u32 $0xD0000000, s2;
	s6 =	simm.s32 $0x108;
	_ =	swait.ge @!p0 [sflag:s8], $0x0  }
0x24: {  	s3 =	sadd.s32 $0x88, s3;
	s6 =	simm.s32 @!p1 $0x1082;
	[sflag:s4] =	ssyncset.s32 $0xFFFFF086  }
0x25: {  	[simem:s6], [sflag:s4] =	dma.local [hbm:s3], $0xF7A  }
0x26: {  	[smem:$0x3F9B] =	sst s1;
	(tag) =	ssettag s2;
	_ =	strace s9  }
0x27: {  	s1 =	sld [smem:$0x3FAB]  }
0x28: {  	s2 =	sld [smem:$0x3FAC]  }
0x29: {  	s4 =	sld [smem:$0x3FAE]  }
0x2a: {  	p0 =	seq.s32 s5, $0x0;
	s5 =	sld [smem:$0x3FAF]  }
0x2b: {  	s6 =	sld [smem:$0x3FB0]  }
0x2c: {  	s7 =	sld [smem:$0x3FB1]  }
0x2d: {  	s3 =	simm.s32 $0x108;
	s8 =	sld [smem:$0x3FB2]  }
0x2e: {  	s3 =	simm.s32 @!p0 $0x1082;
	s9 =	sld [smem:$0x3FB3]  }
0x2f: {  	lr =	sadd.s32 s0, s3;
	s0 =	sld [smem:$0x3FAA]  }
0x30: {  	s3 =	sld [smem:$0x3FAD]  }
0x31: {  	[smem:$0x3FB6] =	sst s10  }
0x32: {  	s10 =	sld [smem:$0x3FB4];
	_ =	sdelay $0x3  }
0x33: {  	p0 =	seq.s32 s10, $0x1;
	s10 =	sld [smem:$0x3FB6];
	_ =	sdelay $0x3  }
0x34: {  	[smem:$0x3FB6] =	sst s10  }
0x35: {  	s10 =	sld [smem:$0x3FB5];
	_ =	sdelay $0x3  }
0x36: {  	p1 =	seq.s32 s10, $0x1;
	s10 =	sld [smem:$0x3FB6];
	_ =	sdelay $0x3  }
0x37: {  	[smem:$0x3FB6] =	sst s10  }
0x38: {  	s10 =	sld [smem:$0x3FB7]  }
0x39: {  	_ = 	snop;
	(pc) =	sbr.ind lr, $3  }
0x3a: {  	_ = 	snop  }
0x3b: {  	_ = 	snop  }
0x3c: {  	p2 =	seq.s32 s10, $0x1;
	s10 =	sld [smem:$0x3FB6]  }
0x3d: {  	_ =	shalt  }
0x3e: {  	_ =	shalt  }
0x3f: {  	_ =	shalt  }
0x40: {  	_ =	shalt  }
0x41: {  	_ =	shalt  }
0x42: {  	_ =	shalt  }
0x43: {  	_ =	shalt  }
0x44: {  	_ =	shalt  }
0x45: {  	_ =	shalt  }
0x46: {  	_ =	shalt  }
0x47: {  	_ =	shalt  }
0x48: {  	_ =	shalt  }
0x49: {  	_ =	shalt  }
0x4a: {  	_ =	shalt  }
0x4b: {  	_ =	shalt  }
0x4c: {  	_ =	shalt  }
0x4d: {  	_ =	shalt  }
0x4e: {  	_ =	shalt  }
0x4f: {  	_ =	shalt  }
0x50: {  	_ =	shalt  }
0x51: {  	_ =	shalt  }
0x52: {  	_ =	shalt  }
0x53: {  	_ =	shalt  }
0x54: {  	_ =	shalt  }
0x55: {  	_ =	shalt  }
0x56: {  	_ =	shalt  }
0x57: {  	_ =	shalt  }
0x58: {  	_ =	shalt  }
0x59: {  	_ =	shalt  }
0x5a: {  	_ =	shalt  }
0x5b: {  	_ =	shalt  }
0x5c: {  	_ =	shalt  }
0x5d: {  	_ =	shalt  }
0x5e: {  	_ =	shalt  }
0x5f: {  	_ =	shalt  }
0x60: {  	_ =	shalt  }
0x61: {  	_ =	shalt  }
0x62: {  	_ =	shalt  }
0x63: {  	_ =	shalt  }
0x64: {  	_ =	shalt  }
0x65: {  	_ =	shalt  }
0x66: {  	_ =	shalt  }
0x67: {  	_ =	shalt  }
0x68: {  	_ =	shalt  }
0x69: {  	_ =	shalt  }
0x6a: {  	_ =	shalt  }
0x6b: {  	_ =	shalt  }
0x6c: {  	_ =	shalt  }
0x6d: {  	_ =	shalt  }
0x6e: {  	_ =	shalt  }
0x6f: {  	_ =	shalt  }
0x70: {  	_ =	shalt  }
0x71: {  	_ =	shalt  }
0x72: {  	_ =	shalt  }
0x73: {  	_ =	shalt  }
0x74: {  	_ =	shalt  }
0x75: {  	_ =	shalt  }
0x76: {  	_ =	shalt  }
0x77: {  	_ =	shalt  }
0x78: {  	_ =	shalt  }
0x79: {  	_ =	shalt  }
0x7a: {  	_ =	shalt  }
0x7b: {  	_ =	shalt  }
0x7c: {  	_ =	shalt  }
0x7d: {  	_ =	shalt  }
0x7e: {  	_ =	shalt  }
0x7f: {  	_ =	shalt  }
0x80: {  	_ =	shalt  }
0x81: {  	_ =	shalt  }
0x82: {  	_ =	shalt  }
0x83: {  	_ =	shalt  }
0x84: {  	_ =	shalt  }
0x85: {  	_ =	shalt  }
0x86: {  	_ =	shalt  }
0x87: {  	_ =	shalt  }
.Lfunc_end0:
.L_simem_size_0:
called_computation_lowered:
.L_overlay_start_0:
0x88: {  	s2 =	sld [smem:$0x3FD9]  }
0x89: {  	s3 =	sld [smem:$0x3FFE];
	_ =	sdelay $0x1  }
0x8a: {  	s1 =	srdreg.scid  }
0x8b: {  	s0 =	sand.u32 $0x1, s1  }
0x8c: {  	s17 =	sshll.u32 s0, $0xA;
	s2 =	sadd.s32 s3, s2  }
0x8d: {  	s2 =	sadd.s32 s2, s17  }
0x8e: {  	[smem:$0x3FC2] =	sst s2  }
0x8f: {  	_ = 	snop  }
0x90: {  	s2 =	sld [smem:$0x3FC7]  }
0x91: {  	s18 =	sld [smem:$0x3FC6];
	(tm) =	ssettm $0x1  }
0x92: {  	s4 =	sld [smem:$0x3FFB];
	_ =	sdelay $0x3  }
0x93: {  	_ =	strace s4  }
0x94: {  	s4 =	sld [smem:$0x3FFC];
	_ =	sdelay $0x3  }
0x95: {  	_ =	strace s4  }
0x96: {  	s4 =	sld [smem:$0x3FFD];
	_ =	sdelay $0x3  }
0x97: {  	_ =	strace s4  }
0x98: {  	_ =	strace $0x8FFFFFFF  }
0x99: {  	s19 =	sld [smem:$0x3FDB];
	_ =	sdelay $0x1  }
0x9a: {  	s5 =	simm.s32 $_scs_section_size  }
0x9b: {  	s6 =	simm.s32 $_size__tile_overlayer_lowered;
	s7 =	simm.s32 $_tile_overlayer_lowered  }
0x9c: {  	s22 =	simm.s32 $0x1BFF;
	s21 =	sshll.u32 s7, $0x1;
	s4 =	sadd.s32 s5, s19  }
0x9d: {  	s8 =	simm.s32 $0x0;
	s20 =	sshll.u32 s6, $0x1;
	s6 =	sadd.s32 s21, s4  }
0x9e: {  	[timem:s8], [sflag:s22] =	dma.local [hbm:s6], s20  }
0x9f: {  	_ =	swait.ge [sflag:s22], s20  }
0xa0: {  	s5 =	ssub.s32 $0x0, s20;
	[sflag:s22] =	ssyncset.done $0x0  }
0xa1: {  	[sflag:s22] =	ssyncadd.s32 s5;
	_ =	sdelay $0x1  }
0xa2: {  	s23 =	simm.s32 $0x1B8B  }
0xa3: {  	_ =	swait.ge [sflag:s23], $0x1  }
0xa4: {  	[sflag:s23] =	ssyncset.done $0x0  }
0xa5: {  	s25 =	simm.s32 $0x1B8E;
	s24 =	sld [smem:$0x3FFE];
	[sflag:s23] =	ssyncadd.s32 $0xFFFFFFFF  }
0xa6: {  	s26 =	simm.s32 $execute0_lowered;
	[smem:$0x3FD2] =	sst s25  }
0xa7: {  	s6 =	sshll.u32 s26, $0x1;
	_ =	strace $0x80000046;
	[dreg:$0x1] =	wrdreg $0xFFFFFFFF  }
0xa8: {  	s28 =	simm.s32 $_size_execute0_lowered;
	s4 =	sadd.s32 s4, s6;
	[dreg:$0x0] =	wrdreg $0x0  }
0xa9: {  	s6 =	sshll.u32 s28, $0x1;
	[dreg:$0x2] =	wrdreg s4  }
0xaa: {  	[dreg:$0x3] =	wrdreg s6  }
0xab: {  	[dreg:$0x4] =	wrdreg $0xC0  }
0xac: {  	_ =	task [dreg:s8], $0x5FFFF  }
0xad: {  	[dreg:$0x1] =	wrdreg $0xFFFFFFFF  }
0xae: {  	[dreg:$0x0] =	wrdreg $0x60  }
0xaf: {  	[dreg:$0x2] =	wrdreg s24  }
0xb0: {  	[dreg:$0x3] =	wrdreg s2  }
0xb1: {  	[dreg:$0x4] =	wrdreg s18  }
0xb2: {  	[dreg:$0x5] =	wrdreg $0x9  }
0xb3: {  	_ =	task.clear_ibuf [dreg:s8], $0x6FFFF;
	_ =	strace $0x90000046  }
0xb4: {  	s29 =	simm.s32 $0x9;
	_ =	strace $0x80000048  }
0xb5: {  	_ =	swait.ge [sflag:s29], $0x1  }
0xb6: {  	[sflag:s29] =	ssyncadd.s32 $0xFFFFFFFF  }
0xb7: {  	_ =	strace $0x90000048  }
0xb8: {  	_ =	sfence  }
0xb9: {  	s30 =	sld [smem:$0x0];
	_ =	sdelay $0x2  }
0xba: {  	s31 =	sshll.u32 s1, $0xD;
	s1 =	sshrl.u32 s1, $0x2  }
0xbb: {  	s3 =	sand.u32 $0x4000, s31;
	s1 =	sadd.s32 s1, s30  }
0xbc: {  	s0 =	sor.u32 s3, s0;
	s1 =	sshll.u32 s1, $0x11  }
0xbd: {  	s0 =	sor.u32 s1, s0  }
0xbe: {  	s0 =	sadd.s32 $0x8F2B, s0  }
0xbf: {  	[sflag:s0] =	ssyncadd.remote.s32 $0x1  }
0xc0: {  	_ =	sfence.sel $0xFFFF  }
0xc1: {  	[dreg:$0x0] =	wrdreg $0xFFFFFFFF;
	(pc) =	sbr.abs _section_cstart, $3  }
0xc2: {  	[dreg:$0x1] =	wrdreg $0xFFFFFFFF  }
0xc3: {  	_ =	task.clear_ibuf [dreg:s8], $0x2FFFF;
	_ =	strace $0x9FFFFFFF  }
0xc4: {  	(tm) =	ssettm $0x7FFFFFFF  }
0xc5: {  	_ =	shalt  }
tec
execute0_lowered:
.L_overlay_start_1:
0x0: {  	(tag) =	ssettag $0x1  }
0x1: {  	s0 =	rddreg [dreg:$0x0]  }
0x2: {  	s29 =	rddreg [dreg:$0x1];
	s1 =	srdreg.scid  }
0x3: {  	s2 =	stileid.u32;
	s3 =	rddreg [dreg:$0x2]  }
0x4: {  	s31 =	simm.s32 $0xF;
	s9 =	simm.s32 $0x280;
	s14 =	simm.s32 $0x80  }
0x5: {  	s10 =	simm.s32 $0x300;
	s11 =	simm.s32 $0x380;
	s12 =	simm.s32 $0x400  }
0x6: {  	s13 =	simm.s32 $0xCA00;
	s28 =	simm.s32 $0xA;
	p0 =	por $0x0, $0x0  }
0x7: {  	s1 =	sand.u32 $0x1, s1;
	s4 =	sshll.u32 s2, $0x1;
	s2 =	simm.s32 $0x0  }
0x8: {  	s7 =	sadd.s32 $0x5400, s0;
	s4 =	sor.u32 s1, s4;
	[smem:$0x7FF] =	sst s2  }
0x9: {  	s1 =	ssub.s32 $0x2, s1;
	s5 =	sshll.u32 s4, $0x6;
	s8 =	smul.u32 $0xA00, s4  }
0xa: {  	_ =	strace $0x80000047;
	s16 =	smul.u32 $0x5000, s4;
	[dreg:$0x16] =	wrdreg s9  }
0xb: {  	s6 =	sshll.u32 s4, $0x8;
	s17 =	smul.u32 $0x6400, s4;
	[dreg:$0x17] =	wrdreg s10  }
0xc: {  	s4 =	smul.u32 $0x32000, s4;
	[dreg:$0x18] =	wrdreg s11;
	s5 =	sadd.s32 s5, s0  }
0xd: {  	[dreg:$0x19] =	wrdreg s12;
	s6 =	sadd.s32 s6, s0;
	s5 =	sadd.s32 $0x4C00, s5  }
0xe: {  	s0 =	sadd.s32 $0x19400, s0;
	s15 =	sadd.s32 $0x2C00, s6;
	[dreg:$0x4] =	wrdreg s5  }
0xf: {  	s26 =	sshrl.u32 s1, $0x1;
	s18 =	sadd.s32 s0, s17;
	[dreg:$0x5] =	wrdreg s15  }
0x10: {  	s30 =	sadd.s32 s7, s8;
	s17 =	simm.s32 $0x480;
	[smem:$0x7FB] =	sst s18  }
0x11: {  	s12 =	simm.s32 $0x10A00;
	s8 =	sadd.s32 $0x100, s30;
	[dreg:$0x1a] =	wrdreg s17  }
0x12: {  	s11 =	simm.s32 $0x14A00;
	s5 =	sadd.s32 $0x400, s18;
	[dreg:$0x6] =	wrdreg s8  }
0x13: {  	s9 =	simm.s32 $0x18A00;
	s23 =	sadd.s32 $0xC00, s18;
	[dreg:$0x8] =	wrdreg s5  }
0x14: {  	s6 =	sshrl.u32 s16, $0x3;
	s24 =	sadd.s32 $0x1400, s18;
	[dreg:$0xf] =	wrdreg s23  }
0x15: {  	s4 =	sshrl.u32 s4, $0x3;
	s25 =	sadd.s32 $0x1C00, s18;
	[dreg:$0x10] =	wrdreg s24  }
0x16: {  	s6 =	sadd.s32 s7, s6;
	s7 =	simm.s32 $0x100;
	[dreg:$0x11] =	wrdreg s25  }
0x17: {  	s0 =	sadd.s32 s0, s4;
	s6 =	sadd.s32 $0x200, s6;
	[dreg:$0x14] =	wrdreg s7  }
0x18: {  	s10 =	simm.s32 $0x8;
	s4 =	sadd.s32 $0x3400, s0;
	[dreg:$0x7] =	wrdreg s6  }
0x19: {  	s15 =	simm.s32 $0x8A00;
	s19 =	sadd.s32 $0x3C00, s0;
	[dreg:$0x9] =	wrdreg s4  }
0x1a: {  	s17 =	simm.s32 $0x7;
	s20 =	sadd.s32 $0x4400, s0;
	[dreg:$0xa] =	wrdreg s19  }
0x1b: {  	s21 =	sadd.s32 $0x4C00, s0;
	s22 =	sadd.s32 $0x5400, s0;
	[dreg:$0xb] =	wrdreg s20  }
0x1c: {  	s0 =	sadd.s32 $0x5C00, s0;
	s5 =	sadd.s32 $0x2400, s18;
	[dreg:$0xc] =	wrdreg s21  }
0x1d: {  	s23 =	simm.s32 $0x10;
	s8 =	simm.s32 $0x40;
	[dreg:$0xd] =	wrdreg s22  }
0x1e: {  	s7 =	simm.s32 $0x1;
	s24 =	simm.s32 $0x3;
	[dreg:$0xe] =	wrdreg s0  }
0x1f: {  	s25 =	simm.s32 $0x780;
	s4 =	ssub.s32 s1, s26;
	[dreg:$0x12] =	wrdreg s5  }
0x20: {  	s6 =	sadd.s32 $0x2C00, s18;
	s1 =	simm.s32 $0x200;
	[dreg:$0x15] =	wrdreg s8  }
0x21: {  	s5 =	simm.s32 $0xA00;
	s18 =	simm.s32 $0x500;
	[smem:$0x7FC] =	sst s25  }
0x22: {  	s19 =	simm.s32 $0x580;
	s20 =	simm.s32 $0x600;
	[dreg:$0x13] =	wrdreg s6  }
0x23: {  	s21 =	simm.s32 $0x680;
	s22 =	simm.s32 $0x700;
	[dreg:$0x1b] =	wrdreg s18  }
0x24: {  	s26 =	simm.s32 $0x800;
	s16 =	smax.u32 s4, $0x1;
	[dreg:$0x1c] =	wrdreg s19  }
0x25: {  	s8 =	simm.s32 $0x9;
	[dreg:$0x1d] =	wrdreg s20;
	p1 =	sne.s32 s16, $0x1  }
.Ltmp0:
0x26: {  	s25 =	simm.s32 $0x4;
	[dreg:$0x1e] =	wrdreg s21;
	(pc) =	sbr.rel @!p1 .LBB2_1-.Ltmp0, $4  }
0x27: {  	s4 =	simm.s32 $0x4A00;
	s6 =	simm.s32 $0x2;
	[dreg:$0x1f] =	wrdreg s22  }
0x28: {  	[smem:$0x7FD] =	sst s26;
	s26 =	simm.s32 $0xB;
	s22 =	simm.s32 $0x5  }
0x29: {  	s21 =	simm.s32 $0xC;
	s20 =	simm.s32 $0x6;
	s18 =	simm.s32 $0xD  }
0x2a: {  	s19 =	rddreg [dreg:$0x4];
	s0 =	sadd.s32 $0xFFFFFFFF, s16;
	s16 =	simm.s32 $0xE  }
0x2b: {  	[tilespmem:s2], [sflag:$0xF] =	stream.linear.gather [hbm4b:s19+s2], $0x180, $0x38;
	[tilespmem:$0x1CA00] =	vst v63  }
0x2c: {  	_ =	swait.ge [sflag:s31], $0x180  }
0x2d: {  	[sflag:s31] =	ssyncset.done $0x0  }
0x2e: {  	s19 =	rddreg [dreg:$0x5];
	[sflag:s31] =	ssyncadd.s32 $0xFFFFFE80  }
0x2f: {  	[tilespmem:s1], [sflag:$0xF] =	stream.linear.gather [hbm4b:s19+s2], $0x680, $0x38;
	[tilespmem:$0x1CA00] =	vst v63  }
0x30: {  	_ =	swait.ge [sflag:s31], $0x680  }
0x31: {  	[sflag:s31] =	ssyncset.done $0x0  }
0x32: {  	[sflag:s31] =	ssyncadd.s32 $0xFFFFF980  }
0x33: {  	[tilespmem:s5], [sflag:$0x1] =	stream.indirect.gather [hbm4b:s29+s23], $0x80, s2, s23, $0xb8;
	[tilespmem:$0x1CA00] =	vst v63  }
0x34: {  	_ = 	snop  }
0x35: {  	[tilespmem:s4], [sflag:$0x2] =	stream.indirect.gather [hbm4b:s29+s23], $0x80, s14, s23, $0xb8;
	[tilespmem:$0x1CA00] =	vst v63  }
0x36: {  	s19 =	rddreg [dreg:$0x14]  }
0x37: {  	[tilespmem:s15], [sflag:$0x3] =	stream.indirect.gather [hbm4b:s29+s14], $0x80, s19, s14, $0xb8;
	[tilespmem:$0x1CA00] =	vst v63  }
0x38: {  	s23 =	smov.u32 s0;
	s0 =	rddreg [dreg:$0x15]  }
0x39: {  	[tilespmem:s13], [sflag:$0x4] =	stream.indirect.gather [hbm4b:s3+s0], $0x80, s1, s0, $0xb8;
	[tilespmem:$0x1CA00] =	vst v63  }
0x3a: {  	s19 =	rddreg [dreg:$0x16]  }
0x3b: {  	[tilespmem:s12], [sflag:$0x5] =	stream.indirect.gather [hbm4b:s3+s14], $0x80, s19, s14, $0xb8;
	[tilespmem:$0x1CA00] =	vst v63  }
0x3c: {  	s0 =	rddreg [dreg:$0x17]  }
0x3d: {  	[tilespmem:s11], [sflag:$0x6] =	stream.indirect.gather [hbm4b:s3+s14], $0x80, s0, s14, $0xb8;
	[tilespmem:$0x1CA00] =	vst v63  }
0x3e: {  	s1 =	rddreg [dreg:$0x18]  }
0x3f: {  	[tilespmem:s9], [sflag:$0x7] =	stream.indirect.gather [hbm4b:s3+s14], $0x80, s1, s14, $0xb8;
	[tilespmem:$0x1CA00] =	vst v63  }
0x40: {  	_ =	swait.ge [sflag:s7], $0x800  }
0x41: {  	[sflag:s7] =	ssyncset.done $0x0  }
0x42: {  	[sflag:s7] =	ssyncadd.s32 $0xFFFFF800  }
0x43: {  	[hbm4b:s30+s2] =	stream.linear.scatter [tilespmem:s5], [sflag:$0x8], $0x800, $0x38;
	[tilespmem:$0x1CA00] =	vst v63  }
0x44: {  	_ =	swait.ge [sflag:s6], $0x800  }
0x45: {  	[sflag:s6] =	ssyncset.done $0x0  }
0x46: {  	s1 =	rddreg [dreg:$0x6];
	[sflag:s6] =	ssyncadd.s32 $0xFFFFF800  }
0x47: {  	[hbm4b:s1+s2] =	stream.linear.scatter [tilespmem:s4], [sflag:$0x9], $0x800, $0x38;
	[tilespmem:$0x1CA00] =	vst v63  }
0x48: {  	_ =	swait.ge [sflag:s24], $0x4000  }
0x49: {  	[sflag:s24] =	ssyncset.done $0x0  }
0x4a: {  	s19 =	rddreg [dreg:$0x7];
	[sflag:s24] =	ssyncadd.s32 $0xFFFFC000  }
0x4b: {  	[hbm4b:s19+s2] =	stream.linear.scatter [tilespmem:s15], [sflag:$0xA], $0x4000, $0x38;
	[tilespmem:$0x1CA00] =	vst v63  }
0x4c: {  	_ =	swait.ge [sflag:s10], $0x800  }
0x4d: {  	[sflag:s10] =	ssyncset.done $0x0  }
0x4e: {  	s1 =	rddreg [dreg:$0x19];
	[sflag:s10] =	ssyncadd.s32 $0xFFFFF800  }
0x4f: {  	[tilespmem:s5], [sflag:$0x1] =	stream.indirect.gather [hbm4b:s3+s14], $0x80, s1, s14, $0xb8;
	[tilespmem:$0x1CA00] =	vst v63  }
0x50: {  	_ =	swait.ge [sflag:s8], $0x800  }
0x51: {  	[sflag:s8] =	ssyncset.done $0x0  }
0x52: {  	s19 =	rddreg [dreg:$0x1a];
	[sflag:s8] =	ssyncadd.s32 $0xFFFFF800  }
0x53: {  	[tilespmem:s4], [sflag:$0x2] =	stream.indirect.gather [hbm4b:s3+s14], $0x80, s19, s14, $0xb8;
	[tilespmem:$0x1CA00] =	vst v63  }
0x54: {  	_ =	swait.ge [sflag:s28], $0x4000  }
0x55: {  	[sflag:s28] =	ssyncset.done $0x0  }
0x56: {  	s1 =	rddreg [dreg:$0x1b];
	[sflag:s28] =	ssyncadd.s32 $0xFFFFC000  }
0x57: {  	[tilespmem:s15], [sflag:$0x3] =	stream.indirect.gather [hbm4b:s3+s14], $0x80, s1, s14, $0xb8;
	[tilespmem:$0x1CA00] =	vst v63  }
0x58: {  	_ =	swait.ge [sflag:s25], $0x2000  }
0x59: {  	s19 =	sld [smem:$0x7FB]  }
0x5a: {  	[sflag:s25] =	ssyncset.done $0x0  }
0x5b: {  	[sflag:s25] =	ssyncadd.s32 $0xFFFFE000  }
0x5c: {  	[hbm4b:s19+s2] =	stream.linear.scatter [tilespmem:s13], [sflag:$0xB], $0x2000, $0x38;
	[tilespmem:$0x1CA00] =	vst v63  }
0x5d: {  	_ =	swait.ge [sflag:s26], $0x2000  }
0x5e: {  	[sflag:s26] =	ssyncset.done $0x0  }
0x5f: {  	s1 =	rddreg [dreg:$0x1c];
	[sflag:s26] =	ssyncadd.s32 $0xFFFFE000  }
0x60: {  	[tilespmem:s13], [sflag:$0x4] =	stream.indirect.gather [hbm4b:s3+s14], $0x80, s1, s14, $0xb8;
	[tilespmem:$0x1CA00] =	vst v63  }
0x61: {  	_ =	swait.ge [sflag:s22], $0x4000  }
0x62: {  	[sflag:s22] =	ssyncset.done $0x0  }
0x63: {  	s19 =	rddreg [dreg:$0x8];
	[sflag:s22] =	ssyncadd.s32 $0xFFFFC000  }
0x64: {  	[hbm4b:s19+s2] =	stream.linear.scatter [tilespmem:s12], [sflag:$0xC], $0x4000, $0x38;
	[tilespmem:$0x1CA00] =	vst v63  }
0x65: {  	_ =	swait.ge [sflag:s21], $0x4000  }
0x66: {  	[sflag:s21] =	ssyncset.done $0x0  }
0x67: {  	s1 =	rddreg [dreg:$0x1d];
	[sflag:s21] =	ssyncadd.s32 $0xFFFFC000  }
0x68: {  	[tilespmem:s12], [sflag:$0x5] =	stream.indirect.gather [hbm4b:s3+s14], $0x80, s1, s14, $0xb8;
	[tilespmem:$0x1CA00] =	vst v63  }
0x69: {  	_ =	swait.ge [sflag:s20], $0x4000  }
0x6a: {  	[sflag:s20] =	ssyncset.done $0x0  }
0x6b: {  	s19 =	rddreg [dreg:$0xf];
	[sflag:s20] =	ssyncadd.s32 $0xFFFFC000  }
0x6c: {  	[hbm4b:s19+s2] =	stream.linear.scatter [tilespmem:s11], [sflag:$0xD], $0x4000, $0x38;
	[tilespmem:$0x1CA00] =	vst v63  }
0x6d: {  	_ =	swait.ge [sflag:s18], $0x4000  }
0x6e: {  	[sflag:s18] =	ssyncset.done $0x0  }
0x6f: {  	s1 =	rddreg [dreg:$0x1e];
	[sflag:s18] =	ssyncadd.s32 $0xFFFFC000  }
0x70: {  	[tilespmem:s11], [sflag:$0x6] =	stream.indirect.gather [hbm4b:s3+s14], $0x80, s1, s14, $0xb8;
	[tilespmem:$0x1CA00] =	vst v63  }
0x71: {  	_ =	swait.ge [sflag:s17], $0x4000  }
0x72: {  	[sflag:s17] =	ssyncset.done $0x0  }
0x73: {  	s19 =	rddreg [dreg:$0x10];
	[sflag:s17] =	ssyncadd.s32 $0xFFFFC000  }
0x74: {  	[hbm4b:s19+s2] =	stream.linear.scatter [tilespmem:s9], [sflag:$0xE], $0x4000, $0x38;
	[tilespmem:$0x1CA00] =	vst v63  }
0x75: {  	_ =	swait.ge [sflag:s16], $0x4000  }
0x76: {  	[sflag:s16] =	ssyncset.done $0x0  }
0x77: {  	s1 =	rddreg [dreg:$0x1f];
	[sflag:s16] =	ssyncadd.s32 $0xFFFFC000  }
0x78: {  	[tilespmem:s9], [sflag:$0x7] =	stream.indirect.gather [hbm4b:s3+s14], $0x80, s1, s14, $0xb8;
	[tilespmem:$0x1CA00] =	vst v63  }
0x79: {  	_ =	swait.ge [sflag:s7], $0x4000  }
0x7a: {  	[sflag:s7] =	ssyncset.done $0x0  }
0x7b: {  	s19 =	rddreg [dreg:$0x11];
	[sflag:s7] =	ssyncadd.s32 $0xFFFFC000  }
0x7c: {  	[hbm4b:s19+s2] =	stream.linear.scatter [tilespmem:s5], [sflag:$0x8], $0x4000, $0x38;
	[tilespmem:$0x1CA00] =	vst v63  }
0x7d: {  	_ =	swait.ge [sflag:s10], $0x4000  }
0x7e: {  	s1 =	sld [smem:$0x7FC]  }
0x7f: {  	[sflag:s10] =	ssyncset.done $0x0  }
0x80: {  	[sflag:s10] =	ssyncadd.s32 $0xFFFFC000  }
0x81: {  	[tilespmem:s5], [sflag:$0x1] =	stream.indirect.gather [hbm4b:s3+s14], $0x80, s1, s14, $0xb8;
	[tilespmem:$0x1CA00] =	vst v63  }
0x82: {  	_ =	swait.ge [sflag:s6], $0x4000  }
0x83: {  	[sflag:s6] =	ssyncset.done $0x0  }
0x84: {  	s19 =	rddreg [dreg:$0x12];
	[sflag:s6] =	ssyncadd.s32 $0xFFFFC000  }
0x85: {  	[hbm4b:s19+s2] =	stream.linear.scatter [tilespmem:s4], [sflag:$0x9], $0x4000, $0x38;
	[tilespmem:$0x1CA00] =	vst v63  }
0x86: {  	_ =	swait.ge [sflag:s8], $0x4000  }
0x87: {  	s1 =	sld [smem:$0x7FD]  }
0x88: {  	[sflag:s8] =	ssyncset.done $0x0  }
0x89: {  	[sflag:s8] =	ssyncadd.s32 $0xFFFFC000  }
0x8a: {  	[tilespmem:s4], [sflag:$0x2] =	stream.indirect.gather [hbm4b:s3+s14], $0x80, s1, s14, $0xb8;
	[tilespmem:$0x1CA00] =	vst v63  }
0x8b: {  	_ =	swait.ge [sflag:s24], $0x4000  }
0x8c: {  	[sflag:s24] =	ssyncset.done $0x0  }
0x8d: {  	s19 =	rddreg [dreg:$0x13];
	[sflag:s24] =	ssyncadd.s32 $0xFFFFC000  }
0x8e: {  	[hbm4b:s19+s2] =	stream.linear.scatter [tilespmem:s15], [sflag:$0xA], $0x4000, $0x38;
	[tilespmem:$0x1CA00] =	vst v63  }
0x8f: {  	_ =	swait.ge [sflag:s28], $0x4000  }
0x90: {  	[sflag:s28] =	ssyncset.done $0x0  }
0x91: {  	[sflag:s28] =	ssyncadd.s32 $0xFFFFC000  }
0x92: {  	_ =	swait.ge [sflag:s25], $0x4000  }
0x93: {  	[sflag:s25] =	ssyncset.done $0x0  }
0x94: {  	s1 =	rddreg [dreg:$0x9];
	[sflag:s25] =	ssyncadd.s32 $0xFFFFC000  }
0x95: {  	[hbm4b:s1+s2] =	stream.linear.scatter [tilespmem:s13], [sflag:$0xB], $0x4000, $0x38;
	[tilespmem:$0x1CA00] =	vst v63  }
0x96: {  	_ =	swait.ge [sflag:s26], $0x4000  }
0x97: {  	[sflag:s26] =	ssyncset.done $0x0  }
0x98: {  	[sflag:s26] =	ssyncadd.s32 $0xFFFFC000  }
0x99: {  	_ =	swait.ge [sflag:s22], $0x4000  }
0x9a: {  	[sflag:s22] =	ssyncset.done $0x0  }
0x9b: {  	s19 =	rddreg [dreg:$0xa];
	[sflag:s22] =	ssyncadd.s32 $0xFFFFC000  }
0x9c: {  	[hbm4b:s19+s2] =	stream.linear.scatter [tilespmem:s12], [sflag:$0xC], $0x4000, $0x38;
	[tilespmem:$0x1CA00] =	vst v63  }
0x9d: {  	_ =	swait.ge [sflag:s21], $0x4000  }
0x9e: {  	[sflag:s21] =	ssyncset.done $0x0  }
0x9f: {  	[sflag:s21] =	ssyncadd.s32 $0xFFFFC000  }
0xa0: {  	_ =	swait.ge [sflag:s20], $0x4000  }
0xa1: {  	[sflag:s20] =	ssyncset.done $0x0  }
0xa2: {  	s1 =	rddreg [dreg:$0xb];
	[sflag:s20] =	ssyncadd.s32 $0xFFFFC000  }
0xa3: {  	[hbm4b:s1+s2] =	stream.linear.scatter [tilespmem:s11], [sflag:$0xD], $0x4000, $0x38;
	[tilespmem:$0x1CA00] =	vst v63  }
0xa4: {  	_ =	swait.ge [sflag:s18], $0x4000  }
0xa5: {  	[sflag:s18] =	ssyncset.done $0x0  }
0xa6: {  	[sflag:s18] =	ssyncadd.s32 $0xFFFFC000  }
0xa7: {  	_ =	swait.ge [sflag:s17], $0x4000  }
0xa8: {  	[sflag:s17] =	ssyncset.done $0x0  }
0xa9: {  	s19 =	rddreg [dreg:$0xc];
	[sflag:s17] =	ssyncadd.s32 $0xFFFFC000  }
0xaa: {  	[hbm4b:s19+s2] =	stream.linear.scatter [tilespmem:s9], [sflag:$0xE], $0x4000, $0x38;
	[tilespmem:$0x1CA00] =	vst v63  }
0xab: {  	_ =	swait.ge [sflag:s16], $0x4000  }
0xac: {  	[sflag:s16] =	ssyncset.done $0x0  }
0xad: {  	[sflag:s16] =	ssyncadd.s32 $0xFFFFC000  }
0xae: {  	_ =	swait.ge [sflag:s7], $0x4000  }
0xaf: {  	[sflag:s7] =	ssyncset.done $0x0  }
0xb0: {  	s1 =	rddreg [dreg:$0xd];
	[sflag:s7] =	ssyncadd.s32 $0xFFFFC000  }
0xb1: {  	[hbm4b:s1+s2] =	stream.linear.scatter [tilespmem:s5], [sflag:$0x8], $0x4000, $0x38;
	[tilespmem:$0x1CA00] =	vst v63  }
0xb2: {  	_ =	swait.ge [sflag:s10], $0x4000  }
0xb3: {  	[sflag:s10] =	ssyncset.done $0x0  }
0xb4: {  	[sflag:s10] =	ssyncadd.s32 $0xFFFFC000  }
0xb5: {  	p1 =	sne.s32 s23, $0x1;
	_ =	swait.ge [sflag:s6], $0x4000  }
.Ltmp1:
0xb6: {  	[sflag:s6] =	ssyncset.done $0x0;
	(pc) =	sbr.rel @!p1 .LBB2_7-.Ltmp1, $4  }
0xb7: {  	s19 =	rddreg [dreg:$0xe];
	[sflag:s6] =	ssyncadd.s32 $0xFFFFC000  }
0xb8: {  	[hbm4b:s19+s2] =	stream.linear.scatter [tilespmem:s4], [sflag:$0x9], $0x4000, $0x38;
	[tilespmem:$0x1CA00] =	vst v63  }
0xb9: {  	p0 =	por $0x1, $0x1;
	s0 =	sadd.s32 $0xFFFFFFFF, s23;
	_ =	swait.ge [sflag:s8], $0x4000  }
0xba: {  	s1 =	smov.u32 s29;
	s19 =	rddreg [dreg:$0x4];
	[sflag:s8] =	ssyncset.done $0x0  }
0xbb: {  	s23 =	simm.s32 $0x200  }
.LBB2_4:
0xbc: {  	[sflag:s8] =	ssyncadd.s32 $0xFFFFC000  }
0xbd: {  	[tilespmem:s2], [sflag:$0xF] =	stream.linear.gather [hbm4b:s19+s2], $0x180, $0x38;
	[tilespmem:$0x1CA00] =	vst v63  }
0xbe: {  	_ =	swait.ge [sflag:s31], $0x180  }
0xbf: {  	[sflag:s31] =	ssyncset.done $0x0  }
0xc0: {  	s29 =	rddreg [dreg:$0x5];
	[sflag:s31] =	ssyncadd.s32 $0xFFFFFE80  }
0xc1: {  	[tilespmem:s23], [sflag:$0xF] =	stream.linear.gather [hbm4b:s29+s2], $0x680, $0x38;
	[tilespmem:$0x1CA00] =	vst v63  }
0xc2: {  	_ =	swait.ge [sflag:s31], $0x680  }
0xc3: {  	[sflag:s31] =	ssyncset.done $0x0  }
0xc4: {  	s29 =	simm.s32 $0x10;
	[sflag:s31] =	ssyncadd.s32 $0xFFFFF980  }
0xc5: {  	[tilespmem:s5], [sflag:$0x1] =	stream.indirect.gather [hbm4b:s1+s29], $0x80, s2, s29, $0xb8;
	[tilespmem:$0x1CA00] =	vst v63  }
0xc6: {  	_ = 	snop  }
0xc7: {  	[tilespmem:s4], [sflag:$0x2] =	stream.indirect.gather [hbm4b:s1+s29], $0x80, s14, s29, $0xb8;
	[tilespmem:$0x1CA00] =	vst v63  }
0xc8: {  	s19 =	rddreg [dreg:$0x14]  }
0xc9: {  	[tilespmem:s15], [sflag:$0x3] =	stream.indirect.gather [hbm4b:s1+s14], $0x80, s19, s14, $0xb8;
	[tilespmem:$0x1CA00] =	vst v63  }
0xca: {  	s29 =	rddreg [dreg:$0x15]  }
0xcb: {  	[tilespmem:s13], [sflag:$0x4] =	stream.indirect.gather [hbm4b:s3+s29], $0x80, s23, s29, $0xb8;
	[tilespmem:$0x1CA00] =	vst v63  }
0xcc: {  	s19 =	rddreg [dreg:$0x16]  }
0xcd: {  	[tilespmem:s12], [sflag:$0x5] =	stream.indirect.gather [hbm4b:s3+s14], $0x80, s19, s14, $0xb8;
	[tilespmem:$0x1CA00] =	vst v63  }
0xce: {  	s29 =	rddreg [dreg:$0x17]  }
0xcf: {  	[tilespmem:s11], [sflag:$0x6] =	stream.indirect.gather [hbm4b:s3+s14], $0x80, s29, s14, $0xb8;
	[tilespmem:$0x1CA00] =	vst v63  }
0xd0: {  	s19 =	rddreg [dreg:$0x18]  }
0xd1: {  	[tilespmem:s9], [sflag:$0x7] =	stream.indirect.gather [hbm4b:s3+s14], $0x80, s19, s14, $0xb8;
	[tilespmem:$0x1CA00] =	vst v63  }
0xd2: {  	_ =	swait.ge [sflag:s7], $0x800  }
0xd3: {  	[sflag:s7] =	ssyncset.done $0x0  }
0xd4: {  	[sflag:s7] =	ssyncadd.s32 $0xFFFFF800  }
0xd5: {  	[hbm4b:s30+s2] =	stream.linear.scatter [tilespmem:s5], [sflag:$0x8], $0x800, $0x38;
	[tilespmem:$0x1CA00] =	vst v63  }
0xd6: {  	_ =	swait.ge [sflag:s6], $0x800  }
0xd7: {  	[sflag:s6] =	ssyncset.done $0x0  }
0xd8: {  	s29 =	rddreg [dreg:$0x6];
	[sflag:s6] =	ssyncadd.s32 $0xFFFFF800  }
0xd9: {  	[hbm4b:s29+s2] =	stream.linear.scatter [tilespmem:s4], [sflag:$0x9], $0x800, $0x38;
	[tilespmem:$0x1CA00] =	vst v63  }
0xda: {  	_ =	swait.ge [sflag:s24], $0x4000  }
0xdb: {  	[sflag:s24] =	ssyncset.done $0x0  }
0xdc: {  	s29 =	rddreg [dreg:$0x7];
	[sflag:s24] =	ssyncadd.s32 $0xFFFFC000  }
0xdd: {  	[hbm4b:s29+s2] =	stream.linear.scatter [tilespmem:s15], [sflag:$0xA], $0x4000, $0x38;
	[tilespmem:$0x1CA00] =	vst v63  }
0xde: {  	_ =	swait.ge [sflag:s10], $0x800  }
0xdf: {  	[sflag:s10] =	ssyncset.done $0x0  }
0xe0: {  	s29 =	rddreg [dreg:$0x19];
	[sflag:s10] =	ssyncadd.s32 $0xFFFFF800  }
0xe1: {  	[tilespmem:s5], [sflag:$0x1] =	stream.indirect.gather [hbm4b:s3+s14], $0x80, s29, s14, $0xb8;
	[tilespmem:$0x1CA00] =	vst v63  }
0xe2: {  	_ =	swait.ge [sflag:s8], $0x800  }
0xe3: {  	[sflag:s8] =	ssyncset.done $0x0  }
0xe4: {  	s29 =	rddreg [dreg:$0x1a];
	[sflag:s8] =	ssyncadd.s32 $0xFFFFF800  }
0xe5: {  	[tilespmem:s4], [sflag:$0x2] =	stream.indirect.gather [hbm4b:s3+s14], $0x80, s29, s14, $0xb8;
	[tilespmem:$0x1CA00] =	vst v63  }
0xe6: {  	_ =	swait.ge [sflag:s28], $0x4000  }
0xe7: {  	[sflag:s28] =	ssyncset.done $0x0  }
0xe8: {  	s29 =	rddreg [dreg:$0x1b];
	[sflag:s28] =	ssyncadd.s32 $0xFFFFC000  }
0xe9: {  	[tilespmem:s15], [sflag:$0x3] =	stream.indirect.gather [hbm4b:s3+s14], $0x80, s29, s14, $0xb8;
	[tilespmem:$0x1CA00] =	vst v63  }
0xea: {  	_ =	swait.ge [sflag:s25], $0x2000  }
0xeb: {  	s29 =	sld [smem:$0x7FB]  }
0xec: {  	[sflag:s25] =	ssyncset.done $0x0  }
0xed: {  	[sflag:s25] =	ssyncadd.s32 $0xFFFFE000  }
0xee: {  	[hbm4b:s29+s2] =	stream.linear.scatter [tilespmem:s13], [sflag:$0xB], $0x2000, $0x38;
	[tilespmem:$0x1CA00] =	vst v63  }
0xef: {  	_ =	swait.ge [sflag:s26], $0x2000  }
0xf0: {  	[sflag:s26] =	ssyncset.done $0x0  }
0xf1: {  	s29 =	rddreg [dreg:$0x1c];
	[sflag:s26] =	ssyncadd.s32 $0xFFFFE000  }
0xf2: {  	[tilespmem:s13], [sflag:$0x4] =	stream.indirect.gather [hbm4b:s3+s14], $0x80, s29, s14, $0xb8;
	[tilespmem:$0x1CA00] =	vst v63  }
0xf3: {  	_ =	swait.ge [sflag:s22], $0x4000  }
0xf4: {  	[sflag:s22] =	ssyncset.done $0x0  }
0xf5: {  	s29 =	rddreg [dreg:$0x8];
	[sflag:s22] =	ssyncadd.s32 $0xFFFFC000  }
0xf6: {  	[hbm4b:s29+s2] =	stream.linear.scatter [tilespmem:s12], [sflag:$0xC], $0x4000, $0x38;
	[tilespmem:$0x1CA00] =	vst v63  }
0xf7: {  	_ =	swait.ge [sflag:s21], $0x4000  }
0xf8: {  	[sflag:s21] =	ssyncset.done $0x0  }
0xf9: {  	s29 =	rddreg [dreg:$0x1d];
	[sflag:s21] =	ssyncadd.s32 $0xFFFFC000  }
0xfa: {  	[tilespmem:s12], [sflag:$0x5] =	stream.indirect.gather [hbm4b:s3+s14], $0x80, s29, s14, $0xb8;
	[tilespmem:$0x1CA00] =	vst v63  }
0xfb: {  	_ =	swait.ge [sflag:s20], $0x4000  }
0xfc: {  	[sflag:s20] =	ssyncset.done $0x0  }
0xfd: {  	s29 =	rddreg [dreg:$0xf];
	[sflag:s20] =	ssyncadd.s32 $0xFFFFC000  }
0xfe: {  	[hbm4b:s29+s2] =	stream.linear.scatter [tilespmem:s11], [sflag:$0xD], $0x4000, $0x38;
	[tilespmem:$0x1CA00] =	vst v63  }
0xff: {  	_ =	swait.ge [sflag:s18], $0x4000  }
0x100: {  	[sflag:s18] =	ssyncset.done $0x0  }
0x101: {  	s29 =	rddreg [dreg:$0x1e];
	[sflag:s18] =	ssyncadd.s32 $0xFFFFC000  }
0x102: {  	[tilespmem:s11], [sflag:$0x6] =	stream.indirect.gather [hbm4b:s3+s14], $0x80, s29, s14, $0xb8;
	[tilespmem:$0x1CA00] =	vst v63  }
0x103: {  	_ =	swait.ge [sflag:s17], $0x4000  }
0x104: {  	[sflag:s17] =	ssyncset.done $0x0  }
0x105: {  	s29 =	rddreg [dreg:$0x10];
	[sflag:s17] =	ssyncadd.s32 $0xFFFFC000  }
0x106: {  	[hbm4b:s29+s2] =	stream.linear.scatter [tilespmem:s9], [sflag:$0xE], $0x4000, $0x38;
	[tilespmem:$0x1CA00] =	vst v63  }
0x107: {  	_ =	swait.ge [sflag:s16], $0x4000  }
0x108: {  	[sflag:s16] =	ssyncset.done $0x0  }
0x109: {  	s29 =	rddreg [dreg:$0x1f];
	[sflag:s16] =	ssyncadd.s32 $0xFFFFC000  }
0x10a: {  	[tilespmem:s9], [sflag:$0x7] =	stream.indirect.gather [hbm4b:s3+s14], $0x80, s29, s14, $0xb8;
	[tilespmem:$0x1CA00] =	vst v63  }
0x10b: {  	_ =	swait.ge [sflag:s7], $0x4000  }
0x10c: {  	[sflag:s7] =	ssyncset.done $0x0  }
0x10d: {  	s29 =	rddreg [dreg:$0x11];
	[sflag:s7] =	ssyncadd.s32 $0xFFFFC000  }
0x10e: {  	[hbm4b:s29+s2] =	stream.linear.scatter [tilespmem:s5], [sflag:$0x8], $0x4000, $0x38;
	[tilespmem:$0x1CA00] =	vst v63  }
0x10f: {  	_ =	swait.ge [sflag:s10], $0x4000  }
0x110: {  	s29 =	sld [smem:$0x7FC]  }
0x111: {  	[sflag:s10] =	ssyncset.done $0x0  }
0x112: {  	[sflag:s10] =	ssyncadd.s32 $0xFFFFC000  }
0x113: {  	[tilespmem:s5], [sflag:$0x1] =	stream.indirect.gather [hbm4b:s3+s14], $0x80, s29, s14, $0xb8;
	[tilespmem:$0x1CA00] =	vst v63  }
0x114: {  	_ =	swait.ge [sflag:s6], $0x4000  }
0x115: {  	[sflag:s6] =	ssyncset.done $0x0  }
0x116: {  	s29 =	rddreg [dreg:$0x12];
	[sflag:s6] =	ssyncadd.s32 $0xFFFFC000  }
0x117: {  	[hbm4b:s29+s2] =	stream.linear.scatter [tilespmem:s4], [sflag:$0x9], $0x4000, $0x38;
	[tilespmem:$0x1CA00] =	vst v63  }
0x118: {  	_ =	swait.ge [sflag:s8], $0x4000  }
0x119: {  	s29 =	sld [smem:$0x7FD]  }
0x11a: {  	[sflag:s8] =	ssyncset.done $0x0  }
0x11b: {  	[sflag:s8] =	ssyncadd.s32 $0xFFFFC000  }
0x11c: {  	[tilespmem:s4], [sflag:$0x2] =	stream.indirect.gather [hbm4b:s3+s14], $0x80, s29, s14, $0xb8;
	[tilespmem:$0x1CA00] =	vst v63  }
0x11d: {  	_ =	swait.ge [sflag:s24], $0x4000  }
0x11e: {  	[sflag:s24] =	ssyncset.done $0x0  }
0x11f: {  	s29 =	rddreg [dreg:$0x13];
	[sflag:s24] =	ssyncadd.s32 $0xFFFFC000  }
0x120: {  	[hbm4b:s29+s2] =	stream.linear.scatter [tilespmem:s15], [sflag:$0xA], $0x4000, $0x38;
	[tilespmem:$0x1CA00] =	vst v63  }
0x121: {  	_ =	swait.ge [sflag:s28], $0x4000  }
0x122: {  	[sflag:s28] =	ssyncset.done $0x0  }
0x123: {  	[sflag:s28] =	ssyncadd.s32 $0xFFFFC000  }
0x124: {  	_ =	swait.ge [sflag:s25], $0x4000  }
0x125: {  	[sflag:s25] =	ssyncset.done $0x0  }
0x126: {  	s29 =	rddreg [dreg:$0x9];
	[sflag:s25] =	ssyncadd.s32 $0xFFFFC000  }
0x127: {  	[hbm4b:s29+s2] =	stream.linear.scatter [tilespmem:s13], [sflag:$0xB], $0x4000, $0x38;
	[tilespmem:$0x1CA00] =	vst v63  }
0x128: {  	_ =	swait.ge [sflag:s26], $0x4000  }
0x129: {  	[sflag:s26] =	ssyncset.done $0x0  }
0x12a: {  	[sflag:s26] =	ssyncadd.s32 $0xFFFFC000  }
0x12b: {  	_ =	swait.ge [sflag:s22], $0x4000  }
0x12c: {  	[sflag:s22] =	ssyncset.done $0x0  }
0x12d: {  	s29 =	rddreg [dreg:$0xa];
	[sflag:s22] =	ssyncadd.s32 $0xFFFFC000  }
0x12e: {  	[hbm4b:s29+s2] =	stream.linear.scatter [tilespmem:s12], [sflag:$0xC], $0x4000, $0x38;
	[tilespmem:$0x1CA00] =	vst v63  }
0x12f: {  	_ =	swait.ge [sflag:s21], $0x4000  }
0x130: {  	[sflag:s21] =	ssyncset.done $0x0  }
0x131: {  	[sflag:s21] =	ssyncadd.s32 $0xFFFFC000  }
0x132: {  	_ =	swait.ge [sflag:s20], $0x4000  }
0x133: {  	[sflag:s20] =	ssyncset.done $0x0  }
0x134: {  	s29 =	rddreg [dreg:$0xb];
	[sflag:s20] =	ssyncadd.s32 $0xFFFFC000  }
0x135: {  	[hbm4b:s29+s2] =	stream.linear.scatter [tilespmem:s11], [sflag:$0xD], $0x4000, $0x38;
	[tilespmem:$0x1CA00] =	vst v63  }
0x136: {  	_ =	swait.ge [sflag:s18], $0x4000  }
0x137: {  	[sflag:s18] =	ssyncset.done $0x0  }
0x138: {  	[sflag:s18] =	ssyncadd.s32 $0xFFFFC000  }
0x139: {  	_ =	swait.ge [sflag:s17], $0x4000  }
0x13a: {  	[sflag:s17] =	ssyncset.done $0x0  }
0x13b: {  	s29 =	rddreg [dreg:$0xc];
	[sflag:s17] =	ssyncadd.s32 $0xFFFFC000  }
0x13c: {  	[hbm4b:s29+s2] =	stream.linear.scatter [tilespmem:s9], [sflag:$0xE], $0x4000, $0x38;
	[tilespmem:$0x1CA00] =	vst v63  }
0x13d: {  	_ =	swait.ge [sflag:s16], $0x4000  }
0x13e: {  	[sflag:s16] =	ssyncset.done $0x0  }
0x13f: {  	[sflag:s16] =	ssyncadd.s32 $0xFFFFC000  }
0x140: {  	_ =	swait.ge [sflag:s7], $0x4000  }
0x141: {  	[sflag:s7] =	ssyncset.done $0x0  }
0x142: {  	s29 =	rddreg [dreg:$0xd];
	[sflag:s7] =	ssyncadd.s32 $0xFFFFC000  }
0x143: {  	[hbm4b:s29+s2] =	stream.linear.scatter [tilespmem:s5], [sflag:$0x8], $0x4000, $0x38;
	[tilespmem:$0x1CA00] =	vst v63  }
0x144: {  	_ =	swait.ge [sflag:s10], $0x4000  }
0x145: {  	[sflag:s10] =	ssyncset.done $0x0  }
0x146: {  	[sflag:s10] =	ssyncadd.s32 $0xFFFFC000  }
0x147: {  	p1 =	sne.s32 s0, $0x1;
	_ =	swait.ge [sflag:s6], $0x4000  }
.Ltmp2:
0x148: {  	[sflag:s6] =	ssyncset.done $0x0;
	(pc) =	sbr.rel @p1 .LBB2_4-.Ltmp2, $4  }
0x149: {  	s29 =	rddreg [dreg:$0xe];
	[sflag:s6] =	ssyncadd.s32 $0xFFFFC000  }
0x14a: {  	[hbm4b:s29+s2] =	stream.linear.scatter [tilespmem:s4], [sflag:$0x9], $0x4000, $0x38;
	[tilespmem:$0x1CA00] =	vst v63  }
0x14b: {  	_ =	swait.ge [sflag:s8], $0x4000  }
0x14c: {  	s0 =	sadd.s32 $0xFFFFFFFF, s0;
	s19 =	rddreg [dreg:$0x4];
	[sflag:s8] =	ssyncset.done $0x0  }
0x14d: {  	s23 =	smov.u32 s1;
	s29 =	sld [smem:$0x7FB]  }
.LBB2_6:
0x14e: {  	[sflag:s8] =	ssyncadd.s32 @p0 $0xFFFFC000  }
0x14f: {  	[tilespmem:s2], [sflag:$0xF] =	stream.linear.gather [hbm4b:s19+s2], $0x180, $0x38;
	[tilespmem:$0x1CA00] =	vst v63  }
0x150: {  	_ =	swait.ge [sflag:s31], $0x180  }
0x151: {  	[sflag:s31] =	ssyncset.done $0x0  }
0x152: {  	s19 =	simm.s32 $0x200;
	s0 =	rddreg [dreg:$0x5];
	[sflag:s31] =	ssyncadd.s32 $0xFFFFFE80  }
0x153: {  	[tilespmem:s19], [sflag:$0xF] =	stream.linear.gather [hbm4b:s0+s2], $0x680, $0x38;
	[tilespmem:$0x1CA00] =	vst v63  }
0x154: {  	_ =	swait.ge [sflag:s31], $0x680  }
0x155: {  	[sflag:s31] =	ssyncset.done $0x0  }
0x156: {  	s1 =	simm.s32 $0x10;
	[sflag:s31] =	ssyncadd.s32 $0xFFFFF980  }
0x157: {  	[tilespmem:s5], [sflag:$0x1] =	stream.indirect.gather [hbm4b:s23+s1], $0x80, s2, s1, $0xb8;
	[tilespmem:$0x1CA00] =	vst v63  }
0x158: {  	_ = 	snop  }
0x159: {  	[tilespmem:s4], [sflag:$0x2] =	stream.indirect.gather [hbm4b:s23+s1], $0x80, s14, s1, $0xb8;
	[tilespmem:$0x1CA00] =	vst v63  }
0x15a: {  	s31 =	rddreg [dreg:$0x14]  }
0x15b: {  	[tilespmem:s15], [sflag:$0x3] =	stream.indirect.gather [hbm4b:s23+s14], $0x80, s31, s14, $0xb8;
	[tilespmem:$0x1CA00] =	vst v63  }
0x15c: {  	s1 =	rddreg [dreg:$0x15]  }
0x15d: {  	[tilespmem:s13], [sflag:$0x4] =	stream.indirect.gather [hbm4b:s3+s1], $0x80, s19, s1, $0xb8;
	[tilespmem:$0x1CA00] =	vst v63  }
0x15e: {  	s31 =	rddreg [dreg:$0x16]  }
0x15f: {  	[tilespmem:s12], [sflag:$0x5] =	stream.indirect.gather [hbm4b:s3+s14], $0x80, s31, s14, $0xb8;
	[tilespmem:$0x1CA00] =	vst v63  }
0x160: {  	s19 =	rddreg [dreg:$0x17]  }
0x161: {  	[tilespmem:s11], [sflag:$0x6] =	stream.indirect.gather [hbm4b:s3+s14], $0x80, s19, s14, $0xb8;
	[tilespmem:$0x1CA00] =	vst v63  }
0x162: {  	s23 =	rddreg [dreg:$0x18]  }
0x163: {  	[tilespmem:s9], [sflag:$0x7] =	stream.indirect.gather [hbm4b:s3+s14], $0x80, s23, s14, $0xb8;
	[tilespmem:$0x1CA00] =	vst v63  }
0x164: {  	_ =	swait.ge [sflag:s7], $0x800  }
0x165: {  	[sflag:s7] =	ssyncset.done $0x0  }
0x166: {  	[sflag:s7] =	ssyncadd.s32 $0xFFFFF800  }
0x167: {  	[hbm4b:s30+s2] =	stream.linear.scatter [tilespmem:s5], [sflag:$0x8], $0x800, $0x38;
	[tilespmem:$0x1CA00] =	vst v63  }
0x168: {  	_ =	swait.ge [sflag:s6], $0x800  }
0x169: {  	[sflag:s6] =	ssyncset.done $0x0  }
0x16a: {  	s30 =	rddreg [dreg:$0x6];
	[sflag:s6] =	ssyncadd.s32 $0xFFFFF800  }
0x16b: {  	[hbm4b:s30+s2] =	stream.linear.scatter [tilespmem:s4], [sflag:$0x9], $0x800, $0x38;
	[tilespmem:$0x1CA00] =	vst v63  }
0x16c: {  	_ =	swait.ge [sflag:s24], $0x4000  }
0x16d: {  	[sflag:s24] =	ssyncset.done $0x0  }
0x16e: {  	s31 =	rddreg [dreg:$0x7];
	[sflag:s24] =	ssyncadd.s32 $0xFFFFC000  }
0x16f: {  	[hbm4b:s31+s2] =	stream.linear.scatter [tilespmem:s15], [sflag:$0xA], $0x4000, $0x38;
	[tilespmem:$0x1CA00] =	vst v63  }
0x170: {  	_ =	swait.ge [sflag:s10], $0x800  }
0x171: {  	[sflag:s10] =	ssyncset.done $0x0  }
0x172: {  	s1 =	rddreg [dreg:$0x19];
	[sflag:s10] =	ssyncadd.s32 $0xFFFFF800  }
0x173: {  	[tilespmem:s5], [sflag:$0x1] =	stream.indirect.gather [hbm4b:s3+s14], $0x80, s1, s14, $0xb8;
	[tilespmem:$0x1CA00] =	vst v63  }
0x174: {  	_ =	swait.ge [sflag:s8], $0x800  }
0x175: {  	[sflag:s8] =	ssyncset.done $0x0  }
0x176: {  	s19 =	rddreg [dreg:$0x1a];
	[sflag:s8] =	ssyncadd.s32 $0xFFFFF800  }
0x177: {  	[tilespmem:s4], [sflag:$0x2] =	stream.indirect.gather [hbm4b:s3+s14], $0x80, s19, s14, $0xb8;
	[tilespmem:$0x1CA00] =	vst v63  }
0x178: {  	_ =	swait.ge [sflag:s28], $0x4000  }
0x179: {  	[sflag:s28] =	ssyncset.done $0x0  }
0x17a: {  	s23 =	rddreg [dreg:$0x1b];
	[sflag:s28] =	ssyncadd.s32 $0xFFFFC000  }
0x17b: {  	[tilespmem:s15], [sflag:$0x3] =	stream.indirect.gather [hbm4b:s3+s14], $0x80, s23, s14, $0xb8;
	[tilespmem:$0x1CA00] =	vst v63  }
0x17c: {  	_ =	swait.ge [sflag:s25], $0x2000  }
0x17d: {  	[sflag:s25] =	ssyncset.done $0x0  }
0x17e: {  	[sflag:s25] =	ssyncadd.s32 $0xFFFFE000  }
0x17f: {  	[hbm4b:s29+s2] =	stream.linear.scatter [tilespmem:s13], [sflag:$0xB], $0x2000, $0x38;
	[tilespmem:$0x1CA00] =	vst v63  }
0x180: {  	_ =	swait.ge [sflag:s26], $0x2000  }
0x181: {  	[sflag:s26] =	ssyncset.done $0x0  }
0x182: {  	s29 =	rddreg [dreg:$0x1c];
	[sflag:s26] =	ssyncadd.s32 $0xFFFFE000  }
0x183: {  	[tilespmem:s13], [sflag:$0x4] =	stream.indirect.gather [hbm4b:s3+s14], $0x80, s29, s14, $0xb8;
	[tilespmem:$0x1CA00] =	vst v63  }
0x184: {  	_ =	swait.ge [sflag:s22], $0x4000  }
0x185: {  	[sflag:s22] =	ssyncset.done $0x0  }
0x186: {  	s30 =	rddreg [dreg:$0x8];
	[sflag:s22] =	ssyncadd.s32 $0xFFFFC000  }
0x187: {  	[hbm4b:s30+s2] =	stream.linear.scatter [tilespmem:s12], [sflag:$0xC], $0x4000, $0x38;
	[tilespmem:$0x1CA00] =	vst v63  }
0x188: {  	_ =	swait.ge [sflag:s21], $0x4000  }
0x189: {  	[sflag:s21] =	ssyncset.done $0x0  }
0x18a: {  	s31 =	rddreg [dreg:$0x1d];
	[sflag:s21] =	ssyncadd.s32 $0xFFFFC000  }
0x18b: {  	[tilespmem:s12], [sflag:$0x5] =	stream.indirect.gather [hbm4b:s3+s14], $0x80, s31, s14, $0xb8;
	[tilespmem:$0x1CA00] =	vst v63  }
0x18c: {  	_ =	swait.ge [sflag:s20], $0x4000  }
0x18d: {  	[sflag:s20] =	ssyncset.done $0x0  }
0x18e: {  	s1 =	rddreg [dreg:$0xf];
	[sflag:s20] =	ssyncadd.s32 $0xFFFFC000  }
0x18f: {  	[hbm4b:s1+s2] =	stream.linear.scatter [tilespmem:s11], [sflag:$0xD], $0x4000, $0x38;
	[tilespmem:$0x1CA00] =	vst v63  }
0x190: {  	_ =	swait.ge [sflag:s18], $0x4000  }
0x191: {  	[sflag:s18] =	ssyncset.done $0x0  }
0x192: {  	s19 =	rddreg [dreg:$0x1e];
	[sflag:s18] =	ssyncadd.s32 $0xFFFFC000  }
0x193: {  	[tilespmem:s11], [sflag:$0x6] =	stream.indirect.gather [hbm4b:s3+s14], $0x80, s19, s14, $0xb8;
	[tilespmem:$0x1CA00] =	vst v63  }
0x194: {  	_ =	swait.ge [sflag:s17], $0x4000  }
0x195: {  	[sflag:s17] =	ssyncset.done $0x0  }
0x196: {  	s23 =	rddreg [dreg:$0x10];
	[sflag:s17] =	ssyncadd.s32 $0xFFFFC000  }
0x197: {  	[hbm4b:s23+s2] =	stream.linear.scatter [tilespmem:s9], [sflag:$0xE], $0x4000, $0x38;
	[tilespmem:$0x1CA00] =	vst v63  }
0x198: {  	_ =	swait.ge [sflag:s16], $0x4000  }
0x199: {  	[sflag:s16] =	ssyncset.done $0x0  }
0x19a: {  	s29 =	rddreg [dreg:$0x1f];
	[sflag:s16] =	ssyncadd.s32 $0xFFFFC000  }
0x19b: {  	[tilespmem:s9], [sflag:$0x7] =	stream.indirect.gather [hbm4b:s3+s14], $0x80, s29, s14, $0xb8;
	[tilespmem:$0x1CA00] =	vst v63  }
0x19c: {  	_ =	swait.ge [sflag:s7], $0x4000  }
0x19d: {  	[sflag:s7] =	ssyncset.done $0x0  }
0x19e: {  	s30 =	rddreg [dreg:$0x11];
	[sflag:s7] =	ssyncadd.s32 $0xFFFFC000  }
0x19f: {  	[hbm4b:s30+s2] =	stream.linear.scatter [tilespmem:s5], [sflag:$0x8], $0x4000, $0x38;
	[tilespmem:$0x1CA00] =	vst v63  }
0x1a0: {  	_ =	swait.ge [sflag:s10], $0x4000  }
0x1a1: {  	s31 =	sld [smem:$0x7FC]  }
0x1a2: {  	[sflag:s10] =	ssyncset.done $0x0  }
0x1a3: {  	[sflag:s10] =	ssyncadd.s32 $0xFFFFC000  }
0x1a4: {  	[tilespmem:s5], [sflag:$0x1] =	stream.indirect.gather [hbm4b:s3+s14], $0x80, s31, s14, $0xb8;
	[tilespmem:$0x1CA00] =	vst v63  }
0x1a5: {  	_ =	swait.ge [sflag:s6], $0x4000  }
0x1a6: {  	[sflag:s6] =	ssyncset.done $0x0  }
0x1a7: {  	s1 =	rddreg [dreg:$0x12];
	[sflag:s6] =	ssyncadd.s32 $0xFFFFC000  }
0x1a8: {  	[hbm4b:s1+s2] =	stream.linear.scatter [tilespmem:s4], [sflag:$0x9], $0x4000, $0x38;
	[tilespmem:$0x1CA00] =	vst v63  }
0x1a9: {  	_ =	swait.ge [sflag:s8], $0x4000  }
0x1aa: {  	s19 =	sld [smem:$0x7FD]  }
0x1ab: {  	[sflag:s8] =	ssyncset.done $0x0  }
0x1ac: {  	[sflag:s8] =	ssyncadd.s32 $0xFFFFC000  }
0x1ad: {  	[tilespmem:s4], [sflag:$0x2] =	stream.indirect.gather [hbm4b:s3+s14], $0x80, s19, s14, $0xb8;
	[tilespmem:$0x1CA00] =	vst v63  }
0x1ae: {  	_ =	swait.ge [sflag:s24], $0x4000  }
0x1af: {  	[sflag:s24] =	ssyncset.done $0x0  }
0x1b0: {  	s23 =	rddreg [dreg:$0x13];
	[sflag:s24] =	ssyncadd.s32 $0xFFFFC000  }
0x1b1: {  	[hbm4b:s23+s2] =	stream.linear.scatter [tilespmem:s15], [sflag:$0xA], $0x4000, $0x38;
	[tilespmem:$0x1CA00] =	vst v63  }
0x1b2: {  	_ =	swait.ge [sflag:s28], $0x4000  }
0x1b3: {  	[sflag:s28] =	ssyncset.done $0x0  }
0x1b4: {  	[sflag:s28] =	ssyncadd.s32 $0xFFFFC000  }
0x1b5: {  	_ =	swait.ge [sflag:s25], $0x4000  }
0x1b6: {  	[sflag:s25] =	ssyncset.done $0x0  }
0x1b7: {  	s24 =	rddreg [dreg:$0x9];
	[sflag:s25] =	ssyncadd.s32 $0xFFFFC000  }
0x1b8: {  	[hbm4b:s24+s2] =	stream.linear.scatter [tilespmem:s13], [sflag:$0xB], $0x4000, $0x38;
	[tilespmem:$0x1CA00] =	vst v63  }
0x1b9: {  	_ =	swait.ge [sflag:s26], $0x4000  }
0x1ba: {  	[sflag:s26] =	ssyncset.done $0x0  }
0x1bb: {  	[sflag:s26] =	ssyncadd.s32 $0xFFFFC000  }
0x1bc: {  	_ =	swait.ge [sflag:s22], $0x4000  }
0x1bd: {  	[sflag:s22] =	ssyncset.done $0x0  }
0x1be: {  	s25 =	rddreg [dreg:$0xa];
	[sflag:s22] =	ssyncadd.s32 $0xFFFFC000  }
0x1bf: {  	[hbm4b:s25+s2] =	stream.linear.scatter [tilespmem:s12], [sflag:$0xC], $0x4000, $0x38;
	[tilespmem:$0x1CA00] =	vst v63  }
0x1c0: {  	_ =	swait.ge [sflag:s21], $0x4000  }
0x1c1: {  	[sflag:s21] =	ssyncset.done $0x0  }
0x1c2: {  	[sflag:s21] =	ssyncadd.s32 $0xFFFFC000  }
0x1c3: {  	_ =	swait.ge [sflag:s20], $0x4000  }
0x1c4: {  	[sflag:s20] =	ssyncset.done $0x0  }
0x1c5: {  	s26 =	rddreg [dreg:$0xb];
	[sflag:s20] =	ssyncadd.s32 $0xFFFFC000  }
0x1c6: {  	[hbm4b:s26+s2] =	stream.linear.scatter [tilespmem:s11], [sflag:$0xD], $0x4000, $0x38;
	[tilespmem:$0x1CA00] =	vst v63  }
0x1c7: {  	_ =	swait.ge [sflag:s18], $0x4000  }
0x1c8: {  	[sflag:s18] =	ssyncset.done $0x0  }
0x1c9: {  	[sflag:s18] =	ssyncadd.s32 $0xFFFFC000  }
0x1ca: {  	_ =	swait.ge [sflag:s17], $0x4000  }
0x1cb: {  	[sflag:s17] =	ssyncset.done $0x0  }
0x1cc: {  	s28 =	rddreg [dreg:$0xc];
	[sflag:s17] =	ssyncadd.s32 $0xFFFFC000  }
0x1cd: {  	[hbm4b:s28+s2] =	stream.linear.scatter [tilespmem:s9], [sflag:$0xE], $0x4000, $0x38;
	[tilespmem:$0x1CA00] =	vst v63  }
0x1ce: {  	_ =	swait.ge [sflag:s16], $0x4000  }
0x1cf: {  	[sflag:s16] =	ssyncset.done $0x0  }
0x1d0: {  	[sflag:s16] =	ssyncadd.s32 $0xFFFFC000  }
0x1d1: {  	_ =	swait.ge [sflag:s7], $0x4000  }
0x1d2: {  	[sflag:s7] =	ssyncset.done $0x0  }
0x1d3: {  	s29 =	rddreg [dreg:$0xd];
	[sflag:s7] =	ssyncadd.s32 $0xFFFFC000  }
0x1d4: {  	[hbm4b:s29+s2] =	stream.linear.scatter [tilespmem:s5], [sflag:$0x8], $0x4000, $0x38;
	[tilespmem:$0x1CA00] =	vst v63  }
0x1d5: {  	_ =	swait.ge [sflag:s10], $0x4000  }
0x1d6: {  	[sflag:s10] =	ssyncset.done $0x0  }
0x1d7: {  	[sflag:s10] =	ssyncadd.s32 $0xFFFFC000  }
0x1d8: {  	_ =	swait.ge [sflag:s6], $0x4000  }
0x1d9: {  	[sflag:s6] =	ssyncset.done $0x0  }
0x1da: {  	s30 =	rddreg [dreg:$0xe];
	[sflag:s6] =	ssyncadd.s32 $0xFFFFC000  }
0x1db: {  	[hbm4b:s30+s2] =	stream.linear.scatter [tilespmem:s4], [sflag:$0x9], $0x4000, $0x38;
	[tilespmem:$0x1CA00] =	vst v63  }
0x1dc: {  	_ =	swait.ge [sflag:s8], $0x4000  }
0x1dd: {  	[sflag:s8] =	ssyncset.done $0x0  }
0x1de: {  	[sflag:s8] =	ssyncadd.s32 $0xFFFFC000  }
0x1df: {  	_ =	sfence.sel $0x180000  }
0x1e0: {  	[bflag:$0x0] =	sbarrier.arrive $0xFFFF  }
0x1e1: {  	_ =	strace $0x90000047  }
0x1e2: {  	s31 =	stileid.u32;
	[bflag:$0x2] =	sbarrier.arrive $0xFFFF  }
0x1e3: {  	p0 =	sne.s32 s31, $0x0;
	s0 =	rddreg [dreg:$0x3]  }
0x1e4: {  	s0 =	sadd.s32 @!p0 $0x100000, s0  }
0x1e5: {  	[sflag:s0] =	ssyncadd.tile.s32 @!p0 $0x1;
	_ =	shalt  }
.LBB2_1:
.Ltmp3:
0x1e6: {  	(pc) =	sbr.rel .LBB2_6-.Ltmp3, $2  }
0x1e7: {  	_ =	sdelay $0x2  }
0x1e8: {  	s23 =	smov.u32 s29;
	s29 =	sld [smem:$0x7FB]  }
.LBB2_7:
.Ltmp4:
0x1e9: {  	(pc) =	sbr.rel .LBB2_6-.Ltmp4, $2  }
0x1ea: {  	_ =	sdelay $0x2  }
0x1eb: {  	s23 =	smov.u32 s1;
	s29 =	sld [smem:$0x7FB]  }
.Lfunc_end2:
_tile_overlayer_lowered:
.L_overlay_start_2:
0x1ec: {  	(tag) =	ssettag $0x2  }
0x1ed: {  	s0 =	rddreg [dreg:$0x0];
	s2 =	stileid.u32  }
0x1ee: {  	s1 =	rddreg [dreg:$0x1];
	p0 =	sne.s32 s2, $0x0  }
0x1ef: {  	s3 =	rddreg [dreg:$0x2];
	[bflag:$0x3] =	sbarrier.arrive $0xFFFF;
	s2 =	simm.s32 @!p0 $0x1C0F  }
0x1f0: {  	[timem:s3], [sflag:s2] =	dma.local @!p0 [hbm:s0], s1  }
0x1f1: {  	s0 =	simm.s32 @!p0 $0xF  }
0x1f2: {  	_ =	swait.ge @!p0 [sflag:s0], s1  }
0x1f3: {  	s1 =	ssub.s32 @!p0 $0x0, s1;
	[sflag:s0] =	ssyncset.done @!p0 $0x0  }
0x1f4: {  	[sflag:s0] =	ssyncadd.s32 @!p0 s1  }
0x1f5: {  	[bflag:$0x3] =	sbarrier.arrive $0xFFFF  }
0x1f6: {  	_ =	shalt  }

// kernel: kernel.9.cloned.1.call-start
scs
__scs_entry_jumppad:
0x0: {  	(pc) =	sbr.rel $0x88, $3  }
0x1: {  	(tag) =	ssettag $0x0;
	lr =	simm.s32 $0x1  }
0x2: {  	[smem:$0x3F9B] =	sst lr;
	_ =	strace $0xD0000000  }
0x3: {  	_ = 	snop  }
0x4: {  	_ = 	snop  }
0x5: {  	_ = 	snop  }
0x6: {  	_ = 	snop  }
0x7: {  	_ = 	snop  }
__scs_overlays_trampoline_lowered:
0x8: {  	[smem:$0x3FAA] =	sst s0  }
0x9: {  	[smem:$0x3FAB] =	sst s1  }
0xa: {  	[smem:$0x3FAC] =	sst s2  }
0xb: {  	[smem:$0x3FAD] =	sst s3  }
0xc: {  	[smem:$0x3FAE] =	sst s4  }
0xd: {  	[smem:$0x3FAF] =	sst s5  }
0xe: {  	[smem:$0x3FB0] =	sst s6  }
0xf: {  	[smem:$0x3FB1] =	sst s7  }
0x10: {  	[smem:$0x3FB2] =	sst s8  }
0x11: {  	[smem:$0x3FB3] =	sst s9;
	s0 =	simm.s32 @!p0 $0x0  }
0x12: {  	s1 =	sld [smem:$0x3F99];
	s0 =	simm.s32 @p0 $0x1  }
0x13: {  	[smem:$0x3FB4] =	sst s0;
	s0 =	simm.s32 @!p1 $0x0  }
0x14: {  	s2 =	sld [smem:$0x3F98];
	s0 =	simm.s32 @p1 $0x1  }
0x15: {  	[smem:$0x3FB5] =	sst s0;
	s0 =	simm.s32 @!p2 $0x0  }
0x16: {  	s3 =	sld [smem:$0x3FDB];
	s0 =	simm.s32 @p2 $0x1  }
0x17: {  	s4 =	simm.s32 $0x1BF5;
	[smem:$0x3FB7] =	sst s0  }
0x18: {  	s0 =	sld [smem:$0x3F9A];
	_ =	swait.ge [sflag:s4], $0x0  }
0x19: {  	s7 =	sld [smem:$0x3F9B]  }
0x1a: {  	s8 =	sadd.s32 $0xFFFFE003, lr  }
0x1b: {  	s9 =	sadd.s32 $0xFFFFFEF7, lr;
	s5 =	simm.s32 $0xFFFFFFFF;
	p2 =	slt.u32 s8, $0xFFFFF086  }
0x1c: {  	p1 =	slt.u32 s9, $0xF7A;
	s5 =	simm.s32 @!p2 $0x0  }
0x1d: {  	s5 =	simm.s32 @p1 $0x1;
	p0 =	seq.s32 s7, s2  }
0x1e: {  	s7 =	smul.u32 @!p0 $0xF7A, s2;
	p2 =	seq.s32 @!p0 s5, $0x0  }
0x1f: {  	s9 =	smul.u32 $0xF7A, s1;
	s8 =	simm.s32 @!p0 $0x1BF5;
	p2 =	por !p2, p0  }
0x20: {  	[sflag:s8] =	ssyncset.s32 @!p0 $0xFFFFF086;
	s6 =	sadd.s32 @!p0 s3, s7;
	s7 =	simm.s32 @!p0 $0x108  }
0x21: {  	s3 =	sadd.s32 s3, s9;
	s6 =	sadd.s32 @!p0 $0x88, s6;
	s7 =	simm.s32 @p2 $0x1082  }
0x22: {  	[simem:s7], [sflag:s8] =	dma.local @!p0 [hbm:s6], $0xF7A  }
0x23: {  	s9 =	sor.u32 $0xD0000000, s2;
	s6 =	simm.s32 $0x108;
	_ =	swait.ge @!p0 [sflag:s8], $0x0  }
0x24: {  	s3 =	sadd.s32 $0x88, s3;
	s6 =	simm.s32 @!p1 $0x1082;
	[sflag:s4] =	ssyncset.s32 $0xFFFFF086  }
0x25: {  	[simem:s6], [sflag:s4] =	dma.local [hbm:s3], $0xF7A  }
0x26: {  	[smem:$0x3F9B] =	sst s1;
	(tag) =	ssettag s2;
	_ =	strace s9  }
0x27: {  	s1 =	sld [smem:$0x3FAB]  }
0x28: {  	s2 =	sld [smem:$0x3FAC]  }
0x29: {  	s4 =	sld [smem:$0x3FAE]  }
0x2a: {  	p0 =	seq.s32 s5, $0x0;
	s5 =	sld [smem:$0x3FAF]  }
0x2b: {  	s6 =	sld [smem:$0x3FB0]  }
0x2c: {  	s7 =	sld [smem:$0x3FB1]  }
0x2d: {  	s3 =	simm.s32 $0x108;
	s8 =	sld [smem:$0x3FB2]  }
0x2e: {  	s3 =	simm.s32 @!p0 $0x1082;
	s9 =	sld [smem:$0x3FB3]  }
0x2f: {  	lr =	sadd.s32 s0, s3;
	s0 =	sld [smem:$0x3FAA]  }
0x30: {  	s3 =	sld [smem:$0x3FAD]  }
0x31: {  	[smem:$0x3FB6] =	sst s10  }
0x32: {  	s10 =	sld [smem:$0x3FB4];
	_ =	sdelay $0x3  }
0x33: {  	p0 =	seq.s32 s10, $0x1;
	s10 =	sld [smem:$0x3FB6];
	_ =	sdelay $0x3  }
0x34: {  	[smem:$0x3FB6] =	sst s10  }
0x35: {  	s10 =	sld [smem:$0x3FB5];
	_ =	sdelay $0x3  }
0x36: {  	p1 =	seq.s32 s10, $0x1;
	s10 =	sld [smem:$0x3FB6];
	_ =	sdelay $0x3  }
0x37: {  	[smem:$0x3FB6] =	sst s10  }
0x38: {  	s10 =	sld [smem:$0x3FB7]  }
0x39: {  	_ = 	snop;
	(pc) =	sbr.ind lr, $3  }
0x3a: {  	_ = 	snop  }
0x3b: {  	_ = 	snop  }
0x3c: {  	p2 =	seq.s32 s10, $0x1;
	s10 =	sld [smem:$0x3FB6]  }
0x3d: {  	_ =	shalt  }
0x3e: {  	_ =	shalt  }
0x3f: {  	_ =	shalt  }
0x40: {  	_ =	shalt  }
0x41: {  	_ =	shalt  }
0x42: {  	_ =	shalt  }
0x43: {  	_ =	shalt  }
0x44: {  	_ =	shalt  }
0x45: {  	_ =	shalt  }
0x46: {  	_ =	shalt  }
0x47: {  	_ =	shalt  }
0x48: {  	_ =	shalt  }
0x49: {  	_ =	shalt  }
0x4a: {  	_ =	shalt  }
0x4b: {  	_ =	shalt  }
0x4c: {  	_ =	shalt  }
0x4d: {  	_ =	shalt  }
0x4e: {  	_ =	shalt  }
0x4f: {  	_ =	shalt  }
0x50: {  	_ =	shalt  }
0x51: {  	_ =	shalt  }
0x52: {  	_ =	shalt  }
0x53: {  	_ =	shalt  }
0x54: {  	_ =	shalt  }
0x55: {  	_ =	shalt  }
0x56: {  	_ =	shalt  }
0x57: {  	_ =	shalt  }
0x58: {  	_ =	shalt  }
0x59: {  	_ =	shalt  }
0x5a: {  	_ =	shalt  }
0x5b: {  	_ =	shalt  }
0x5c: {  	_ =	shalt  }
0x5d: {  	_ =	shalt  }
0x5e: {  	_ =	shalt  }
0x5f: {  	_ =	shalt  }
0x60: {  	_ =	shalt  }
0x61: {  	_ =	shalt  }
0x62: {  	_ =	shalt  }
0x63: {  	_ =	shalt  }
0x64: {  	_ =	shalt  }
0x65: {  	_ =	shalt  }
0x66: {  	_ =	shalt  }
0x67: {  	_ =	shalt  }
0x68: {  	_ =	shalt  }
0x69: {  	_ =	shalt  }
0x6a: {  	_ =	shalt  }
0x6b: {  	_ =	shalt  }
0x6c: {  	_ =	shalt  }
0x6d: {  	_ =	shalt  }
0x6e: {  	_ =	shalt  }
0x6f: {  	_ =	shalt  }
0x70: {  	_ =	shalt  }
0x71: {  	_ =	shalt  }
0x72: {  	_ =	shalt  }
0x73: {  	_ =	shalt  }
0x74: {  	_ =	shalt  }
0x75: {  	_ =	shalt  }
0x76: {  	_ =	shalt  }
0x77: {  	_ =	shalt  }
0x78: {  	_ =	shalt  }
0x79: {  	_ =	shalt  }
0x7a: {  	_ =	shalt  }
0x7b: {  	_ =	shalt  }
0x7c: {  	_ =	shalt  }
0x7d: {  	_ =	shalt  }
0x7e: {  	_ =	shalt  }
0x7f: {  	_ =	shalt  }
0x80: {  	_ =	shalt  }
0x81: {  	_ =	shalt  }
0x82: {  	_ =	shalt  }
0x83: {  	_ =	shalt  }
0x84: {  	_ =	shalt  }
0x85: {  	_ =	shalt  }
0x86: {  	_ =	shalt  }
0x87: {  	_ =	shalt  }
.Lfunc_end0:
.L_simem_size_0:
called_computation.1_lowered:
.L_overlay_start_0:
0x88: {  	s2 =	sld [smem:$0x3FD9]  }
0x89: {  	s3 =	sld [smem:$0x3FFE];
	_ =	sdelay $0x1  }
0x8a: {  	s1 =	srdreg.scid  }
0x8b: {  	s0 =	sand.u32 $0x1, s1  }
0x8c: {  	s17 =	sshll.u32 s0, $0xA;
	s2 =	sadd.s32 s3, s2  }
0x8d: {  	s2 =	sadd.s32 s2, s17  }
0x8e: {  	[smem:$0x3FC2] =	sst s2  }
0x8f: {  	_ = 	snop  }
0x90: {  	s18 =	sld [smem:$0x3FC7]  }
0x91: {  	s4 =	sld [smem:$0x3FC6]  }
0x92: {  	s5 =	sld [smem:$0x3FD0];
	(tm) =	ssettm $0x1  }
0x93: {  	s19 =	sld [smem:$0x3FFB];
	_ =	sdelay $0x3  }
0x94: {  	_ =	strace s19  }
0x95: {  	s2 =	sld [smem:$0x3FFC];
	_ =	sdelay $0x3  }
0x96: {  	_ =	strace s2  }
0x97: {  	s2 =	sld [smem:$0x3FFD];
	_ =	sdelay $0x3  }
0x98: {  	_ =	strace s2  }
0x99: {  	_ =	strace $0x8FFFFFFF  }
0x9a: {  	s20 =	sld [smem:$0x3FDB];
	_ =	sdelay $0x1  }
0x9b: {  	s6 =	simm.s32 $_scs_section_size  }
0x9c: {  	s7 =	simm.s32 $_size__tile_overlayer_lowered;
	s8 =	simm.s32 $_tile_overlayer_lowered  }
0x9d: {  	s9 =	simm.s32 $0x1BFF;
	s21 =	sshll.u32 s8, $0x1;
	s6 =	sadd.s32 s6, s20  }
0x9e: {  	s22 =	simm.s32 $0x0;
	s7 =	sshll.u32 s7, $0x1;
	s8 =	sadd.s32 s21, s6  }
0x9f: {  	[timem:s22], [sflag:s9] =	dma.local [hbm:s8], s7  }
0xa0: {  	_ =	swait.ge [sflag:s9], s7  }
0xa1: {  	s7 =	ssub.s32 $0x0, s7;
	[sflag:s9] =	ssyncset.done $0x0  }
0xa2: {  	[sflag:s9] =	ssyncadd.s32 s7;
	_ =	sdelay $0x1  }
0xa3: {  	s23 =	simm.s32 $0x1B8B  }
0xa4: {  	_ =	swait.ge [sflag:s23], $0x1  }
0xa5: {  	[sflag:s23] =	ssyncset.done $0x0  }
0xa6: {  	[sflag:s23] =	ssyncadd.s32 $0xFFFFFFFF  }
0xa7: {  	s7 =	sld [smem:$0x0]  }
0xa8: {  	s8 =	sand.u32 $0xFFFFFFFE, s1  }
0xa9: {  	p0 =	sne.s32 s1, s8  }
0xaa: {  	s8 =	sshll.u32 @p0 s8, $0xE  }
0xab: {  	s8 =	sadd.s32 @p0 $0x11B8D, s8;
	s9 =	sshll.u32 @p0 s7, $0x11  }
0xac: {  	s8 =	sor.u32 @p0 s9, s8  }
0xad: {  	[sflag:s8] =	ssyncadd.remote.s32 @p0 $0x1;
	_ =	sdelay $0x1  }
0xae: {  	s8 =	simm.s32 @p0 $0x1B8D  }
0xaf: {  	_ =	swait.eq @p0 [sflag:s8], $0x1  }
0xb0: {  	[sflag:s8] =	ssyncadd.s32 @p0 $0xFFFFFFFF  }
0xb1: {  	s9 =	sshll.u32 @!p0 s1, $0xE  }
0xb2: {  	s9 =	sor.u32 @!p0 $0x4000, s9;
	s8 =	simm.s32 @!p0 $0x1B8D  }
0xb3: {  	s7 =	sshll.u32 @!p0 s7, $0x11;
	s9 =	sadd.s32 @!p0 $0x11B8D, s9;
	_ =	swait.eq @!p0 [sflag:s8], $0x1  }
0xb4: {  	s7 =	sor.u32 @!p0 s7, s9;
	[sflag:s8] =	ssyncadd.s32 @!p0 $0xFFFFFFFF  }
0xb5: {  	s25 =	simm.s32 $0x1B8E;
	s24 =	sld [smem:$0x3FFE];
	[sflag:s7] =	ssyncadd.remote.s32 @!p0 $0x1  }
0xb6: {  	s26 =	simm.s32 $execute0_lowered;
	[smem:$0x3FD2] =	sst s25  }
0xb7: {  	s8 =	sshll.u32 s26, $0x1;
	_ =	strace $0x80000049;
	[dreg:$0x1] =	wrdreg $0xFFFFFFFF  }
0xb8: {  	s28 =	simm.s32 $_size_execute0_lowered;
	s6 =	sadd.s32 s6, s8;
	[dreg:$0x0] =	wrdreg $0x0  }
0xb9: {  	s8 =	sshll.u32 s28, $0x1;
	[dreg:$0x2] =	wrdreg s6  }
0xba: {  	[dreg:$0x3] =	wrdreg s8  }
0xbb: {  	[dreg:$0x4] =	wrdreg $0xC0  }
0xbc: {  	_ =	task [dreg:s22], $0x5FFFF  }
0xbd: {  	[dreg:$0x1] =	wrdreg $0xFFFFFFFF  }
0xbe: {  	[dreg:$0x0] =	wrdreg $0x60  }
0xbf: {  	[dreg:$0x2] =	wrdreg s24  }
0xc0: {  	[dreg:$0x3] =	wrdreg s18  }
0xc1: {  	[dreg:$0x4] =	wrdreg s4  }
0xc2: {  	[dreg:$0x5] =	wrdreg s5  }
0xc3: {  	[dreg:$0x6] =	wrdreg $0xA  }
0xc4: {  	_ =	task.clear_ibuf [dreg:s22], $0x7FFFF;
	_ =	strace $0x90000049  }
0xc5: {  	s29 =	simm.s32 $0xA;
	_ =	strace $0x8000004B  }
0xc6: {  	_ =	swait.ge [sflag:s29], $0x1  }
0xc7: {  	[sflag:s29] =	ssyncadd.s32 $0xFFFFFFFF  }
0xc8: {  	_ =	strace $0x9000004B  }
0xc9: {  	_ =	sfence  }
0xca: {  	s30 =	sld [smem:$0x0];
	_ =	sdelay $0x2  }
0xcb: {  	s31 =	sshll.u32 s1, $0xD;
	s1 =	sshrl.u32 s1, $0x2  }
0xcc: {  	s4 =	sand.u32 $0x4000, s31;
	s1 =	sadd.s32 s1, s30  }
0xcd: {  	s0 =	sor.u32 s4, s0;
	s1 =	sshll.u32 s1, $0x11  }
0xce: {  	s0 =	sor.u32 s1, s0  }
0xcf: {  	s0 =	sadd.s32 $0x8F2B, s0  }
0xd0: {  	[sflag:s0] =	ssyncadd.remote.s32 $0x1  }
0xd1: {  	_ =	sfence.sel $0xFFFF  }
0xd2: {  	[dreg:$0x0] =	wrdreg $0xFFFFFFFF;
	(pc) =	sbr.abs _section_cstart, $3  }
0xd3: {  	[dreg:$0x1] =	wrdreg $0xFFFFFFFF  }
0xd4: {  	_ =	task.clear_ibuf [dreg:s22], $0x2FFFF;
	_ =	strace $0x9FFFFFFF  }
0xd5: {  	(tm) =	ssettm $0x7FFFFFFF  }
tec
execute0_lowered:
.L_overlay_start_1:
0x0: {  	(tag) =	ssettag $0x1  }
0x1: {  	s0 =	rddreg [dreg:$0x0]  }
0x2: {  	s29 =	rddreg [dreg:$0x1]  }
0x3: {  	s3 =	rddreg [dreg:$0x2]  }
0x4: {  	s1 =	srdreg.scid;
	s2 =	stileid.u32  }
0x5: {  	s4 =	rddreg [dreg:$0x3];
	s31 =	simm.s32 $0xF;
	s9 =	simm.s32 $0x280  }
0x6: {  	s10 =	simm.s32 $0x300;
	s11 =	simm.s32 $0x380;
	s12 =	simm.s32 $0x400  }
0x7: {  	s13 =	simm.s32 $0xCA00;
	s1 =	sand.u32 $0x1, s1;
	s5 =	sshll.u32 s2, $0x1  }
0x8: {  	s28 =	simm.s32 $0xA;
	s2 =	simm.s32 $0x0;
	s5 =	sor.u32 s1, s5  }
0x9: {  	[smem:$0x7FF] =	sst s2;
	s6 =	sshll.u32 s5, $0x6;
	s8 =	smul.u32 $0xA00, s5  }
0xa: {  	_ =	strace $0x8000004A;
	s15 =	smul.u32 $0x5000, s5;
	[dreg:$0x17] =	wrdreg s9  }
0xb: {  	s7 =	sshll.u32 s5, $0x8;
	s16 =	smul.u32 $0x6400, s5;
	[dreg:$0x18] =	wrdreg s10  }
0xc: {  	s5 =	smul.u32 $0x32000, s5;
	[dreg:$0x19] =	wrdreg s11;
	s6 =	sadd.s32 s6, s0  }
0xd: {  	[dreg:$0x1a] =	wrdreg s12;
	s7 =	sadd.s32 s7, s0;
	s6 =	sadd.s32 $0xE1400, s6  }
0xe: {  	s14 =	sadd.s32 $0xE1C00, s7;
	s30 =	sadd.s32 s4, s8;
	[dreg:$0x5] =	wrdreg s6  }
0xf: {  	s0 =	sadd.s32 $0xE3C00, s0;
	[dreg:$0x6] =	wrdreg s14;
	s8 =	sadd.s32 $0x100, s30  }
0x10: {  	s7 =	sshrl.u32 s15, $0x3;
	s6 =	sadd.s32 s0, s16;
	[dreg:$0x7] =	wrdreg s8  }
0x11: {  	s4 =	sadd.s32 s4, s7;
	s7 =	simm.s32 $0x100;
	[smem:$0x7FA] =	sst s6  }
0x12: {  	s5 =	sshrl.u32 s5, $0x3;
	s4 =	sadd.s32 $0x200, s4;
	[dreg:$0x15] =	wrdreg s7  }
0x13: {  	s0 =	sadd.s32 s0, s5;
	s17 =	sadd.s32 $0x400, s6;
	[dreg:$0x8] =	wrdreg s4  }
0x14: {  	p0 =	por $0x0, $0x0;
	s18 =	sadd.s32 $0x3400, s0;
	[dreg:$0x9] =	wrdreg s17  }
0x15: {  	s1 =	ssub.s32 $0x2, s1;
	s19 =	sadd.s32 $0x3C00, s0;
	[dreg:$0xa] =	wrdreg s18  }
0x16: {  	s26 =	sshrl.u32 s1, $0x1;
	s20 =	sadd.s32 $0x4400, s0;
	[dreg:$0xb] =	wrdreg s19  }
0x17: {  	s12 =	simm.s32 $0x10A00;
	s21 =	sadd.s32 $0x4C00, s0;
	[dreg:$0xc] =	wrdreg s20  }
0x18: {  	s11 =	simm.s32 $0x14A00;
	s22 =	sadd.s32 $0x5400, s0;
	[dreg:$0xd] =	wrdreg s21  }
0x19: {  	s9 =	simm.s32 $0x18A00;
	s0 =	sadd.s32 $0x5C00, s0;
	[dreg:$0xe] =	wrdreg s22  }
0x1a: {  	s10 =	simm.s32 $0x8;
	s23 =	sadd.s32 $0xC00, s6;
	[dreg:$0xf] =	wrdreg s0  }
0x1b: {  	s15 =	simm.s32 $0x8A00;
	s24 =	sadd.s32 $0x1400, s6;
	[dreg:$0x10] =	wrdreg s23  }
0x1c: {  	s14 =	simm.s32 $0x80;
	s25 =	sadd.s32 $0x1C00, s6;
	[dreg:$0x11] =	wrdreg s24  }
0x1d: {  	s5 =	sadd.s32 $0x2400, s6;
	s6 =	sadd.s32 $0x2C00, s6;
	[dreg:$0x12] =	wrdreg s25  }
0x1e: {  	s8 =	simm.s32 $0x40;
	s7 =	simm.s32 $0x1;
	[dreg:$0x13] =	wrdreg s5  }
0x1f: {  	s4 =	ssub.s32 s1, s26;
	[dreg:$0x14] =	wrdreg s6;
	s1 =	simm.s32 $0x200  }
0x20: {  	s23 =	simm.s32 $0x10;
	[dreg:$0x16] =	wrdreg s8;
	s17 =	simm.s32 $0x480  }
0x21: {  	s5 =	simm.s32 $0xA00;
	s18 =	simm.s32 $0x500;
	[dreg:$0x1b] =	wrdreg s17  }
0x22: {  	s19 =	simm.s32 $0x580;
	s20 =	simm.s32 $0x600;
	[dreg:$0x1c] =	wrdreg s18  }
0x23: {  	s21 =	simm.s32 $0x680;
	s6 =	simm.s32 $0x2;
	[dreg:$0x1d] =	wrdreg s19  }
0x24: {  	s22 =	simm.s32 $0x700;
	s24 =	simm.s32 $0x3;
	[dreg:$0x1e] =	wrdreg s20  }
0x25: {  	s25 =	simm.s32 $0x780;
	s16 =	smax.u32 s4, $0x1;
	[dreg:$0x1f] =	wrdreg s21  }
0x26: {  	s26 =	simm.s32 $0x800;
	[smem:$0x7FB] =	sst s22;
	p1 =	sne.s32 s16, $0x1  }
.Ltmp0:
0x27: {  	s8 =	simm.s32 $0x9;
	[smem:$0x7FC] =	sst s25;
	(pc) =	sbr.rel @!p1 .LBB2_1-.Ltmp0, $4  }
0x28: {  	s4 =	simm.s32 $0x4A00;
	[smem:$0x7FD] =	sst s26;
	s25 =	simm.s32 $0x4  }
0x29: {  	s26 =	simm.s32 $0xB;
	s22 =	simm.s32 $0x5;
	s21 =	simm.s32 $0xC  }
0x2a: {  	s20 =	simm.s32 $0x6;
	s18 =	simm.s32 $0xD;
	s17 =	simm.s32 $0x7  }
0x2b: {  	s19 =	rddreg [dreg:$0x5];
	s0 =	sadd.s32 $0xFFFFFFFF, s16;
	s16 =	simm.s32 $0xE  }
0x2c: {  	[tilespmem:s2], [sflag:$0xF] =	stream.linear.gather [hbm4b:s19+s2], $0x180, $0x38;
	[tilespmem:$0x1CA00] =	vst v63  }
0x2d: {  	_ =	swait.ge [sflag:s31], $0x180  }
0x2e: {  	[sflag:s31] =	ssyncset.done $0x0  }
0x2f: {  	s19 =	rddreg [dreg:$0x6];
	[sflag:s31] =	ssyncadd.s32 $0xFFFFFE80  }
0x30: {  	[tilespmem:s1], [sflag:$0xF] =	stream.linear.gather [hbm4b:s19+s2], $0x680, $0x38;
	[tilespmem:$0x1CA00] =	vst v63  }
0x31: {  	_ =	swait.ge [sflag:s31], $0x680  }
0x32: {  	[sflag:s31] =	ssyncset.done $0x0  }
0x33: {  	[sflag:s31] =	ssyncadd.s32 $0xFFFFF980  }
0x34: {  	[tilespmem:s5], [sflag:$0x1] =	stream.indirect.gather [hbm4b:s29+s23], $0x80, s2, s23, $0xb8;
	[tilespmem:$0x1CA00] =	vst v63  }
0x35: {  	_ = 	snop  }
0x36: {  	[tilespmem:s4], [sflag:$0x2] =	stream.indirect.gather [hbm4b:s29+s23], $0x80, s14, s23, $0xb8;
	[tilespmem:$0x1CA00] =	vst v63  }
0x37: {  	s19 =	rddreg [dreg:$0x15]  }
0x38: {  	[tilespmem:s15], [sflag:$0x3] =	stream.indirect.gather [hbm4b:s29+s14], $0x80, s19, s14, $0xb8;
	[tilespmem:$0x1CA00] =	vst v63  }
0x39: {  	s23 =	smov.u32 s0;
	s0 =	rddreg [dreg:$0x16]  }
0x3a: {  	[tilespmem:s13], [sflag:$0x4] =	stream.indirect.gather [hbm4b:s3+s0], $0x80, s1, s0, $0xb8;
	[tilespmem:$0x1CA00] =	vst v63  }
0x3b: {  	s19 =	rddreg [dreg:$0x17]  }
0x3c: {  	[tilespmem:s12], [sflag:$0x5] =	stream.indirect.gather [hbm4b:s3+s14], $0x80, s19, s14, $0xb8;
	[tilespmem:$0x1CA00] =	vst v63  }
0x3d: {  	s0 =	rddreg [dreg:$0x18]  }
0x3e: {  	[tilespmem:s11], [sflag:$0x6] =	stream.indirect.gather [hbm4b:s3+s14], $0x80, s0, s14, $0xb8;
	[tilespmem:$0x1CA00] =	vst v63  }
0x3f: {  	s1 =	rddreg [dreg:$0x19]  }
0x40: {  	[tilespmem:s9], [sflag:$0x7] =	stream.indirect.gather [hbm4b:s3+s14], $0x80, s1, s14, $0xb8;
	[tilespmem:$0x1CA00] =	vst v63  }
0x41: {  	_ =	swait.ge [sflag:s7], $0x800  }
0x42: {  	[sflag:s7] =	ssyncset.done $0x0  }
0x43: {  	[sflag:s7] =	ssyncadd.s32 $0xFFFFF800  }
0x44: {  	[hbm4b:s30+s2] =	stream.linear.scatter [tilespmem:s5], [sflag:$0x8], $0x800, $0x38;
	[tilespmem:$0x1CA00] =	vst v63  }
0x45: {  	_ =	swait.ge [sflag:s6], $0x800  }
0x46: {  	[sflag:s6] =	ssyncset.done $0x0  }
0x47: {  	s1 =	rddreg [dreg:$0x7];
	[sflag:s6] =	ssyncadd.s32 $0xFFFFF800  }
0x48: {  	[hbm4b:s1+s2] =	stream.linear.scatter [tilespmem:s4], [sflag:$0x9], $0x800, $0x38;
	[tilespmem:$0x1CA00] =	vst v63  }
0x49: {  	_ =	swait.ge [sflag:s24], $0x4000  }
0x4a: {  	[sflag:s24] =	ssyncset.done $0x0  }
0x4b: {  	s19 =	rddreg [dreg:$0x8];
	[sflag:s24] =	ssyncadd.s32 $0xFFFFC000  }
0x4c: {  	[hbm4b:s19+s2] =	stream.linear.scatter [tilespmem:s15], [sflag:$0xA], $0x4000, $0x38;
	[tilespmem:$0x1CA00] =	vst v63  }
0x4d: {  	_ =	swait.ge [sflag:s10], $0x800  }
0x4e: {  	[sflag:s10] =	ssyncset.done $0x0  }
0x4f: {  	s1 =	rddreg [dreg:$0x1a];
	[sflag:s10] =	ssyncadd.s32 $0xFFFFF800  }
0x50: {  	[tilespmem:s5], [sflag:$0x1] =	stream.indirect.gather [hbm4b:s3+s14], $0x80, s1, s14, $0xb8;
	[tilespmem:$0x1CA00] =	vst v63  }
0x51: {  	_ =	swait.ge [sflag:s8], $0x800  }
0x52: {  	[sflag:s8] =	ssyncset.done $0x0  }
0x53: {  	s19 =	rddreg [dreg:$0x1b];
	[sflag:s8] =	ssyncadd.s32 $0xFFFFF800  }
0x54: {  	[tilespmem:s4], [sflag:$0x2] =	stream.indirect.gather [hbm4b:s3+s14], $0x80, s19, s14, $0xb8;
	[tilespmem:$0x1CA00] =	vst v63  }
0x55: {  	_ =	swait.ge [sflag:s28], $0x4000  }
0x56: {  	[sflag:s28] =	ssyncset.done $0x0  }
0x57: {  	s1 =	rddreg [dreg:$0x1c];
	[sflag:s28] =	ssyncadd.s32 $0xFFFFC000  }
0x58: {  	[tilespmem:s15], [sflag:$0x3] =	stream.indirect.gather [hbm4b:s3+s14], $0x80, s1, s14, $0xb8;
	[tilespmem:$0x1CA00] =	vst v63  }
0x59: {  	_ =	swait.ge [sflag:s25], $0x2000  }
0x5a: {  	s19 =	sld [smem:$0x7FA]  }
0x5b: {  	[sflag:s25] =	ssyncset.done $0x0  }
0x5c: {  	[sflag:s25] =	ssyncadd.s32 $0xFFFFE000  }
0x5d: {  	[hbm4b:s19+s2] =	stream.linear.scatter [tilespmem:s13], [sflag:$0xB], $0x2000, $0x38;
	[tilespmem:$0x1CA00] =	vst v63  }
0x5e: {  	_ =	swait.ge [sflag:s26], $0x2000  }
0x5f: {  	[sflag:s26] =	ssyncset.done $0x0  }
0x60: {  	s1 =	rddreg [dreg:$0x1d];
	[sflag:s26] =	ssyncadd.s32 $0xFFFFE000  }
0x61: {  	[tilespmem:s13], [sflag:$0x4] =	stream.indirect.gather [hbm4b:s3+s14], $0x80, s1, s14, $0xb8;
	[tilespmem:$0x1CA00] =	vst v63  }
0x62: {  	_ =	swait.ge [sflag:s22], $0x4000  }
0x63: {  	[sflag:s22] =	ssyncset.done $0x0  }
0x64: {  	s19 =	rddreg [dreg:$0x9];
	[sflag:s22] =	ssyncadd.s32 $0xFFFFC000  }
0x65: {  	[hbm4b:s19+s2] =	stream.linear.scatter [tilespmem:s12], [sflag:$0xC], $0x4000, $0x38;
	[tilespmem:$0x1CA00] =	vst v63  }
0x66: {  	_ =	swait.ge [sflag:s21], $0x4000  }
0x67: {  	[sflag:s21] =	ssyncset.done $0x0  }
0x68: {  	s1 =	rddreg [dreg:$0x1e];
	[sflag:s21] =	ssyncadd.s32 $0xFFFFC000  }
0x69: {  	[tilespmem:s12], [sflag:$0x5] =	stream.indirect.gather [hbm4b:s3+s14], $0x80, s1, s14, $0xb8;
	[tilespmem:$0x1CA00] =	vst v63  }
0x6a: {  	_ =	swait.ge [sflag:s20], $0x4000  }
0x6b: {  	[sflag:s20] =	ssyncset.done $0x0  }
0x6c: {  	s19 =	rddreg [dreg:$0x10];
	[sflag:s20] =	ssyncadd.s32 $0xFFFFC000  }
0x6d: {  	[hbm4b:s19+s2] =	stream.linear.scatter [tilespmem:s11], [sflag:$0xD], $0x4000, $0x38;
	[tilespmem:$0x1CA00] =	vst v63  }
0x6e: {  	_ =	swait.ge [sflag:s18], $0x4000  }
0x6f: {  	[sflag:s18] =	ssyncset.done $0x0  }
0x70: {  	s1 =	rddreg [dreg:$0x1f];
	[sflag:s18] =	ssyncadd.s32 $0xFFFFC000  }
0x71: {  	[tilespmem:s11], [sflag:$0x6] =	stream.indirect.gather [hbm4b:s3+s14], $0x80, s1, s14, $0xb8;
	[tilespmem:$0x1CA00] =	vst v63  }
0x72: {  	_ =	swait.ge [sflag:s17], $0x4000  }
0x73: {  	[sflag:s17] =	ssyncset.done $0x0  }
0x74: {  	s19 =	rddreg [dreg:$0x11];
	[sflag:s17] =	ssyncadd.s32 $0xFFFFC000  }
0x75: {  	[hbm4b:s19+s2] =	stream.linear.scatter [tilespmem:s9], [sflag:$0xE], $0x4000, $0x38;
	[tilespmem:$0x1CA00] =	vst v63  }
0x76: {  	_ =	swait.ge [sflag:s16], $0x4000  }
0x77: {  	s1 =	sld [smem:$0x7FB]  }
0x78: {  	[sflag:s16] =	ssyncset.done $0x0  }
0x79: {  	[sflag:s16] =	ssyncadd.s32 $0xFFFFC000  }
0x7a: {  	[tilespmem:s9], [sflag:$0x7] =	stream.indirect.gather [hbm4b:s3+s14], $0x80, s1, s14, $0xb8;
	[tilespmem:$0x1CA00] =	vst v63  }
0x7b: {  	_ =	swait.ge [sflag:s7], $0x4000  }
0x7c: {  	[sflag:s7] =	ssyncset.done $0x0  }
0x7d: {  	s19 =	rddreg [dreg:$0x12];
	[sflag:s7] =	ssyncadd.s32 $0xFFFFC000  }
0x7e: {  	[hbm4b:s19+s2] =	stream.linear.scatter [tilespmem:s5], [sflag:$0x8], $0x4000, $0x38;
	[tilespmem:$0x1CA00] =	vst v63  }
0x7f: {  	_ =	swait.ge [sflag:s10], $0x4000  }
0x80: {  	s1 =	sld [smem:$0x7FC]  }
0x81: {  	[sflag:s10] =	ssyncset.done $0x0  }
0x82: {  	[sflag:s10] =	ssyncadd.s32 $0xFFFFC000  }
0x83: {  	[tilespmem:s5], [sflag:$0x1] =	stream.indirect.gather [hbm4b:s3+s14], $0x80, s1, s14, $0xb8;
	[tilespmem:$0x1CA00] =	vst v63  }
0x84: {  	_ =	swait.ge [sflag:s6], $0x4000  }
0x85: {  	[sflag:s6] =	ssyncset.done $0x0  }
0x86: {  	s19 =	rddreg [dreg:$0x13];
	[sflag:s6] =	ssyncadd.s32 $0xFFFFC000  }
0x87: {  	[hbm4b:s19+s2] =	stream.linear.scatter [tilespmem:s4], [sflag:$0x9], $0x4000, $0x38;
	[tilespmem:$0x1CA00] =	vst v63  }
0x88: {  	_ =	swait.ge [sflag:s8], $0x4000  }
0x89: {  	s1 =	sld [smem:$0x7FD]  }
0x8a: {  	[sflag:s8] =	ssyncset.done $0x0  }
0x8b: {  	[sflag:s8] =	ssyncadd.s32 $0xFFFFC000  }
0x8c: {  	[tilespmem:s4], [sflag:$0x2] =	stream.indirect.gather [hbm4b:s3+s14], $0x80, s1, s14, $0xb8;
	[tilespmem:$0x1CA00] =	vst v63  }
0x8d: {  	_ =	swait.ge [sflag:s24], $0x4000  }
0x8e: {  	[sflag:s24] =	ssyncset.done $0x0  }
0x8f: {  	s19 =	rddreg [dreg:$0x14];
	[sflag:s24] =	ssyncadd.s32 $0xFFFFC000  }
0x90: {  	[hbm4b:s19+s2] =	stream.linear.scatter [tilespmem:s15], [sflag:$0xA], $0x4000, $0x38;
	[tilespmem:$0x1CA00] =	vst v63  }
0x91: {  	_ =	swait.ge [sflag:s28], $0x4000  }
0x92: {  	[sflag:s28] =	ssyncset.done $0x0  }
0x93: {  	[sflag:s28] =	ssyncadd.s32 $0xFFFFC000  }
0x94: {  	_ =	swait.ge [sflag:s25], $0x4000  }
0x95: {  	[sflag:s25] =	ssyncset.done $0x0  }
0x96: {  	s1 =	rddreg [dreg:$0xa];
	[sflag:s25] =	ssyncadd.s32 $0xFFFFC000  }
0x97: {  	[hbm4b:s1+s2] =	stream.linear.scatter [tilespmem:s13], [sflag:$0xB], $0x4000, $0x38;
	[tilespmem:$0x1CA00] =	vst v63  }
0x98: {  	_ =	swait.ge [sflag:s26], $0x4000  }
0x99: {  	[sflag:s26] =	ssyncset.done $0x0  }
0x9a: {  	[sflag:s26] =	ssyncadd.s32 $0xFFFFC000  }
0x9b: {  	_ =	swait.ge [sflag:s22], $0x4000  }
0x9c: {  	[sflag:s22] =	ssyncset.done $0x0  }
0x9d: {  	s19 =	rddreg [dreg:$0xb];
	[sflag:s22] =	ssyncadd.s32 $0xFFFFC000  }
0x9e: {  	[hbm4b:s19+s2] =	stream.linear.scatter [tilespmem:s12], [sflag:$0xC], $0x4000, $0x38;
	[tilespmem:$0x1CA00] =	vst v63  }
0x9f: {  	_ =	swait.ge [sflag:s21], $0x4000  }
0xa0: {  	[sflag:s21] =	ssyncset.done $0x0  }
0xa1: {  	[sflag:s21] =	ssyncadd.s32 $0xFFFFC000  }
0xa2: {  	_ =	swait.ge [sflag:s20], $0x4000  }
0xa3: {  	[sflag:s20] =	ssyncset.done $0x0  }
0xa4: {  	s1 =	rddreg [dreg:$0xc];
	[sflag:s20] =	ssyncadd.s32 $0xFFFFC000  }
0xa5: {  	[hbm4b:s1+s2] =	stream.linear.scatter [tilespmem:s11], [sflag:$0xD], $0x4000, $0x38;
	[tilespmem:$0x1CA00] =	vst v63  }
0xa6: {  	_ =	swait.ge [sflag:s18], $0x4000  }
0xa7: {  	[sflag:s18] =	ssyncset.done $0x0  }
0xa8: {  	[sflag:s18] =	ssyncadd.s32 $0xFFFFC000  }
0xa9: {  	_ =	swait.ge [sflag:s17], $0x4000  }
0xaa: {  	[sflag:s17] =	ssyncset.done $0x0  }
0xab: {  	s19 =	rddreg [dreg:$0xd];
	[sflag:s17] =	ssyncadd.s32 $0xFFFFC000  }
0xac: {  	[hbm4b:s19+s2] =	stream.linear.scatter [tilespmem:s9], [sflag:$0xE], $0x4000, $0x38;
	[tilespmem:$0x1CA00] =	vst v63  }
0xad: {  	_ =	swait.ge [sflag:s16], $0x4000  }
0xae: {  	[sflag:s16] =	ssyncset.done $0x0  }
0xaf: {  	[sflag:s16] =	ssyncadd.s32 $0xFFFFC000  }
0xb0: {  	_ =	swait.ge [sflag:s7], $0x4000  }
0xb1: {  	[sflag:s7] =	ssyncset.done $0x0  }
0xb2: {  	s1 =	rddreg [dreg:$0xe];
	[sflag:s7] =	ssyncadd.s32 $0xFFFFC000  }
0xb3: {  	[hbm4b:s1+s2] =	stream.linear.scatter [tilespmem:s5], [sflag:$0x8], $0x4000, $0x38;
	[tilespmem:$0x1CA00] =	vst v63  }
0xb4: {  	_ =	swait.ge [sflag:s10], $0x4000  }
0xb5: {  	[sflag:s10] =	ssyncset.done $0x0  }
0xb6: {  	[sflag:s10] =	ssyncadd.s32 $0xFFFFC000  }
0xb7: {  	p1 =	sne.s32 s23, $0x1;
	_ =	swait.ge [sflag:s6], $0x4000  }
.Ltmp1:
0xb8: {  	[sflag:s6] =	ssyncset.done $0x0;
	(pc) =	sbr.rel @!p1 .LBB2_7-.Ltmp1, $4  }
0xb9: {  	s19 =	rddreg [dreg:$0xf];
	[sflag:s6] =	ssyncadd.s32 $0xFFFFC000  }
0xba: {  	[hbm4b:s19+s2] =	stream.linear.scatter [tilespmem:s4], [sflag:$0x9], $0x4000, $0x38;
	[tilespmem:$0x1CA00] =	vst v63  }
0xbb: {  	p0 =	por $0x1, $0x1;
	s0 =	sadd.s32 $0xFFFFFFFF, s23;
	_ =	swait.ge [sflag:s8], $0x4000  }
0xbc: {  	s1 =	smov.u32 s29;
	s19 =	rddreg [dreg:$0x5];
	[sflag:s8] =	ssyncset.done $0x0  }
0xbd: {  	s23 =	simm.s32 $0x200  }
.LBB2_4:
0xbe: {  	[sflag:s8] =	ssyncadd.s32 $0xFFFFC000  }
0xbf: {  	[tilespmem:s2], [sflag:$0xF] =	stream.linear.gather [hbm4b:s19+s2], $0x180, $0x38;
	[tilespmem:$0x1CA00] =	vst v63  }
0xc0: {  	_ =	swait.ge [sflag:s31], $0x180  }
0xc1: {  	[sflag:s31] =	ssyncset.done $0x0  }
0xc2: {  	s29 =	rddreg [dreg:$0x6];
	[sflag:s31] =	ssyncadd.s32 $0xFFFFFE80  }
0xc3: {  	[tilespmem:s23], [sflag:$0xF] =	stream.linear.gather [hbm4b:s29+s2], $0x680, $0x38;
	[tilespmem:$0x1CA00] =	vst v63  }
0xc4: {  	_ =	swait.ge [sflag:s31], $0x680  }
0xc5: {  	[sflag:s31] =	ssyncset.done $0x0  }
0xc6: {  	s29 =	simm.s32 $0x10;
	[sflag:s31] =	ssyncadd.s32 $0xFFFFF980  }
0xc7: {  	[tilespmem:s5], [sflag:$0x1] =	stream.indirect.gather [hbm4b:s1+s29], $0x80, s2, s29, $0xb8;
	[tilespmem:$0x1CA00] =	vst v63  }
0xc8: {  	_ = 	snop  }
0xc9: {  	[tilespmem:s4], [sflag:$0x2] =	stream.indirect.gather [hbm4b:s1+s29], $0x80, s14, s29, $0xb8;
	[tilespmem:$0x1CA00] =	vst v63  }
0xca: {  	s19 =	rddreg [dreg:$0x15]  }
0xcb: {  	[tilespmem:s15], [sflag:$0x3] =	stream.indirect.gather [hbm4b:s1+s14], $0x80, s19, s14, $0xb8;
	[tilespmem:$0x1CA00] =	vst v63  }
0xcc: {  	s29 =	rddreg [dreg:$0x16]  }
0xcd: {  	[tilespmem:s13], [sflag:$0x4] =	stream.indirect.gather [hbm4b:s3+s29], $0x80, s23, s29, $0xb8;
	[tilespmem:$0x1CA00] =	vst v63  }
0xce: {  	s19 =	rddreg [dreg:$0x17]  }
0xcf: {  	[tilespmem:s12], [sflag:$0x5] =	stream.indirect.gather [hbm4b:s3+s14], $0x80, s19, s14, $0xb8;
	[tilespmem:$0x1CA00] =	vst v63  }
0xd0: {  	s29 =	rddreg [dreg:$0x18]  }
0xd1: {  	[tilespmem:s11], [sflag:$0x6] =	stream.indirect.gather [hbm4b:s3+s14], $0x80, s29, s14, $0xb8;
	[tilespmem:$0x1CA00] =	vst v63  }
0xd2: {  	s19 =	rddreg [dreg:$0x19]  }
0xd3: {  	[tilespmem:s9], [sflag:$0x7] =	stream.indirect.gather [hbm4b:s3+s14], $0x80, s19, s14, $0xb8;
	[tilespmem:$0x1CA00] =	vst v63  }
0xd4: {  	_ =	swait.ge [sflag:s7], $0x800  }
0xd5: {  	[sflag:s7] =	ssyncset.done $0x0  }
0xd6: {  	[sflag:s7] =	ssyncadd.s32 $0xFFFFF800  }
0xd7: {  	[hbm4b:s30+s2] =	stream.linear.scatter [tilespmem:s5], [sflag:$0x8], $0x800, $0x38;
	[tilespmem:$0x1CA00] =	vst v63  }
0xd8: {  	_ =	swait.ge [sflag:s6], $0x800  }
0xd9: {  	[sflag:s6] =	ssyncset.done $0x0  }
0xda: {  	s29 =	rddreg [dreg:$0x7];
	[sflag:s6] =	ssyncadd.s32 $0xFFFFF800  }
0xdb: {  	[hbm4b:s29+s2] =	stream.linear.scatter [tilespmem:s4], [sflag:$0x9], $0x800, $0x38;
	[tilespmem:$0x1CA00] =	vst v63  }
0xdc: {  	_ =	swait.ge [sflag:s24], $0x4000  }
0xdd: {  	[sflag:s24] =	ssyncset.done $0x0  }
0xde: {  	s29 =	rddreg [dreg:$0x8];
	[sflag:s24] =	ssyncadd.s32 $0xFFFFC000  }
0xdf: {  	[hbm4b:s29+s2] =	stream.linear.scatter [tilespmem:s15], [sflag:$0xA], $0x4000, $0x38;
	[tilespmem:$0x1CA00] =	vst v63  }
0xe0: {  	_ =	swait.ge [sflag:s10], $0x800  }
0xe1: {  	[sflag:s10] =	ssyncset.done $0x0  }
0xe2: {  	s29 =	rddreg [dreg:$0x1a];
	[sflag:s10] =	ssyncadd.s32 $0xFFFFF800  }
0xe3: {  	[tilespmem:s5], [sflag:$0x1] =	stream.indirect.gather [hbm4b:s3+s14], $0x80, s29, s14, $0xb8;
	[tilespmem:$0x1CA00] =	vst v63  }
0xe4: {  	_ =	swait.ge [sflag:s8], $0x800  }
0xe5: {  	[sflag:s8] =	ssyncset.done $0x0  }
0xe6: {  	s29 =	rddreg [dreg:$0x1b];
	[sflag:s8] =	ssyncadd.s32 $0xFFFFF800  }
0xe7: {  	[tilespmem:s4], [sflag:$0x2] =	stream.indirect.gather [hbm4b:s3+s14], $0x80, s29, s14, $0xb8;
	[tilespmem:$0x1CA00] =	vst v63  }
0xe8: {  	_ =	swait.ge [sflag:s28], $0x4000  }
0xe9: {  	[sflag:s28] =	ssyncset.done $0x0  }
0xea: {  	s29 =	rddreg [dreg:$0x1c];
	[sflag:s28] =	ssyncadd.s32 $0xFFFFC000  }
0xeb: {  	[tilespmem:s15], [sflag:$0x3] =	stream.indirect.gather [hbm4b:s3+s14], $0x80, s29, s14, $0xb8;
	[tilespmem:$0x1CA00] =	vst v63  }
0xec: {  	_ =	swait.ge [sflag:s25], $0x2000  }
0xed: {  	s29 =	sld [smem:$0x7FA]  }
0xee: {  	[sflag:s25] =	ssyncset.done $0x0  }
0xef: {  	[sflag:s25] =	ssyncadd.s32 $0xFFFFE000  }
0xf0: {  	[hbm4b:s29+s2] =	stream.linear.scatter [tilespmem:s13], [sflag:$0xB], $0x2000, $0x38;
	[tilespmem:$0x1CA00] =	vst v63  }
0xf1: {  	_ =	swait.ge [sflag:s26], $0x2000  }
0xf2: {  	[sflag:s26] =	ssyncset.done $0x0  }
0xf3: {  	s29 =	rddreg [dreg:$0x1d];
	[sflag:s26] =	ssyncadd.s32 $0xFFFFE000  }
0xf4: {  	[tilespmem:s13], [sflag:$0x4] =	stream.indirect.gather [hbm4b:s3+s14], $0x80, s29, s14, $0xb8;
	[tilespmem:$0x1CA00] =	vst v63  }
0xf5: {  	_ =	swait.ge [sflag:s22], $0x4000  }
0xf6: {  	[sflag:s22] =	ssyncset.done $0x0  }
0xf7: {  	s29 =	rddreg [dreg:$0x9];
	[sflag:s22] =	ssyncadd.s32 $0xFFFFC000  }
0xf8: {  	[hbm4b:s29+s2] =	stream.linear.scatter [tilespmem:s12], [sflag:$0xC], $0x4000, $0x38;
	[tilespmem:$0x1CA00] =	vst v63  }
0xf9: {  	_ =	swait.ge [sflag:s21], $0x4000  }
0xfa: {  	[sflag:s21] =	ssyncset.done $0x0  }
0xfb: {  	s29 =	rddreg [dreg:$0x1e];
	[sflag:s21] =	ssyncadd.s32 $0xFFFFC000  }
0xfc: {  	[tilespmem:s12], [sflag:$0x5] =	stream.indirect.gather [hbm4b:s3+s14], $0x80, s29, s14, $0xb8;
	[tilespmem:$0x1CA00] =	vst v63  }
0xfd: {  	_ =	swait.ge [sflag:s20], $0x4000  }
0xfe: {  	[sflag:s20] =	ssyncset.done $0x0  }
0xff: {  	s29 =	rddreg [dreg:$0x10];
	[sflag:s20] =	ssyncadd.s32 $0xFFFFC000  }
0x100: {  	[hbm4b:s29+s2] =	stream.linear.scatter [tilespmem:s11], [sflag:$0xD], $0x4000, $0x38;
	[tilespmem:$0x1CA00] =	vst v63  }
0x101: {  	_ =	swait.ge [sflag:s18], $0x4000  }
0x102: {  	[sflag:s18] =	ssyncset.done $0x0  }
0x103: {  	s29 =	rddreg [dreg:$0x1f];
	[sflag:s18] =	ssyncadd.s32 $0xFFFFC000  }
0x104: {  	[tilespmem:s11], [sflag:$0x6] =	stream.indirect.gather [hbm4b:s3+s14], $0x80, s29, s14, $0xb8;
	[tilespmem:$0x1CA00] =	vst v63  }
0x105: {  	_ =	swait.ge [sflag:s17], $0x4000  }
0x106: {  	[sflag:s17] =	ssyncset.done $0x0  }
0x107: {  	s29 =	rddreg [dreg:$0x11];
	[sflag:s17] =	ssyncadd.s32 $0xFFFFC000  }
0x108: {  	[hbm4b:s29+s2] =	stream.linear.scatter [tilespmem:s9], [sflag:$0xE], $0x4000, $0x38;
	[tilespmem:$0x1CA00] =	vst v63  }
0x109: {  	_ =	swait.ge [sflag:s16], $0x4000  }
0x10a: {  	s29 =	sld [smem:$0x7FB]  }
0x10b: {  	[sflag:s16] =	ssyncset.done $0x0  }
0x10c: {  	[sflag:s16] =	ssyncadd.s32 $0xFFFFC000  }
0x10d: {  	[tilespmem:s9], [sflag:$0x7] =	stream.indirect.gather [hbm4b:s3+s14], $0x80, s29, s14, $0xb8;
	[tilespmem:$0x1CA00] =	vst v63  }
0x10e: {  	_ =	swait.ge [sflag:s7], $0x4000  }
0x10f: {  	[sflag:s7] =	ssyncset.done $0x0  }
0x110: {  	s29 =	rddreg [dreg:$0x12];
	[sflag:s7] =	ssyncadd.s32 $0xFFFFC000  }
0x111: {  	[hbm4b:s29+s2] =	stream.linear.scatter [tilespmem:s5], [sflag:$0x8], $0x4000, $0x38;
	[tilespmem:$0x1CA00] =	vst v63  }
0x112: {  	_ =	swait.ge [sflag:s10], $0x4000  }
0x113: {  	s29 =	sld [smem:$0x7FC]  }
0x114: {  	[sflag:s10] =	ssyncset.done $0x0  }
0x115: {  	[sflag:s10] =	ssyncadd.s32 $0xFFFFC000  }
0x116: {  	[tilespmem:s5], [sflag:$0x1] =	stream.indirect.gather [hbm4b:s3+s14], $0x80, s29, s14, $0xb8;
	[tilespmem:$0x1CA00] =	vst v63  }
0x117: {  	_ =	swait.ge [sflag:s6], $0x4000  }
0x118: {  	[sflag:s6] =	ssyncset.done $0x0  }
0x119: {  	s29 =	rddreg [dreg:$0x13];
	[sflag:s6] =	ssyncadd.s32 $0xFFFFC000  }
0x11a: {  	[hbm4b:s29+s2] =	stream.linear.scatter [tilespmem:s4], [sflag:$0x9], $0x4000, $0x38;
	[tilespmem:$0x1CA00] =	vst v63  }
0x11b: {  	_ =	swait.ge [sflag:s8], $0x4000  }
0x11c: {  	s29 =	sld [smem:$0x7FD]  }
0x11d: {  	[sflag:s8] =	ssyncset.done $0x0  }
0x11e: {  	[sflag:s8] =	ssyncadd.s32 $0xFFFFC000  }
0x11f: {  	[tilespmem:s4], [sflag:$0x2] =	stream.indirect.gather [hbm4b:s3+s14], $0x80, s29, s14, $0xb8;
	[tilespmem:$0x1CA00] =	vst v63  }
0x120: {  	_ =	swait.ge [sflag:s24], $0x4000  }
0x121: {  	[sflag:s24] =	ssyncset.done $0x0  }
0x122: {  	s29 =	rddreg [dreg:$0x14];
	[sflag:s24] =	ssyncadd.s32 $0xFFFFC000  }
0x123: {  	[hbm4b:s29+s2] =	stream.linear.scatter [tilespmem:s15], [sflag:$0xA], $0x4000, $0x38;
	[tilespmem:$0x1CA00] =	vst v63  }
0x124: {  	_ =	swait.ge [sflag:s28], $0x4000  }
0x125: {  	[sflag:s28] =	ssyncset.done $0x0  }
0x126: {  	[sflag:s28] =	ssyncadd.s32 $0xFFFFC000  }
0x127: {  	_ =	swait.ge [sflag:s25], $0x4000  }
0x128: {  	[sflag:s25] =	ssyncset.done $0x0  }
0x129: {  	s29 =	rddreg [dreg:$0xa];
	[sflag:s25] =	ssyncadd.s32 $0xFFFFC000  }
0x12a: {  	[hbm4b:s29+s2] =	stream.linear.scatter [tilespmem:s13], [sflag:$0xB], $0x4000, $0x38;
	[tilespmem:$0x1CA00] =	vst v63  }
0x12b: {  	_ =	swait.ge [sflag:s26], $0x4000  }
0x12c: {  	[sflag:s26] =	ssyncset.done $0x0  }
0x12d: {  	[sflag:s26] =	ssyncadd.s32 $0xFFFFC000  }
0x12e: {  	_ =	swait.ge [sflag:s22], $0x4000  }
0x12f: {  	[sflag:s22] =	ssyncset.done $0x0  }
0x130: {  	s29 =	rddreg [dreg:$0xb];
	[sflag:s22] =	ssyncadd.s32 $0xFFFFC000  }
0x131: {  	[hbm4b:s29+s2] =	stream.linear.scatter [tilespmem:s12], [sflag:$0xC], $0x4000, $0x38;
	[tilespmem:$0x1CA00] =	vst v63  }
0x132: {  	_ =	swait.ge [sflag:s21], $0x4000  }
0x133: {  	[sflag:s21] =	ssyncset.done $0x0  }
0x134: {  	[sflag:s21] =	ssyncadd.s32 $0xFFFFC000  }
0x135: {  	_ =	swait.ge [sflag:s20], $0x4000  }
0x136: {  	[sflag:s20] =	ssyncset.done $0x0  }
0x137: {  	s29 =	rddreg [dreg:$0xc];
	[sflag:s20] =	ssyncadd.s32 $0xFFFFC000  }
0x138: {  	[hbm4b:s29+s2] =	stream.linear.scatter [tilespmem:s11], [sflag:$0xD], $0x4000, $0x38;
	[tilespmem:$0x1CA00] =	vst v63  }
0x139: {  	_ =	swait.ge [sflag:s18], $0x4000  }
0x13a: {  	[sflag:s18] =	ssyncset.done $0x0  }
0x13b: {  	[sflag:s18] =	ssyncadd.s32 $0xFFFFC000  }
0x13c: {  	_ =	swait.ge [sflag:s17], $0x4000  }
0x13d: {  	[sflag:s17] =	ssyncset.done $0x0  }
0x13e: {  	s29 =	rddreg [dreg:$0xd];
	[sflag:s17] =	ssyncadd.s32 $0xFFFFC000  }
0x13f: {  	[hbm4b:s29+s2] =	stream.linear.scatter [tilespmem:s9], [sflag:$0xE], $0x4000, $0x38;
	[tilespmem:$0x1CA00] =	vst v63  }
0x140: {  	_ =	swait.ge [sflag:s16], $0x4000  }
0x141: {  	[sflag:s16] =	ssyncset.done $0x0  }
0x142: {  	[sflag:s16] =	ssyncadd.s32 $0xFFFFC000  }
0x143: {  	_ =	swait.ge [sflag:s7], $0x4000  }
0x144: {  	[sflag:s7] =	ssyncset.done $0x0  }
0x145: {  	s29 =	rddreg [dreg:$0xe];
	[sflag:s7] =	ssyncadd.s32 $0xFFFFC000  }
0x146: {  	[hbm4b:s29+s2] =	stream.linear.scatter [tilespmem:s5], [sflag:$0x8], $0x4000, $0x38;
	[tilespmem:$0x1CA00] =	vst v63  }
0x147: {  	_ =	swait.ge [sflag:s10], $0x4000  }
0x148: {  	[sflag:s10] =	ssyncset.done $0x0  }
0x149: {  	[sflag:s10] =	ssyncadd.s32 $0xFFFFC000  }
0x14a: {  	p1 =	sne.s32 s0, $0x1;
	_ =	swait.ge [sflag:s6], $0x4000  }
.Ltmp2:
0x14b: {  	[sflag:s6] =	ssyncset.done $0x0;
	(pc) =	sbr.rel @p1 .LBB2_4-.Ltmp2, $4  }
0x14c: {  	s29 =	rddreg [dreg:$0xf];
	[sflag:s6] =	ssyncadd.s32 $0xFFFFC000  }
0x14d: {  	[hbm4b:s29+s2] =	stream.linear.scatter [tilespmem:s4], [sflag:$0x9], $0x4000, $0x38;
	[tilespmem:$0x1CA00] =	vst v63  }
0x14e: {  	_ =	swait.ge [sflag:s8], $0x4000  }
0x14f: {  	s0 =	sadd.s32 $0xFFFFFFFF, s0;
	s19 =	rddreg [dreg:$0x5];
	[sflag:s8] =	ssyncset.done $0x0  }
0x150: {  	s23 =	smov.u32 s1;
	s29 =	sld [smem:$0x7FA]  }
.LBB2_6:
0x151: {  	[sflag:s8] =	ssyncadd.s32 @p0 $0xFFFFC000  }
0x152: {  	[tilespmem:s2], [sflag:$0xF] =	stream.linear.gather [hbm4b:s19+s2], $0x180, $0x38;
	[tilespmem:$0x1CA00] =	vst v63  }
0x153: {  	_ =	swait.ge [sflag:s31], $0x180  }
0x154: {  	[sflag:s31] =	ssyncset.done $0x0  }
0x155: {  	s19 =	simm.s32 $0x200;
	s0 =	rddreg [dreg:$0x6];
	[sflag:s31] =	ssyncadd.s32 $0xFFFFFE80  }
0x156: {  	[tilespmem:s19], [sflag:$0xF] =	stream.linear.gather [hbm4b:s0+s2], $0x680, $0x38;
	[tilespmem:$0x1CA00] =	vst v63  }
0x157: {  	_ =	swait.ge [sflag:s31], $0x680  }
0x158: {  	[sflag:s31] =	ssyncset.done $0x0  }
0x159: {  	s1 =	simm.s32 $0x10;
	[sflag:s31] =	ssyncadd.s32 $0xFFFFF980  }
0x15a: {  	[tilespmem:s5], [sflag:$0x1] =	stream.indirect.gather [hbm4b:s23+s1], $0x80, s2, s1, $0xb8;
	[tilespmem:$0x1CA00] =	vst v63  }
0x15b: {  	_ = 	snop  }
0x15c: {  	[tilespmem:s4], [sflag:$0x2] =	stream.indirect.gather [hbm4b:s23+s1], $0x80, s14, s1, $0xb8;
	[tilespmem:$0x1CA00] =	vst v63  }
0x15d: {  	s31 =	rddreg [dreg:$0x15]  }
0x15e: {  	[tilespmem:s15], [sflag:$0x3] =	stream.indirect.gather [hbm4b:s23+s14], $0x80, s31, s14, $0xb8;
	[tilespmem:$0x1CA00] =	vst v63  }
0x15f: {  	s1 =	rddreg [dreg:$0x16]  }
0x160: {  	[tilespmem:s13], [sflag:$0x4] =	stream.indirect.gather [hbm4b:s3+s1], $0x80, s19, s1, $0xb8;
	[tilespmem:$0x1CA00] =	vst v63  }
0x161: {  	s31 =	rddreg [dreg:$0x17]  }
0x162: {  	[tilespmem:s12], [sflag:$0x5] =	stream.indirect.gather [hbm4b:s3+s14], $0x80, s31, s14, $0xb8;
	[tilespmem:$0x1CA00] =	vst v63  }
0x163: {  	s19 =	rddreg [dreg:$0x18]  }
0x164: {  	[tilespmem:s11], [sflag:$0x6] =	stream.indirect.gather [hbm4b:s3+s14], $0x80, s19, s14, $0xb8;
	[tilespmem:$0x1CA00] =	vst v63  }
0x165: {  	s23 =	rddreg [dreg:$0x19]  }
0x166: {  	[tilespmem:s9], [sflag:$0x7] =	stream.indirect.gather [hbm4b:s3+s14], $0x80, s23, s14, $0xb8;
	[tilespmem:$0x1CA00] =	vst v63  }
0x167: {  	_ =	swait.ge [sflag:s7], $0x800  }
0x168: {  	[sflag:s7] =	ssyncset.done $0x0  }
0x169: {  	[sflag:s7] =	ssyncadd.s32 $0xFFFFF800  }
0x16a: {  	[hbm4b:s30+s2] =	stream.linear.scatter [tilespmem:s5], [sflag:$0x8], $0x800, $0x38;
	[tilespmem:$0x1CA00] =	vst v63  }
0x16b: {  	_ =	swait.ge [sflag:s6], $0x800  }
0x16c: {  	[sflag:s6] =	ssyncset.done $0x0  }
0x16d: {  	s30 =	rddreg [dreg:$0x7];
	[sflag:s6] =	ssyncadd.s32 $0xFFFFF800  }
0x16e: {  	[hbm4b:s30+s2] =	stream.linear.scatter [tilespmem:s4], [sflag:$0x9], $0x800, $0x38;
	[tilespmem:$0x1CA00] =	vst v63  }
0x16f: {  	_ =	swait.ge [sflag:s24], $0x4000  }
0x170: {  	[sflag:s24] =	ssyncset.done $0x0  }
0x171: {  	s31 =	rddreg [dreg:$0x8];
	[sflag:s24] =	ssyncadd.s32 $0xFFFFC000  }
0x172: {  	[hbm4b:s31+s2] =	stream.linear.scatter [tilespmem:s15], [sflag:$0xA], $0x4000, $0x38;
	[tilespmem:$0x1CA00] =	vst v63  }
0x173: {  	_ =	swait.ge [sflag:s10], $0x800  }
0x174: {  	[sflag:s10] =	ssyncset.done $0x0  }
0x175: {  	s1 =	rddreg [dreg:$0x1a];
	[sflag:s10] =	ssyncadd.s32 $0xFFFFF800  }
0x176: {  	[tilespmem:s5], [sflag:$0x1] =	stream.indirect.gather [hbm4b:s3+s14], $0x80, s1, s14, $0xb8;
	[tilespmem:$0x1CA00] =	vst v63  }
0x177: {  	_ =	swait.ge [sflag:s8], $0x800  }
0x178: {  	[sflag:s8] =	ssyncset.done $0x0  }
0x179: {  	s19 =	rddreg [dreg:$0x1b];
	[sflag:s8] =	ssyncadd.s32 $0xFFFFF800  }
0x17a: {  	[tilespmem:s4], [sflag:$0x2] =	stream.indirect.gather [hbm4b:s3+s14], $0x80, s19, s14, $0xb8;
	[tilespmem:$0x1CA00] =	vst v63  }
0x17b: {  	_ =	swait.ge [sflag:s28], $0x4000  }
0x17c: {  	[sflag:s28] =	ssyncset.done $0x0  }
0x17d: {  	s23 =	rddreg [dreg:$0x1c];
	[sflag:s28] =	ssyncadd.s32 $0xFFFFC000  }
0x17e: {  	[tilespmem:s15], [sflag:$0x3] =	stream.indirect.gather [hbm4b:s3+s14], $0x80, s23, s14, $0xb8;
	[tilespmem:$0x1CA00] =	vst v63  }
0x17f: {  	_ =	swait.ge [sflag:s25], $0x2000  }
0x180: {  	[sflag:s25] =	ssyncset.done $0x0  }
0x181: {  	[sflag:s25] =	ssyncadd.s32 $0xFFFFE000  }
0x182: {  	[hbm4b:s29+s2] =	stream.linear.scatter [tilespmem:s13], [sflag:$0xB], $0x2000, $0x38;
	[tilespmem:$0x1CA00] =	vst v63  }
0x183: {  	_ =	swait.ge [sflag:s26], $0x2000  }
0x184: {  	[sflag:s26] =	ssyncset.done $0x0  }
0x185: {  	s29 =	rddreg [dreg:$0x1d];
	[sflag:s26] =	ssyncadd.s32 $0xFFFFE000  }
0x186: {  	[tilespmem:s13], [sflag:$0x4] =	stream.indirect.gather [hbm4b:s3+s14], $0x80, s29, s14, $0xb8;
	[tilespmem:$0x1CA00] =	vst v63  }
0x187: {  	_ =	swait.ge [sflag:s22], $0x4000  }
0x188: {  	[sflag:s22] =	ssyncset.done $0x0  }
0x189: {  	s30 =	rddreg [dreg:$0x9];
	[sflag:s22] =	ssyncadd.s32 $0xFFFFC000  }
0x18a: {  	[hbm4b:s30+s2] =	stream.linear.scatter [tilespmem:s12], [sflag:$0xC], $0x4000, $0x38;
	[tilespmem:$0x1CA00] =	vst v63  }
0x18b: {  	_ =	swait.ge [sflag:s21], $0x4000  }
0x18c: {  	[sflag:s21] =	ssyncset.done $0x0  }
0x18d: {  	s31 =	rddreg [dreg:$0x1e];
	[sflag:s21] =	ssyncadd.s32 $0xFFFFC000  }
0x18e: {  	[tilespmem:s12], [sflag:$0x5] =	stream.indirect.gather [hbm4b:s3+s14], $0x80, s31, s14, $0xb8;
	[tilespmem:$0x1CA00] =	vst v63  }
0x18f: {  	_ =	swait.ge [sflag:s20], $0x4000  }
0x190: {  	[sflag:s20] =	ssyncset.done $0x0  }
0x191: {  	s1 =	rddreg [dreg:$0x10];
	[sflag:s20] =	ssyncadd.s32 $0xFFFFC000  }
0x192: {  	[hbm4b:s1+s2] =	stream.linear.scatter [tilespmem:s11], [sflag:$0xD], $0x4000, $0x38;
	[tilespmem:$0x1CA00] =	vst v63  }
0x193: {  	_ =	swait.ge [sflag:s18], $0x4000  }
0x194: {  	[sflag:s18] =	ssyncset.done $0x0  }
0x195: {  	s19 =	rddreg [dreg:$0x1f];
	[sflag:s18] =	ssyncadd.s32 $0xFFFFC000  }
0x196: {  	[tilespmem:s11], [sflag:$0x6] =	stream.indirect.gather [hbm4b:s3+s14], $0x80, s19, s14, $0xb8;
	[tilespmem:$0x1CA00] =	vst v63  }
0x197: {  	_ =	swait.ge [sflag:s17], $0x4000  }
0x198: {  	[sflag:s17] =	ssyncset.done $0x0  }
0x199: {  	s23 =	rddreg [dreg:$0x11];
	[sflag:s17] =	ssyncadd.s32 $0xFFFFC000  }
0x19a: {  	[hbm4b:s23+s2] =	stream.linear.scatter [tilespmem:s9], [sflag:$0xE], $0x4000, $0x38;
	[tilespmem:$0x1CA00] =	vst v63  }
0x19b: {  	_ =	swait.ge [sflag:s16], $0x4000  }
0x19c: {  	s29 =	sld [smem:$0x7FB]  }
0x19d: {  	[sflag:s16] =	ssyncset.done $0x0  }
0x19e: {  	[sflag:s16] =	ssyncadd.s32 $0xFFFFC000  }
0x19f: {  	[tilespmem:s9], [sflag:$0x7] =	stream.indirect.gather [hbm4b:s3+s14], $0x80, s29, s14, $0xb8;
	[tilespmem:$0x1CA00] =	vst v63  }
0x1a0: {  	_ =	swait.ge [sflag:s7], $0x4000  }
0x1a1: {  	[sflag:s7] =	ssyncset.done $0x0  }
0x1a2: {  	s30 =	rddreg [dreg:$0x12];
	[sflag:s7] =	ssyncadd.s32 $0xFFFFC000  }
0x1a3: {  	[hbm4b:s30+s2] =	stream.linear.scatter [tilespmem:s5], [sflag:$0x8], $0x4000, $0x38;
	[tilespmem:$0x1CA00] =	vst v63  }
0x1a4: {  	_ =	swait.ge [sflag:s10], $0x4000  }
0x1a5: {  	s31 =	sld [smem:$0x7FC]  }
0x1a6: {  	[sflag:s10] =	ssyncset.done $0x0  }
0x1a7: {  	[sflag:s10] =	ssyncadd.s32 $0xFFFFC000  }
0x1a8: {  	[tilespmem:s5], [sflag:$0x1] =	stream.indirect.gather [hbm4b:s3+s14], $0x80, s31, s14, $0xb8;
	[tilespmem:$0x1CA00] =	vst v63  }
0x1a9: {  	_ =	swait.ge [sflag:s6], $0x4000  }
0x1aa: {  	[sflag:s6] =	ssyncset.done $0x0  }
0x1ab: {  	s1 =	rddreg [dreg:$0x13];
	[sflag:s6] =	ssyncadd.s32 $0xFFFFC000  }
0x1ac: {  	[hbm4b:s1+s2] =	stream.linear.scatter [tilespmem:s4], [sflag:$0x9], $0x4000, $0x38;
	[tilespmem:$0x1CA00] =	vst v63  }
0x1ad: {  	_ =	swait.ge [sflag:s8], $0x4000  }
0x1ae: {  	s19 =	sld [smem:$0x7FD]  }
0x1af: {  	[sflag:s8] =	ssyncset.done $0x0  }
0x1b0: {  	[sflag:s8] =	ssyncadd.s32 $0xFFFFC000  }
0x1b1: {  	[tilespmem:s4], [sflag:$0x2] =	stream.indirect.gather [hbm4b:s3+s14], $0x80, s19, s14, $0xb8;
	[tilespmem:$0x1CA00] =	vst v63  }
0x1b2: {  	_ =	swait.ge [sflag:s24], $0x4000  }
0x1b3: {  	[sflag:s24] =	ssyncset.done $0x0  }
0x1b4: {  	s23 =	rddreg [dreg:$0x14];
	[sflag:s24] =	ssyncadd.s32 $0xFFFFC000  }
0x1b5: {  	[hbm4b:s23+s2] =	stream.linear.scatter [tilespmem:s15], [sflag:$0xA], $0x4000, $0x38;
	[tilespmem:$0x1CA00] =	vst v63  }
0x1b6: {  	_ =	swait.ge [sflag:s28], $0x4000  }
0x1b7: {  	[sflag:s28] =	ssyncset.done $0x0  }
0x1b8: {  	[sflag:s28] =	ssyncadd.s32 $0xFFFFC000  }
0x1b9: {  	_ =	swait.ge [sflag:s25], $0x4000  }
0x1ba: {  	[sflag:s25] =	ssyncset.done $0x0  }
0x1bb: {  	s24 =	rddreg [dreg:$0xa];
	[sflag:s25] =	ssyncadd.s32 $0xFFFFC000  }
0x1bc: {  	[hbm4b:s24+s2] =	stream.linear.scatter [tilespmem:s13], [sflag:$0xB], $0x4000, $0x38;
	[tilespmem:$0x1CA00] =	vst v63  }
0x1bd: {  	_ =	swait.ge [sflag:s26], $0x4000  }
0x1be: {  	[sflag:s26] =	ssyncset.done $0x0  }
0x1bf: {  	[sflag:s26] =	ssyncadd.s32 $0xFFFFC000  }
0x1c0: {  	_ =	swait.ge [sflag:s22], $0x4000  }
0x1c1: {  	[sflag:s22] =	ssyncset.done $0x0  }
0x1c2: {  	s25 =	rddreg [dreg:$0xb];
	[sflag:s22] =	ssyncadd.s32 $0xFFFFC000  }
0x1c3: {  	[hbm4b:s25+s2] =	stream.linear.scatter [tilespmem:s12], [sflag:$0xC], $0x4000, $0x38;
	[tilespmem:$0x1CA00] =	vst v63  }
0x1c4: {  	_ =	swait.ge [sflag:s21], $0x4000  }
0x1c5: {  	[sflag:s21] =	ssyncset.done $0x0  }
0x1c6: {  	[sflag:s21] =	ssyncadd.s32 $0xFFFFC000  }
0x1c7: {  	_ =	swait.ge [sflag:s20], $0x4000  }
0x1c8: {  	[sflag:s20] =	ssyncset.done $0x0  }
0x1c9: {  	s26 =	rddreg [dreg:$0xc];
	[sflag:s20] =	ssyncadd.s32 $0xFFFFC000  }
0x1ca: {  	[hbm4b:s26+s2] =	stream.linear.scatter [tilespmem:s11], [sflag:$0xD], $0x4000, $0x38;
	[tilespmem:$0x1CA00] =	vst v63  }
0x1cb: {  	_ =	swait.ge [sflag:s18], $0x4000  }
0x1cc: {  	[sflag:s18] =	ssyncset.done $0x0  }
0x1cd: {  	[sflag:s18] =	ssyncadd.s32 $0xFFFFC000  }
0x1ce: {  	_ =	swait.ge [sflag:s17], $0x4000  }
0x1cf: {  	[sflag:s17] =	ssyncset.done $0x0  }
0x1d0: {  	s28 =	rddreg [dreg:$0xd];
	[sflag:s17] =	ssyncadd.s32 $0xFFFFC000  }
0x1d1: {  	[hbm4b:s28+s2] =	stream.linear.scatter [tilespmem:s9], [sflag:$0xE], $0x4000, $0x38;
	[tilespmem:$0x1CA00] =	vst v63  }
0x1d2: {  	_ =	swait.ge [sflag:s16], $0x4000  }
0x1d3: {  	[sflag:s16] =	ssyncset.done $0x0  }
0x1d4: {  	[sflag:s16] =	ssyncadd.s32 $0xFFFFC000  }
0x1d5: {  	_ =	swait.ge [sflag:s7], $0x4000  }
0x1d6: {  	[sflag:s7] =	ssyncset.done $0x0  }
0x1d7: {  	s29 =	rddreg [dreg:$0xe];
	[sflag:s7] =	ssyncadd.s32 $0xFFFFC000  }
0x1d8: {  	[hbm4b:s29+s2] =	stream.linear.scatter [tilespmem:s5], [sflag:$0x8], $0x4000, $0x38;
	[tilespmem:$0x1CA00] =	vst v63  }
0x1d9: {  	_ =	swait.ge [sflag:s10], $0x4000  }
0x1da: {  	[sflag:s10] =	ssyncset.done $0x0  }
0x1db: {  	[sflag:s10] =	ssyncadd.s32 $0xFFFFC000  }
0x1dc: {  	_ =	swait.ge [sflag:s6], $0x4000  }
0x1dd: {  	[sflag:s6] =	ssyncset.done $0x0  }
0x1de: {  	s30 =	rddreg [dreg:$0xf];
	[sflag:s6] =	ssyncadd.s32 $0xFFFFC000  }
0x1df: {  	[hbm4b:s30+s2] =	stream.linear.scatter [tilespmem:s4], [sflag:$0x9], $0x4000, $0x38;
	[tilespmem:$0x1CA00] =	vst v63  }
0x1e0: {  	_ =	swait.ge [sflag:s8], $0x4000  }
0x1e1: {  	[sflag:s8] =	ssyncset.done $0x0  }
0x1e2: {  	[sflag:s8] =	ssyncadd.s32 $0xFFFFC000  }
0x1e3: {  	_ =	sfence.sel $0x180000  }
0x1e4: {  	[bflag:$0x0] =	sbarrier.arrive $0xFFFF  }
0x1e5: {  	_ =	strace $0x9000004A  }
0x1e6: {  	s31 =	stileid.u32;
	[bflag:$0x2] =	sbarrier.arrive $0xFFFF  }
0x1e7: {  	p0 =	sne.s32 s31, $0x0;
	s0 =	rddreg [dreg:$0x4]  }
0x1e8: {  	s0 =	sadd.s32 @!p0 $0x100000, s0  }
0x1e9: {  	[sflag:s0] =	ssyncadd.tile.s32 @!p0 $0x1;
	_ =	shalt  }
.LBB2_1:
.Ltmp3:
0x1ea: {  	(pc) =	sbr.rel .LBB2_6-.Ltmp3, $2  }
0x1eb: {  	_ =	sdelay $0x2  }
0x1ec: {  	s23 =	smov.u32 s29;
	s29 =	sld [smem:$0x7FA]  }
.LBB2_7:
.Ltmp4:
0x1ed: {  	(pc) =	sbr.rel .LBB2_6-.Ltmp4, $2  }
0x1ee: {  	_ =	sdelay $0x2  }
0x1ef: {  	s23 =	smov.u32 s1;
	s29 =	sld [smem:$0x7FA]  }
.Lfunc_end2:
_tile_overlayer_lowered:
.L_overlay_start_2:
0x1f0: {  	(tag) =	ssettag $0x2  }
0x1f1: {  	s0 =	rddreg [dreg:$0x0];
	s2 =	stileid.u32  }
0x1f2: {  	s1 =	rddreg [dreg:$0x1];
	p0 =	sne.s32 s2, $0x0  }
0x1f3: {  	s3 =	rddreg [dreg:$0x2];
	[bflag:$0x3] =	sbarrier.arrive $0xFFFF;
	s2 =	simm.s32 @!p0 $0x1C0F  }
0x1f4: {  	[timem:s3], [sflag:s2] =	dma.local @!p0 [hbm:s0], s1  }
0x1f5: {  	s0 =	simm.s32 @!p0 $0xF  }
0x1f6: {  	_ =	swait.ge @!p0 [sflag:s0], s1  }
0x1f7: {  	s1 =	ssub.s32 @!p0 $0x0, s1;
	[sflag:s0] =	ssyncset.done @!p0 $0x0  }
0x1f8: {  	[sflag:s0] =	ssyncadd.s32 @!p0 s1  }
0x1f9: {  	[bflag:$0x3] =	sbarrier.arrive $0xFFFF  }
0x1fa: {  	_ =	shalt  }

</sc_bundles>
